<compile_context>
chip_gen: v7x
topology: tpu7x:2x2x1
jax: 0.10.2.dev20260603
libtpu: 0.0.44.dev20260713+nightly
codegen_flags: <defaults>
</compile_context>

<pallas_src>
import functools
import math

import jax
import jax.numpy as jnp
from jax import lax
from jax.experimental import pallas as pl
from jax.experimental.pallas import tpu as pltpu
from jax.experimental.pallas import tpu_sc as plsc

R = 256
CC = 256
MAXNB = 32
CUTOFF = 10.0
GPAD = 128
ZPAD = 128


def _ssp(x):
    return jax.nn.softplus(x) - math.log(2.0)



def _neighbors_body(bounds_ref, pos_r_ref, pos_c_ref, batch_r_ref,
                    idx_ref, d_ref, keep_ref):
    b = pl.program_id(0)
    c0 = bounds_ref[b, 0]
    nch = bounds_ref[b, 1]

    pr = pos_r_ref[...]
    xr = pr[:, 0:1]
    yr = pr[:, 1:2]
    zr = pr[:, 2:3]
    sqr = xr * xr + yr * yr + zr * zr
    br = batch_r_ref[...]
    row_gid = b * R + lax.broadcasted_iota(jnp.int32, (R, 1), 0)

    big_pos = jnp.float32(1e9)
    lane32 = lax.broadcasted_iota(jnp.int32, (R, MAXNB), 1)
    posio = lax.broadcasted_iota(
        jnp.int32, (R, MAXNB + CC), 1).astype(jnp.float32)

    def chunk_body(j, carry):
        bd, bi = carry
        cs = pl.multiple_of(c0 + j * CC, CC)
        pc = pos_c_ref[:, pl.ds(cs, CC)]
        xc = pc[0:1, :]
        yc = pc[1:2, :]
        zc = pc[2:3, :]
        bc = pc[3:4, :]
        sqc = xc * xc + yc * yc + zc * zc
        d2 = sqr + sqc - 2.0 * (xr * xc + yr * yc + zr * zc)
        col_gid = cs + lax.broadcasted_iota(jnp.int32, (1, CC), 1)
        valid = ((br == bc) & (row_gid != col_gid)
                 & (d2 < CUTOFF * CUTOFF))
        cand_d2 = jnp.where(valid, d2, jnp.inf)
        cand_idx = jnp.broadcast_to(col_gid.astype(jnp.float32), (R, CC))

        v_d2 = jnp.concatenate([bd, cand_d2], axis=1)
        v_idx = jnp.concatenate([bi, cand_idx], axis=1)
        nb_d2 = jnp.full((R, MAXNB), jnp.inf, jnp.float32)
        nb_idx = jnp.zeros((R, MAXNB), jnp.float32)
        for i in range(MAXNB):
            m = jnp.min(v_d2, axis=1, keepdims=True)
            p = jnp.min(jnp.where(v_d2 == m, posio, big_pos),
                        axis=1, keepdims=True)
            chosen = posio == p
            ic = jnp.min(jnp.where(chosen, v_idx, big_pos),
                         axis=1, keepdims=True)
            nb_d2 = jnp.where(lane32 == i, m, nb_d2)
            nb_idx = jnp.where(lane32 == i, ic, nb_idx)
            v_d2 = jnp.where(chosen, jnp.inf, v_d2)
        return nb_d2, nb_idx

    init = (jnp.full((R, MAXNB), jnp.inf, jnp.float32),
            jnp.zeros((R, MAXNB), jnp.float32))
    bd, bi = lax.fori_loop(0, nch, chunk_body, init)

    keep = bd < jnp.inf
    idx_ref[...] = bi.astype(jnp.int32)
    d = jnp.sqrt(jnp.maximum(bd, 1e-12))
    cmask = 0.5 * (jnp.cos(d * (math.pi / CUTOFF)) + 1.0)
    keep_ref[...] = jnp.where(keep, cmask, 0.0)
    d_ref[...] = jnp.where(keep, d, 0.0)


def _neighbors(pos_pad, batch_pad_f, bounds, np_, nb):
    grid_spec = pltpu.PrefetchScalarGridSpec(
        num_scalar_prefetch=1,
        grid=(nb,),
        in_specs=[
            pl.BlockSpec((R, 3), lambda b, s: (b, 0)),
            pl.BlockSpec((8, np_), lambda b, s: (0, 0)),
            pl.BlockSpec((R, 1), lambda b, s: (b, 0)),
        ],
        out_specs=[
            pl.BlockSpec((R, MAXNB), lambda b, s: (b, 0)),
            pl.BlockSpec((R, MAXNB), lambda b, s: (b, 0)),
            pl.BlockSpec((R, MAXNB), lambda b, s: (b, 0)),
        ],
    )
    pos_cols = jnp.concatenate(
        [pos_pad.T, batch_pad_f.T, jnp.zeros((4, np_), jnp.float32)], axis=0)
    return pl.pallas_call(
        _neighbors_body,
        grid_spec=grid_spec,
        out_shape=[
            jax.ShapeDtypeStruct((np_, MAXNB), jnp.int32),
            jax.ShapeDtypeStruct((np_, MAXNB), jnp.float32),
            jax.ShapeDtypeStruct((np_, MAXNB), jnp.float32),
        ],
    )(bounds, pos_pad, pos_cols, batch_pad_f)



def _embed_body(z_ref, emb_ref, lin1_ref, h_ref, x1_ref):
    zc = z_ref[...]
    zio = lax.broadcasted_iota(jnp.int32, (1, ZPAD), 1).astype(jnp.float32)
    onehot = (zc == zio).astype(jnp.float32)
    h = jnp.dot(onehot, emb_ref[...],
                preferred_element_type=jnp.float32)
    h_ref[...] = h
    x1_ref[...] = jnp.dot(h, lin1_ref[...],
                          preferred_element_type=jnp.float32)


def _embed(z_pad_f, emb_pad, lin1_0, np_, nb, hdim):
    return pl.pallas_call(
        _embed_body,
        grid=(nb,),
        in_specs=[
            pl.BlockSpec((R, 1), lambda b: (b, 0)),
            pl.BlockSpec((ZPAD, hdim), lambda b: (0, 0)),
            pl.BlockSpec((hdim, hdim), lambda b: (0, 0)),
        ],
        out_specs=[
            pl.BlockSpec((R, hdim), lambda b: (b, 0)),
            pl.BlockSpec((R, hdim), lambda b: (b, 0)),
        ],
        out_shape=[
            jax.ShapeDtypeStruct((np_, hdim), jnp.float32),
            jax.ShapeDtypeStruct((np_, hdim), jnp.float32),
        ],
    )(z_pad_f, emb_pad, lin1_0)



def _sc_gather(table, idx, hdim):
    btot = idx.shape[0]
    info = plsc.get_sparse_core_info()
    nw = info.num_cores * info.num_subcores
    b_per_w = btot // nw
    ch = next(c for c in (640, 512, 320, 256, 160, 128, 80, 64, 40, 32, 16, 8)
              if b_per_w % c == 0)
    n_chunks = b_per_w // ch
    mesh = plsc.VectorSubcoreMesh(core_axis_name="c", subcore_axis_name="s")

    @functools.partial(
        pl.kernel,
        out_type=jax.ShapeDtypeStruct((btot, hdim), jnp.float32),
        mesh=mesh,
        scratch_types=[
            pltpu.VMEM((2, ch), jnp.int32),
            pltpu.VMEM((2, ch, hdim), jnp.float32),
            pltpu.SemaphoreType.DMA((2,)),
        ],
        compiler_params=pltpu.CompilerParams(use_tc_tiling_on_sc=False),
    )
    def gather_kernel(table_hbm, idx_hbm, out_hbm, idx_v, rows_v, sem):
        wid = lax.axis_index("s") * info.num_cores + lax.axis_index("c")
        base = wid * b_per_w

        pltpu.sync_copy(idx_hbm.at[pl.ds(base, ch)], idx_v.at[0])
        pltpu.async_copy(table_hbm.at[idx_v.at[0]], rows_v.at[0], sem.at[0])

        def body(c, carry):
            p = lax.rem(c, 2)
            q = 1 - p
            off = base + c * ch

            @pl.when(c < n_chunks)
            def _():
                pltpu.sync_copy(idx_hbm.at[pl.ds(off, ch)], idx_v.at[p])
                pltpu.async_copy(table_hbm.at[idx_v.at[p]], rows_v.at[p],
                                 sem.at[p])

            prev_off = base + (c - 1) * ch
            pltpu.make_async_copy(table_hbm.at[idx_v.at[q]], rows_v.at[q],
                                  sem.at[q]).wait()
            pltpu.sync_copy(rows_v.at[q], out_hbm.at[pl.ds(prev_off, ch)])
            return carry

        lax.fori_loop(1, n_chunks + 1, body, 0)

    return gather_kernel(table, idx)



def _interaction_body(g_ref, d_ref, c_ref, h_ref, off_ref, w1_ref, b1_ref,
                      w2_ref, b2_ref, lin2w_ref, lin2b_ref, linw_ref,
                      linb_ref, lin1n_ref, h_out_ref, x1_out_ref, *,
                      ngauss, hdim, want_x1):
    er = R * MAXNB
    dcol = jnp.transpose(d_ref[...].reshape(1, er))
    off = off_ref[...]
    step = CUTOFF / (ngauss - 1)
    coeff = -0.5 / (step * step)
    ea = jnp.exp(coeff * (dcol - off) ** 2)
    t1 = _ssp(jnp.dot(ea, w1_ref[...],
                      preferred_element_type=jnp.float32) + b1_ref[...])
    w = jnp.dot(t1, w2_ref[...],
                preferred_element_type=jnp.float32) + b2_ref[...]
    w = w * jnp.transpose(c_ref[...].reshape(1, er))
    msg = g_ref[...] * w
    aggr = jnp.sum(msg.reshape(R, MAXNB, hdim), axis=1)
    conv = jnp.dot(aggr, lin2w_ref[...],
                   preferred_element_type=jnp.float32) + lin2b_ref[...]
    hn = h_ref[...] + jnp.dot(_ssp(conv), linw_ref[...],
                              preferred_element_type=jnp.float32) + linb_ref[...]
    h_out_ref[...] = hn
    if want_x1:
        x1_out_ref[...] = jnp.dot(hn, lin1n_ref[...],
                                  preferred_element_type=jnp.float32)


def _interaction(g, d_flat, c_flat, h, offsets, w1, b1, w2, b2,
                 lin2w, lin2b, linw, linb, lin1n, np_, nb, ngauss, hdim,
                 want_x1):
    er = R * MAXNB
    out_shape = [jax.ShapeDtypeStruct((np_, hdim), jnp.float32)]
    out_specs = [pl.BlockSpec((R, hdim), lambda b: (b, 0))]
    if want_x1:
        out_shape.append(jax.ShapeDtypeStruct((np_, hdim), jnp.float32))
        out_specs.append(pl.BlockSpec((R, hdim), lambda b: (b, 0)))
    body = functools.partial(_interaction_body, ngauss=ngauss, hdim=hdim,
                             want_x1=want_x1)
    if not want_x1:
        def body2(g_ref, d_ref, c_ref, h_ref, off_ref, w1_ref, b1_ref,
                  w2_ref, b2_ref, lin2w_ref, lin2b_ref, linw_ref, linb_ref,
                  lin1n_ref, h_out_ref):
            body(g_ref, d_ref, c_ref, h_ref, off_ref, w1_ref, b1_ref,
                 w2_ref, b2_ref, lin2w_ref, lin2b_ref, linw_ref, linb_ref,
                 lin1n_ref, h_out_ref, None)
        kfn = body2
    else:
        kfn = body
    outs = pl.pallas_call(
        kfn,
        grid=(nb,),
        in_specs=[
            pl.BlockSpec((er, hdim), lambda b: (b, 0)),
            pl.BlockSpec((1, 1, er), lambda b: (b, 0, 0)),
            pl.BlockSpec((1, 1, er), lambda b: (b, 0, 0)),
            pl.BlockSpec((R, hdim), lambda b: (b, 0)),
            pl.BlockSpec((1, ngauss), lambda b: (0, 0)),
            pl.BlockSpec((ngauss, hdim), lambda b: (0, 0)),
            pl.BlockSpec((1, hdim), lambda b: (0, 0)),
            pl.BlockSpec((hdim, hdim), lambda b: (0, 0)),
            pl.BlockSpec((1, hdim), lambda b: (0, 0)),
            pl.BlockSpec((hdim, hdim), lambda b: (0, 0)),
            pl.BlockSpec((1, hdim), lambda b: (0, 0)),
            pl.BlockSpec((hdim, hdim), lambda b: (0, 0)),
            pl.BlockSpec((1, hdim), lambda b: (0, 0)),
            pl.BlockSpec((hdim, hdim), lambda b: (0, 0)),
        ],
        out_specs=out_specs,
        out_shape=out_shape,
    )(g, d_flat, c_flat, h, offsets, w1, b1, w2, b2, lin2w, lin2b,
      linw, linb, lin1n)
    if want_x1:
        return outs
    return outs[0], None



def _readout_body(h_ref, batch_ref, w1_ref, b1_ref, w2_ref, b2_ref, out_ref):
    @pl.when(pl.program_id(0) == 0)
    def _():
        out_ref[...] = jnp.zeros_like(out_ref)

    s = _ssp(jnp.dot(h_ref[...], w1_ref[...],
                     preferred_element_type=jnp.float32) + b1_ref[...])
    s = jnp.dot(s, w2_ref[...],
                preferred_element_type=jnp.float32) + b2_ref[...]
    gio = lax.broadcasted_iota(jnp.int32, (1, GPAD), 1).astype(jnp.float32)
    onehot = (batch_ref[...] == gio).astype(jnp.float32)
    out_ref[...] += jnp.sum(onehot * s, axis=0, keepdims=True)


def _readout(h, batch_pad_f, out1_w, out1_b, out2_w, out2_b, np_, nb, hdim):
    h2 = out1_w.shape[1]
    return pl.pallas_call(
        _readout_body,
        grid=(nb,),
        in_specs=[
            pl.BlockSpec((R, hdim), lambda b: (b, 0)),
            pl.BlockSpec((R, 1), lambda b: (b, 0)),
            pl.BlockSpec((hdim, h2), lambda b: (0, 0)),
            pl.BlockSpec((1, h2), lambda b: (0, 0)),
            pl.BlockSpec((h2, 1), lambda b: (0, 0)),
            pl.BlockSpec((1, 1), lambda b: (0, 0)),
        ],
        out_specs=pl.BlockSpec((1, GPAD), lambda b: (0, 0)),
        out_shape=jax.ShapeDtypeStruct((1, GPAD), jnp.float32),
    )(h, batch_pad_f, out1_w, out1_b, out2_w, out2_b)



def kernel(z, pos, batch, emb, i_mlp_w1, i_mlp_b1, i_mlp_w2, i_mlp_b2,
           i_lin1_w, i_lin2_w, i_lin2_b, i_lin_w, i_lin_b, out1_w, out1_b,
           out2_w, out2_b):
    n = pos.shape[0]
    hdim = emb.shape[1]
    nint = i_mlp_w1.shape[0]
    ngauss = i_mlp_w1.shape[1]
    ngraph = 100
    nb = -(-n // R)
    np_ = nb * R
    padn = np_ - n

    z = z.astype(jnp.int32)
    batch = batch.astype(jnp.int32)
    pos_pad = jnp.pad(pos.astype(jnp.float32), ((0, padn), (0, 0)))
    batch_pad = jnp.pad(batch, (0, padn), constant_values=GPAD - 1)
    z_pad = jnp.pad(z, (0, padn))
    batch_pad_f = batch_pad.astype(jnp.float32)[:, None]
    z_pad_f = z_pad.astype(jnp.float32)[:, None]

    row0 = jnp.arange(nb) * R
    g0 = batch_pad[row0]
    g1 = batch_pad[row0 + R - 1]
    cstart = jnp.searchsorted(batch_pad, g0, side="left")
    cend = jnp.searchsorted(batch_pad, g1, side="right")
    c0 = (cstart // CC) * CC
    nch = -(-(cend - c0) // CC)
    bounds = jnp.stack([c0, nch], axis=1).astype(jnp.int32)

    src, d, cmask = _neighbors(pos_pad, batch_pad_f, bounds, np_, nb)
    src_flat = src.reshape(-1)
    d_flat = d.reshape(nb, 1, R * MAXNB)
    c_flat = cmask.reshape(nb, 1, R * MAXNB)

    emb_pad = jnp.pad(emb.astype(jnp.float32), ((0, ZPAD - emb.shape[0]),
                                                (0, 0)))
    offsets = jnp.linspace(0.0, CUTOFF, ngauss,
                           dtype=jnp.float32).reshape(1, ngauss)

    h, x1 = _embed(z_pad_f, emb_pad, i_lin1_w[0], np_, nb, hdim)
    for t in range(nint):
        g = _sc_gather(x1, src_flat, hdim)
        want_x1 = t + 1 < nint
        lin1n = i_lin1_w[t + 1] if want_x1 else i_lin1_w[0]
        h, x1 = _interaction(
            g, d_flat, c_flat, h, offsets,
            i_mlp_w1[t], i_mlp_b1[t].reshape(1, -1),
            i_mlp_w2[t], i_mlp_b2[t].reshape(1, -1),
            i_lin2_w[t], i_lin2_b[t].reshape(1, -1),
            i_lin_w[t], i_lin_b[t].reshape(1, -1),
            lin1n, np_, nb, ngauss, hdim, want_x1)

    out = _readout(h, batch_pad_f, out1_w, out1_b.reshape(1, -1),
                   out2_w, out2_b.reshape(1, 1), np_, nb, hdim)
    return out[0, :ngraph].reshape(ngraph, 1)

# --- scband reference (transcript-rebuilt; emitter-appended) ---
"""Pipeline reference for scband-sch-net-regressor-1288490188819 (READ-ONLY COPY).

The authoritative reference and input builder live on the scoring server;
editing this copy changes nothing except your own understanding.
"""

import jax, jax.numpy as jnp
import numpy as np

HIDDEN = 64
NFILT = 64
NINT = 3
NGAUSS = 50
CUTOFF = 10.0
NATOM = 10000
NGRAPH = 100
MAXNB = 32
ZMAX = 100


def shifted_softplus(x):
    return jax.nn.softplus(x) - jnp.log(2.0)


def radius_graph(pos, batch):
    # torch_geometric.nn.radius_graph(pos, r=cutoff, batch=batch, max_num_neighbors=32)
    # For each target node, keep up to MAXNB nearest same-graph neighbors within cutoff.
    N = pos.shape[0]
    sq = jnp.sum(pos * pos, axis=1)
    arangeN = jnp.arange(N)
    src_chunks = []
    keep_chunks = []
    chunk = 1000
    for s0 in range(0, N, chunk):
        pr = pos[s0:s0 + chunk]
        br = batch[s0:s0 + chunk]
        d2 = sq[s0:s0 + chunk][:, None] + sq[None, :] - 2.0 * (pr @ pos.T)
        same = br[:, None] == batch[None, :]
        notself = (arangeN[s0:s0 + chunk])[:, None] != arangeN[None, :]
        valid = same & notself & (d2 < CUTOFF * CUTOFF)
        masked = jnp.where(valid, d2, jnp.inf)
        neg, idx = jax.lax.top_k(-masked, MAXNB)
        src_chunks.append(idx)
        keep_chunks.append(neg > -jnp.inf)
    src = jnp.concatenate(src_chunks, 0).reshape(-1)
    keep = jnp.concatenate(keep_chunks, 0).reshape(-1)
    dst = jnp.repeat(arangeN, MAXNB)
    return src, dst, keep


def setup_inputs(seed: int = 0):
    key = jax.random.key(seed)
    ks = jax.random.split(key, 20)
    s = 0.1
    inp = {}
    inp['z'] = jax.random.randint(ks[0], (NATOM,), 0, ZMAX)
    inp['pos'] = jax.random.uniform(ks[1], (NATOM, 3), dtype=jnp.float32) * 24.0
    inp['batch'] = jnp.sort(jax.random.randint(ks[2], (NATOM,), 0, NGRAPH))
    inp['emb'] = jax.random.normal(ks[3], (ZMAX, HIDDEN), dtype=jnp.float32) * s
    inp['i_mlp_w1'] = jax.random.normal(ks[4], (NINT, NGAUSS, NFILT), dtype=jnp.float32) * s
    inp['i_mlp_b1'] = jnp.zeros((NINT, NFILT), dtype=jnp.float32)
    inp['i_mlp_w2'] = jax.random.normal(ks[5], (NINT, NFILT, NFILT), dtype=jnp.float32) * s
    inp['i_mlp_b2'] = jnp.zeros((NINT, NFILT), dtype=jnp.float32)
    inp['i_lin1_w'] = jax.random.normal(ks[6], (NINT, HIDDEN, NFILT), dtype=jnp.float32) * s
    inp['i_lin2_w'] = jax.random.normal(ks[7], (NINT, NFILT, HIDDEN), dtype=jnp.float32) * s
    inp['i_lin2_b'] = jnp.zeros((NINT, HIDDEN), dtype=jnp.float32)
    inp['i_lin_w'] = jax.random.normal(ks[8], (NINT, HIDDEN, HIDDEN), dtype=jnp.float32) * s
    inp['i_lin_b'] = jnp.zeros((NINT, HIDDEN), dtype=jnp.float32)
    inp['out1_w'] = jax.random.normal(ks[9], (HIDDEN, HIDDEN // 2), dtype=jnp.float32) * s
    inp['out1_b'] = jnp.zeros((HIDDEN // 2,), dtype=jnp.float32)
    inp['out2_w'] = jax.random.normal(ks[10], (HIDDEN // 2, 1), dtype=jnp.float32) * s
    inp['out2_b'] = jnp.zeros((1,), dtype=jnp.float32)
    return inp


def reference(z, pos, batch, emb, i_mlp_w1, i_mlp_b1, i_mlp_w2, i_mlp_b2, i_lin1_w, i_lin2_w, i_lin2_b, i_lin_w, i_lin_b, out1_w, out1_b, out2_w, out2_b):
    N = pos.shape[0]
    src, dst, keep = radius_graph(pos, batch)
    diff = pos[src] - pos[dst]
    d = jnp.sqrt(jnp.maximum(jnp.sum(diff * diff, axis=1), 1e-12))
    # GaussianSmearing(0.0, cutoff, num_gaussians)
    offset = jnp.linspace(0.0, CUTOFF, NGAUSS)
    coeff = -0.5 / (offset[1] - offset[0]) ** 2
    edge_attr = jnp.exp(coeff * (d[:, None] - offset[None, :]) ** 2)
    # cosine cutoff used inside CFConv
    C = 0.5 * (jnp.cos(d * jnp.pi / CUTOFF) + 1.0)
    h = emb[z]
    for t in range(NINT):
        W = shifted_softplus(edge_attr @ i_mlp_w1[t] + i_mlp_b1[t]) @ i_mlp_w2[t] + i_mlp_b2[t]
        W = W * C[:, None]
        W = jnp.where(keep[:, None], W, 0.0)
        x1 = h @ i_lin1_w[t]  # CFConv.lin1 (no bias)
        msg = x1[src] * W
        aggr = jax.ops.segment_sum(msg, dst, num_segments=N)
        conv = aggr @ i_lin2_w[t] + i_lin2_b[t]  # CFConv.lin2
        h = h + shifted_softplus(conv) @ i_lin_w[t] + i_lin_b[t]  # InteractionBlock act+lin, residual
    h = shifted_softplus(h @ out1_w + out1_b)
    h = h @ out2_w + out2_b
    return jax.ops.segment_sum(h, batch, num_segments=NGRAPH)  # readout='add'

if __name__ == "__main__":
    import jax
    _d = setup_inputs()
    print(jax.jit(kernel)(*tuple(_d.values())))

</pallas_src>

<mosaic_0001>
#map = affine_map<(d0, d1) -> (0, 0)>
#map1 = affine_map<(d0, d1) -> (0)>
module attributes {stable_mosaic.version = 14 : i64} {
  func.func @gather_kernel(%arg0: i32, %arg1: i32, %arg2: memref<10240x64xf32, #tpu.memory_space<hbm>>, %arg3: memref<327680xi32, #tpu.memory_space<hbm>>, %arg4: memref<327680x64xf32, #tpu.memory_space<hbm>>, %arg5: memref<2x640xi32, #tpu.memory_space<vmem>>, %arg6: memref<2x640x64xf32, #tpu.memory_space<vmem>>, %arg7: memref<2x!tpu.dma_semaphore, #tpu.memory_space<semaphore_mem>>) attributes {dimension_semantics = [#tpu.dimension_semantics<core_parallel>, #tpu.dimension_semantics<subcore_parallel>], iteration_bounds = array<i64: 2, 16>, scalar_prefetch = 0 : i64, scratch_operands = 3 : i64, tpu.core_type = #tpu.core_type<sc_vector_subcore>, window_params = [{transform_indices = #map}, {transform_indices = #map1}, {transform_indices = #map}]} {
    %mul3A = arith.constant 2 : i32
    %mul3A_0 = arith.muli %arg1, %mul3A : i32
    %add3A = arith.addi %mul3A_0, %arg0 : i32
    %mul3A_1 = arith.constant 10240 : i32
    %mul3A_2 = arith.muli %add3A, %mul3A_1 : i32
    %run_scoped3A = arith.constant 0 : i32
    "tpu.region"() ({
      %run_scoped3A_22 = tpu.sem_alloc : memref<!tpu.dma_semaphore, #tpu.memory_space<semaphore_mem>>
      %dma_start3A_23 = arith.constant 0 : i32
      %dma_start3A_24 = tpu.memref_slice %arg5[%run_scoped3A, %dma_start3A_23] : memref<2x640xi32, #tpu.memory_space<vmem>> -> memref<1x640xi32, #tpu.memory_space<vmem>>
      %dma_start3A_25 = tpu.memref_squeeze %dma_start3A_24 : memref<1x640xi32, #tpu.memory_space<vmem>> -> memref<640xi32, #tpu.memory_space<vmem>>
      %dma_start3A_26 = tpu.memref_slice %arg3[%mul3A_2] : memref<327680xi32, #tpu.memory_space<hbm>> -> memref<640xi32, #tpu.memory_space<hbm>>
      %dma_start3A_27 = arith.constant 0 : i32
      %dma_start3A_28 = tpu.memref_slice %arg5[%run_scoped3A, %dma_start3A_27] : memref<2x640xi32, #tpu.memory_space<vmem>> -> memref<1x640xi32, #tpu.memory_space<vmem>>
      %dma_start3A_29 = tpu.memref_squeeze %dma_start3A_28 : memref<1x640xi32, #tpu.memory_space<vmem>> -> memref<640xi32, #tpu.memory_space<vmem>>
      %dma_start3A_30 = tpu.memref_slice %arg3[%mul3A_2] : memref<327680xi32, #tpu.memory_space<hbm>> -> memref<640xi32, #tpu.memory_space<hbm>>
      tpu.enqueue_dma source(%dma_start3A_30 : memref<640xi32, #tpu.memory_space<hbm>>) target(%dma_start3A_29 : memref<640xi32, #tpu.memory_space<vmem>>) target_semaphore(%run_scoped3A_22 : memref<!tpu.dma_semaphore, #tpu.memory_space<semaphore_mem>>)
      %dma_wait3A = arith.constant 0 : i32
      %dma_wait3A_31 = tpu.memref_slice %arg5[%run_scoped3A, %dma_wait3A] : memref<2x640xi32, #tpu.memory_space<vmem>> -> memref<1x640xi32, #tpu.memory_space<vmem>>
      %dma_wait3A_32 = tpu.memref_squeeze %dma_wait3A_31 : memref<1x640xi32, #tpu.memory_space<vmem>> -> memref<640xi32, #tpu.memory_space<vmem>>
      %dma_wait3A_33 = tpu.memref_slice %arg3[%mul3A_2] : memref<327680xi32, #tpu.memory_space<hbm>> -> memref<640xi32, #tpu.memory_space<hbm>>
      %dma_wait3A_34 = arith.constant 0 : i32
      %dma_wait3A_35 = tpu.memref_slice %arg5[%run_scoped3A, %dma_wait3A_34] : memref<2x640xi32, #tpu.memory_space<vmem>> -> memref<1x640xi32, #tpu.memory_space<vmem>>
      %dma_wait3A_36 = tpu.memref_squeeze %dma_wait3A_35 : memref<1x640xi32, #tpu.memory_space<vmem>> -> memref<640xi32, #tpu.memory_space<vmem>>
      %dma_wait3A_37 = tpu.memref_slice %arg3[%mul3A_2] : memref<327680xi32, #tpu.memory_space<hbm>> -> memref<640xi32, #tpu.memory_space<hbm>>
      tpu.wait_dma2 semaphore(%run_scoped3A_22 : memref<!tpu.dma_semaphore, #tpu.memory_space<semaphore_mem>>) src(%dma_wait3A_37 : memref<640xi32, #tpu.memory_space<hbm>>) dst(%dma_wait3A_36 : memref<640xi32, #tpu.memory_space<vmem>>)
      tpu.yield
    }) : () -> ()
    %dma_start3A = arith.constant 0 : i32
    %dma_start3A_3 = arith.constant 0 : i32
    %dma_start3A_4 = arith.constant 0 : i32
    %dma_start3A_5 = arith.constant 0 : i32
    %dma_start3A_6 = arith.constant 0 : i32
    %dma_start3A_7 = tpu.memref_slice %arg6[%dma_start3A_3, %dma_start3A_5, %dma_start3A_6] : memref<2x640x64xf32, #tpu.memory_space<vmem>> -> memref<1x640x64xf32, #tpu.memory_space<vmem>>
    %dma_start3A_8 = tpu.memref_squeeze %dma_start3A_7 : memref<1x640x64xf32, #tpu.memory_space<vmem>> -> memref<640x64xf32, #tpu.memory_space<vmem>>
    %dma_start3A_9 = arith.constant 0 : i32
    %dma_start3A_10 = tpu.memref_slice %arg5[%dma_start3A, %dma_start3A_9] : memref<2x640xi32, #tpu.memory_space<vmem>> -> memref<1x640xi32, #tpu.memory_space<vmem>>
    %dma_start3A_11 = tpu.memref_squeeze %dma_start3A_10 : memref<1x640xi32, #tpu.memory_space<vmem>> -> memref<640xi32, #tpu.memory_space<vmem>>
    %dma_start3A_12 = arith.constant 0 : i32
    %dma_start3A_13 = arith.constant 0 : i32
    %dma_start3A_14 = tpu.memref_slice %arg2[%dma_start3A_12, %dma_start3A_13] : memref<10240x64xf32, #tpu.memory_space<hbm>> -> memref<10240x64xf32, #tpu.memory_space<hbm>>
    %dma_start3A_15 = tpu.memref_slice %arg7[%dma_start3A_4] : memref<2x!tpu.dma_semaphore, #tpu.memory_space<semaphore_mem>> -> memref<1x!tpu.dma_semaphore, #tpu.memory_space<semaphore_mem>>
    %dma_start3A_16 = tpu.memref_squeeze %dma_start3A_15 : memref<1x!tpu.dma_semaphore, #tpu.memory_space<semaphore_mem>> -> memref<!tpu.dma_semaphore, #tpu.memory_space<semaphore_mem>>
    tpu.enqueue_indirect_dma source(%dma_start3A_14 : memref<10240x64xf32, #tpu.memory_space<hbm>>) target(%dma_start3A_8 : memref<640x64xf32, #tpu.memory_space<vmem>>) offsets(%dma_start3A_11 : memref<640xi32, #tpu.memory_space<vmem>>) semaphore(%dma_start3A_16 : memref<!tpu.dma_semaphore, #tpu.memory_space<semaphore_mem>>)
    %scan3A = arith.constant 0 : i32
    %scan3A_17 = arith.constant 1 : i32
    %scan3A_18 = arith.constant 16 : i32
    %scan3A_19 = arith.addi %scan3A_17, %scan3A_18 : i32
    %scan3A_20 = arith.constant 1 : i32
    scf.for %scan3A_22 = %scan3A_17 to %scan3A_19 step %scan3A_20  : i32 {
      %rem3A = arith.constant 2 : i32
      %rem3A_23 = arith.remsi %scan3A_22, %rem3A : i32
      %sub3A = arith.constant 1 : i32
      %sub3A_24 = arith.subi %sub3A, %rem3A_23 : i32
      %mul3A_25 = arith.constant 640 : i32
      %mul3A_26 = arith.muli %scan3A_22, %mul3A_25 : i32
      %add3A_27 = arith.addi %mul3A_2, %mul3A_26 : i32
      %lt3A = arith.constant 16 : i32
      %lt3A_28 = arith.cmpi slt, %scan3A_22, %lt3A : i32
      %convert_element_type3A = arith.extui %lt3A_28 : i1 to i32
      %cond3A = arith.constant 0 : i32
      %cond3A_29 = arith.cmpi ne, %convert_element_type3A, %cond3A : i32
      scf.if %cond3A_29 {
        "tpu.region"() ({
          %run_scoped3A_58 = tpu.sem_alloc : memref<!tpu.dma_semaphore, #tpu.memory_space<semaphore_mem>>
          %dma_start3A_59 = arith.constant 0 : i32
          %dma_start3A_60 = tpu.memref_slice %arg5[%rem3A_23, %dma_start3A_59] : memref<2x640xi32, #tpu.memory_space<vmem>> -> memref<1x640xi32, #tpu.memory_space<vmem>>
          %dma_start3A_61 = tpu.memref_squeeze %dma_start3A_60 : memref<1x640xi32, #tpu.memory_space<vmem>> -> memref<640xi32, #tpu.memory_space<vmem>>
          %dma_start3A_62 = tpu.memref_slice %arg3[%add3A_27] : memref<327680xi32, #tpu.memory_space<hbm>> -> memref<640xi32, #tpu.memory_space<hbm>>
          %dma_start3A_63 = arith.constant 0 : i32
          %dma_start3A_64 = tpu.memref_slice %arg5[%rem3A_23, %dma_start3A_63] : memref<2x640xi32, #tpu.memory_space<vmem>> -> memref<1x640xi32, #tpu.memory_space<vmem>>
          %dma_start3A_65 = tpu.memref_squeeze %dma_start3A_64 : memref<1x640xi32, #tpu.memory_space<vmem>> -> memref<640xi32, #tpu.memory_space<vmem>>
          %dma_start3A_66 = tpu.memref_slice %arg3[%add3A_27] : memref<327680xi32, #tpu.memory_space<hbm>> -> memref<640xi32, #tpu.memory_space<hbm>>
          tpu.enqueue_dma source(%dma_start3A_66 : memref<640xi32, #tpu.memory_space<hbm>>) target(%dma_start3A_65 : memref<640xi32, #tpu.memory_space<vmem>>) target_semaphore(%run_scoped3A_58 : memref<!tpu.dma_semaphore, #tpu.memory_space<semaphore_mem>>)
          %dma_wait3A_67 = arith.constant 0 : i32
          %dma_wait3A_68 = tpu.memref_slice %arg5[%rem3A_23, %dma_wait3A_67] : memref<2x640xi32, #tpu.memory_space<vmem>> -> memref<1x640xi32, #tpu.memory_space<vmem>>
          %dma_wait3A_69 = tpu.memref_squeeze %dma_wait3A_68 : memref<1x640xi32, #tpu.memory_space<vmem>> -> memref<640xi32, #tpu.memory_space<vmem>>
          %dma_wait3A_70 = tpu.memref_slice %arg3[%add3A_27] : memref<327680xi32, #tpu.memory_space<hbm>> -> memref<640xi32, #tpu.memory_space<hbm>>
          %dma_wait3A_71 = arith.constant 0 : i32
          %dma_wait3A_72 = tpu.memref_slice %arg5[%rem3A_23, %dma_wait3A_71] : memref<2x640xi32, #tpu.memory_space<vmem>> -> memref<1x640xi32, #tpu.memory_space<vmem>>
          %dma_wait3A_73 = tpu.memref_squeeze %dma_wait3A_72 : memref<1x640xi32, #tpu.memory_space<vmem>> -> memref<640xi32, #tpu.memory_space<vmem>>
          %dma_wait3A_74 = tpu.memref_slice %arg3[%add3A_27] : memref<327680xi32, #tpu.memory_space<hbm>> -> memref<640xi32, #tpu.memory_space<hbm>>
          tpu.wait_dma2 semaphore(%run_scoped3A_58 : memref<!tpu.dma_semaphore, #tpu.memory_space<semaphore_mem>>) src(%dma_wait3A_74 : memref<640xi32, #tpu.memory_space<hbm>>) dst(%dma_wait3A_73 : memref<640xi32, #tpu.memory_space<vmem>>)
          tpu.yield
        }) : () -> ()
        %dma_start3A_46 = arith.constant 0 : i32
        %dma_start3A_47 = arith.constant 0 : i32
        %dma_start3A_48 = tpu.memref_slice %arg6[%rem3A_23, %dma_start3A_46, %dma_start3A_47] : memref<2x640x64xf32, #tpu.memory_space<vmem>> -> memref<1x640x64xf32, #tpu.memory_space<vmem>>
        %dma_start3A_49 = tpu.memref_squeeze %dma_start3A_48 : memref<1x640x64xf32, #tpu.memory_space<vmem>> -> memref<640x64xf32, #tpu.memory_space<vmem>>
        %dma_start3A_50 = arith.constant 0 : i32
        %dma_start3A_51 = tpu.memref_slice %arg5[%rem3A_23, %dma_start3A_50] : memref<2x640xi32, #tpu.memory_space<vmem>> -> memref<1x640xi32, #tpu.memory_space<vmem>>
        %dma_start3A_52 = tpu.memref_squeeze %dma_start3A_51 : memref<1x640xi32, #tpu.memory_space<vmem>> -> memref<640xi32, #tpu.memory_space<vmem>>
        %dma_start3A_53 = arith.constant 0 : i32
        %dma_start3A_54 = arith.constant 0 : i32
        %dma_start3A_55 = tpu.memref_slice %arg2[%dma_start3A_53, %dma_start3A_54] : memref<10240x64xf32, #tpu.memory_space<hbm>> -> memref<10240x64xf32, #tpu.memory_space<hbm>>
        %dma_start3A_56 = tpu.memref_slice %arg7[%rem3A_23] : memref<2x!tpu.dma_semaphore, #tpu.memory_space<semaphore_mem>> -> memref<1x!tpu.dma_semaphore, #tpu.memory_space<semaphore_mem>>
        %dma_start3A_57 = tpu.memref_squeeze %dma_start3A_56 : memref<1x!tpu.dma_semaphore, #tpu.memory_space<semaphore_mem>> -> memref<!tpu.dma_semaphore, #tpu.memory_space<semaphore_mem>>
        tpu.enqueue_indirect_dma source(%dma_start3A_55 : memref<10240x64xf32, #tpu.memory_space<hbm>>) target(%dma_start3A_49 : memref<640x64xf32, #tpu.memory_space<vmem>>) offsets(%dma_start3A_52 : memref<640xi32, #tpu.memory_space<vmem>>) semaphore(%dma_start3A_57 : memref<!tpu.dma_semaphore, #tpu.memory_space<semaphore_mem>>)
      } else {
      }
      %sub3A_30 = arith.constant 1 : i32
      %sub3A_31 = arith.subi %scan3A_22, %sub3A_30 : i32
      %mul3A_32 = arith.constant 640 : i32
      %mul3A_33 = arith.muli %sub3A_31, %mul3A_32 : i32
      %add3A_34 = arith.addi %mul3A_2, %mul3A_33 : i32
      %dma_wait3A = arith.constant 0 : i32
      %dma_wait3A_35 = arith.constant 0 : i32
      %dma_wait3A_36 = tpu.memref_slice %arg6[%sub3A_24, %dma_wait3A, %dma_wait3A_35] : memref<2x640x64xf32, #tpu.memory_space<vmem>> -> memref<1x640x64xf32, #tpu.memory_space<vmem>>
      %dma_wait3A_37 = tpu.memref_squeeze %dma_wait3A_36 : memref<1x640x64xf32, #tpu.memory_space<vmem>> -> memref<640x64xf32, #tpu.memory_space<vmem>>
      %dma_wait3A_38 = arith.constant 0 : i32
      %dma_wait3A_39 = tpu.memref_slice %arg5[%sub3A_24, %dma_wait3A_38] : memref<2x640xi32, #tpu.memory_space<vmem>> -> memref<1x640xi32, #tpu.memory_space<vmem>>
      %dma_wait3A_40 = tpu.memref_squeeze %dma_wait3A_39 : memref<1x640xi32, #tpu.memory_space<vmem>> -> memref<640xi32, #tpu.memory_space<vmem>>
      %dma_wait3A_41 = arith.constant 0 : i32
      %dma_wait3A_42 = arith.constant 0 : i32
      %dma_wait3A_43 = tpu.memref_slice %arg2[%dma_wait3A_41, %dma_wait3A_42] : memref<10240x64xf32, #tpu.memory_space<hbm>> -> memref<10240x64xf32, #tpu.memory_space<hbm>>
      %dma_wait3A_44 = tpu.memref_slice %arg7[%sub3A_24] : memref<2x!tpu.dma_semaphore, #tpu.memory_space<semaphore_mem>> -> memref<1x!tpu.dma_semaphore, #tpu.memory_space<semaphore_mem>>
      %dma_wait3A_45 = tpu.memref_squeeze %dma_wait3A_44 : memref<1x!tpu.dma_semaphore, #tpu.memory_space<semaphore_mem>> -> memref<!tpu.dma_semaphore, #tpu.memory_space<semaphore_mem>>
      tpu.wait_indirect_dma semaphore(%dma_wait3A_45 : memref<!tpu.dma_semaphore, #tpu.memory_space<semaphore_mem>>) src(%dma_wait3A_43 : memref<10240x64xf32, #tpu.memory_space<hbm>>) dst(%dma_wait3A_37 : memref<640x64xf32, #tpu.memory_space<vmem>>)
      "tpu.region"() ({
        %run_scoped3A_46 = tpu.sem_alloc : memref<!tpu.dma_semaphore, #tpu.memory_space<semaphore_mem>>
        %dma_start3A_47 = arith.constant 0 : i32
        %dma_start3A_48 = arith.constant 0 : i32
        %dma_start3A_49 = tpu.memref_slice %arg6[%sub3A_24, %dma_start3A_47, %dma_start3A_48] : memref<2x640x64xf32, #tpu.memory_space<vmem>> -> memref<1x640x64xf32, #tpu.memory_space<vmem>>
        %dma_start3A_50 = tpu.memref_squeeze %dma_start3A_49 : memref<1x640x64xf32, #tpu.memory_space<vmem>> -> memref<640x64xf32, #tpu.memory_space<vmem>>
        %dma_start3A_51 = arith.constant 0 : i32
        %dma_start3A_52 = tpu.memref_slice %arg4[%add3A_34, %dma_start3A_51] : memref<327680x64xf32, #tpu.memory_space<hbm>> -> memref<640x64xf32, #tpu.memory_space<hbm>>
        %dma_start3A_53 = arith.constant 0 : i32
        %dma_start3A_54 = tpu.memref_slice %arg4[%add3A_34, %dma_start3A_53] : memref<327680x64xf32, #tpu.memory_space<hbm>> -> memref<640x64xf32, #tpu.memory_space<hbm>>
        %dma_start3A_55 = arith.constant 0 : i32
        %dma_start3A_56 = arith.constant 0 : i32
        %dma_start3A_57 = tpu.memref_slice %arg6[%sub3A_24, %dma_start3A_55, %dma_start3A_56] : memref<2x640x64xf32, #tpu.memory_space<vmem>> -> memref<1x640x64xf32, #tpu.memory_space<vmem>>
        %dma_start3A_58 = tpu.memref_squeeze %dma_start3A_57 : memref<1x640x64xf32, #tpu.memory_space<vmem>> -> memref<640x64xf32, #tpu.memory_space<vmem>>
        tpu.enqueue_dma source(%dma_start3A_58 : memref<640x64xf32, #tpu.memory_space<vmem>>) target(%dma_start3A_54 : memref<640x64xf32, #tpu.memory_space<hbm>>) target_semaphore(%run_scoped3A_46 : memref<!tpu.dma_semaphore, #tpu.memory_space<semaphore_mem>>)
        %dma_wait3A_59 = arith.constant 0 : i32
        %dma_wait3A_60 = arith.constant 0 : i32
        %dma_wait3A_61 = tpu.memref_slice %arg6[%sub3A_24, %dma_wait3A_59, %dma_wait3A_60] : memref<2x640x64xf32, #tpu.memory_space<vmem>> -> memref<1x640x64xf32, #tpu.memory_space<vmem>>
        %dma_wait3A_62 = tpu.memref_squeeze %dma_wait3A_61 : memref<1x640x64xf32, #tpu.memory_space<vmem>> -> memref<640x64xf32, #tpu.memory_space<vmem>>
        %dma_wait3A_63 = arith.constant 0 : i32
        %dma_wait3A_64 = tpu.memref_slice %arg4[%add3A_34, %dma_wait3A_63] : memref<327680x64xf32, #tpu.memory_space<hbm>> -> memref<640x64xf32, #tpu.memory_space<hbm>>
        %dma_wait3A_65 = arith.constant 0 : i32
        %dma_wait3A_66 = tpu.memref_slice %arg4[%add3A_34, %dma_wait3A_65] : memref<327680x64xf32, #tpu.memory_space<hbm>> -> memref<640x64xf32, #tpu.memory_space<hbm>>
        %dma_wait3A_67 = arith.constant 0 : i32
        %dma_wait3A_68 = arith.constant 0 : i32
        %dma_wait3A_69 = tpu.memref_slice %arg6[%sub3A_24, %dma_wait3A_67, %dma_wait3A_68] : memref<2x640x64xf32, #tpu.memory_space<vmem>> -> memref<1x640x64xf32, #tpu.memory_space<vmem>>
        %dma_wait3A_70 = tpu.memref_squeeze %dma_wait3A_69 : memref<1x640x64xf32, #tpu.memory_space<vmem>> -> memref<640x64xf32, #tpu.memory_space<vmem>>
        tpu.wait_dma2 semaphore(%run_scoped3A_46 : memref<!tpu.dma_semaphore, #tpu.memory_space<semaphore_mem>>) src(%dma_wait3A_70 : memref<640x64xf32, #tpu.memory_space<vmem>>) dst(%dma_wait3A_66 : memref<640x64xf32, #tpu.memory_space<hbm>>)
        tpu.yield
      }) : () -> ()
    }
    %scan3A_21 = arith.constant 16 : i32
    return
  }
}

#map = affine_map<(d0, d1) -> (0, 0)>
#map1 = affine_map<(d0, d1) -> (0)>
module attributes {stable_mosaic.version = 14 : i64} {
  func.func @gather_kernel(%arg0: i32, %arg1: i32, %arg2: memref<10240x64xf32, #tpu.memory_space<hbm>>, %arg3: memref<327680xi32, #tpu.memory_space<hbm>>, %arg4: memref<327680x64xf32, #tpu.memory_space<hbm>>, %arg5: memref<2x640xi32, #tpu.memory_space<vmem>>, %arg6: memref<2x640x64xf32, #tpu.memory_space<vmem>>, %arg7: memref<2x!tpu.dma_semaphore, #tpu.memory_space<semaphore_mem>>) attributes {dimension_semantics = [#tpu.dimension_semantics<core_parallel>, #tpu.dimension_semantics<subcore_parallel>], iteration_bounds = array<i64: 2, 16>, scalar_prefetch = 0 : i64, scratch_operands = 3 : i64, tpu.core_type = #tpu.core_type<sc_vector_subcore>, window_params = [{transform_indices = #map}, {transform_indices = #map1}, {transform_indices = #map}]} {
    %mul3A = arith.constant 2 : i32
    %mul3A_0 = arith.muli %arg1, %mul3A : i32
    %add3A = arith.addi %mul3A_0, %arg0 : i32
    %mul3A_1 = arith.constant 10240 : i32
    %mul3A_2 = arith.muli %add3A, %mul3A_1 : i32
    %run_scoped3A = arith.constant 0 : i32
    "tpu.region"() ({
      %run_scoped3A_22 = tpu.sem_alloc : memref<!tpu.dma_semaphore, #tpu.memory_space<semaphore_mem>>
      %dma_start3A_23 = arith.constant 0 : i32
      %dma_start3A_24 = tpu.memref_slice %arg5[%run_scoped3A, %dma_start3A_23] : memref<2x640xi32, #tpu.memory_space<vmem>> -> memref<1x640xi32, #tpu.memory_space<vmem>>
      %dma_start3A_25 = tpu.memref_squeeze %dma_start3A_24 : memref<1x640xi32, #tpu.memory_space<vmem>> -> memref<640xi32, #tpu.memory_space<vmem>>
      %dma_start3A_26 = tpu.memref_slice %arg3[%mul3A_2] : memref<327680xi32, #tpu.memory_space<hbm>> -> memref<640xi32, #tpu.memory_space<hbm>>
      %dma_start3A_27 = arith.constant 0 : i32
      %dma_start3A_28 = tpu.memref_slice %arg5[%run_scoped3A, %dma_start3A_27] : memref<2x640xi32, #tpu.memory_space<vmem>> -> memref<1x640xi32, #tpu.memory_space<vmem>>
      %dma_start3A_29 = tpu.memref_squeeze %dma_start3A_28 : memref<1x640xi32, #tpu.memory_space<vmem>> -> memref<640xi32, #tpu.memory_space<vmem>>
      %dma_start3A_30 = tpu.memref_slice %arg3[%mul3A_2] : memref<327680xi32, #tpu.memory_space<hbm>> -> memref<640xi32, #tpu.memory_space<hbm>>
      tpu.enqueue_dma source(%dma_start3A_30 : memref<640xi32, #tpu.memory_space<hbm>>) target(%dma_start3A_29 : memref<640xi32, #tpu.memory_space<vmem>>) target_semaphore(%run_scoped3A_22 : memref<!tpu.dma_semaphore, #tpu.memory_space<semaphore_mem>>)
      %dma_wait3A = arith.constant 0 : i32
      %dma_wait3A_31 = tpu.memref_slice %arg5[%run_scoped3A, %dma_wait3A] : memref<2x640xi32, #tpu.memory_space<vmem>> -> memref<1x640xi32, #tpu.memory_space<vmem>>
      %dma_wait3A_32 = tpu.memref_squeeze %dma_wait3A_31 : memref<1x640xi32, #tpu.memory_space<vmem>> -> memref<640xi32, #tpu.memory_space<vmem>>
      %dma_wait3A_33 = tpu.memref_slice %arg3[%mul3A_2] : memref<327680xi32, #tpu.memory_space<hbm>> -> memref<640xi32, #tpu.memory_space<hbm>>
      %dma_wait3A_34 = arith.constant 0 : i32
      %dma_wait3A_35 = tpu.memref_slice %arg5[%run_scoped3A, %dma_wait3A_34] : memref<2x640xi32, #tpu.memory_space<vmem>> -> memref<1x640xi32, #tpu.memory_space<vmem>>
      %dma_wait3A_36 = tpu.memref_squeeze %dma_wait3A_35 : memref<1x640xi32, #tpu.memory_space<vmem>> -> memref<640xi32, #tpu.memory_space<vmem>>
      %dma_wait3A_37 = tpu.memref_slice %arg3[%mul3A_2] : memref<327680xi32, #tpu.memory_space<hbm>> -> memref<640xi32, #tpu.memory_space<hbm>>
      tpu.wait_dma2 semaphore(%run_scoped3A_22 : memref<!tpu.dma_semaphore, #tpu.memory_space<semaphore_mem>>) src(%dma_wait3A_37 : memref<640xi32, #tpu.memory_space<hbm>>) dst(%dma_wait3A_36 : memref<640xi32, #tpu.memory_space<vmem>>)
      tpu.yield
    }) : () -> ()
    %dma_start3A = arith.constant 0 : i32
    %dma_start3A_3 = arith.constant 0 : i32
    %dma_start3A_4 = arith.constant 0 : i32
    %dma_start3A_5 = arith.constant 0 : i32
    %dma_start3A_6 = arith.constant 0 : i32
    %dma_start3A_7 = tpu.memref_slice %arg6[%dma_start3A_3, %dma_start3A_5, %dma_start3A_6] : memref<2x640x64xf32, #tpu.memory_space<vmem>> -> memref<1x640x64xf32, #tpu.memory_space<vmem>>
    %dma_start3A_8 = tpu.memref_squeeze %dma_start3A_7 : memref<1x640x64xf32, #tpu.memory_space<vmem>> -> memref<640x64xf32, #tpu.memory_space<vmem>>
    %dma_start3A_9 = arith.constant 0 : i32
    %dma_start3A_10 = tpu.memref_slice %arg5[%dma_start3A, %dma_start3A_9] : memref<2x640xi32, #tpu.memory_space<vmem>> -> memref<1x640xi32, #tpu.memory_space<vmem>>
    %dma_start3A_11 = tpu.memref_squeeze %dma_start3A_10 : memref<1x640xi32, #tpu.memory_space<vmem>> -> memref<640xi32, #tpu.memory_space<vmem>>
    %dma_start3A_12 = arith.constant 0 : i32
    %dma_start3A_13 = arith.constant 0 : i32
    %dma_start3A_14 = tpu.memref_slice %arg2[%dma_start3A_12, %dma_start3A_13] : memref<10240x64xf32, #tpu.memory_space<hbm>> -> memref<10240x64xf32, #tpu.memory_space<hbm>>
    %dma_start3A_15 = tpu.memref_slice %arg7[%dma_start3A_4] : memref<2x!tpu.dma_semaphore, #tpu.memory_space<semaphore_mem>> -> memref<1x!tpu.dma_semaphore, #tpu.memory_space<semaphore_mem>>
    %dma_start3A_16 = tpu.memref_squeeze %dma_start3A_15 : memref<1x!tpu.dma_semaphore, #tpu.memory_space<semaphore_mem>> -> memref<!tpu.dma_semaphore, #tpu.memory_space<semaphore_mem>>
    tpu.enqueue_indirect_dma source(%dma_start3A_14 : memref<10240x64xf32, #tpu.memory_space<hbm>>) target(%dma_start3A_8 : memref<640x64xf32, #tpu.memory_space<vmem>>) offsets(%dma_start3A_11 : memref<640xi32, #tpu.memory_space<vmem>>) semaphore(%dma_start3A_16 : memref<!tpu.dma_semaphore, #tpu.memory_space<semaphore_mem>>)
    %scan3A = arith.constant 0 : i32
    %scan3A_17 = arith.constant 1 : i32
    %scan3A_18 = arith.constant 16 : i32
    %scan3A_19 = arith.addi %scan3A_17, %scan3A_18 : i32
    %scan3A_20 = arith.constant 1 : i32
    scf.for %scan3A_22 = %scan3A_17 to %scan3A_19 step %scan3A_20  : i32 {
      %rem3A = arith.constant 2 : i32
      %rem3A_23 = arith.remsi %scan3A_22, %rem3A : i32
      %sub3A = arith.constant 1 : i32
      %sub3A_24 = arith.subi %sub3A, %rem3A_23 : i32
      %mul3A_25 = arith.constant 640 : i32
      %mul3A_26 = arith.muli %scan3A_22, %mul3A_25 : i32
      %add3A_27 = arith.addi %mul3A_2, %mul3A_26 : i32
      %lt3A = arith.constant 16 : i32
      %lt3A_28 = arith.cmpi slt, %scan3A_22, %lt3A : i32
      %convert_element_type3A = arith.extui %lt3A_28 : i1 to i32
      %cond3A = arith.constant 0 : i32
      %cond3A_29 = arith.cmpi ne, %convert_element_type3A, %cond3A : i32
      scf.if %cond3A_29 {
        "tpu.region"() ({
          %run_scoped3A_58 = tpu.sem_alloc : memref<!tpu.dma_semaphore, #tpu.memory_space<semaphore_mem>>
          %dma_start3A_59 = arith.constant 0 : i32
          %dma_start3A_60 = tpu.memref_slice %arg5[%rem3A_23, %dma_start3A_59] : memref<2x640xi32, #tpu.memory_space<vmem>> -> memref<1x640xi32, #tpu.memory_space<vmem>>
          %dma_start3A_61 = tpu.memref_squeeze %dma_start3A_60 : memref<1x640xi32, #tpu.memory_space<vmem>> -> memref<640xi32, #tpu.memory_space<vmem>>
          %dma_start3A_62 = tpu.memref_slice %arg3[%add3A_27] : memref<327680xi32, #tpu.memory_space<hbm>> -> memref<640xi32, #tpu.memory_space<hbm>>
          %dma_start3A_63 = arith.constant 0 : i32
          %dma_start3A_64 = tpu.memref_slice %arg5[%rem3A_23, %dma_start3A_63] : memref<2x640xi32, #tpu.memory_space<vmem>> -> memref<1x640xi32, #tpu.memory_space<vmem>>
          %dma_start3A_65 = tpu.memref_squeeze %dma_start3A_64 : memref<1x640xi32, #tpu.memory_space<vmem>> -> memref<640xi32, #tpu.memory_space<vmem>>
          %dma_start3A_66 = tpu.memref_slice %arg3[%add3A_27] : memref<327680xi32, #tpu.memory_space<hbm>> -> memref<640xi32, #tpu.memory_space<hbm>>
          tpu.enqueue_dma source(%dma_start3A_66 : memref<640xi32, #tpu.memory_space<hbm>>) target(%dma_start3A_65 : memref<640xi32, #tpu.memory_space<vmem>>) target_semaphore(%run_scoped3A_58 : memref<!tpu.dma_semaphore, #tpu.memory_space<semaphore_mem>>)
          %dma_wait3A_67 = arith.constant 0 : i32
          %dma_wait3A_68 = tpu.memref_slice %arg5[%rem3A_23, %dma_wait3A_67] : memref<2x640xi32, #tpu.memory_space<vmem>> -> memref<1x640xi32, #tpu.memory_space<vmem>>
          %dma_wait3A_69 = tpu.memref_squeeze %dma_wait3A_68 : memref<1x640xi32, #tpu.memory_space<vmem>> -> memref<640xi32, #tpu.memory_space<vmem>>
          %dma_wait3A_70 = tpu.memref_slice %arg3[%add3A_27] : memref<327680xi32, #tpu.memory_space<hbm>> -> memref<640xi32, #tpu.memory_space<hbm>>
          %dma_wait3A_71 = arith.constant 0 : i32
          %dma_wait3A_72 = tpu.memref_slice %arg5[%rem3A_23, %dma_wait3A_71] : memref<2x640xi32, #tpu.memory_space<vmem>> -> memref<1x640xi32, #tpu.memory_space<vmem>>
          %dma_wait3A_73 = tpu.memref_squeeze %dma_wait3A_72 : memref<1x640xi32, #tpu.memory_space<vmem>> -> memref<640xi32, #tpu.memory_space<vmem>>
          %dma_wait3A_74 = tpu.memref_slice %arg3[%add3A_27] : memref<327680xi32, #tpu.memory_space<hbm>> -> memref<640xi32, #tpu.memory_space<hbm>>
          tpu.wait_dma2 semaphore(%run_scoped3A_58 : memref<!tpu.dma_semaphore, #tpu.memory_space<semaphore_mem>>) src(%dma_wait3A_74 : memref<640xi32, #tpu.memory_space<hbm>>) dst(%dma_wait3A_73 : memref<640xi32, #tpu.memory_space<vmem>>)
          tpu.yield
        }) : () -> ()
        %dma_start3A_46 = arith.constant 0 : i32
        %dma_start3A_47 = arith.constant 0 : i32
        %dma_start3A_48 = tpu.memref_slice %arg6[%rem3A_23, %dma_start3A_46, %dma_start3A_47] : memref<2x640x64xf32, #tpu.memory_space<vmem>> -> memref<1x640x64xf32, #tpu.memory_space<vmem>>
        %dma_start3A_49 = tpu.memref_squeeze %dma_start3A_48 : memref<1x640x64xf32, #tpu.memory_space<vmem>> -> memref<640x64xf32, #tpu.memory_space<vmem>>
        %dma_start3A_50 = arith.constant 0 : i32
        %dma_start3A_51 = tpu.memref_slice %arg5[%rem3A_23, %dma_start3A_50] : memref<2x640xi32, #tpu.memory_space<vmem>> -> memref<1x640xi32, #tpu.memory_space<vmem>>
        %dma_start3A_52 = tpu.memref_squeeze %dma_start3A_51 : memref<1x640xi32, #tpu.memory_space<vmem>> -> memref<640xi32, #tpu.memory_space<vmem>>
        %dma_start3A_53 = arith.constant 0 : i32
        %dma_start3A_54 = arith.constant 0 : i32
        %dma_start3A_55 = tpu.memref_slice %arg2[%dma_start3A_53, %dma_start3A_54] : memref<10240x64xf32, #tpu.memory_space<hbm>> -> memref<10240x64xf32, #tpu.memory_space<hbm>>
        %dma_start3A_56 = tpu.memref_slice %arg7[%rem3A_23] : memref<2x!tpu.dma_semaphore, #tpu.memory_space<semaphore_mem>> -> memref<1x!tpu.dma_semaphore, #tpu.memory_space<semaphore_mem>>
        %dma_start3A_57 = tpu.memref_squeeze %dma_start3A_56 : memref<1x!tpu.dma_semaphore, #tpu.memory_space<semaphore_mem>> -> memref<!tpu.dma_semaphore, #tpu.memory_space<semaphore_mem>>
        tpu.enqueue_indirect_dma source(%dma_start3A_55 : memref<10240x64xf32, #tpu.memory_space<hbm>>) target(%dma_start3A_49 : memref<640x64xf32, #tpu.memory_space<vmem>>) offsets(%dma_start3A_52 : memref<640xi32, #tpu.memory_space<vmem>>) semaphore(%dma_start3A_57 : memref<!tpu.dma_semaphore, #tpu.memory_space<semaphore_mem>>)
      } else {
      }
      %sub3A_30 = arith.constant 1 : i32
      %sub3A_31 = arith.subi %scan3A_22, %sub3A_30 : i32
      %mul3A_32 = arith.constant 640 : i32
      %mul3A_33 = arith.muli %sub3A_31, %mul3A_32 : i32
      %add3A_34 = arith.addi %mul3A_2, %mul3A_33 : i32
      %dma_wait3A = arith.constant 0 : i32
      %dma_wait3A_35 = arith.constant 0 : i32
      %dma_wait3A_36 = tpu.memref_slice %arg6[%sub3A_24, %dma_wait3A, %dma_wait3A_35] : memref<2x640x64xf32, #tpu.memory_space<vmem>> -> memref<1x640x64xf32, #tpu.memory_space<vmem>>
      %dma_wait3A_37 = tpu.memref_squeeze %dma_wait3A_36 : memref<1x640x64xf32, #tpu.memory_space<vmem>> -> memref<640x64xf32, #tpu.memory_space<vmem>>
      %dma_wait3A_38 = arith.constant 0 : i32
      %dma_wait3A_39 = tpu.memref_slice %arg5[%sub3A_24, %dma_wait3A_38] : memref<2x640xi32, #tpu.memory_space<vmem>> -> memref<1x640xi32, #tpu.memory_space<vmem>>
      %dma_wait3A_40 = tpu.memref_squeeze %dma_wait3A_39 : memref<1x640xi32, #tpu.memory_space<vmem>> -> memref<640xi32, #tpu.memory_space<vmem>>
      %dma_wait3A_41 = arith.constant 0 : i32
      %dma_wait3A_42 = arith.constant 0 : i32
      %dma_wait3A_43 = tpu.memref_slice %arg2[%dma_wait3A_41, %dma_wait3A_42] : memref<10240x64xf32, #tpu.memory_space<hbm>> -> memref<10240x64xf32, #tpu.memory_space<hbm>>
      %dma_wait3A_44 = tpu.memref_slice %arg7[%sub3A_24] : memref<2x!tpu.dma_semaphore, #tpu.memory_space<semaphore_mem>> -> memref<1x!tpu.dma_semaphore, #tpu.memory_space<semaphore_mem>>
      %dma_wait3A_45 = tpu.memref_squeeze %dma_wait3A_44 : memref<1x!tpu.dma_semaphore, #tpu.memory_space<semaphore_mem>> -> memref<!tpu.dma_semaphore, #tpu.memory_space<semaphore_mem>>
      tpu.wait_indirect_dma semaphore(%dma_wait3A_45 : memref<!tpu.dma_semaphore, #tpu.memory_space<semaphore_mem>>) src(%dma_wait3A_43 : memref<10240x64xf32, #tpu.memory_space<hbm>>) dst(%dma_wait3A_37 : memref<640x64xf32, #tpu.memory_space<vmem>>)
      "tpu.region"() ({
        %run_scoped3A_46 = tpu.sem_alloc : memref<!tpu.dma_semaphore, #tpu.memory_space<semaphore_mem>>
        %dma_start3A_47 = arith.constant 0 : i32
        %dma_start3A_48 = arith.constant 0 : i32
        %dma_start3A_49 = tpu.memref_slice %arg6[%sub3A_24, %dma_start3A_47, %dma_start3A_48] : memref<2x640x64xf32, #tpu.memory_space<vmem>> -> memref<1x640x64xf32, #tpu.memory_space<vmem>>
        %dma_start3A_50 = tpu.memref_squeeze %dma_start3A_49 : memref<1x640x64xf32, #tpu.memory_space<vmem>> -> memref<640x64xf32, #tpu.memory_space<vmem>>
        %dma_start3A_51 = arith.constant 0 : i32
        %dma_start3A_52 = tpu.memref_slice %arg4[%add3A_34, %dma_start3A_51] : memref<327680x64xf32, #tpu.memory_space<hbm>> -> memref<640x64xf32, #tpu.memory_space<hbm>>
        %dma_start3A_53 = arith.constant 0 : i32
        %dma_start3A_54 = tpu.memref_slice %arg4[%add3A_34, %dma_start3A_53] : memref<327680x64xf32, #tpu.memory_space<hbm>> -> memref<640x64xf32, #tpu.memory_space<hbm>>
        %dma_start3A_55 = arith.constant 0 : i32
        %dma_start3A_56 = arith.constant 0 : i32
        %dma_start3A_57 = tpu.memref_slice %arg6[%sub3A_24, %dma_start3A_55, %dma_start3A_56] : memref<2x640x64xf32, #tpu.memory_space<vmem>> -> memref<1x640x64xf32, #tpu.memory_space<vmem>>
        %dma_start3A_58 = tpu.memref_squeeze %dma_start3A_57 : memref<1x640x64xf32, #tpu.memory_space<vmem>> -> memref<640x64xf32, #tpu.memory_space<vmem>>
        tpu.enqueue_dma source(%dma_start3A_58 : memref<640x64xf32, #tpu.memory_space<vmem>>) target(%dma_start3A_54 : memref<640x64xf32, #tpu.memory_space<hbm>>) target_semaphore(%run_scoped3A_46 : memref<!tpu.dma_semaphore, #tpu.memory_space<semaphore_mem>>)
        %dma_wait3A_59 = arith.constant 0 : i32
        %dma_wait3A_60 = arith.constant 0 : i32
        %dma_wait3A_61 = tpu.memref_slice %arg6[%sub3A_24, %dma_wait3A_59, %dma_wait3A_60] : memref<2x640x64xf32, #tpu.memory_space<vmem>> -> memref<1x640x64xf32, #tpu.memory_space<vmem>>
        %dma_wait3A_62 = tpu.memref_squeeze %dma_wait3A_61 : memref<1x640x64xf32, #tpu.memory_space<vmem>> -> memref<640x64xf32, #tpu.memory_space<vmem>>
        %dma_wait3A_63 = arith.constant 0 : i32
        %dma_wait3A_64 = tpu.memref_slice %arg4[%add3A_34, %dma_wait3A_63] : memref<327680x64xf32, #tpu.memory_space<hbm>> -> memref<640x64xf32, #tpu.memory_space<hbm>>
        %dma_wait3A_65 = arith.constant 0 : i32
        %dma_wait3A_66 = tpu.memref_slice %arg4[%add3A_34, %dma_wait3A_65] : memref<327680x64xf32, #tpu.memory_space<hbm>> -> memref<640x64xf32, #tpu.memory_space<hbm>>
        %dma_wait3A_67 = arith.constant 0 : i32
        %dma_wait3A_68 = arith.constant 0 : i32
        %dma_wait3A_69 = tpu.memref_slice %arg6[%sub3A_24, %dma_wait3A_67, %dma_wait3A_68] : memref<2x640x64xf32, #tpu.memory_space<vmem>> -> memref<1x640x64xf32, #tpu.memory_space<vmem>>
        %dma_wait3A_70 = tpu.memref_squeeze %dma_wait3A_69 : memref<1x640x64xf32, #tpu.memory_space<vmem>> -> memref<640x64xf32, #tpu.memory_space<vmem>>
        tpu.wait_dma2 semaphore(%run_scoped3A_46 : memref<!tpu.dma_semaphore, #tpu.memory_space<semaphore_mem>>) src(%dma_wait3A_70 : memref<640x64xf32, #tpu.memory_space<vmem>>) dst(%dma_wait3A_66 : memref<640x64xf32, #tpu.memory_space<hbm>>)
        tpu.yield
      }) : () -> ()
    }
    %scan3A_21 = arith.constant 16 : i32
    return
  }
}

#map = affine_map<(d0, d1) -> (0, 0)>
#map1 = affine_map<(d0, d1) -> (0)>
module attributes {stable_mosaic.version = 14 : i64} {
  func.func @gather_kernel(%arg0: i32, %arg1: i32, %arg2: memref<10240x64xf32, #tpu.memory_space<hbm>>, %arg3: memref<327680xi32, #tpu.memory_space<hbm>>, %arg4: memref<327680x64xf32, #tpu.memory_space<hbm>>, %arg5: memref<2x640xi32, #tpu.memory_space<vmem>>, %arg6: memref<2x640x64xf32, #tpu.memory_space<vmem>>, %arg7: memref<2x!tpu.dma_semaphore, #tpu.memory_space<semaphore_mem>>) attributes {dimension_semantics = [#tpu.dimension_semantics<core_parallel>, #tpu.dimension_semantics<subcore_parallel>], iteration_bounds = array<i64: 2, 16>, scalar_prefetch = 0 : i64, scratch_operands = 3 : i64, tpu.core_type = #tpu.core_type<sc_vector_subcore>, window_params = [{transform_indices = #map}, {transform_indices = #map1}, {transform_indices = #map}]} {
    %mul3A = arith.constant 2 : i32
    %mul3A_0 = arith.muli %arg1, %mul3A : i32
    %add3A = arith.addi %mul3A_0, %arg0 : i32
    %mul3A_1 = arith.constant 10240 : i32
    %mul3A_2 = arith.muli %add3A, %mul3A_1 : i32
    %run_scoped3A = arith.constant 0 : i32
    "tpu.region"() ({
      %run_scoped3A_22 = tpu.sem_alloc : memref<!tpu.dma_semaphore, #tpu.memory_space<semaphore_mem>>
      %dma_start3A_23 = arith.constant 0 : i32
      %dma_start3A_24 = tpu.memref_slice %arg5[%run_scoped3A, %dma_start3A_23] : memref<2x640xi32, #tpu.memory_space<vmem>> -> memref<1x640xi32, #tpu.memory_space<vmem>>
      %dma_start3A_25 = tpu.memref_squeeze %dma_start3A_24 : memref<1x640xi32, #tpu.memory_space<vmem>> -> memref<640xi32, #tpu.memory_space<vmem>>
      %dma_start3A_26 = tpu.memref_slice %arg3[%mul3A_2] : memref<327680xi32, #tpu.memory_space<hbm>> -> memref<640xi32, #tpu.memory_space<hbm>>
      %dma_start3A_27 = arith.constant 0 : i32
      %dma_start3A_28 = tpu.memref_slice %arg5[%run_scoped3A, %dma_start3A_27] : memref<2x640xi32, #tpu.memory_space<vmem>> -> memref<1x640xi32, #tpu.memory_space<vmem>>
      %dma_start3A_29 = tpu.memref_squeeze %dma_start3A_28 : memref<1x640xi32, #tpu.memory_space<vmem>> -> memref<640xi32, #tpu.memory_space<vmem>>
      %dma_start3A_30 = tpu.memref_slice %arg3[%mul3A_2] : memref<327680xi32, #tpu.memory_space<hbm>> -> memref<640xi32, #tpu.memory_space<hbm>>
      tpu.enqueue_dma source(%dma_start3A_30 : memref<640xi32, #tpu.memory_space<hbm>>) target(%dma_start3A_29 : memref<640xi32, #tpu.memory_space<vmem>>) target_semaphore(%run_scoped3A_22 : memref<!tpu.dma_semaphore, #tpu.memory_space<semaphore_mem>>)
      %dma_wait3A = arith.constant 0 : i32
      %dma_wait3A_31 = tpu.memref_slice %arg5[%run_scoped3A, %dma_wait3A] : memref<2x640xi32, #tpu.memory_space<vmem>> -> memref<1x640xi32, #tpu.memory_space<vmem>>
      %dma_wait3A_32 = tpu.memref_squeeze %dma_wait3A_31 : memref<1x640xi32, #tpu.memory_space<vmem>> -> memref<640xi32, #tpu.memory_space<vmem>>
      %dma_wait3A_33 = tpu.memref_slice %arg3[%mul3A_2] : memref<327680xi32, #tpu.memory_space<hbm>> -> memref<640xi32, #tpu.memory_space<hbm>>
      %dma_wait3A_34 = arith.constant 0 : i32
      %dma_wait3A_35 = tpu.memref_slice %arg5[%run_scoped3A, %dma_wait3A_34] : memref<2x640xi32, #tpu.memory_space<vmem>> -> memref<1x640xi32, #tpu.memory_space<vmem>>
      %dma_wait3A_36 = tpu.memref_squeeze %dma_wait3A_35 : memref<1x640xi32, #tpu.memory_space<vmem>> -> memref<640xi32, #tpu.memory_space<vmem>>
      %dma_wait3A_37 = tpu.memref_slice %arg3[%mul3A_2] : memref<327680xi32, #tpu.memory_space<hbm>> -> memref<640xi32, #tpu.memory_space<hbm>>
      tpu.wait_dma2 semaphore(%run_scoped3A_22 : memref<!tpu.dma_semaphore, #tpu.memory_space<semaphore_mem>>) src(%dma_wait3A_37 : memref<640xi32, #tpu.memory_space<hbm>>) dst(%dma_wait3A_36 : memref<640xi32, #tpu.memory_space<vmem>>)
      tpu.yield
    }) : () -> ()
    %dma_start3A = arith.constant 0 : i32
    %dma_start3A_3 = arith.constant 0 : i32
    %dma_start3A_4 = arith.constant 0 : i32
    %dma_start3A_5 = arith.constant 0 : i32
    %dma_start3A_6 = arith.constant 0 : i32
    %dma_start3A_7 = tpu.memref_slice %arg6[%dma_start3A_3, %dma_start3A_5, %dma_start3A_6] : memref<2x640x64xf32, #tpu.memory_space<vmem>> -> memref<1x640x64xf32, #tpu.memory_space<vmem>>
    %dma_start3A_8 = tpu.memref_squeeze %dma_start3A_7 : memref<1x640x64xf32, #tpu.memory_space<vmem>> -> memref<640x64xf32, #tpu.memory_space<vmem>>
    %dma_start3A_9 = arith.constant 0 : i32
    %dma_start3A_10 = tpu.memref_slice %arg5[%dma_start3A, %dma_start3A_9] : memref<2x640xi32, #tpu.memory_space<vmem>> -> memref<1x640xi32, #tpu.memory_space<vmem>>
    %dma_start3A_11 = tpu.memref_squeeze %dma_start3A_10 : memref<1x640xi32, #tpu.memory_space<vmem>> -> memref<640xi32, #tpu.memory_space<vmem>>
    %dma_start3A_12 = arith.constant 0 : i32
    %dma_start3A_13 = arith.constant 0 : i32
    %dma_start3A_14 = tpu.memref_slice %arg2[%dma_start3A_12, %dma_start3A_13] : memref<10240x64xf32, #tpu.memory_space<hbm>> -> memref<10240x64xf32, #tpu.memory_space<hbm>>
    %dma_start3A_15 = tpu.memref_slice %arg7[%dma_start3A_4] : memref<2x!tpu.dma_semaphore, #tpu.memory_space<semaphore_mem>> -> memref<1x!tpu.dma_semaphore, #tpu.memory_space<semaphore_mem>>
    %dma_start3A_16 = tpu.memref_squeeze %dma_start3A_15 : memref<1x!tpu.dma_semaphore, #tpu.memory_space<semaphore_mem>> -> memref<!tpu.dma_semaphore, #tpu.memory_space<semaphore_mem>>
    tpu.enqueue_indirect_dma source(%dma_start3A_14 : memref<10240x64xf32, #tpu.memory_space<hbm>>) target(%dma_start3A_8 : memref<640x64xf32, #tpu.memory_space<vmem>>) offsets(%dma_start3A_11 : memref<640xi32, #tpu.memory_space<vmem>>) semaphore(%dma_start3A_16 : memref<!tpu.dma_semaphore, #tpu.memory_space<semaphore_mem>>)
    %scan3A = arith.constant 0 : i32
    %scan3A_17 = arith.constant 1 : i32
    %scan3A_18 = arith.constant 16 : i32
    %scan3A_19 = arith.addi %scan3A_17, %scan3A_18 : i32
    %scan3A_20 = arith.constant 1 : i32
    scf.for %scan3A_22 = %scan3A_17 to %scan3A_19 step %scan3A_20  : i32 {
      %rem3A = arith.constant 2 : i32
      %rem3A_23 = arith.remsi %scan3A_22, %rem3A : i32
      %sub3A = arith.constant 1 : i32
      %sub3A_24 = arith.subi %sub3A, %rem3A_23 : i32
      %mul3A_25 = arith.constant 640 : i32
      %mul3A_26 = arith.muli %scan3A_22, %mul3A_25 : i32
      %add3A_27 = arith.addi %mul3A_2, %mul3A_26 : i32
      %lt3A = arith.constant 16 : i32
      %lt3A_28 = arith.cmpi slt, %scan3A_22, %lt3A : i32
      %convert_element_type3A = arith.extui %lt3A_28 : i1 to i32
      %cond3A = arith.constant 0 : i32
      %cond3A_29 = arith.cmpi ne, %convert_element_type3A, %cond3A : i32
      scf.if %cond3A_29 {
        "tpu.region"() ({
          %run_scoped3A_58 = tpu.sem_alloc : memref<!tpu.dma_semaphore, #tpu.memory_space<semaphore_mem>>
          %dma_start3A_59 = arith.constant 0 : i32
          %dma_start3A_60 = tpu.memref_slice %arg5[%rem3A_23, %dma_start3A_59] : memref<2x640xi32, #tpu.memory_space<vmem>> -> memref<1x640xi32, #tpu.memory_space<vmem>>
          %dma_start3A_61 = tpu.memref_squeeze %dma_start3A_60 : memref<1x640xi32, #tpu.memory_space<vmem>> -> memref<640xi32, #tpu.memory_space<vmem>>
          %dma_start3A_62 = tpu.memref_slice %arg3[%add3A_27] : memref<327680xi32, #tpu.memory_space<hbm>> -> memref<640xi32, #tpu.memory_space<hbm>>
          %dma_start3A_63 = arith.constant 0 : i32
          %dma_start3A_64 = tpu.memref_slice %arg5[%rem3A_23, %dma_start3A_63] : memref<2x640xi32, #tpu.memory_space<vmem>> -> memref<1x640xi32, #tpu.memory_space<vmem>>
          %dma_start3A_65 = tpu.memref_squeeze %dma_start3A_64 : memref<1x640xi32, #tpu.memory_space<vmem>> -> memref<640xi32, #tpu.memory_space<vmem>>
          %dma_start3A_66 = tpu.memref_slice %arg3[%add3A_27] : memref<327680xi32, #tpu.memory_space<hbm>> -> memref<640xi32, #tpu.memory_space<hbm>>
          tpu.enqueue_dma source(%dma_start3A_66 : memref<640xi32, #tpu.memory_space<hbm>>) target(%dma_start3A_65 : memref<640xi32, #tpu.memory_space<vmem>>) target_semaphore(%run_scoped3A_58 : memref<!tpu.dma_semaphore, #tpu.memory_space<semaphore_mem>>)
          %dma_wait3A_67 = arith.constant 0 : i32
          %dma_wait3A_68 = tpu.memref_slice %arg5[%rem3A_23, %dma_wait3A_67] : memref<2x640xi32, #tpu.memory_space<vmem>> -> memref<1x640xi32, #tpu.memory_space<vmem>>
          %dma_wait3A_69 = tpu.memref_squeeze %dma_wait3A_68 : memref<1x640xi32, #tpu.memory_space<vmem>> -> memref<640xi32, #tpu.memory_space<vmem>>
          %dma_wait3A_70 = tpu.memref_slice %arg3[%add3A_27] : memref<327680xi32, #tpu.memory_space<hbm>> -> memref<640xi32, #tpu.memory_space<hbm>>
          %dma_wait3A_71 = arith.constant 0 : i32
          %dma_wait3A_72 = tpu.memref_slice %arg5[%rem3A_23, %dma_wait3A_71] : memref<2x640xi32, #tpu.memory_space<vmem>> -> memref<1x640xi32, #tpu.memory_space<vmem>>
          %dma_wait3A_73 = tpu.memref_squeeze %dma_wait3A_72 : memref<1x640xi32, #tpu.memory_space<vmem>> -> memref<640xi32, #tpu.memory_space<vmem>>
          %dma_wait3A_74 = tpu.memref_slice %arg3[%add3A_27] : memref<327680xi32, #tpu.memory_space<hbm>> -> memref<640xi32, #tpu.memory_space<hbm>>
          tpu.wait_dma2 semaphore(%run_scoped3A_58 : memref<!tpu.dma_semaphore, #tpu.memory_space<semaphore_mem>>) src(%dma_wait3A_74 : memref<640xi32, #tpu.memory_space<hbm>>) dst(%dma_wait3A_73 : memref<640xi32, #tpu.memory_space<vmem>>)
          tpu.yield
        }) : () -> ()
        %dma_start3A_46 = arith.constant 0 : i32
        %dma_start3A_47 = arith.constant 0 : i32
        %dma_start3A_48 = tpu.memref_slice %arg6[%rem3A_23, %dma_start3A_46, %dma_start3A_47] : memref<2x640x64xf32, #tpu.memory_space<vmem>> -> memref<1x640x64xf32, #tpu.memory_space<vmem>>
        %dma_start3A_49 = tpu.memref_squeeze %dma_start3A_48 : memref<1x640x64xf32, #tpu.memory_space<vmem>> -> memref<640x64xf32, #tpu.memory_space<vmem>>
        %dma_start3A_50 = arith.constant 0 : i32
        %dma_start3A_51 = tpu.memref_slice %arg5[%rem3A_23, %dma_start3A_50] : memref<2x640xi32, #tpu.memory_space<vmem>> -> memref<1x640xi32, #tpu.memory_space<vmem>>
        %dma_start3A_52 = tpu.memref_squeeze %dma_start3A_51 : memref<1x640xi32, #tpu.memory_space<vmem>> -> memref<640xi32, #tpu.memory_space<vmem>>
        %dma_start3A_53 = arith.constant 0 : i32
        %dma_start3A_54 = arith.constant 0 : i32
        %dma_start3A_55 = tpu.memref_slice %arg2[%dma_start3A_53, %dma_start3A_54] : memref<10240x64xf32, #tpu.memory_space<hbm>> -> memref<10240x64xf32, #tpu.memory_space<hbm>>
        %dma_start3A_56 = tpu.memref_slice %arg7[%rem3A_23] : memref<2x!tpu.dma_semaphore, #tpu.memory_space<semaphore_mem>> -> memref<1x!tpu.dma_semaphore, #tpu.memory_space<semaphore_mem>>
        %dma_start3A_57 = tpu.memref_squeeze %dma_start3A_56 : memref<1x!tpu.dma_semaphore, #tpu.memory_space<semaphore_mem>> -> memref<!tpu.dma_semaphore, #tpu.memory_space<semaphore_mem>>
        tpu.enqueue_indirect_dma source(%dma_start3A_55 : memref<10240x64xf32, #tpu.memory_space<hbm>>) target(%dma_start3A_49 : memref<640x64xf32, #tpu.memory_space<vmem>>) offsets(%dma_start3A_52 : memref<640xi32, #tpu.memory_space<vmem>>) semaphore(%dma_start3A_57 : memref<!tpu.dma_semaphore, #tpu.memory_space<semaphore_mem>>)
      } else {
      }
      %sub3A_30 = arith.constant 1 : i32
      %sub3A_31 = arith.subi %scan3A_22, %sub3A_30 : i32
      %mul3A_32 = arith.constant 640 : i32
      %mul3A_33 = arith.muli %sub3A_31, %mul3A_32 : i32
      %add3A_34 = arith.addi %mul3A_2, %mul3A_33 : i32
      %dma_wait3A = arith.constant 0 : i32
      %dma_wait3A_35 = arith.constant 0 : i32
      %dma_wait3A_36 = tpu.memref_slice %arg6[%sub3A_24, %dma_wait3A, %dma_wait3A_35] : memref<2x640x64xf32, #tpu.memory_space<vmem>> -> memref<1x640x64xf32, #tpu.memory_space<vmem>>
      %dma_wait3A_37 = tpu.memref_squeeze %dma_wait3A_36 : memref<1x640x64xf32, #tpu.memory_space<vmem>> -> memref<640x64xf32, #tpu.memory_space<vmem>>
      %dma_wait3A_38 = arith.constant 0 : i32
      %dma_wait3A_39 = tpu.memref_slice %arg5[%sub3A_24, %dma_wait3A_38] : memref<2x640xi32, #tpu.memory_space<vmem>> -> memref<1x640xi32, #tpu.memory_space<vmem>>
      %dma_wait3A_40 = tpu.memref_squeeze %dma_wait3A_39 : memref<1x640xi32, #tpu.memory_space<vmem>> -> memref<640xi32, #tpu.memory_space<vmem>>
      %dma_wait3A_41 = arith.constant 0 : i32
      %dma_wait3A_42 = arith.constant 0 : i32
      %dma_wait3A_43 = tpu.memref_slice %arg2[%dma_wait3A_41, %dma_wait3A_42] : memref<10240x64xf32, #tpu.memory_space<hbm>> -> memref<10240x64xf32, #tpu.memory_space<hbm>>
      %dma_wait3A_44 = tpu.memref_slice %arg7[%sub3A_24] : memref<2x!tpu.dma_semaphore, #tpu.memory_space<semaphore_mem>> -> memref<1x!tpu.dma_semaphore, #tpu.memory_space<semaphore_mem>>
      %dma_wait3A_45 = tpu.memref_squeeze %dma_wait3A_44 : memref<1x!tpu.dma_semaphore, #tpu.memory_space<semaphore_mem>> -> memref<!tpu.dma_semaphore, #tpu.memory_space<semaphore_mem>>
      tpu.wait_indirect_dma semaphore(%dma_wait3A_45 : memref<!tpu.dma_semaphore, #tpu.memory_space<semaphore_mem>>) src(%dma_wait3A_43 : memref<10240x64xf32, #tpu.memory_space<hbm>>) dst(%dma_wait3A_37 : memref<640x64xf32, #tpu.memory_space<vmem>>)
      "tpu.region"() ({
        %run_scoped3A_46 = tpu.sem_alloc : memref<!tpu.dma_semaphore, #tpu.memory_space<semaphore_mem>>
        %dma_start3A_47 = arith.constant 0 : i32
        %dma_start3A_48 = arith.constant 0 : i32
        %dma_start3A_49 = tpu.memref_slice %arg6[%sub3A_24, %dma_start3A_47, %dma_start3A_48] : memref<2x640x64xf32, #tpu.memory_space<vmem>> -> memref<1x640x64xf32, #tpu.memory_space<vmem>>
        %dma_start3A_50 = tpu.memref_squeeze %dma_start3A_49 : memref<1x640x64xf32, #tpu.memory_space<vmem>> -> memref<640x64xf32, #tpu.memory_space<vmem>>
        %dma_start3A_51 = arith.constant 0 : i32
        %dma_start3A_52 = tpu.memref_slice %arg4[%add3A_34, %dma_start3A_51] : memref<327680x64xf32, #tpu.memory_space<hbm>> -> memref<640x64xf32, #tpu.memory_space<hbm>>
        %dma_start3A_53 = arith.constant 0 : i32
        %dma_start3A_54 = tpu.memref_slice %arg4[%add3A_34, %dma_start3A_53] : memref<327680x64xf32, #tpu.memory_space<hbm>> -> memref<640x64xf32, #tpu.memory_space<hbm>>
        %dma_start3A_55 = arith.constant 0 : i32
        %dma_start3A_56 = arith.constant 0 : i32
        %dma_start3A_57 = tpu.memref_slice %arg6[%sub3A_24, %dma_start3A_55, %dma_start3A_56] : memref<2x640x64xf32, #tpu.memory_space<vmem>> -> memref<1x640x64xf32, #tpu.memory_space<vmem>>
        %dma_start3A_58 = tpu.memref_squeeze %dma_start3A_57 : memref<1x640x64xf32, #tpu.memory_space<vmem>> -> memref<640x64xf32, #tpu.memory_space<vmem>>
        tpu.enqueue_dma source(%dma_start3A_58 : memref<640x64xf32, #tpu.memory_space<vmem>>) target(%dma_start3A_54 : memref<640x64xf32, #tpu.memory_space<hbm>>) target_semaphore(%run_scoped3A_46 : memref<!tpu.dma_semaphore, #tpu.memory_space<semaphore_mem>>)
        %dma_wait3A_59 = arith.constant 0 : i32
        %dma_wait3A_60 = arith.constant 0 : i32
        %dma_wait3A_61 = tpu.memref_slice %arg6[%sub3A_24, %dma_wait3A_59, %dma_wait3A_60] : memref<2x640x64xf32, #tpu.memory_space<vmem>> -> memref<1x640x64xf32, #tpu.memory_space<vmem>>
        %dma_wait3A_62 = tpu.memref_squeeze %dma_wait3A_61 : memref<1x640x64xf32, #tpu.memory_space<vmem>> -> memref<640x64xf32, #tpu.memory_space<vmem>>
        %dma_wait3A_63 = arith.constant 0 : i32
        %dma_wait3A_64 = tpu.memref_slice %arg4[%add3A_34, %dma_wait3A_63] : memref<327680x64xf32, #tpu.memory_space<hbm>> -> memref<640x64xf32, #tpu.memory_space<hbm>>
        %dma_wait3A_65 = arith.constant 0 : i32
        %dma_wait3A_66 = tpu.memref_slice %arg4[%add3A_34, %dma_wait3A_65] : memref<327680x64xf32, #tpu.memory_space<hbm>> -> memref<640x64xf32, #tpu.memory_space<hbm>>
        %dma_wait3A_67 = arith.constant 0 : i32
        %dma_wait3A_68 = arith.constant 0 : i32
        %dma_wait3A_69 = tpu.memref_slice %arg6[%sub3A_24, %dma_wait3A_67, %dma_wait3A_68] : memref<2x640x64xf32, #tpu.memory_space<vmem>> -> memref<1x640x64xf32, #tpu.memory_space<vmem>>
        %dma_wait3A_70 = tpu.memref_squeeze %dma_wait3A_69 : memref<1x640x64xf32, #tpu.memory_space<vmem>> -> memref<640x64xf32, #tpu.memory_space<vmem>>
        tpu.wait_dma2 semaphore(%run_scoped3A_46 : memref<!tpu.dma_semaphore, #tpu.memory_space<semaphore_mem>>) src(%dma_wait3A_70 : memref<640x64xf32, #tpu.memory_space<vmem>>) dst(%dma_wait3A_66 : memref<640x64xf32, #tpu.memory_space<hbm>>)
        tpu.yield
      }) : () -> ()
    }
    %scan3A_21 = arith.constant 16 : i32
    return
  }
}

module attributes {stable_mosaic.version = 14 : i64} {
  func.func @_embed_body(%arg0: i32, %arg1: memref<256x1xf32, #tpu.memory_space<vmem>>, %arg2: memref<128x64xf32, #tpu.memory_space<vmem>>, %arg3: memref<64x64xf32, #tpu.memory_space<vmem>>, %arg4: memref<256x64xf32, #tpu.memory_space<vmem>>, %arg5: memref<256x64xf32, #tpu.memory_space<vmem>>) attributes {dimension_semantics = [#tpu.dimension_semantics<arbitrary>], iteration_bounds = array<i64: 40>, scalar_prefetch = 0 : i64, scratch_operands = 0 : i64, tpu.core_type = #tpu.core_type<tc>, window_params = [{transform_indices = @transform_0, window_bounds = array<i64: 256, 1>}, {pipeline_mode = #tpu.pipeline_mode<synchronous>, transform_indices = @transform_1, window_bounds = array<i64: 128, 64>}, {pipeline_mode = #tpu.pipeline_mode<synchronous>, transform_indices = @transform_2, window_bounds = array<i64: 64, 64>}, {transform_indices = @transform_3, window_bounds = array<i64: 256, 64>}, {transform_indices = @transform_4, window_bounds = array<i64: 256, 64>}]} {
    %get3A = arith.constant 0 : index
    %get3A_0 = arith.constant 0 : index
    %get3A_1 = vector.load %arg1[%get3A, %get3A_0] : memref<256x1xf32, #tpu.memory_space<vmem>>, vector<256x1xf32>
    %iota3A = tpu.iota {dimensions = array<i32: 1>} : vector<1x128xi32>
    %convert_element_type3A = arith.sitofp %iota3A : vector<1x128xi32> to vector<1x128xf32>
    %eq3A = vector.broadcast %get3A_1 : vector<256x1xf32> to vector<256x128xf32>
    %eq3A_2 = vector.broadcast %convert_element_type3A : vector<1x128xf32> to vector<256x128xf32>
    %eq3A_3 = arith.cmpf oeq, %eq3A, %eq3A_2 : vector<256x128xf32>
    %convert_element_type3A_4 = arith.extui %eq3A_3 : vector<256x128xi1> to vector<256x128xi32>
    %convert_element_type3A_5 = arith.sitofp %convert_element_type3A_4 : vector<256x128xi32> to vector<256x128xf32>
    %get3A_6 = arith.constant 0 : index
    %get3A_7 = arith.constant 0 : index
    %get3A_8 = vector.load %arg2[%get3A_6, %get3A_7] : memref<128x64xf32, #tpu.memory_space<vmem>>, vector<128x64xf32>
    %dot_general3A = arith.constant dense<0.000000e+00> : vector<256x64xf32>
    %dot_general3A_9 = tpu.matmul %convert_element_type3A_5, %get3A_8, %dot_general3A {dimension_numbers = #tpu.dot_dimension_numbers<[1], [0], [0], [1], [0, 0, 1, 1], [], []>, transpose_lhs_hint = false} : vector<256x128xf32>, vector<128x64xf32>, vector<256x64xf32> -> vector<256x64xf32>
    %swap3A = arith.constant 0 : index
    %swap3A_10 = arith.constant 0 : index
    %swap3A_11 = vector.load %arg4[%swap3A, %swap3A_10] : memref<256x64xf32, #tpu.memory_space<vmem>>, vector<256x64xf32>
    tpu.vector_store %arg4[%swap3A, %swap3A_10], %dot_general3A_9 {strides = array<i32>} : memref<256x64xf32, #tpu.memory_space<vmem>>, vector<256x64xf32>,
    %get3A_12 = arith.constant 0 : index
    %get3A_13 = arith.constant 0 : index
    %get3A_14 = vector.load %arg3[%get3A_12, %get3A_13] : memref<64x64xf32, #tpu.memory_space<vmem>>, vector<64x64xf32>
    %dot_general3A_15 = arith.constant dense<0.000000e+00> : vector<256x64xf32>
    %dot_general3A_16 = tpu.matmul %dot_general3A_9, %get3A_14, %dot_general3A_15 {dimension_numbers = #tpu.dot_dimension_numbers<[1], [0], [0], [1], [0, 0, 1, 1], [], []>, transpose_lhs_hint = false} : vector<256x64xf32>, vector<64x64xf32>, vector<256x64xf32> -> vector<256x64xf32>
    %swap3A_17 = arith.constant 0 : index
    %swap3A_18 = arith.constant 0 : index
    %swap3A_19 = vector.load %arg5[%swap3A_17, %swap3A_18] : memref<256x64xf32, #tpu.memory_space<vmem>>, vector<256x64xf32>
    tpu.vector_store %arg5[%swap3A_17, %swap3A_18], %dot_general3A_16 {strides = array<i32>} : memref<256x64xf32, #tpu.memory_space<vmem>>, vector<256x64xf32>,
    return
  }
  func.func @transform_0(%arg0: i32) -> (i32, i32) {
    %c0_i32 = arith.constant 0 : i32
    %c0_i32_0 = arith.constant 0 : i32
    return %arg0, %c0_i32 : i32, i32
  }
  func.func @transform_1(%arg0: i32) -> (i32, i32) {
    %c0_i32 = arith.constant 0 : i32
    %c0_i32_0 = arith.constant 0 : i32
    %c0_i32_1 = arith.constant 0 : i32
    return %c0_i32, %c0_i32_0 : i32, i32
  }
  func.func @transform_2(%arg0: i32) -> (i32, i32) {
    %c0_i32 = arith.constant 0 : i32
    %c0_i32_0 = arith.constant 0 : i32
    %c0_i32_1 = arith.constant 0 : i32
    return %c0_i32, %c0_i32_0 : i32, i32
  }
  func.func @transform_3(%arg0: i32) -> (i32, i32) {
    %c0_i32 = arith.constant 0 : i32
    %c0_i32_0 = arith.constant 0 : i32
    return %arg0, %c0_i32 : i32, i32
  }
  func.func @transform_4(%arg0: i32) -> (i32, i32) {
    %c0_i32 = arith.constant 0 : i32
    %c0_i32_0 = arith.constant 0 : i32
    return %arg0, %c0_i32 : i32, i32
  }
}

module attributes {stable_mosaic.version = 14 : i64} {
  func.func @_neighbors_body(%arg0: i32, %arg1: memref<40x2xi32, #tpu.memory_space<smem>>, %arg2: memref<256x3xf32, #tpu.memory_space<vmem>>, %arg3: memref<8x10240xf32, #tpu.memory_space<vmem>>, %arg4: memref<256x1xf32, #tpu.memory_space<vmem>>, %arg5: memref<256x32xi32, #tpu.memory_space<vmem>>, %arg6: memref<256x32xf32, #tpu.memory_space<vmem>>, %arg7: memref<256x32xf32, #tpu.memory_space<vmem>>) attributes {dimension_semantics = [#tpu.dimension_semantics<arbitrary>], iteration_bounds = array<i64: 40>, scalar_prefetch = 1 : i64, scratch_operands = 0 : i64, tpu.core_type = #tpu.core_type<tc>, window_params = [{transform_indices = @transform_0, window_bounds = array<i64: 256, 3>}, {pipeline_mode = #tpu.pipeline_mode<synchronous>, transform_indices = @transform_1, window_bounds = array<i64: 8, 10240>}, {transform_indices = @transform_2, window_bounds = array<i64: 256, 1>}, {transform_indices = @transform_3, window_bounds = array<i64: 256, 32>}, {transform_indices = @transform_4, window_bounds = array<i64: 256, 32>}, {transform_indices = @transform_5, window_bounds = array<i64: 256, 32>}]} {
    %get3A = arith.index_cast %arg0 : i32 to index
    %get3A_0 = arith.constant 0 : index
    %get3A_1 = memref.load %arg1[%get3A, %get3A_0] : memref<40x2xi32, #tpu.memory_space<smem>>
    %get3A_2 = arith.index_cast %arg0 : i32 to index
    %get3A_3 = arith.constant 1 : index
    %get3A_4 = memref.load %arg1[%get3A_2, %get3A_3] : memref<40x2xi32, #tpu.memory_space<smem>>
    %get3A_5 = arith.constant 0 : index
    %get3A_6 = arith.constant 0 : index
    %get3A_7 = vector.load %arg2[%get3A_5, %get3A_6] : memref<256x3xf32, #tpu.memory_space<vmem>>, vector<256x3xf32>
    %slice3A = vector.extract_strided_slice %get3A_7 {offsets = [0, 0], sizes = [256, 1], strides = [1, 1]} : vector<256x3xf32> to vector<256x1xf32>
    %slice3A_8 = vector.extract_strided_slice %get3A_7 {offsets = [0, 1], sizes = [256, 1], strides = [1, 1]} : vector<256x3xf32> to vector<256x1xf32>
    %slice3A_9 = vector.extract_strided_slice %get3A_7 {offsets = [0, 2], sizes = [256, 1], strides = [1, 1]} : vector<256x3xf32> to vector<256x1xf32>
    %mul3A = arith.mulf %slice3A, %slice3A : vector<256x1xf32>
    %mul3A_10 = arith.mulf %slice3A_8, %slice3A_8 : vector<256x1xf32>
    %add3A = arith.addf %mul3A, %mul3A_10 : vector<256x1xf32>
    %mul3A_11 = arith.mulf %slice3A_9, %slice3A_9 : vector<256x1xf32>
    %add3A_12 = arith.addf %add3A, %mul3A_11 : vector<256x1xf32>
    %get3A_13 = arith.constant 0 : index
    %get3A_14 = arith.constant 0 : index
    %get3A_15 = vector.load %arg4[%get3A_13, %get3A_14] : memref<256x1xf32, #tpu.memory_space<vmem>>, vector<256x1xf32>
    %mul3A_16 = arith.constant 256 : i32
    %mul3A_17 = arith.muli %arg0, %mul3A_16 : i32
    %iota3A = tpu.iota {dimensions = array<i32: 0>} : vector<256x1xi32>
    %add3A_18 = vector.broadcast %mul3A_17 : i32 to vector<256x1xi32>
    %add3A_19 = arith.addi %add3A_18, %iota3A : vector<256x1xi32>
    %iota3A_20 = tpu.iota {dimensions = array<i32: 1>} : vector<256x32xi32>
    %iota3A_21 = tpu.iota {dimensions = array<i32: 1>} : vector<256x288xi32>
    %convert_element_type3A = arith.sitofp %iota3A_21 : vector<256x288xi32> to vector<256x288xf32>
    %broadcast_in_dim3A = arith.constant 0x7F800000 : f32
    %broadcast_in_dim3A_22 = vector.broadcast %broadcast_in_dim3A : f32 to vector<256x32xf32>
    %broadcast_in_dim3A_23 = arith.constant 0.000000e+00 : f32
    %broadcast_in_dim3A_24 = vector.broadcast %broadcast_in_dim3A_23 : f32 to vector<256x32xf32>
    %while3A = arith.constant 1.000000e+09 : f32
    %while3A_25 = arith.constant 0 : i32
    %while3A_26 = arith.subi %get3A_4, %while3A_25 : i32
    %while3A_27 = arith.addi %while3A_25, %while3A_26 : i32
    %while3A_28 = arith.constant 1 : i32
    %while3A_29 = arith.divsi %while3A_26, %while3A_28 : i32
    %while3A_30 = arith.muli %while3A_29, %while3A_28 : i32
    %while3A_31 = arith.addi %while3A_25, %while3A_30 : i32
    %while3A_32 = arith.constant 1 : i32
    %while3A_33:2 = scf.for %while3A_62 = %while3A_25 to %while3A_31 step %while3A_32 iter_args(%while3A_63 = %broadcast_in_dim3A_22, %while3A_64 = %broadcast_in_dim3A_24) -> (vector<256x32xf32>, vector<256x32xf32>)  : i32 {
      %mul3A_65 = arith.constant 256 : i32
      %mul3A_66 = arith.muli %while3A_62, %mul3A_65 : i32
      %add3A_67 = arith.addi %get3A_1, %mul3A_66 : i32
      %multiple_of3A = tpu.assume_multiple %add3A_67, 256 : i32
      %get3A_68 = arith.constant 0 : index
      %get3A_69 = arith.index_cast %multiple_of3A : i32 to index
      %get3A_70 = vector.load %arg3[%get3A_68, %get3A_69] : memref<8x10240xf32, #tpu.memory_space<vmem>>, vector<8x256xf32>
      %slice3A_71 = vector.extract_strided_slice %get3A_70 {offsets = [0, 0], sizes = [1, 256], strides = [1, 1]} : vector<8x256xf32> to vector<1x256xf32>
      %slice3A_72 = vector.extract_strided_slice %get3A_70 {offsets = [1, 0], sizes = [1, 256], strides = [1, 1]} : vector<8x256xf32> to vector<1x256xf32>
      %slice3A_73 = vector.extract_strided_slice %get3A_70 {offsets = [2, 0], sizes = [1, 256], strides = [1, 1]} : vector<8x256xf32> to vector<1x256xf32>
      %slice3A_74 = vector.extract_strided_slice %get3A_70 {offsets = [3, 0], sizes = [1, 256], strides = [1, 1]} : vector<8x256xf32> to vector<1x256xf32>
      %mul3A_75 = arith.mulf %slice3A_71, %slice3A_71 : vector<1x256xf32>
      %mul3A_76 = arith.mulf %slice3A_72, %slice3A_72 : vector<1x256xf32>
      %add3A_77 = arith.addf %mul3A_75, %mul3A_76 : vector<1x256xf32>
      %mul3A_78 = arith.mulf %slice3A_73, %slice3A_73 : vector<1x256xf32>
      %add3A_79 = arith.addf %add3A_77, %mul3A_78 : vector<1x256xf32>
      %add3A_80 = vector.broadcast %add3A_12 : vector<256x1xf32> to vector<256x256xf32>
      %add3A_81 = vector.broadcast %add3A_79 : vector<1x256xf32> to vector<256x256xf32>
      %add3A_82 = arith.addf %add3A_80, %add3A_81 : vector<256x256xf32>
      %mul3A_83 = vector.broadcast %slice3A : vector<256x1xf32> to vector<256x256xf32>
      %mul3A_84 = vector.broadcast %slice3A_71 : vector<1x256xf32> to vector<256x256xf32>
      %mul3A_85 = arith.mulf %mul3A_83, %mul3A_84 : vector<256x256xf32>
      %mul3A_86 = vector.broadcast %slice3A_8 : vector<256x1xf32> to vector<256x256xf32>
      %mul3A_87 = vector.broadcast %slice3A_72 : vector<1x256xf32> to vector<256x256xf32>
      %mul3A_88 = arith.mulf %mul3A_86, %mul3A_87 : vector<256x256xf32>
      %add3A_89 = arith.addf %mul3A_85, %mul3A_88 : vector<256x256xf32>
      %mul3A_90 = vector.broadcast %slice3A_9 : vector<256x1xf32> to vector<256x256xf32>
      %mul3A_91 = vector.broadcast %slice3A_73 : vector<1x256xf32> to vector<256x256xf32>
      %mul3A_92 = arith.mulf %mul3A_90, %mul3A_91 : vector<256x256xf32>
      %add3A_93 = arith.addf %add3A_89, %mul3A_92 : vector<256x256xf32>
      %mul3A_94 = arith.constant 2.000000e+00 : f32
      %mul3A_95 = vector.broadcast %mul3A_94 : f32 to vector<256x256xf32>
      %mul3A_96 = arith.mulf %mul3A_95, %add3A_93 : vector<256x256xf32>
      %sub3A = arith.subf %add3A_82, %mul3A_96 : vector<256x256xf32>
      %iota3A_97 = tpu.iota {dimensions = array<i32: 1>} : vector<1x256xi32>
      %add3A_98 = vector.broadcast %multiple_of3A : i32 to vector<1x256xi32>
      %add3A_99 = arith.addi %add3A_98, %iota3A_97 : vector<1x256xi32>
      %eq3A = vector.broadcast %get3A_15 : vector<256x1xf32> to vector<256x256xf32>
      %eq3A_100 = vector.broadcast %slice3A_74 : vector<1x256xf32> to vector<256x256xf32>
      %eq3A_101 = arith.cmpf oeq, %eq3A, %eq3A_100 : vector<256x256xf32>
      %ne3A = vector.broadcast %add3A_19 : vector<256x1xi32> to vector<256x256xi32>
      %ne3A_102 = vector.broadcast %add3A_99 : vector<1x256xi32> to vector<256x256xi32>
      %ne3A_103 = arith.cmpi ne, %ne3A, %ne3A_102 : vector<256x256xi32>
      %and3A = arith.andi %eq3A_101, %ne3A_103 : vector<256x256xi1>
      %lt3A_104 = arith.constant 1.000000e+02 : f32
      %lt3A_105 = vector.broadcast %lt3A_104 : f32 to vector<256x256xf32>
      %lt3A_106 = arith.cmpf olt, %sub3A, %lt3A_105 : vector<256x256xf32>
      %and3A_107 = arith.andi %and3A, %lt3A_106 : vector<256x256xi1>
      %jit3A_108 = arith.constant 0x7F800000 : f32
      %broadcast_in_dim3A_109 = vector.broadcast %jit3A_108 : f32 to vector<256x256xf32>
      %select_n3A_110 = arith.select %and3A_107, %sub3A, %broadcast_in_dim3A_109 : vector<256x256xi1>, vector<256x256xf32>
      %convert_element_type3A_111 = arith.sitofp %add3A_99 : vector<1x256xi32> to vector<1x256xf32>
      %broadcast_in_dim3A_112 = vector.shape_cast %convert_element_type3A_111 : vector<1x256xf32> to vector<1x256xf32>
      %broadcast_in_dim3A_113 = vector.broadcast %broadcast_in_dim3A_112 : vector<1x256xf32> to vector<256x256xf32>
      %concatenate3A = tpu.concatenate %while3A_63, %select_n3A_110 in 1 : vector<256x32xf32>, vector<256x256xf32> -> vector<256x288xf32>
      %concatenate3A_114 = tpu.concatenate %while3A_64, %broadcast_in_dim3A_113 in 1 : vector<256x32xf32>, vector<256x256xf32> -> vector<256x288xf32>
      %broadcast_in_dim3A_115 = arith.constant 0x7F800000 : f32
      %broadcast_in_dim3A_116 = vector.broadcast %broadcast_in_dim3A_115 : f32 to vector<256x32xf32>
      %broadcast_in_dim3A_117 = arith.constant 0.000000e+00 : f32
      %broadcast_in_dim3A_118 = vector.broadcast %broadcast_in_dim3A_117 : f32 to vector<256x32xf32>
      %reduce_min3A = arith.constant dense<0x7F800000> : vector<256xf32>
      %reduce_min3A_119 = vector.multi_reduction <minimumf>, %concatenate3A, %reduce_min3A [1] : vector<256x288xf32> to vector<256xf32>
      %broadcast_in_dim3A_120 = vector.shape_cast %reduce_min3A_119 : vector<256xf32> to vector<256x1xf32>
      %eq3A_121 = vector.broadcast %broadcast_in_dim3A_120 : vector<256x1xf32> to vector<256x288xf32>
      %eq3A_122 = arith.cmpf oeq, %concatenate3A, %eq3A_121 : vector<256x288xf32>
      %broadcast_in_dim3A_123 = vector.broadcast %while3A : f32 to vector<256x288xf32>
      %select_n3A_124 = arith.select %eq3A_122, %convert_element_type3A, %broadcast_in_dim3A_123 : vector<256x288xi1>, vector<256x288xf32>
      %reduce_min3A_125 = arith.constant dense<0x7F800000> : vector<256xf32>
      %reduce_min3A_126 = vector.multi_reduction <minimumf>, %select_n3A_124, %reduce_min3A_125 [1] : vector<256x288xf32> to vector<256xf32>
      %broadcast_in_dim3A_127 = vector.shape_cast %reduce_min3A_126 : vector<256xf32> to vector<256x1xf32>
      %eq3A_128 = vector.broadcast %broadcast_in_dim3A_127 : vector<256x1xf32> to vector<256x288xf32>
      %eq3A_129 = arith.cmpf oeq, %convert_element_type3A, %eq3A_128 : vector<256x288xf32>
      %broadcast_in_dim3A_130 = vector.broadcast %while3A : f32 to vector<256x288xf32>
      %select_n3A_131 = arith.select %eq3A_129, %concatenate3A_114, %broadcast_in_dim3A_130 : vector<256x288xi1>, vector<256x288xf32>
      %reduce_min3A_132 = arith.constant dense<0x7F800000> : vector<256xf32>
      %reduce_min3A_133 = vector.multi_reduction <minimumf>, %select_n3A_131, %reduce_min3A_132 [1] : vector<256x288xf32> to vector<256xf32>
      %broadcast_in_dim3A_134 = vector.shape_cast %reduce_min3A_133 : vector<256xf32> to vector<256x1xf32>
      %eq3A_135 = arith.constant 0 : i32
      %eq3A_136 = vector.broadcast %eq3A_135 : i32 to vector<256x32xi32>
      %eq3A_137 = arith.cmpi eq, %iota3A_20, %eq3A_136 : vector<256x32xi32>
      %broadcast_in_dim3A_138 = vector.shape_cast %broadcast_in_dim3A_120 : vector<256x1xf32> to vector<256x1xf32>
      %broadcast_in_dim3A_139 = vector.broadcast %broadcast_in_dim3A_138 : vector<256x1xf32> to vector<256x32xf32>
      %select_n3A_140 = arith.select %eq3A_137, %broadcast_in_dim3A_139, %broadcast_in_dim3A_116 : vector<256x32xi1>, vector<256x32xf32>
      %eq3A_141 = arith.constant 0 : i32
      %eq3A_142 = vector.broadcast %eq3A_141 : i32 to vector<256x32xi32>
      %eq3A_143 = arith.cmpi eq, %iota3A_20, %eq3A_142 : vector<256x32xi32>
      %broadcast_in_dim3A_144 = vector.shape_cast %broadcast_in_dim3A_134 : vector<256x1xf32> to vector<256x1xf32>
      %broadcast_in_dim3A_145 = vector.broadcast %broadcast_in_dim3A_144 : vector<256x1xf32> to vector<256x32xf32>
      %select_n3A_146 = arith.select %eq3A_143, %broadcast_in_dim3A_145, %broadcast_in_dim3A_118 : vector<256x32xi1>, vector<256x32xf32>
      %jit3A_147 = arith.constant 0x7F800000 : f32
      %broadcast_in_dim3A_148 = vector.broadcast %jit3A_147 : f32 to vector<256x288xf32>
      %select_n3A_149 = arith.select %eq3A_129, %broadcast_in_dim3A_148, %concatenate3A : vector<256x288xi1>, vector<256x288xf32>
      %reduce_min3A_150 = arith.constant dense<0x7F800000> : vector<256xf32>
      %reduce_min3A_151 = vector.multi_reduction <minimumf>, %select_n3A_149, %reduce_min3A_150 [1] : vector<256x288xf32> to vector<256xf32>
      %broadcast_in_dim3A_152 = vector.shape_cast %reduce_min3A_151 : vector<256xf32> to vector<256x1xf32>
      %eq3A_153 = vector.broadcast %broadcast_in_dim3A_152 : vector<256x1xf32> to vector<256x288xf32>
      %eq3A_154 = arith.cmpf oeq, %select_n3A_149, %eq3A_153 : vector<256x288xf32>
      %broadcast_in_dim3A_155 = vector.broadcast %while3A : f32 to vector<256x288xf32>
      %select_n3A_156 = arith.select %eq3A_154, %convert_element_type3A, %broadcast_in_dim3A_155 : vector<256x288xi1>, vector<256x288xf32>
      %reduce_min3A_157 = arith.constant dense<0x7F800000> : vector<256xf32>
      %reduce_min3A_158 = vector.multi_reduction <minimumf>, %select_n3A_156, %reduce_min3A_157 [1] : vector<256x288xf32> to vector<256xf32>
      %broadcast_in_dim3A_159 = vector.shape_cast %reduce_min3A_158 : vector<256xf32> to vector<256x1xf32>
      %eq3A_160 = vector.broadcast %broadcast_in_dim3A_159 : vector<256x1xf32> to vector<256x288xf32>
      %eq3A_161 = arith.cmpf oeq, %convert_element_type3A, %eq3A_160 : vector<256x288xf32>
      %broadcast_in_dim3A_162 = vector.broadcast %while3A : f32 to vector<256x288xf32>
      %select_n3A_163 = arith.select %eq3A_161, %concatenate3A_114, %broadcast_in_dim3A_162 : vector<256x288xi1>, vector<256x288xf32>
      %reduce_min3A_164 = arith.constant dense<0x7F800000> : vector<256xf32>
      %reduce_min3A_165 = vector.multi_reduction <minimumf>, %select_n3A_163, %reduce_min3A_164 [1] : vector<256x288xf32> to vector<256xf32>
      %broadcast_in_dim3A_166 = vector.shape_cast %reduce_min3A_165 : vector<256xf32> to vector<256x1xf32>
      %eq3A_167 = arith.constant 1 : i32
      %eq3A_168 = vector.broadcast %eq3A_167 : i32 to vector<256x32xi32>
      %eq3A_169 = arith.cmpi eq, %iota3A_20, %eq3A_168 : vector<256x32xi32>
      %broadcast_in_dim3A_170 = vector.shape_cast %broadcast_in_dim3A_152 : vector<256x1xf32> to vector<256x1xf32>
      %broadcast_in_dim3A_171 = vector.broadcast %broadcast_in_dim3A_170 : vector<256x1xf32> to vector<256x32xf32>
      %select_n3A_172 = arith.select %eq3A_169, %broadcast_in_dim3A_171, %select_n3A_140 : vector<256x32xi1>, vector<256x32xf32>
      %eq3A_173 = arith.constant 1 : i32
      %eq3A_174 = vector.broadcast %eq3A_173 : i32 to vector<256x32xi32>
      %eq3A_175 = arith.cmpi eq, %iota3A_20, %eq3A_174 : vector<256x32xi32>
      %broadcast_in_dim3A_176 = vector.shape_cast %broadcast_in_dim3A_166 : vector<256x1xf32> to vector<256x1xf32>
      %broadcast_in_dim3A_177 = vector.broadcast %broadcast_in_dim3A_176 : vector<256x1xf32> to vector<256x32xf32>
      %select_n3A_178 = arith.select %eq3A_175, %broadcast_in_dim3A_177, %select_n3A_146 : vector<256x32xi1>, vector<256x32xf32>
      %jit3A_179 = arith.constant 0x7F800000 : f32
      %broadcast_in_dim3A_180 = vector.broadcast %jit3A_179 : f32 to vector<256x288xf32>
      %select_n3A_181 = arith.select %eq3A_161, %broadcast_in_dim3A_180, %select_n3A_149 : vector<256x288xi1>, vector<256x288xf32>
      %reduce_min3A_182 = arith.constant dense<0x7F800000> : vector<256xf32>
      %reduce_min3A_183 = vector.multi_reduction <minimumf>, %select_n3A_181, %reduce_min3A_182 [1] : vector<256x288xf32> to vector<256xf32>
      %broadcast_in_dim3A_184 = vector.shape_cast %reduce_min3A_183 : vector<256xf32> to vector<256x1xf32>
      %eq3A_185 = vector.broadcast %broadcast_in_dim3A_184 : vector<256x1xf32> to vector<256x288xf32>
      %eq3A_186 = arith.cmpf oeq, %select_n3A_181, %eq3A_185 : vector<256x288xf32>
      %broadcast_in_dim3A_187 = vector.broadcast %while3A : f32 to vector<256x288xf32>
      %select_n3A_188 = arith.select %eq3A_186, %convert_element_type3A, %broadcast_in_dim3A_187 : vector<256x288xi1>, vector<256x288xf32>
      %reduce_min3A_189 = arith.constant dense<0x7F800000> : vector<256xf32>
      %reduce_min3A_190 = vector.multi_reduction <minimumf>, %select_n3A_188, %reduce_min3A_189 [1] : vector<256x288xf32> to vector<256xf32>
      %broadcast_in_dim3A_191 = vector.shape_cast %reduce_min3A_190 : vector<256xf32> to vector<256x1xf32>
      %eq3A_192 = vector.broadcast %broadcast_in_dim3A_191 : vector<256x1xf32> to vector<256x288xf32>
      %eq3A_193 = arith.cmpf oeq, %convert_element_type3A, %eq3A_192 : vector<256x288xf32>
      %broadcast_in_dim3A_194 = vector.broadcast %while3A : f32 to vector<256x288xf32>
      %select_n3A_195 = arith.select %eq3A_193, %concatenate3A_114, %broadcast_in_dim3A_194 : vector<256x288xi1>, vector<256x288xf32>
      %reduce_min3A_196 = arith.constant dense<0x7F800000> : vector<256xf32>
      %reduce_min3A_197 = vector.multi_reduction <minimumf>, %select_n3A_195, %reduce_min3A_196 [1] : vector<256x288xf32> to vector<256xf32>
      %broadcast_in_dim3A_198 = vector.shape_cast %reduce_min3A_197 : vector<256xf32> to vector<256x1xf32>
      %eq3A_199 = arith.constant 2 : i32
      %eq3A_200 = vector.broadcast %eq3A_199 : i32 to vector<256x32xi32>
      %eq3A_201 = arith.cmpi eq, %iota3A_20, %eq3A_200 : vector<256x32xi32>
      %broadcast_in_dim3A_202 = vector.shape_cast %broadcast_in_dim3A_184 : vector<256x1xf32> to vector<256x1xf32>
      %broadcast_in_dim3A_203 = vector.broadcast %broadcast_in_dim3A_202 : vector<256x1xf32> to vector<256x32xf32>
      %select_n3A_204 = arith.select %eq3A_201, %broadcast_in_dim3A_203, %select_n3A_172 : vector<256x32xi1>, vector<256x32xf32>
      %eq3A_205 = arith.constant 2 : i32
      %eq3A_206 = vector.broadcast %eq3A_205 : i32 to vector<256x32xi32>
      %eq3A_207 = arith.cmpi eq, %iota3A_20, %eq3A_206 : vector<256x32xi32>
      %broadcast_in_dim3A_208 = vector.shape_cast %broadcast_in_dim3A_198 : vector<256x1xf32> to vector<256x1xf32>
      %broadcast_in_dim3A_209 = vector.broadcast %broadcast_in_dim3A_208 : vector<256x1xf32> to vector<256x32xf32>
      %select_n3A_210 = arith.select %eq3A_207, %broadcast_in_dim3A_209, %select_n3A_178 : vector<256x32xi1>, vector<256x32xf32>
      %jit3A_211 = arith.constant 0x7F800000 : f32
      %broadcast_in_dim3A_212 = vector.broadcast %jit3A_211 : f32 to vector<256x288xf32>
      %select_n3A_213 = arith.select %eq3A_193, %broadcast_in_dim3A_212, %select_n3A_181 : vector<256x288xi1>, vector<256x288xf32>
      %reduce_min3A_214 = arith.constant dense<0x7F800000> : vector<256xf32>
      %reduce_min3A_215 = vector.multi_reduction <minimumf>, %select_n3A_213, %reduce_min3A_214 [1] : vector<256x288xf32> to vector<256xf32>
      %broadcast_in_dim3A_216 = vector.shape_cast %reduce_min3A_215 : vector<256xf32> to vector<256x1xf32>
      %eq3A_217 = vector.broadcast %broadcast_in_dim3A_216 : vector<256x1xf32> to vector<256x288xf32>
      %eq3A_218 = arith.cmpf oeq, %select_n3A_213, %eq3A_217 : vector<256x288xf32>
      %broadcast_in_dim3A_219 = vector.broadcast %while3A : f32 to vector<256x288xf32>
      %select_n3A_220 = arith.select %eq3A_218, %convert_element_type3A, %broadcast_in_dim3A_219 : vector<256x288xi1>, vector<256x288xf32>
      %reduce_min3A_221 = arith.constant dense<0x7F800000> : vector<256xf32>
      %reduce_min3A_222 = vector.multi_reduction <minimumf>, %select_n3A_220, %reduce_min3A_221 [1] : vector<256x288xf32> to vector<256xf32>
      %broadcast_in_dim3A_223 = vector.shape_cast %reduce_min3A_222 : vector<256xf32> to vector<256x1xf32>
      %eq3A_224 = vector.broadcast %broadcast_in_dim3A_223 : vector<256x1xf32> to vector<256x288xf32>
      %eq3A_225 = arith.cmpf oeq, %convert_element_type3A, %eq3A_224 : vector<256x288xf32>
      %broadcast_in_dim3A_226 = vector.broadcast %while3A : f32 to vector<256x288xf32>
      %select_n3A_227 = arith.select %eq3A_225, %concatenate3A_114, %broadcast_in_dim3A_226 : vector<256x288xi1>, vector<256x288xf32>
      %reduce_min3A_228 = arith.constant dense<0x7F800000> : vector<256xf32>
      %reduce_min3A_229 = vector.multi_reduction <minimumf>, %select_n3A_227, %reduce_min3A_228 [1] : vector<256x288xf32> to vector<256xf32>
      %broadcast_in_dim3A_230 = vector.shape_cast %reduce_min3A_229 : vector<256xf32> to vector<256x1xf32>
      %eq3A_231 = arith.constant 3 : i32
      %eq3A_232 = vector.broadcast %eq3A_231 : i32 to vector<256x32xi32>
      %eq3A_233 = arith.cmpi eq, %iota3A_20, %eq3A_232 : vector<256x32xi32>
      %broadcast_in_dim3A_234 = vector.shape_cast %broadcast_in_dim3A_216 : vector<256x1xf32> to vector<256x1xf32>
      %broadcast_in_dim3A_235 = vector.broadcast %broadcast_in_dim3A_234 : vector<256x1xf32> to vector<256x32xf32>
      %select_n3A_236 = arith.select %eq3A_233, %broadcast_in_dim3A_235, %select_n3A_204 : vector<256x32xi1>, vector<256x32xf32>
      %eq3A_237 = arith.constant 3 : i32
      %eq3A_238 = vector.broadcast %eq3A_237 : i32 to vector<256x32xi32>
      %eq3A_239 = arith.cmpi eq, %iota3A_20, %eq3A_238 : vector<256x32xi32>
      %broadcast_in_dim3A_240 = vector.shape_cast %broadcast_in_dim3A_230 : vector<256x1xf32> to vector<256x1xf32>
      %broadcast_in_dim3A_241 = vector.broadcast %broadcast_in_dim3A_240 : vector<256x1xf32> to vector<256x32xf32>
      %select_n3A_242 = arith.select %eq3A_239, %broadcast_in_dim3A_241, %select_n3A_210 : vector<256x32xi1>, vector<256x32xf32>
      %jit3A_243 = arith.constant 0x7F800000 : f32
      %broadcast_in_dim3A_244 = vector.broadcast %jit3A_243 : f32 to vector<256x288xf32>
      %select_n3A_245 = arith.select %eq3A_225, %broadcast_in_dim3A_244, %select_n3A_213 : vector<256x288xi1>, vector<256x288xf32>
      %reduce_min3A_246 = arith.constant dense<0x7F800000> : vector<256xf32>
      %reduce_min3A_247 = vector.multi_reduction <minimumf>, %select_n3A_245, %reduce_min3A_246 [1] : vector<256x288xf32> to vector<256xf32>
      %broadcast_in_dim3A_248 = vector.shape_cast %reduce_min3A_247 : vector<256xf32> to vector<256x1xf32>
      %eq3A_249 = vector.broadcast %broadcast_in_dim3A_248 : vector<256x1xf32> to vector<256x288xf32>
      %eq3A_250 = arith.cmpf oeq, %select_n3A_245, %eq3A_249 : vector<256x288xf32>
      %broadcast_in_dim3A_251 = vector.broadcast %while3A : f32 to vector<256x288xf32>
      %select_n3A_252 = arith.select %eq3A_250, %convert_element_type3A, %broadcast_in_dim3A_251 : vector<256x288xi1>, vector<256x288xf32>
      %reduce_min3A_253 = arith.constant dense<0x7F800000> : vector<256xf32>
      %reduce_min3A_254 = vector.multi_reduction <minimumf>, %select_n3A_252, %reduce_min3A_253 [1] : vector<256x288xf32> to vector<256xf32>
      %broadcast_in_dim3A_255 = vector.shape_cast %reduce_min3A_254 : vector<256xf32> to vector<256x1xf32>
      %eq3A_256 = vector.broadcast %broadcast_in_dim3A_255 : vector<256x1xf32> to vector<256x288xf32>
      %eq3A_257 = arith.cmpf oeq, %convert_element_type3A, %eq3A_256 : vector<256x288xf32>
      %broadcast_in_dim3A_258 = vector.broadcast %while3A : f32 to vector<256x288xf32>
      %select_n3A_259 = arith.select %eq3A_257, %concatenate3A_114, %broadcast_in_dim3A_258 : vector<256x288xi1>, vector<256x288xf32>
      %reduce_min3A_260 = arith.constant dense<0x7F800000> : vector<256xf32>
      %reduce_min3A_261 = vector.multi_reduction <minimumf>, %select_n3A_259, %reduce_min3A_260 [1] : vector<256x288xf32> to vector<256xf32>
      %broadcast_in_dim3A_262 = vector.shape_cast %reduce_min3A_261 : vector<256xf32> to vector<256x1xf32>
      %eq3A_263 = arith.constant 4 : i32
      %eq3A_264 = vector.broadcast %eq3A_263 : i32 to vector<256x32xi32>
      %eq3A_265 = arith.cmpi eq, %iota3A_20, %eq3A_264 : vector<256x32xi32>
      %broadcast_in_dim3A_266 = vector.shape_cast %broadcast_in_dim3A_248 : vector<256x1xf32> to vector<256x1xf32>
      %broadcast_in_dim3A_267 = vector.broadcast %broadcast_in_dim3A_266 : vector<256x1xf32> to vector<256x32xf32>
      %select_n3A_268 = arith.select %eq3A_265, %broadcast_in_dim3A_267, %select_n3A_236 : vector<256x32xi1>, vector<256x32xf32>
      %eq3A_269 = arith.constant 4 : i32
      %eq3A_270 = vector.broadcast %eq3A_269 : i32 to vector<256x32xi32>
      %eq3A_271 = arith.cmpi eq, %iota3A_20, %eq3A_270 : vector<256x32xi32>
      %broadcast_in_dim3A_272 = vector.shape_cast %broadcast_in_dim3A_262 : vector<256x1xf32> to vector<256x1xf32>
      %broadcast_in_dim3A_273 = vector.broadcast %broadcast_in_dim3A_272 : vector<256x1xf32> to vector<256x32xf32>
      %select_n3A_274 = arith.select %eq3A_271, %broadcast_in_dim3A_273, %select_n3A_242 : vector<256x32xi1>, vector<256x32xf32>
      %jit3A_275 = arith.constant 0x7F800000 : f32
      %broadcast_in_dim3A_276 = vector.broadcast %jit3A_275 : f32 to vector<256x288xf32>
      %select_n3A_277 = arith.select %eq3A_257, %broadcast_in_dim3A_276, %select_n3A_245 : vector<256x288xi1>, vector<256x288xf32>
      %reduce_min3A_278 = arith.constant dense<0x7F800000> : vector<256xf32>
      %reduce_min3A_279 = vector.multi_reduction <minimumf>, %select_n3A_277, %reduce_min3A_278 [1] : vector<256x288xf32> to vector<256xf32>
      %broadcast_in_dim3A_280 = vector.shape_cast %reduce_min3A_279 : vector<256xf32> to vector<256x1xf32>
      %eq3A_281 = vector.broadcast %broadcast_in_dim3A_280 : vector<256x1xf32> to vector<256x288xf32>
      %eq3A_282 = arith.cmpf oeq, %select_n3A_277, %eq3A_281 : vector<256x288xf32>
      %broadcast_in_dim3A_283 = vector.broadcast %while3A : f32 to vector<256x288xf32>
      %select_n3A_284 = arith.select %eq3A_282, %convert_element_type3A, %broadcast_in_dim3A_283 : vector<256x288xi1>, vector<256x288xf32>
      %reduce_min3A_285 = arith.constant dense<0x7F800000> : vector<256xf32>
      %reduce_min3A_286 = vector.multi_reduction <minimumf>, %select_n3A_284, %reduce_min3A_285 [1] : vector<256x288xf32> to vector<256xf32>
      %broadcast_in_dim3A_287 = vector.shape_cast %reduce_min3A_286 : vector<256xf32> to vector<256x1xf32>
      %eq3A_288 = vector.broadcast %broadcast_in_dim3A_287 : vector<256x1xf32> to vector<256x288xf32>
      %eq3A_289 = arith.cmpf oeq, %convert_element_type3A, %eq3A_288 : vector<256x288xf32>
      %broadcast_in_dim3A_290 = vector.broadcast %while3A : f32 to vector<256x288xf32>
      %select_n3A_291 = arith.select %eq3A_289, %concatenate3A_114, %broadcast_in_dim3A_290 : vector<256x288xi1>, vector<256x288xf32>
      %reduce_min3A_292 = arith.constant dense<0x7F800000> : vector<256xf32>
      %reduce_min3A_293 = vector.multi_reduction <minimumf>, %select_n3A_291, %reduce_min3A_292 [1] : vector<256x288xf32> to vector<256xf32>
      %broadcast_in_dim3A_294 = vector.shape_cast %reduce_min3A_293 : vector<256xf32> to vector<256x1xf32>
      %eq3A_295 = arith.constant 5 : i32
      %eq3A_296 = vector.broadcast %eq3A_295 : i32 to vector<256x32xi32>
      %eq3A_297 = arith.cmpi eq, %iota3A_20, %eq3A_296 : vector<256x32xi32>
      %broadcast_in_dim3A_298 = vector.shape_cast %broadcast_in_dim3A_280 : vector<256x1xf32> to vector<256x1xf32>
      %broadcast_in_dim3A_299 = vector.broadcast %broadcast_in_dim3A_298 : vector<256x1xf32> to vector<256x32xf32>
      %select_n3A_300 = arith.select %eq3A_297, %broadcast_in_dim3A_299, %select_n3A_268 : vector<256x32xi1>, vector<256x32xf32>
      %eq3A_301 = arith.constant 5 : i32
      %eq3A_302 = vector.broadcast %eq3A_301 : i32 to vector<256x32xi32>
      %eq3A_303 = arith.cmpi eq, %iota3A_20, %eq3A_302 : vector<256x32xi32>
      %broadcast_in_dim3A_304 = vector.shape_cast %broadcast_in_dim3A_294 : vector<256x1xf32> to vector<256x1xf32>
      %broadcast_in_dim3A_305 = vector.broadcast %broadcast_in_dim3A_304 : vector<256x1xf32> to vector<256x32xf32>
      %select_n3A_306 = arith.select %eq3A_303, %broadcast_in_dim3A_305, %select_n3A_274 : vector<256x32xi1>, vector<256x32xf32>
      %jit3A_307 = arith.constant 0x7F800000 : f32
      %broadcast_in_dim3A_308 = vector.broadcast %jit3A_307 : f32 to vector<256x288xf32>
      %select_n3A_309 = arith.select %eq3A_289, %broadcast_in_dim3A_308, %select_n3A_277 : vector<256x288xi1>, vector<256x288xf32>
      %reduce_min3A_310 = arith.constant dense<0x7F800000> : vector<256xf32>
      %reduce_min3A_311 = vector.multi_reduction <minimumf>, %select_n3A_309, %reduce_min3A_310 [1] : vector<256x288xf32> to vector<256xf32>
      %broadcast_in_dim3A_312 = vector.shape_cast %reduce_min3A_311 : vector<256xf32> to vector<256x1xf32>
      %eq3A_313 = vector.broadcast %broadcast_in_dim3A_312 : vector<256x1xf32> to vector<256x288xf32>
      %eq3A_314 = arith.cmpf oeq, %select_n3A_309, %eq3A_313 : vector<256x288xf32>
      %broadcast_in_dim3A_315 = vector.broadcast %while3A : f32 to vector<256x288xf32>
      %select_n3A_316 = arith.select %eq3A_314, %convert_element_type3A, %broadcast_in_dim3A_315 : vector<256x288xi1>, vector<256x288xf32>
      %reduce_min3A_317 = arith.constant dense<0x7F800000> : vector<256xf32>
      %reduce_min3A_318 = vector.multi_reduction <minimumf>, %select_n3A_316, %reduce_min3A_317 [1] : vector<256x288xf32> to vector<256xf32>
      %broadcast_in_dim3A_319 = vector.shape_cast %reduce_min3A_318 : vector<256xf32> to vector<256x1xf32>
      %eq3A_320 = vector.broadcast %broadcast_in_dim3A_319 : vector<256x1xf32> to vector<256x288xf32>
      %eq3A_321 = arith.cmpf oeq, %convert_element_type3A, %eq3A_320 : vector<256x288xf32>
      %broadcast_in_dim3A_322 = vector.broadcast %while3A : f32 to vector<256x288xf32>
      %select_n3A_323 = arith.select %eq3A_321, %concatenate3A_114, %broadcast_in_dim3A_322 : vector<256x288xi1>, vector<256x288xf32>
      %reduce_min3A_324 = arith.constant dense<0x7F800000> : vector<256xf32>
      %reduce_min3A_325 = vector.multi_reduction <minimumf>, %select_n3A_323, %reduce_min3A_324 [1] : vector<256x288xf32> to vector<256xf32>
      %broadcast_in_dim3A_326 = vector.shape_cast %reduce_min3A_325 : vector<256xf32> to vector<256x1xf32>
      %eq3A_327 = arith.constant 6 : i32
      %eq3A_328 = vector.broadcast %eq3A_327 : i32 to vector<256x32xi32>
      %eq3A_329 = arith.cmpi eq, %iota3A_20, %eq3A_328 : vector<256x32xi32>
      %broadcast_in_dim3A_330 = vector.shape_cast %broadcast_in_dim3A_312 : vector<256x1xf32> to vector<256x1xf32>
      %broadcast_in_dim3A_331 = vector.broadcast %broadcast_in_dim3A_330 : vector<256x1xf32> to vector<256x32xf32>
      %select_n3A_332 = arith.select %eq3A_329, %broadcast_in_dim3A_331, %select_n3A_300 : vector<256x32xi1>, vector<256x32xf32>
      %eq3A_333 = arith.constant 6 : i32
      %eq3A_334 = vector.broadcast %eq3A_333 : i32 to vector<256x32xi32>
      %eq3A_335 = arith.cmpi eq, %iota3A_20, %eq3A_334 : vector<256x32xi32>
      %broadcast_in_dim3A_336 = vector.shape_cast %broadcast_in_dim3A_326 : vector<256x1xf32> to vector<256x1xf32>
      %broadcast_in_dim3A_337 = vector.broadcast %broadcast_in_dim3A_336 : vector<256x1xf32> to vector<256x32xf32>
      %select_n3A_338 = arith.select %eq3A_335, %broadcast_in_dim3A_337, %select_n3A_306 : vector<256x32xi1>, vector<256x32xf32>
      %jit3A_339 = arith.constant 0x7F800000 : f32
      %broadcast_in_dim3A_340 = vector.broadcast %jit3A_339 : f32 to vector<256x288xf32>
      %select_n3A_341 = arith.select %eq3A_321, %broadcast_in_dim3A_340, %select_n3A_309 : vector<256x288xi1>, vector<256x288xf32>
      %reduce_min3A_342 = arith.constant dense<0x7F800000> : vector<256xf32>
      %reduce_min3A_343 = vector.multi_reduction <minimumf>, %select_n3A_341, %reduce_min3A_342 [1] : vector<256x288xf32> to vector<256xf32>
      %broadcast_in_dim3A_344 = vector.shape_cast %reduce_min3A_343 : vector<256xf32> to vector<256x1xf32>
      %eq3A_345 = vector.broadcast %broadcast_in_dim3A_344 : vector<256x1xf32> to vector<256x288xf32>
      %eq3A_346 = arith.cmpf oeq, %select_n3A_341, %eq3A_345 : vector<256x288xf32>
      %broadcast_in_dim3A_347 = vector.broadcast %while3A : f32 to vector<256x288xf32>
      %select_n3A_348 = arith.select %eq3A_346, %convert_element_type3A, %broadcast_in_dim3A_347 : vector<256x288xi1>, vector<256x288xf32>
      %reduce_min3A_349 = arith.constant dense<0x7F800000> : vector<256xf32>
      %reduce_min3A_350 = vector.multi_reduction <minimumf>, %select_n3A_348, %reduce_min3A_349 [1] : vector<256x288xf32> to vector<256xf32>
      %broadcast_in_dim3A_351 = vector.shape_cast %reduce_min3A_350 : vector<256xf32> to vector<256x1xf32>
      %eq3A_352 = vector.broadcast %broadcast_in_dim3A_351 : vector<256x1xf32> to vector<256x288xf32>
      %eq3A_353 = arith.cmpf oeq, %convert_element_type3A, %eq3A_352 : vector<256x288xf32>
      %broadcast_in_dim3A_354 = vector.broadcast %while3A : f32 to vector<256x288xf32>
      %select_n3A_355 = arith.select %eq3A_353, %concatenate3A_114, %broadcast_in_dim3A_354 : vector<256x288xi1>, vector<256x288xf32>
      %reduce_min3A_356 = arith.constant dense<0x7F800000> : vector<256xf32>
      %reduce_min3A_357 = vector.multi_reduction <minimumf>, %select_n3A_355, %reduce_min3A_356 [1] : vector<256x288xf32> to vector<256xf32>
      %broadcast_in_dim3A_358 = vector.shape_cast %reduce_min3A_357 : vector<256xf32> to vector<256x1xf32>
      %eq3A_359 = arith.constant 7 : i32
      %eq3A_360 = vector.broadcast %eq3A_359 : i32 to vector<256x32xi32>
      %eq3A_361 = arith.cmpi eq, %iota3A_20, %eq3A_360 : vector<256x32xi32>
      %broadcast_in_dim3A_362 = vector.shape_cast %broadcast_in_dim3A_344 : vector<256x1xf32> to vector<256x1xf32>
      %broadcast_in_dim3A_363 = vector.broadcast %broadcast_in_dim3A_362 : vector<256x1xf32> to vector<256x32xf32>
      %select_n3A_364 = arith.select %eq3A_361, %broadcast_in_dim3A_363, %select_n3A_332 : vector<256x32xi1>, vector<256x32xf32>
      %eq3A_365 = arith.constant 7 : i32
      %eq3A_366 = vector.broadcast %eq3A_365 : i32 to vector<256x32xi32>
      %eq3A_367 = arith.cmpi eq, %iota3A_20, %eq3A_366 : vector<256x32xi32>
      %broadcast_in_dim3A_368 = vector.shape_cast %broadcast_in_dim3A_358 : vector<256x1xf32> to vector<256x1xf32>
      %broadcast_in_dim3A_369 = vector.broadcast %broadcast_in_dim3A_368 : vector<256x1xf32> to vector<256x32xf32>
      %select_n3A_370 = arith.select %eq3A_367, %broadcast_in_dim3A_369, %select_n3A_338 : vector<256x32xi1>, vector<256x32xf32>
      %jit3A_371 = arith.constant 0x7F800000 : f32
      %broadcast_in_dim3A_372 = vector.broadcast %jit3A_371 : f32 to vector<256x288xf32>
      %select_n3A_373 = arith.select %eq3A_353, %broadcast_in_dim3A_372, %select_n3A_341 : vector<256x288xi1>, vector<256x288xf32>
      %reduce_min3A_374 = arith.constant dense<0x7F800000> : vector<256xf32>
      %reduce_min3A_375 = vector.multi_reduction <minimumf>, %select_n3A_373, %reduce_min3A_374 [1] : vector<256x288xf32> to vector<256xf32>
      %broadcast_in_dim3A_376 = vector.shape_cast %reduce_min3A_375 : vector<256xf32> to vector<256x1xf32>
      %eq3A_377 = vector.broadcast %broadcast_in_dim3A_376 : vector<256x1xf32> to vector<256x288xf32>
      %eq3A_378 = arith.cmpf oeq, %select_n3A_373, %eq3A_377 : vector<256x288xf32>
      %broadcast_in_dim3A_379 = vector.broadcast %while3A : f32 to vector<256x288xf32>
      %select_n3A_380 = arith.select %eq3A_378, %convert_element_type3A, %broadcast_in_dim3A_379 : vector<256x288xi1>, vector<256x288xf32>
      %reduce_min3A_381 = arith.constant dense<0x7F800000> : vector<256xf32>
      %reduce_min3A_382 = vector.multi_reduction <minimumf>, %select_n3A_380, %reduce_min3A_381 [1] : vector<256x288xf32> to vector<256xf32>
      %broadcast_in_dim3A_383 = vector.shape_cast %reduce_min3A_382 : vector<256xf32> to vector<256x1xf32>
      %eq3A_384 = vector.broadcast %broadcast_in_dim3A_383 : vector<256x1xf32> to vector<256x288xf32>
      %eq3A_385 = arith.cmpf oeq, %convert_element_type3A, %eq3A_384 : vector<256x288xf32>
      %broadcast_in_dim3A_386 = vector.broadcast %while3A : f32 to vector<256x288xf32>
      %select_n3A_387 = arith.select %eq3A_385, %concatenate3A_114, %broadcast_in_dim3A_386 : vector<256x288xi1>, vector<256x288xf32>
      %reduce_min3A_388 = arith.constant dense<0x7F800000> : vector<256xf32>
      %reduce_min3A_389 = vector.multi_reduction <minimumf>, %select_n3A_387, %reduce_min3A_388 [1] : vector<256x288xf32> to vector<256xf32>
      %broadcast_in_dim3A_390 = vector.shape_cast %reduce_min3A_389 : vector<256xf32> to vector<256x1xf32>
      %eq3A_391 = arith.constant 8 : i32
      %eq3A_392 = vector.broadcast %eq3A_391 : i32 to vector<256x32xi32>
      %eq3A_393 = arith.cmpi eq, %iota3A_20, %eq3A_392 : vector<256x32xi32>
      %broadcast_in_dim3A_394 = vector.shape_cast %broadcast_in_dim3A_376 : vector<256x1xf32> to vector<256x1xf32>
      %broadcast_in_dim3A_395 = vector.broadcast %broadcast_in_dim3A_394 : vector<256x1xf32> to vector<256x32xf32>
      %select_n3A_396 = arith.select %eq3A_393, %broadcast_in_dim3A_395, %select_n3A_364 : vector<256x32xi1>, vector<256x32xf32>
      %eq3A_397 = arith.constant 8 : i32
      %eq3A_398 = vector.broadcast %eq3A_397 : i32 to vector<256x32xi32>
      %eq3A_399 = arith.cmpi eq, %iota3A_20, %eq3A_398 : vector<256x32xi32>
      %broadcast_in_dim3A_400 = vector.shape_cast %broadcast_in_dim3A_390 : vector<256x1xf32> to vector<256x1xf32>
      %broadcast_in_dim3A_401 = vector.broadcast %broadcast_in_dim3A_400 : vector<256x1xf32> to vector<256x32xf32>
      %select_n3A_402 = arith.select %eq3A_399, %broadcast_in_dim3A_401, %select_n3A_370 : vector<256x32xi1>, vector<256x32xf32>
      %jit3A_403 = arith.constant 0x7F800000 : f32
      %broadcast_in_dim3A_404 = vector.broadcast %jit3A_403 : f32 to vector<256x288xf32>
      %select_n3A_405 = arith.select %eq3A_385, %broadcast_in_dim3A_404, %select_n3A_373 : vector<256x288xi1>, vector<256x288xf32>
      %reduce_min3A_406 = arith.constant dense<0x7F800000> : vector<256xf32>
      %reduce_min3A_407 = vector.multi_reduction <minimumf>, %select_n3A_405, %reduce_min3A_406 [1] : vector<256x288xf32> to vector<256xf32>
      %broadcast_in_dim3A_408 = vector.shape_cast %reduce_min3A_407 : vector<256xf32> to vector<256x1xf32>
      %eq3A_409 = vector.broadcast %broadcast_in_dim3A_408 : vector<256x1xf32> to vector<256x288xf32>
      %eq3A_410 = arith.cmpf oeq, %select_n3A_405, %eq3A_409 : vector<256x288xf32>
      %broadcast_in_dim3A_411 = vector.broadcast %while3A : f32 to vector<256x288xf32>
      %select_n3A_412 = arith.select %eq3A_410, %convert_element_type3A, %broadcast_in_dim3A_411 : vector<256x288xi1>, vector<256x288xf32>
      %reduce_min3A_413 = arith.constant dense<0x7F800000> : vector<256xf32>
      %reduce_min3A_414 = vector.multi_reduction <minimumf>, %select_n3A_412, %reduce_min3A_413 [1] : vector<256x288xf32> to vector<256xf32>
      %broadcast_in_dim3A_415 = vector.shape_cast %reduce_min3A_414 : vector<256xf32> to vector<256x1xf32>
      %eq3A_416 = vector.broadcast %broadcast_in_dim3A_415 : vector<256x1xf32> to vector<256x288xf32>
      %eq3A_417 = arith.cmpf oeq, %convert_element_type3A, %eq3A_416 : vector<256x288xf32>
      %broadcast_in_dim3A_418 = vector.broadcast %while3A : f32 to vector<256x288xf32>
      %select_n3A_419 = arith.select %eq3A_417, %concatenate3A_114, %broadcast_in_dim3A_418 : vector<256x288xi1>, vector<256x288xf32>
      %reduce_min3A_420 = arith.constant dense<0x7F800000> : vector<256xf32>
      %reduce_min3A_421 = vector.multi_reduction <minimumf>, %select_n3A_419, %reduce_min3A_420 [1] : vector<256x288xf32> to vector<256xf32>
      %broadcast_in_dim3A_422 = vector.shape_cast %reduce_min3A_421 : vector<256xf32> to vector<256x1xf32>
      %eq3A_423 = arith.constant 9 : i32
      %eq3A_424 = vector.broadcast %eq3A_423 : i32 to vector<256x32xi32>
      %eq3A_425 = arith.cmpi eq, %iota3A_20, %eq3A_424 : vector<256x32xi32>
      %broadcast_in_dim3A_426 = vector.shape_cast %broadcast_in_dim3A_408 : vector<256x1xf32> to vector<256x1xf32>
      %broadcast_in_dim3A_427 = vector.broadcast %broadcast_in_dim3A_426 : vector<256x1xf32> to vector<256x32xf32>
      %select_n3A_428 = arith.select %eq3A_425, %broadcast_in_dim3A_427, %select_n3A_396 : vector<256x32xi1>, vector<256x32xf32>
      %eq3A_429 = arith.constant 9 : i32
      %eq3A_430 = vector.broadcast %eq3A_429 : i32 to vector<256x32xi32>
      %eq3A_431 = arith.cmpi eq, %iota3A_20, %eq3A_430 : vector<256x32xi32>
      %broadcast_in_dim3A_432 = vector.shape_cast %broadcast_in_dim3A_422 : vector<256x1xf32> to vector<256x1xf32>
      %broadcast_in_dim3A_433 = vector.broadcast %broadcast_in_dim3A_432 : vector<256x1xf32> to vector<256x32xf32>
      %select_n3A_434 = arith.select %eq3A_431, %broadcast_in_dim3A_433, %select_n3A_402 : vector<256x32xi1>, vector<256x32xf32>
      %jit3A_435 = arith.constant 0x7F800000 : f32
      %broadcast_in_dim3A_436 = vector.broadcast %jit3A_435 : f32 to vector<256x288xf32>
      %select_n3A_437 = arith.select %eq3A_417, %broadcast_in_dim3A_436, %select_n3A_405 : vector<256x288xi1>, vector<256x288xf32>
      %reduce_min3A_438 = arith.constant dense<0x7F800000> : vector<256xf32>
      %reduce_min3A_439 = vector.multi_reduction <minimumf>, %select_n3A_437, %reduce_min3A_438 [1] : vector<256x288xf32> to vector<256xf32>
      %broadcast_in_dim3A_440 = vector.shape_cast %reduce_min3A_439 : vector<256xf32> to vector<256x1xf32>
      %eq3A_441 = vector.broadcast %broadcast_in_dim3A_440 : vector<256x1xf32> to vector<256x288xf32>
      %eq3A_442 = arith.cmpf oeq, %select_n3A_437, %eq3A_441 : vector<256x288xf32>
      %broadcast_in_dim3A_443 = vector.broadcast %while3A : f32 to vector<256x288xf32>
      %select_n3A_444 = arith.select %eq3A_442, %convert_element_type3A, %broadcast_in_dim3A_443 : vector<256x288xi1>, vector<256x288xf32>
      %reduce_min3A_445 = arith.constant dense<0x7F800000> : vector<256xf32>
      %reduce_min3A_446 = vector.multi_reduction <minimumf>, %select_n3A_444, %reduce_min3A_445 [1] : vector<256x288xf32> to vector<256xf32>
      %broadcast_in_dim3A_447 = vector.shape_cast %reduce_min3A_446 : vector<256xf32> to vector<256x1xf32>
      %eq3A_448 = vector.broadcast %broadcast_in_dim3A_447 : vector<256x1xf32> to vector<256x288xf32>
      %eq3A_449 = arith.cmpf oeq, %convert_element_type3A, %eq3A_448 : vector<256x288xf32>
      %broadcast_in_dim3A_450 = vector.broadcast %while3A : f32 to vector<256x288xf32>
      %select_n3A_451 = arith.select %eq3A_449, %concatenate3A_114, %broadcast_in_dim3A_450 : vector<256x288xi1>, vector<256x288xf32>
      %reduce_min3A_452 = arith.constant dense<0x7F800000> : vector<256xf32>
      %reduce_min3A_453 = vector.multi_reduction <minimumf>, %select_n3A_451, %reduce_min3A_452 [1] : vector<256x288xf32> to vector<256xf32>
      %broadcast_in_dim3A_454 = vector.shape_cast %reduce_min3A_453 : vector<256xf32> to vector<256x1xf32>
      %eq3A_455 = arith.constant 10 : i32
      %eq3A_456 = vector.broadcast %eq3A_455 : i32 to vector<256x32xi32>
      %eq3A_457 = arith.cmpi eq, %iota3A_20, %eq3A_456 : vector<256x32xi32>
      %broadcast_in_dim3A_458 = vector.shape_cast %broadcast_in_dim3A_440 : vector<256x1xf32> to vector<256x1xf32>
      %broadcast_in_dim3A_459 = vector.broadcast %broadcast_in_dim3A_458 : vector<256x1xf32> to vector<256x32xf32>
      %select_n3A_460 = arith.select %eq3A_457, %broadcast_in_dim3A_459, %select_n3A_428 : vector<256x32xi1>, vector<256x32xf32>
      %eq3A_461 = arith.constant 10 : i32
      %eq3A_462 = vector.broadcast %eq3A_461 : i32 to vector<256x32xi32>
      %eq3A_463 = arith.cmpi eq, %iota3A_20, %eq3A_462 : vector<256x32xi32>
      %broadcast_in_dim3A_464 = vector.shape_cast %broadcast_in_dim3A_454 : vector<256x1xf32> to vector<256x1xf32>
      %broadcast_in_dim3A_465 = vector.broadcast %broadcast_in_dim3A_464 : vector<256x1xf32> to vector<256x32xf32>
      %select_n3A_466 = arith.select %eq3A_463, %broadcast_in_dim3A_465, %select_n3A_434 : vector<256x32xi1>, vector<256x32xf32>
      %jit3A_467 = arith.constant 0x7F800000 : f32
      %broadcast_in_dim3A_468 = vector.broadcast %jit3A_467 : f32 to vector<256x288xf32>
      %select_n3A_469 = arith.select %eq3A_449, %broadcast_in_dim3A_468, %select_n3A_437 : vector<256x288xi1>, vector<256x288xf32>
      %reduce_min3A_470 = arith.constant dense<0x7F800000> : vector<256xf32>
      %reduce_min3A_471 = vector.multi_reduction <minimumf>, %select_n3A_469, %reduce_min3A_470 [1] : vector<256x288xf32> to vector<256xf32>
      %broadcast_in_dim3A_472 = vector.shape_cast %reduce_min3A_471 : vector<256xf32> to vector<256x1xf32>
      %eq3A_473 = vector.broadcast %broadcast_in_dim3A_472 : vector<256x1xf32> to vector<256x288xf32>
      %eq3A_474 = arith.cmpf oeq, %select_n3A_469, %eq3A_473 : vector<256x288xf32>
      %broadcast_in_dim3A_475 = vector.broadcast %while3A : f32 to vector<256x288xf32>
      %select_n3A_476 = arith.select %eq3A_474, %convert_element_type3A, %broadcast_in_dim3A_475 : vector<256x288xi1>, vector<256x288xf32>
      %reduce_min3A_477 = arith.constant dense<0x7F800000> : vector<256xf32>
      %reduce_min3A_478 = vector.multi_reduction <minimumf>, %select_n3A_476, %reduce_min3A_477 [1] : vector<256x288xf32> to vector<256xf32>
      %broadcast_in_dim3A_479 = vector.shape_cast %reduce_min3A_478 : vector<256xf32> to vector<256x1xf32>
      %eq3A_480 = vector.broadcast %broadcast_in_dim3A_479 : vector<256x1xf32> to vector<256x288xf32>
      %eq3A_481 = arith.cmpf oeq, %convert_element_type3A, %eq3A_480 : vector<256x288xf32>
      %broadcast_in_dim3A_482 = vector.broadcast %while3A : f32 to vector<256x288xf32>
      %select_n3A_483 = arith.select %eq3A_481, %concatenate3A_114, %broadcast_in_dim3A_482 : vector<256x288xi1>, vector<256x288xf32>
      %reduce_min3A_484 = arith.constant dense<0x7F800000> : vector<256xf32>
      %reduce_min3A_485 = vector.multi_reduction <minimumf>, %select_n3A_483, %reduce_min3A_484 [1] : vector<256x288xf32> to vector<256xf32>
      %broadcast_in_dim3A_486 = vector.shape_cast %reduce_min3A_485 : vector<256xf32> to vector<256x1xf32>
      %eq3A_487 = arith.constant 11 : i32
      %eq3A_488 = vector.broadcast %eq3A_487 : i32 to vector<256x32xi32>
      %eq3A_489 = arith.cmpi eq, %iota3A_20, %eq3A_488 : vector<256x32xi32>
      %broadcast_in_dim3A_490 = vector.shape_cast %broadcast_in_dim3A_472 : vector<256x1xf32> to vector<256x1xf32>
      %broadcast_in_dim3A_491 = vector.broadcast %broadcast_in_dim3A_490 : vector<256x1xf32> to vector<256x32xf32>
      %select_n3A_492 = arith.select %eq3A_489, %broadcast_in_dim3A_491, %select_n3A_460 : vector<256x32xi1>, vector<256x32xf32>
      %eq3A_493 = arith.constant 11 : i32
      %eq3A_494 = vector.broadcast %eq3A_493 : i32 to vector<256x32xi32>
      %eq3A_495 = arith.cmpi eq, %iota3A_20, %eq3A_494 : vector<256x32xi32>
      %broadcast_in_dim3A_496 = vector.shape_cast %broadcast_in_dim3A_486 : vector<256x1xf32> to vector<256x1xf32>
      %broadcast_in_dim3A_497 = vector.broadcast %broadcast_in_dim3A_496 : vector<256x1xf32> to vector<256x32xf32>
      %select_n3A_498 = arith.select %eq3A_495, %broadcast_in_dim3A_497, %select_n3A_466 : vector<256x32xi1>, vector<256x32xf32>
      %jit3A_499 = arith.constant 0x7F800000 : f32
      %broadcast_in_dim3A_500 = vector.broadcast %jit3A_499 : f32 to vector<256x288xf32>
      %select_n3A_501 = arith.select %eq3A_481, %broadcast_in_dim3A_500, %select_n3A_469 : vector<256x288xi1>, vector<256x288xf32>
      %reduce_min3A_502 = arith.constant dense<0x7F800000> : vector<256xf32>
      %reduce_min3A_503 = vector.multi_reduction <minimumf>, %select_n3A_501, %reduce_min3A_502 [1] : vector<256x288xf32> to vector<256xf32>
      %broadcast_in_dim3A_504 = vector.shape_cast %reduce_min3A_503 : vector<256xf32> to vector<256x1xf32>
      %eq3A_505 = vector.broadcast %broadcast_in_dim3A_504 : vector<256x1xf32> to vector<256x288xf32>
      %eq3A_506 = arith.cmpf oeq, %select_n3A_501, %eq3A_505 : vector<256x288xf32>
      %broadcast_in_dim3A_507 = vector.broadcast %while3A : f32 to vector<256x288xf32>
      %select_n3A_508 = arith.select %eq3A_506, %convert_element_type3A, %broadcast_in_dim3A_507 : vector<256x288xi1>, vector<256x288xf32>
      %reduce_min3A_509 = arith.constant dense<0x7F800000> : vector<256xf32>
      %reduce_min3A_510 = vector.multi_reduction <minimumf>, %select_n3A_508, %reduce_min3A_509 [1] : vector<256x288xf32> to vector<256xf32>
      %broadcast_in_dim3A_511 = vector.shape_cast %reduce_min3A_510 : vector<256xf32> to vector<256x1xf32>
      %eq3A_512 = vector.broadcast %broadcast_in_dim3A_511 : vector<256x1xf32> to vector<256x288xf32>
      %eq3A_513 = arith.cmpf oeq, %convert_element_type3A, %eq3A_512 : vector<256x288xf32>
      %broadcast_in_dim3A_514 = vector.broadcast %while3A : f32 to vector<256x288xf32>
      %select_n3A_515 = arith.select %eq3A_513, %concatenate3A_114, %broadcast_in_dim3A_514 : vector<256x288xi1>, vector<256x288xf32>
      %reduce_min3A_516 = arith.constant dense<0x7F800000> : vector<256xf32>
      %reduce_min3A_517 = vector.multi_reduction <minimumf>, %select_n3A_515, %reduce_min3A_516 [1] : vector<256x288xf32> to vector<256xf32>
      %broadcast_in_dim3A_518 = vector.shape_cast %reduce_min3A_517 : vector<256xf32> to vector<256x1xf32>
      %eq3A_519 = arith.constant 12 : i32
      %eq3A_520 = vector.broadcast %eq3A_519 : i32 to vector<256x32xi32>
      %eq3A_521 = arith.cmpi eq, %iota3A_20, %eq3A_520 : vector<256x32xi32>
      %broadcast_in_dim3A_522 = vector.shape_cast %broadcast_in_dim3A_504 : vector<256x1xf32> to vector<256x1xf32>
      %broadcast_in_dim3A_523 = vector.broadcast %broadcast_in_dim3A_522 : vector<256x1xf32> to vector<256x32xf32>
      %select_n3A_524 = arith.select %eq3A_521, %broadcast_in_dim3A_523, %select_n3A_492 : vector<256x32xi1>, vector<256x32xf32>
      %eq3A_525 = arith.constant 12 : i32
      %eq3A_526 = vector.broadcast %eq3A_525 : i32 to vector<256x32xi32>
      %eq3A_527 = arith.cmpi eq, %iota3A_20, %eq3A_526 : vector<256x32xi32>
      %broadcast_in_dim3A_528 = vector.shape_cast %broadcast_in_dim3A_518 : vector<256x1xf32> to vector<256x1xf32>
      %broadcast_in_dim3A_529 = vector.broadcast %broadcast_in_dim3A_528 : vector<256x1xf32> to vector<256x32xf32>
      %select_n3A_530 = arith.select %eq3A_527, %broadcast_in_dim3A_529, %select_n3A_498 : vector<256x32xi1>, vector<256x32xf32>
      %jit3A_531 = arith.constant 0x7F800000 : f32
      %broadcast_in_dim3A_532 = vector.broadcast %jit3A_531 : f32 to vector<256x288xf32>
      %select_n3A_533 = arith.select %eq3A_513, %broadcast_in_dim3A_532, %select_n3A_501 : vector<256x288xi1>, vector<256x288xf32>
      %reduce_min3A_534 = arith.constant dense<0x7F800000> : vector<256xf32>
      %reduce_min3A_535 = vector.multi_reduction <minimumf>, %select_n3A_533, %reduce_min3A_534 [1] : vector<256x288xf32> to vector<256xf32>
      %broadcast_in_dim3A_536 = vector.shape_cast %reduce_min3A_535 : vector<256xf32> to vector<256x1xf32>
      %eq3A_537 = vector.broadcast %broadcast_in_dim3A_536 : vector<256x1xf32> to vector<256x288xf32>
      %eq3A_538 = arith.cmpf oeq, %select_n3A_533, %eq3A_537 : vector<256x288xf32>
      %broadcast_in_dim3A_539 = vector.broadcast %while3A : f32 to vector<256x288xf32>
      %select_n3A_540 = arith.select %eq3A_538, %convert_element_type3A, %broadcast_in_dim3A_539 : vector<256x288xi1>, vector<256x288xf32>
      %reduce_min3A_541 = arith.constant dense<0x7F800000> : vector<256xf32>
      %reduce_min3A_542 = vector.multi_reduction <minimumf>, %select_n3A_540, %reduce_min3A_541 [1] : vector<256x288xf32> to vector<256xf32>
      %broadcast_in_dim3A_543 = vector.shape_cast %reduce_min3A_542 : vector<256xf32> to vector<256x1xf32>
      %eq3A_544 = vector.broadcast %broadcast_in_dim3A_543 : vector<256x1xf32> to vector<256x288xf32>
      %eq3A_545 = arith.cmpf oeq, %convert_element_type3A, %eq3A_544 : vector<256x288xf32>
      %broadcast_in_dim3A_546 = vector.broadcast %while3A : f32 to vector<256x288xf32>
      %select_n3A_547 = arith.select %eq3A_545, %concatenate3A_114, %broadcast_in_dim3A_546 : vector<256x288xi1>, vector<256x288xf32>
      %reduce_min3A_548 = arith.constant dense<0x7F800000> : vector<256xf32>
      %reduce_min3A_549 = vector.multi_reduction <minimumf>, %select_n3A_547, %reduce_min3A_548 [1] : vector<256x288xf32> to vector<256xf32>
      %broadcast_in_dim3A_550 = vector.shape_cast %reduce_min3A_549 : vector<256xf32> to vector<256x1xf32>
      %eq3A_551 = arith.constant 13 : i32
      %eq3A_552 = vector.broadcast %eq3A_551 : i32 to vector<256x32xi32>
      %eq3A_553 = arith.cmpi eq, %iota3A_20, %eq3A_552 : vector<256x32xi32>
      %broadcast_in_dim3A_554 = vector.shape_cast %broadcast_in_dim3A_536 : vector<256x1xf32> to vector<256x1xf32>
      %broadcast_in_dim3A_555 = vector.broadcast %broadcast_in_dim3A_554 : vector<256x1xf32> to vector<256x32xf32>
      %select_n3A_556 = arith.select %eq3A_553, %broadcast_in_dim3A_555, %select_n3A_524 : vector<256x32xi1>, vector<256x32xf32>
      %eq3A_557 = arith.constant 13 : i32
      %eq3A_558 = vector.broadcast %eq3A_557 : i32 to vector<256x32xi32>
      %eq3A_559 = arith.cmpi eq, %iota3A_20, %eq3A_558 : vector<256x32xi32>
      %broadcast_in_dim3A_560 = vector.shape_cast %broadcast_in_dim3A_550 : vector<256x1xf32> to vector<256x1xf32>
      %broadcast_in_dim3A_561 = vector.broadcast %broadcast_in_dim3A_560 : vector<256x1xf32> to vector<256x32xf32>
      %select_n3A_562 = arith.select %eq3A_559, %broadcast_in_dim3A_561, %select_n3A_530 : vector<256x32xi1>, vector<256x32xf32>
      %jit3A_563 = arith.constant 0x7F800000 : f32
      %broadcast_in_dim3A_564 = vector.broadcast %jit3A_563 : f32 to vector<256x288xf32>
      %select_n3A_565 = arith.select %eq3A_545, %broadcast_in_dim3A_564, %select_n3A_533 : vector<256x288xi1>, vector<256x288xf32>
      %reduce_min3A_566 = arith.constant dense<0x7F800000> : vector<256xf32>
      %reduce_min3A_567 = vector.multi_reduction <minimumf>, %select_n3A_565, %reduce_min3A_566 [1] : vector<256x288xf32> to vector<256xf32>
      %broadcast_in_dim3A_568 = vector.shape_cast %reduce_min3A_567 : vector<256xf32> to vector<256x1xf32>
      %eq3A_569 = vector.broadcast %broadcast_in_dim3A_568 : vector<256x1xf32> to vector<256x288xf32>
      %eq3A_570 = arith.cmpf oeq, %select_n3A_565, %eq3A_569 : vector<256x288xf32>
      %broadcast_in_dim3A_571 = vector.broadcast %while3A : f32 to vector<256x288xf32>
      %select_n3A_572 = arith.select %eq3A_570, %convert_element_type3A, %broadcast_in_dim3A_571 : vector<256x288xi1>, vector<256x288xf32>
      %reduce_min3A_573 = arith.constant dense<0x7F800000> : vector<256xf32>
      %reduce_min3A_574 = vector.multi_reduction <minimumf>, %select_n3A_572, %reduce_min3A_573 [1] : vector<256x288xf32> to vector<256xf32>
      %broadcast_in_dim3A_575 = vector.shape_cast %reduce_min3A_574 : vector<256xf32> to vector<256x1xf32>
      %eq3A_576 = vector.broadcast %broadcast_in_dim3A_575 : vector<256x1xf32> to vector<256x288xf32>
      %eq3A_577 = arith.cmpf oeq, %convert_element_type3A, %eq3A_576 : vector<256x288xf32>
      %broadcast_in_dim3A_578 = vector.broadcast %while3A : f32 to vector<256x288xf32>
      %select_n3A_579 = arith.select %eq3A_577, %concatenate3A_114, %broadcast_in_dim3A_578 : vector<256x288xi1>, vector<256x288xf32>
      %reduce_min3A_580 = arith.constant dense<0x7F800000> : vector<256xf32>
      %reduce_min3A_581 = vector.multi_reduction <minimumf>, %select_n3A_579, %reduce_min3A_580 [1] : vector<256x288xf32> to vector<256xf32>
      %broadcast_in_dim3A_582 = vector.shape_cast %reduce_min3A_581 : vector<256xf32> to vector<256x1xf32>
      %eq3A_583 = arith.constant 14 : i32
      %eq3A_584 = vector.broadcast %eq3A_583 : i32 to vector<256x32xi32>
      %eq3A_585 = arith.cmpi eq, %iota3A_20, %eq3A_584 : vector<256x32xi32>
      %broadcast_in_dim3A_586 = vector.shape_cast %broadcast_in_dim3A_568 : vector<256x1xf32> to vector<256x1xf32>
      %broadcast_in_dim3A_587 = vector.broadcast %broadcast_in_dim3A_586 : vector<256x1xf32> to vector<256x32xf32>
      %select_n3A_588 = arith.select %eq3A_585, %broadcast_in_dim3A_587, %select_n3A_556 : vector<256x32xi1>, vector<256x32xf32>
      %eq3A_589 = arith.constant 14 : i32
      %eq3A_590 = vector.broadcast %eq3A_589 : i32 to vector<256x32xi32>
      %eq3A_591 = arith.cmpi eq, %iota3A_20, %eq3A_590 : vector<256x32xi32>
      %broadcast_in_dim3A_592 = vector.shape_cast %broadcast_in_dim3A_582 : vector<256x1xf32> to vector<256x1xf32>
      %broadcast_in_dim3A_593 = vector.broadcast %broadcast_in_dim3A_592 : vector<256x1xf32> to vector<256x32xf32>
      %select_n3A_594 = arith.select %eq3A_591, %broadcast_in_dim3A_593, %select_n3A_562 : vector<256x32xi1>, vector<256x32xf32>
      %jit3A_595 = arith.constant 0x7F800000 : f32
      %broadcast_in_dim3A_596 = vector.broadcast %jit3A_595 : f32 to vector<256x288xf32>
      %select_n3A_597 = arith.select %eq3A_577, %broadcast_in_dim3A_596, %select_n3A_565 : vector<256x288xi1>, vector<256x288xf32>
      %reduce_min3A_598 = arith.constant dense<0x7F800000> : vector<256xf32>
      %reduce_min3A_599 = vector.multi_reduction <minimumf>, %select_n3A_597, %reduce_min3A_598 [1] : vector<256x288xf32> to vector<256xf32>
      %broadcast_in_dim3A_600 = vector.shape_cast %reduce_min3A_599 : vector<256xf32> to vector<256x1xf32>
      %eq3A_601 = vector.broadcast %broadcast_in_dim3A_600 : vector<256x1xf32> to vector<256x288xf32>
      %eq3A_602 = arith.cmpf oeq, %select_n3A_597, %eq3A_601 : vector<256x288xf32>
      %broadcast_in_dim3A_603 = vector.broadcast %while3A : f32 to vector<256x288xf32>
      %select_n3A_604 = arith.select %eq3A_602, %convert_element_type3A, %broadcast_in_dim3A_603 : vector<256x288xi1>, vector<256x288xf32>
      %reduce_min3A_605 = arith.constant dense<0x7F800000> : vector<256xf32>
      %reduce_min3A_606 = vector.multi_reduction <minimumf>, %select_n3A_604, %reduce_min3A_605 [1] : vector<256x288xf32> to vector<256xf32>
      %broadcast_in_dim3A_607 = vector.shape_cast %reduce_min3A_606 : vector<256xf32> to vector<256x1xf32>
      %eq3A_608 = vector.broadcast %broadcast_in_dim3A_607 : vector<256x1xf32> to vector<256x288xf32>
      %eq3A_609 = arith.cmpf oeq, %convert_element_type3A, %eq3A_608 : vector<256x288xf32>
      %broadcast_in_dim3A_610 = vector.broadcast %while3A : f32 to vector<256x288xf32>
      %select_n3A_611 = arith.select %eq3A_609, %concatenate3A_114, %broadcast_in_dim3A_610 : vector<256x288xi1>, vector<256x288xf32>
      %reduce_min3A_612 = arith.constant dense<0x7F800000> : vector<256xf32>
      %reduce_min3A_613 = vector.multi_reduction <minimumf>, %select_n3A_611, %reduce_min3A_612 [1] : vector<256x288xf32> to vector<256xf32>
      %broadcast_in_dim3A_614 = vector.shape_cast %reduce_min3A_613 : vector<256xf32> to vector<256x1xf32>
      %eq3A_615 = arith.constant 15 : i32
      %eq3A_616 = vector.broadcast %eq3A_615 : i32 to vector<256x32xi32>
      %eq3A_617 = arith.cmpi eq, %iota3A_20, %eq3A_616 : vector<256x32xi32>
      %broadcast_in_dim3A_618 = vector.shape_cast %broadcast_in_dim3A_600 : vector<256x1xf32> to vector<256x1xf32>
      %broadcast_in_dim3A_619 = vector.broadcast %broadcast_in_dim3A_618 : vector<256x1xf32> to vector<256x32xf32>
      %select_n3A_620 = arith.select %eq3A_617, %broadcast_in_dim3A_619, %select_n3A_588 : vector<256x32xi1>, vector<256x32xf32>
      %eq3A_621 = arith.constant 15 : i32
      %eq3A_622 = vector.broadcast %eq3A_621 : i32 to vector<256x32xi32>
      %eq3A_623 = arith.cmpi eq, %iota3A_20, %eq3A_622 : vector<256x32xi32>
      %broadcast_in_dim3A_624 = vector.shape_cast %broadcast_in_dim3A_614 : vector<256x1xf32> to vector<256x1xf32>
      %broadcast_in_dim3A_625 = vector.broadcast %broadcast_in_dim3A_624 : vector<256x1xf32> to vector<256x32xf32>
      %select_n3A_626 = arith.select %eq3A_623, %broadcast_in_dim3A_625, %select_n3A_594 : vector<256x32xi1>, vector<256x32xf32>
      %jit3A_627 = arith.constant 0x7F800000 : f32
      %broadcast_in_dim3A_628 = vector.broadcast %jit3A_627 : f32 to vector<256x288xf32>
      %select_n3A_629 = arith.select %eq3A_609, %broadcast_in_dim3A_628, %select_n3A_597 : vector<256x288xi1>, vector<256x288xf32>
      %reduce_min3A_630 = arith.constant dense<0x7F800000> : vector<256xf32>
      %reduce_min3A_631 = vector.multi_reduction <minimumf>, %select_n3A_629, %reduce_min3A_630 [1] : vector<256x288xf32> to vector<256xf32>
      %broadcast_in_dim3A_632 = vector.shape_cast %reduce_min3A_631 : vector<256xf32> to vector<256x1xf32>
      %eq3A_633 = vector.broadcast %broadcast_in_dim3A_632 : vector<256x1xf32> to vector<256x288xf32>
      %eq3A_634 = arith.cmpf oeq, %select_n3A_629, %eq3A_633 : vector<256x288xf32>
      %broadcast_in_dim3A_635 = vector.broadcast %while3A : f32 to vector<256x288xf32>
      %select_n3A_636 = arith.select %eq3A_634, %convert_element_type3A, %broadcast_in_dim3A_635 : vector<256x288xi1>, vector<256x288xf32>
      %reduce_min3A_637 = arith.constant dense<0x7F800000> : vector<256xf32>
      %reduce_min3A_638 = vector.multi_reduction <minimumf>, %select_n3A_636, %reduce_min3A_637 [1] : vector<256x288xf32> to vector<256xf32>
      %broadcast_in_dim3A_639 = vector.shape_cast %reduce_min3A_638 : vector<256xf32> to vector<256x1xf32>
      %eq3A_640 = vector.broadcast %broadcast_in_dim3A_639 : vector<256x1xf32> to vector<256x288xf32>
      %eq3A_641 = arith.cmpf oeq, %convert_element_type3A, %eq3A_640 : vector<256x288xf32>
      %broadcast_in_dim3A_642 = vector.broadcast %while3A : f32 to vector<256x288xf32>
      %select_n3A_643 = arith.select %eq3A_641, %concatenate3A_114, %broadcast_in_dim3A_642 : vector<256x288xi1>, vector<256x288xf32>
      %reduce_min3A_644 = arith.constant dense<0x7F800000> : vector<256xf32>
      %reduce_min3A_645 = vector.multi_reduction <minimumf>, %select_n3A_643, %reduce_min3A_644 [1] : vector<256x288xf32> to vector<256xf32>
      %broadcast_in_dim3A_646 = vector.shape_cast %reduce_min3A_645 : vector<256xf32> to vector<256x1xf32>
      %eq3A_647 = arith.constant 16 : i32
      %eq3A_648 = vector.broadcast %eq3A_647 : i32 to vector<256x32xi32>
      %eq3A_649 = arith.cmpi eq, %iota3A_20, %eq3A_648 : vector<256x32xi32>
      %broadcast_in_dim3A_650 = vector.shape_cast %broadcast_in_dim3A_632 : vector<256x1xf32> to vector<256x1xf32>
      %broadcast_in_dim3A_651 = vector.broadcast %broadcast_in_dim3A_650 : vector<256x1xf32> to vector<256x32xf32>
      %select_n3A_652 = arith.select %eq3A_649, %broadcast_in_dim3A_651, %select_n3A_620 : vector<256x32xi1>, vector<256x32xf32>
      %eq3A_653 = arith.constant 16 : i32
      %eq3A_654 = vector.broadcast %eq3A_653 : i32 to vector<256x32xi32>
      %eq3A_655 = arith.cmpi eq, %iota3A_20, %eq3A_654 : vector<256x32xi32>
      %broadcast_in_dim3A_656 = vector.shape_cast %broadcast_in_dim3A_646 : vector<256x1xf32> to vector<256x1xf32>
      %broadcast_in_dim3A_657 = vector.broadcast %broadcast_in_dim3A_656 : vector<256x1xf32> to vector<256x32xf32>
      %select_n3A_658 = arith.select %eq3A_655, %broadcast_in_dim3A_657, %select_n3A_626 : vector<256x32xi1>, vector<256x32xf32>
      %jit3A_659 = arith.constant 0x7F800000 : f32
      %broadcast_in_dim3A_660 = vector.broadcast %jit3A_659 : f32 to vector<256x288xf32>
      %select_n3A_661 = arith.select %eq3A_641, %broadcast_in_dim3A_660, %select_n3A_629 : vector<256x288xi1>, vector<256x288xf32>
      %reduce_min3A_662 = arith.constant dense<0x7F800000> : vector<256xf32>
      %reduce_min3A_663 = vector.multi_reduction <minimumf>, %select_n3A_661, %reduce_min3A_662 [1] : vector<256x288xf32> to vector<256xf32>
      %broadcast_in_dim3A_664 = vector.shape_cast %reduce_min3A_663 : vector<256xf32> to vector<256x1xf32>
      %eq3A_665 = vector.broadcast %broadcast_in_dim3A_664 : vector<256x1xf32> to vector<256x288xf32>
      %eq3A_666 = arith.cmpf oeq, %select_n3A_661, %eq3A_665 : vector<256x288xf32>
      %broadcast_in_dim3A_667 = vector.broadcast %while3A : f32 to vector<256x288xf32>
      %select_n3A_668 = arith.select %eq3A_666, %convert_element_type3A, %broadcast_in_dim3A_667 : vector<256x288xi1>, vector<256x288xf32>
      %reduce_min3A_669 = arith.constant dense<0x7F800000> : vector<256xf32>
      %reduce_min3A_670 = vector.multi_reduction <minimumf>, %select_n3A_668, %reduce_min3A_669 [1] : vector<256x288xf32> to vector<256xf32>
      %broadcast_in_dim3A_671 = vector.shape_cast %reduce_min3A_670 : vector<256xf32> to vector<256x1xf32>
      %eq3A_672 = vector.broadcast %broadcast_in_dim3A_671 : vector<256x1xf32> to vector<256x288xf32>
      %eq3A_673 = arith.cmpf oeq, %convert_element_type3A, %eq3A_672 : vector<256x288xf32>
      %broadcast_in_dim3A_674 = vector.broadcast %while3A : f32 to vector<256x288xf32>
      %select_n3A_675 = arith.select %eq3A_673, %concatenate3A_114, %broadcast_in_dim3A_674 : vector<256x288xi1>, vector<256x288xf32>
      %reduce_min3A_676 = arith.constant dense<0x7F800000> : vector<256xf32>
      %reduce_min3A_677 = vector.multi_reduction <minimumf>, %select_n3A_675, %reduce_min3A_676 [1] : vector<256x288xf32> to vector<256xf32>
      %broadcast_in_dim3A_678 = vector.shape_cast %reduce_min3A_677 : vector<256xf32> to vector<256x1xf32>
      %eq3A_679 = arith.constant 17 : i32
      %eq3A_680 = vector.broadcast %eq3A_679 : i32 to vector<256x32xi32>
      %eq3A_681 = arith.cmpi eq, %iota3A_20, %eq3A_680 : vector<256x32xi32>
      %broadcast_in_dim3A_682 = vector.shape_cast %broadcast_in_dim3A_664 : vector<256x1xf32> to vector<256x1xf32>
      %broadcast_in_dim3A_683 = vector.broadcast %broadcast_in_dim3A_682 : vector<256x1xf32> to vector<256x32xf32>
      %select_n3A_684 = arith.select %eq3A_681, %broadcast_in_dim3A_683, %select_n3A_652 : vector<256x32xi1>, vector<256x32xf32>
      %eq3A_685 = arith.constant 17 : i32
      %eq3A_686 = vector.broadcast %eq3A_685 : i32 to vector<256x32xi32>
      %eq3A_687 = arith.cmpi eq, %iota3A_20, %eq3A_686 : vector<256x32xi32>
      %broadcast_in_dim3A_688 = vector.shape_cast %broadcast_in_dim3A_678 : vector<256x1xf32> to vector<256x1xf32>
      %broadcast_in_dim3A_689 = vector.broadcast %broadcast_in_dim3A_688 : vector<256x1xf32> to vector<256x32xf32>
      %select_n3A_690 = arith.select %eq3A_687, %broadcast_in_dim3A_689, %select_n3A_658 : vector<256x32xi1>, vector<256x32xf32>
      %jit3A_691 = arith.constant 0x7F800000 : f32
      %broadcast_in_dim3A_692 = vector.broadcast %jit3A_691 : f32 to vector<256x288xf32>
      %select_n3A_693 = arith.select %eq3A_673, %broadcast_in_dim3A_692, %select_n3A_661 : vector<256x288xi1>, vector<256x288xf32>
      %reduce_min3A_694 = arith.constant dense<0x7F800000> : vector<256xf32>
      %reduce_min3A_695 = vector.multi_reduction <minimumf>, %select_n3A_693, %reduce_min3A_694 [1] : vector<256x288xf32> to vector<256xf32>
      %broadcast_in_dim3A_696 = vector.shape_cast %reduce_min3A_695 : vector<256xf32> to vector<256x1xf32>
      %eq3A_697 = vector.broadcast %broadcast_in_dim3A_696 : vector<256x1xf32> to vector<256x288xf32>
      %eq3A_698 = arith.cmpf oeq, %select_n3A_693, %eq3A_697 : vector<256x288xf32>
      %broadcast_in_dim3A_699 = vector.broadcast %while3A : f32 to vector<256x288xf32>
      %select_n3A_700 = arith.select %eq3A_698, %convert_element_type3A, %broadcast_in_dim3A_699 : vector<256x288xi1>, vector<256x288xf32>
      %reduce_min3A_701 = arith.constant dense<0x7F800000> : vector<256xf32>
      %reduce_min3A_702 = vector.multi_reduction <minimumf>, %select_n3A_700, %reduce_min3A_701 [1] : vector<256x288xf32> to vector<256xf32>
      %broadcast_in_dim3A_703 = vector.shape_cast %reduce_min3A_702 : vector<256xf32> to vector<256x1xf32>
      %eq3A_704 = vector.broadcast %broadcast_in_dim3A_703 : vector<256x1xf32> to vector<256x288xf32>
      %eq3A_705 = arith.cmpf oeq, %convert_element_type3A, %eq3A_704 : vector<256x288xf32>
      %broadcast_in_dim3A_706 = vector.broadcast %while3A : f32 to vector<256x288xf32>
      %select_n3A_707 = arith.select %eq3A_705, %concatenate3A_114, %broadcast_in_dim3A_706 : vector<256x288xi1>, vector<256x288xf32>
      %reduce_min3A_708 = arith.constant dense<0x7F800000> : vector<256xf32>
      %reduce_min3A_709 = vector.multi_reduction <minimumf>, %select_n3A_707, %reduce_min3A_708 [1] : vector<256x288xf32> to vector<256xf32>
      %broadcast_in_dim3A_710 = vector.shape_cast %reduce_min3A_709 : vector<256xf32> to vector<256x1xf32>
      %eq3A_711 = arith.constant 18 : i32
      %eq3A_712 = vector.broadcast %eq3A_711 : i32 to vector<256x32xi32>
      %eq3A_713 = arith.cmpi eq, %iota3A_20, %eq3A_712 : vector<256x32xi32>
      %broadcast_in_dim3A_714 = vector.shape_cast %broadcast_in_dim3A_696 : vector<256x1xf32> to vector<256x1xf32>
      %broadcast_in_dim3A_715 = vector.broadcast %broadcast_in_dim3A_714 : vector<256x1xf32> to vector<256x32xf32>
      %select_n3A_716 = arith.select %eq3A_713, %broadcast_in_dim3A_715, %select_n3A_684 : vector<256x32xi1>, vector<256x32xf32>
      %eq3A_717 = arith.constant 18 : i32
      %eq3A_718 = vector.broadcast %eq3A_717 : i32 to vector<256x32xi32>
      %eq3A_719 = arith.cmpi eq, %iota3A_20, %eq3A_718 : vector<256x32xi32>
      %broadcast_in_dim3A_720 = vector.shape_cast %broadcast_in_dim3A_710 : vector<256x1xf32> to vector<256x1xf32>
      %broadcast_in_dim3A_721 = vector.broadcast %broadcast_in_dim3A_720 : vector<256x1xf32> to vector<256x32xf32>
      %select_n3A_722 = arith.select %eq3A_719, %broadcast_in_dim3A_721, %select_n3A_690 : vector<256x32xi1>, vector<256x32xf32>
      %jit3A_723 = arith.constant 0x7F800000 : f32
      %broadcast_in_dim3A_724 = vector.broadcast %jit3A_723 : f32 to vector<256x288xf32>
      %select_n3A_725 = arith.select %eq3A_705, %broadcast_in_dim3A_724, %select_n3A_693 : vector<256x288xi1>, vector<256x288xf32>
      %reduce_min3A_726 = arith.constant dense<0x7F800000> : vector<256xf32>
      %reduce_min3A_727 = vector.multi_reduction <minimumf>, %select_n3A_725, %reduce_min3A_726 [1] : vector<256x288xf32> to vector<256xf32>
      %broadcast_in_dim3A_728 = vector.shape_cast %reduce_min3A_727 : vector<256xf32> to vector<256x1xf32>
      %eq3A_729 = vector.broadcast %broadcast_in_dim3A_728 : vector<256x1xf32> to vector<256x288xf32>
      %eq3A_730 = arith.cmpf oeq, %select_n3A_725, %eq3A_729 : vector<256x288xf32>
      %broadcast_in_dim3A_731 = vector.broadcast %while3A : f32 to vector<256x288xf32>
      %select_n3A_732 = arith.select %eq3A_730, %convert_element_type3A, %broadcast_in_dim3A_731 : vector<256x288xi1>, vector<256x288xf32>
      %reduce_min3A_733 = arith.constant dense<0x7F800000> : vector<256xf32>
      %reduce_min3A_734 = vector.multi_reduction <minimumf>, %select_n3A_732, %reduce_min3A_733 [1] : vector<256x288xf32> to vector<256xf32>
      %broadcast_in_dim3A_735 = vector.shape_cast %reduce_min3A_734 : vector<256xf32> to vector<256x1xf32>
      %eq3A_736 = vector.broadcast %broadcast_in_dim3A_735 : vector<256x1xf32> to vector<256x288xf32>
      %eq3A_737 = arith.cmpf oeq, %convert_element_type3A, %eq3A_736 : vector<256x288xf32>
      %broadcast_in_dim3A_738 = vector.broadcast %while3A : f32 to vector<256x288xf32>
      %select_n3A_739 = arith.select %eq3A_737, %concatenate3A_114, %broadcast_in_dim3A_738 : vector<256x288xi1>, vector<256x288xf32>
      %reduce_min3A_740 = arith.constant dense<0x7F800000> : vector<256xf32>
      %reduce_min3A_741 = vector.multi_reduction <minimumf>, %select_n3A_739, %reduce_min3A_740 [1] : vector<256x288xf32> to vector<256xf32>
      %broadcast_in_dim3A_742 = vector.shape_cast %reduce_min3A_741 : vector<256xf32> to vector<256x1xf32>
      %eq3A_743 = arith.constant 19 : i32
      %eq3A_744 = vector.broadcast %eq3A_743 : i32 to vector<256x32xi32>
      %eq3A_745 = arith.cmpi eq, %iota3A_20, %eq3A_744 : vector<256x32xi32>
      %broadcast_in_dim3A_746 = vector.shape_cast %broadcast_in_dim3A_728 : vector<256x1xf32> to vector<256x1xf32>
      %broadcast_in_dim3A_747 = vector.broadcast %broadcast_in_dim3A_746 : vector<256x1xf32> to vector<256x32xf32>
      %select_n3A_748 = arith.select %eq3A_745, %broadcast_in_dim3A_747, %select_n3A_716 : vector<256x32xi1>, vector<256x32xf32>
      %eq3A_749 = arith.constant 19 : i32
      %eq3A_750 = vector.broadcast %eq3A_749 : i32 to vector<256x32xi32>
      %eq3A_751 = arith.cmpi eq, %iota3A_20, %eq3A_750 : vector<256x32xi32>
      %broadcast_in_dim3A_752 = vector.shape_cast %broadcast_in_dim3A_742 : vector<256x1xf32> to vector<256x1xf32>
      %broadcast_in_dim3A_753 = vector.broadcast %broadcast_in_dim3A_752 : vector<256x1xf32> to vector<256x32xf32>
      %select_n3A_754 = arith.select %eq3A_751, %broadcast_in_dim3A_753, %select_n3A_722 : vector<256x32xi1>, vector<256x32xf32>
      %jit3A_755 = arith.constant 0x7F800000 : f32
      %broadcast_in_dim3A_756 = vector.broadcast %jit3A_755 : f32 to vector<256x288xf32>
      %select_n3A_757 = arith.select %eq3A_737, %broadcast_in_dim3A_756, %select_n3A_725 : vector<256x288xi1>, vector<256x288xf32>
      %reduce_min3A_758 = arith.constant dense<0x7F800000> : vector<256xf32>
      %reduce_min3A_759 = vector.multi_reduction <minimumf>, %select_n3A_757, %reduce_min3A_758 [1] : vector<256x288xf32> to vector<256xf32>
      %broadcast_in_dim3A_760 = vector.shape_cast %reduce_min3A_759 : vector<256xf32> to vector<256x1xf32>
      %eq3A_761 = vector.broadcast %broadcast_in_dim3A_760 : vector<256x1xf32> to vector<256x288xf32>
      %eq3A_762 = arith.cmpf oeq, %select_n3A_757, %eq3A_761 : vector<256x288xf32>
      %broadcast_in_dim3A_763 = vector.broadcast %while3A : f32 to vector<256x288xf32>
      %select_n3A_764 = arith.select %eq3A_762, %convert_element_type3A, %broadcast_in_dim3A_763 : vector<256x288xi1>, vector<256x288xf32>
      %reduce_min3A_765 = arith.constant dense<0x7F800000> : vector<256xf32>
      %reduce_min3A_766 = vector.multi_reduction <minimumf>, %select_n3A_764, %reduce_min3A_765 [1] : vector<256x288xf32> to vector<256xf32>
      %broadcast_in_dim3A_767 = vector.shape_cast %reduce_min3A_766 : vector<256xf32> to vector<256x1xf32>
      %eq3A_768 = vector.broadcast %broadcast_in_dim3A_767 : vector<256x1xf32> to vector<256x288xf32>
      %eq3A_769 = arith.cmpf oeq, %convert_element_type3A, %eq3A_768 : vector<256x288xf32>
      %broadcast_in_dim3A_770 = vector.broadcast %while3A : f32 to vector<256x288xf32>
      %select_n3A_771 = arith.select %eq3A_769, %concatenate3A_114, %broadcast_in_dim3A_770 : vector<256x288xi1>, vector<256x288xf32>
      %reduce_min3A_772 = arith.constant dense<0x7F800000> : vector<256xf32>
      %reduce_min3A_773 = vector.multi_reduction <minimumf>, %select_n3A_771, %reduce_min3A_772 [1] : vector<256x288xf32> to vector<256xf32>
      %broadcast_in_dim3A_774 = vector.shape_cast %reduce_min3A_773 : vector<256xf32> to vector<256x1xf32>
      %eq3A_775 = arith.constant 20 : i32
      %eq3A_776 = vector.broadcast %eq3A_775 : i32 to vector<256x32xi32>
      %eq3A_777 = arith.cmpi eq, %iota3A_20, %eq3A_776 : vector<256x32xi32>
      %broadcast_in_dim3A_778 = vector.shape_cast %broadcast_in_dim3A_760 : vector<256x1xf32> to vector<256x1xf32>
      %broadcast_in_dim3A_779 = vector.broadcast %broadcast_in_dim3A_778 : vector<256x1xf32> to vector<256x32xf32>
      %select_n3A_780 = arith.select %eq3A_777, %broadcast_in_dim3A_779, %select_n3A_748 : vector<256x32xi1>, vector<256x32xf32>
      %eq3A_781 = arith.constant 20 : i32
      %eq3A_782 = vector.broadcast %eq3A_781 : i32 to vector<256x32xi32>
      %eq3A_783 = arith.cmpi eq, %iota3A_20, %eq3A_782 : vector<256x32xi32>
      %broadcast_in_dim3A_784 = vector.shape_cast %broadcast_in_dim3A_774 : vector<256x1xf32> to vector<256x1xf32>
      %broadcast_in_dim3A_785 = vector.broadcast %broadcast_in_dim3A_784 : vector<256x1xf32> to vector<256x32xf32>
      %select_n3A_786 = arith.select %eq3A_783, %broadcast_in_dim3A_785, %select_n3A_754 : vector<256x32xi1>, vector<256x32xf32>
      %jit3A_787 = arith.constant 0x7F800000 : f32
      %broadcast_in_dim3A_788 = vector.broadcast %jit3A_787 : f32 to vector<256x288xf32>
      %select_n3A_789 = arith.select %eq3A_769, %broadcast_in_dim3A_788, %select_n3A_757 : vector<256x288xi1>, vector<256x288xf32>
      %reduce_min3A_790 = arith.constant dense<0x7F800000> : vector<256xf32>
      %reduce_min3A_791 = vector.multi_reduction <minimumf>, %select_n3A_789, %reduce_min3A_790 [1] : vector<256x288xf32> to vector<256xf32>
      %broadcast_in_dim3A_792 = vector.shape_cast %reduce_min3A_791 : vector<256xf32> to vector<256x1xf32>
      %eq3A_793 = vector.broadcast %broadcast_in_dim3A_792 : vector<256x1xf32> to vector<256x288xf32>
      %eq3A_794 = arith.cmpf oeq, %select_n3A_789, %eq3A_793 : vector<256x288xf32>
      %broadcast_in_dim3A_795 = vector.broadcast %while3A : f32 to vector<256x288xf32>
      %select_n3A_796 = arith.select %eq3A_794, %convert_element_type3A, %broadcast_in_dim3A_795 : vector<256x288xi1>, vector<256x288xf32>
      %reduce_min3A_797 = arith.constant dense<0x7F800000> : vector<256xf32>
      %reduce_min3A_798 = vector.multi_reduction <minimumf>, %select_n3A_796, %reduce_min3A_797 [1] : vector<256x288xf32> to vector<256xf32>
      %broadcast_in_dim3A_799 = vector.shape_cast %reduce_min3A_798 : vector<256xf32> to vector<256x1xf32>
      %eq3A_800 = vector.broadcast %broadcast_in_dim3A_799 : vector<256x1xf32> to vector<256x288xf32>
      %eq3A_801 = arith.cmpf oeq, %convert_element_type3A, %eq3A_800 : vector<256x288xf32>
      %broadcast_in_dim3A_802 = vector.broadcast %while3A : f32 to vector<256x288xf32>
      %select_n3A_803 = arith.select %eq3A_801, %concatenate3A_114, %broadcast_in_dim3A_802 : vector<256x288xi1>, vector<256x288xf32>
      %reduce_min3A_804 = arith.constant dense<0x7F800000> : vector<256xf32>
      %reduce_min3A_805 = vector.multi_reduction <minimumf>, %select_n3A_803, %reduce_min3A_804 [1] : vector<256x288xf32> to vector<256xf32>
      %broadcast_in_dim3A_806 = vector.shape_cast %reduce_min3A_805 : vector<256xf32> to vector<256x1xf32>
      %eq3A_807 = arith.constant 21 : i32
      %eq3A_808 = vector.broadcast %eq3A_807 : i32 to vector<256x32xi32>
      %eq3A_809 = arith.cmpi eq, %iota3A_20, %eq3A_808 : vector<256x32xi32>
      %broadcast_in_dim3A_810 = vector.shape_cast %broadcast_in_dim3A_792 : vector<256x1xf32> to vector<256x1xf32>
      %broadcast_in_dim3A_811 = vector.broadcast %broadcast_in_dim3A_810 : vector<256x1xf32> to vector<256x32xf32>
      %select_n3A_812 = arith.select %eq3A_809, %broadcast_in_dim3A_811, %select_n3A_780 : vector<256x32xi1>, vector<256x32xf32>
      %eq3A_813 = arith.constant 21 : i32
      %eq3A_814 = vector.broadcast %eq3A_813 : i32 to vector<256x32xi32>
      %eq3A_815 = arith.cmpi eq, %iota3A_20, %eq3A_814 : vector<256x32xi32>
      %broadcast_in_dim3A_816 = vector.shape_cast %broadcast_in_dim3A_806 : vector<256x1xf32> to vector<256x1xf32>
      %broadcast_in_dim3A_817 = vector.broadcast %broadcast_in_dim3A_816 : vector<256x1xf32> to vector<256x32xf32>
      %select_n3A_818 = arith.select %eq3A_815, %broadcast_in_dim3A_817, %select_n3A_786 : vector<256x32xi1>, vector<256x32xf32>
      %jit3A_819 = arith.constant 0x7F800000 : f32
      %broadcast_in_dim3A_820 = vector.broadcast %jit3A_819 : f32 to vector<256x288xf32>
      %select_n3A_821 = arith.select %eq3A_801, %broadcast_in_dim3A_820, %select_n3A_789 : vector<256x288xi1>, vector<256x288xf32>
      %reduce_min3A_822 = arith.constant dense<0x7F800000> : vector<256xf32>
      %reduce_min3A_823 = vector.multi_reduction <minimumf>, %select_n3A_821, %reduce_min3A_822 [1] : vector<256x288xf32> to vector<256xf32>
      %broadcast_in_dim3A_824 = vector.shape_cast %reduce_min3A_823 : vector<256xf32> to vector<256x1xf32>
      %eq3A_825 = vector.broadcast %broadcast_in_dim3A_824 : vector<256x1xf32> to vector<256x288xf32>
      %eq3A_826 = arith.cmpf oeq, %select_n3A_821, %eq3A_825 : vector<256x288xf32>
      %broadcast_in_dim3A_827 = vector.broadcast %while3A : f32 to vector<256x288xf32>
      %select_n3A_828 = arith.select %eq3A_826, %convert_element_type3A, %broadcast_in_dim3A_827 : vector<256x288xi1>, vector<256x288xf32>
      %reduce_min3A_829 = arith.constant dense<0x7F800000> : vector<256xf32>
      %reduce_min3A_830 = vector.multi_reduction <minimumf>, %select_n3A_828, %reduce_min3A_829 [1] : vector<256x288xf32> to vector<256xf32>
      %broadcast_in_dim3A_831 = vector.shape_cast %reduce_min3A_830 : vector<256xf32> to vector<256x1xf32>
      %eq3A_832 = vector.broadcast %broadcast_in_dim3A_831 : vector<256x1xf32> to vector<256x288xf32>
      %eq3A_833 = arith.cmpf oeq, %convert_element_type3A, %eq3A_832 : vector<256x288xf32>
      %broadcast_in_dim3A_834 = vector.broadcast %while3A : f32 to vector<256x288xf32>
      %select_n3A_835 = arith.select %eq3A_833, %concatenate3A_114, %broadcast_in_dim3A_834 : vector<256x288xi1>, vector<256x288xf32>
      %reduce_min3A_836 = arith.constant dense<0x7F800000> : vector<256xf32>
      %reduce_min3A_837 = vector.multi_reduction <minimumf>, %select_n3A_835, %reduce_min3A_836 [1] : vector<256x288xf32> to vector<256xf32>
      %broadcast_in_dim3A_838 = vector.shape_cast %reduce_min3A_837 : vector<256xf32> to vector<256x1xf32>
      %eq3A_839 = arith.constant 22 : i32
      %eq3A_840 = vector.broadcast %eq3A_839 : i32 to vector<256x32xi32>
      %eq3A_841 = arith.cmpi eq, %iota3A_20, %eq3A_840 : vector<256x32xi32>
      %broadcast_in_dim3A_842 = vector.shape_cast %broadcast_in_dim3A_824 : vector<256x1xf32> to vector<256x1xf32>
      %broadcast_in_dim3A_843 = vector.broadcast %broadcast_in_dim3A_842 : vector<256x1xf32> to vector<256x32xf32>
      %select_n3A_844 = arith.select %eq3A_841, %broadcast_in_dim3A_843, %select_n3A_812 : vector<256x32xi1>, vector<256x32xf32>
      %eq3A_845 = arith.constant 22 : i32
      %eq3A_846 = vector.broadcast %eq3A_845 : i32 to vector<256x32xi32>
      %eq3A_847 = arith.cmpi eq, %iota3A_20, %eq3A_846 : vector<256x32xi32>
      %broadcast_in_dim3A_848 = vector.shape_cast %broadcast_in_dim3A_838 : vector<256x1xf32> to vector<256x1xf32>
      %broadcast_in_dim3A_849 = vector.broadcast %broadcast_in_dim3A_848 : vector<256x1xf32> to vector<256x32xf32>
      %select_n3A_850 = arith.select %eq3A_847, %broadcast_in_dim3A_849, %select_n3A_818 : vector<256x32xi1>, vector<256x32xf32>
      %jit3A_851 = arith.constant 0x7F800000 : f32
      %broadcast_in_dim3A_852 = vector.broadcast %jit3A_851 : f32 to vector<256x288xf32>
      %select_n3A_853 = arith.select %eq3A_833, %broadcast_in_dim3A_852, %select_n3A_821 : vector<256x288xi1>, vector<256x288xf32>
      %reduce_min3A_854 = arith.constant dense<0x7F800000> : vector<256xf32>
      %reduce_min3A_855 = vector.multi_reduction <minimumf>, %select_n3A_853, %reduce_min3A_854 [1] : vector<256x288xf32> to vector<256xf32>
      %broadcast_in_dim3A_856 = vector.shape_cast %reduce_min3A_855 : vector<256xf32> to vector<256x1xf32>
      %eq3A_857 = vector.broadcast %broadcast_in_dim3A_856 : vector<256x1xf32> to vector<256x288xf32>
      %eq3A_858 = arith.cmpf oeq, %select_n3A_853, %eq3A_857 : vector<256x288xf32>
      %broadcast_in_dim3A_859 = vector.broadcast %while3A : f32 to vector<256x288xf32>
      %select_n3A_860 = arith.select %eq3A_858, %convert_element_type3A, %broadcast_in_dim3A_859 : vector<256x288xi1>, vector<256x288xf32>
      %reduce_min3A_861 = arith.constant dense<0x7F800000> : vector<256xf32>
      %reduce_min3A_862 = vector.multi_reduction <minimumf>, %select_n3A_860, %reduce_min3A_861 [1] : vector<256x288xf32> to vector<256xf32>
      %broadcast_in_dim3A_863 = vector.shape_cast %reduce_min3A_862 : vector<256xf32> to vector<256x1xf32>
      %eq3A_864 = vector.broadcast %broadcast_in_dim3A_863 : vector<256x1xf32> to vector<256x288xf32>
      %eq3A_865 = arith.cmpf oeq, %convert_element_type3A, %eq3A_864 : vector<256x288xf32>
      %broadcast_in_dim3A_866 = vector.broadcast %while3A : f32 to vector<256x288xf32>
      %select_n3A_867 = arith.select %eq3A_865, %concatenate3A_114, %broadcast_in_dim3A_866 : vector<256x288xi1>, vector<256x288xf32>
      %reduce_min3A_868 = arith.constant dense<0x7F800000> : vector<256xf32>
      %reduce_min3A_869 = vector.multi_reduction <minimumf>, %select_n3A_867, %reduce_min3A_868 [1] : vector<256x288xf32> to vector<256xf32>
      %broadcast_in_dim3A_870 = vector.shape_cast %reduce_min3A_869 : vector<256xf32> to vector<256x1xf32>
      %eq3A_871 = arith.constant 23 : i32
      %eq3A_872 = vector.broadcast %eq3A_871 : i32 to vector<256x32xi32>
      %eq3A_873 = arith.cmpi eq, %iota3A_20, %eq3A_872 : vector<256x32xi32>
      %broadcast_in_dim3A_874 = vector.shape_cast %broadcast_in_dim3A_856 : vector<256x1xf32> to vector<256x1xf32>
      %broadcast_in_dim3A_875 = vector.broadcast %broadcast_in_dim3A_874 : vector<256x1xf32> to vector<256x32xf32>
      %select_n3A_876 = arith.select %eq3A_873, %broadcast_in_dim3A_875, %select_n3A_844 : vector<256x32xi1>, vector<256x32xf32>
      %eq3A_877 = arith.constant 23 : i32
      %eq3A_878 = vector.broadcast %eq3A_877 : i32 to vector<256x32xi32>
      %eq3A_879 = arith.cmpi eq, %iota3A_20, %eq3A_878 : vector<256x32xi32>
      %broadcast_in_dim3A_880 = vector.shape_cast %broadcast_in_dim3A_870 : vector<256x1xf32> to vector<256x1xf32>
      %broadcast_in_dim3A_881 = vector.broadcast %broadcast_in_dim3A_880 : vector<256x1xf32> to vector<256x32xf32>
      %select_n3A_882 = arith.select %eq3A_879, %broadcast_in_dim3A_881, %select_n3A_850 : vector<256x32xi1>, vector<256x32xf32>
      %jit3A_883 = arith.constant 0x7F800000 : f32
      %broadcast_in_dim3A_884 = vector.broadcast %jit3A_883 : f32 to vector<256x288xf32>
      %select_n3A_885 = arith.select %eq3A_865, %broadcast_in_dim3A_884, %select_n3A_853 : vector<256x288xi1>, vector<256x288xf32>
      %reduce_min3A_886 = arith.constant dense<0x7F800000> : vector<256xf32>
      %reduce_min3A_887 = vector.multi_reduction <minimumf>, %select_n3A_885, %reduce_min3A_886 [1] : vector<256x288xf32> to vector<256xf32>
      %broadcast_in_dim3A_888 = vector.shape_cast %reduce_min3A_887 : vector<256xf32> to vector<256x1xf32>
      %eq3A_889 = vector.broadcast %broadcast_in_dim3A_888 : vector<256x1xf32> to vector<256x288xf32>
      %eq3A_890 = arith.cmpf oeq, %select_n3A_885, %eq3A_889 : vector<256x288xf32>
      %broadcast_in_dim3A_891 = vector.broadcast %while3A : f32 to vector<256x288xf32>
      %select_n3A_892 = arith.select %eq3A_890, %convert_element_type3A, %broadcast_in_dim3A_891 : vector<256x288xi1>, vector<256x288xf32>
      %reduce_min3A_893 = arith.constant dense<0x7F800000> : vector<256xf32>
      %reduce_min3A_894 = vector.multi_reduction <minimumf>, %select_n3A_892, %reduce_min3A_893 [1] : vector<256x288xf32> to vector<256xf32>
      %broadcast_in_dim3A_895 = vector.shape_cast %reduce_min3A_894 : vector<256xf32> to vector<256x1xf32>
      %eq3A_896 = vector.broadcast %broadcast_in_dim3A_895 : vector<256x1xf32> to vector<256x288xf32>
      %eq3A_897 = arith.cmpf oeq, %convert_element_type3A, %eq3A_896 : vector<256x288xf32>
      %broadcast_in_dim3A_898 = vector.broadcast %while3A : f32 to vector<256x288xf32>
      %select_n3A_899 = arith.select %eq3A_897, %concatenate3A_114, %broadcast_in_dim3A_898 : vector<256x288xi1>, vector<256x288xf32>
      %reduce_min3A_900 = arith.constant dense<0x7F800000> : vector<256xf32>
      %reduce_min3A_901 = vector.multi_reduction <minimumf>, %select_n3A_899, %reduce_min3A_900 [1] : vector<256x288xf32> to vector<256xf32>
      %broadcast_in_dim3A_902 = vector.shape_cast %reduce_min3A_901 : vector<256xf32> to vector<256x1xf32>
      %eq3A_903 = arith.constant 24 : i32
      %eq3A_904 = vector.broadcast %eq3A_903 : i32 to vector<256x32xi32>
      %eq3A_905 = arith.cmpi eq, %iota3A_20, %eq3A_904 : vector<256x32xi32>
      %broadcast_in_dim3A_906 = vector.shape_cast %broadcast_in_dim3A_888 : vector<256x1xf32> to vector<256x1xf32>
      %broadcast_in_dim3A_907 = vector.broadcast %broadcast_in_dim3A_906 : vector<256x1xf32> to vector<256x32xf32>
      %select_n3A_908 = arith.select %eq3A_905, %broadcast_in_dim3A_907, %select_n3A_876 : vector<256x32xi1>, vector<256x32xf32>
      %eq3A_909 = arith.constant 24 : i32
      %eq3A_910 = vector.broadcast %eq3A_909 : i32 to vector<256x32xi32>
      %eq3A_911 = arith.cmpi eq, %iota3A_20, %eq3A_910 : vector<256x32xi32>
      %broadcast_in_dim3A_912 = vector.shape_cast %broadcast_in_dim3A_902 : vector<256x1xf32> to vector<256x1xf32>
      %broadcast_in_dim3A_913 = vector.broadcast %broadcast_in_dim3A_912 : vector<256x1xf32> to vector<256x32xf32>
      %select_n3A_914 = arith.select %eq3A_911, %broadcast_in_dim3A_913, %select_n3A_882 : vector<256x32xi1>, vector<256x32xf32>
      %jit3A_915 = arith.constant 0x7F800000 : f32
      %broadcast_in_dim3A_916 = vector.broadcast %jit3A_915 : f32 to vector<256x288xf32>
      %select_n3A_917 = arith.select %eq3A_897, %broadcast_in_dim3A_916, %select_n3A_885 : vector<256x288xi1>, vector<256x288xf32>
      %reduce_min3A_918 = arith.constant dense<0x7F800000> : vector<256xf32>
      %reduce_min3A_919 = vector.multi_reduction <minimumf>, %select_n3A_917, %reduce_min3A_918 [1] : vector<256x288xf32> to vector<256xf32>
      %broadcast_in_dim3A_920 = vector.shape_cast %reduce_min3A_919 : vector<256xf32> to vector<256x1xf32>
      %eq3A_921 = vector.broadcast %broadcast_in_dim3A_920 : vector<256x1xf32> to vector<256x288xf32>
      %eq3A_922 = arith.cmpf oeq, %select_n3A_917, %eq3A_921 : vector<256x288xf32>
      %broadcast_in_dim3A_923 = vector.broadcast %while3A : f32 to vector<256x288xf32>
      %select_n3A_924 = arith.select %eq3A_922, %convert_element_type3A, %broadcast_in_dim3A_923 : vector<256x288xi1>, vector<256x288xf32>
      %reduce_min3A_925 = arith.constant dense<0x7F800000> : vector<256xf32>
      %reduce_min3A_926 = vector.multi_reduction <minimumf>, %select_n3A_924, %reduce_min3A_925 [1] : vector<256x288xf32> to vector<256xf32>
      %broadcast_in_dim3A_927 = vector.shape_cast %reduce_min3A_926 : vector<256xf32> to vector<256x1xf32>
      %eq3A_928 = vector.broadcast %broadcast_in_dim3A_927 : vector<256x1xf32> to vector<256x288xf32>
      %eq3A_929 = arith.cmpf oeq, %convert_element_type3A, %eq3A_928 : vector<256x288xf32>
      %broadcast_in_dim3A_930 = vector.broadcast %while3A : f32 to vector<256x288xf32>
      %select_n3A_931 = arith.select %eq3A_929, %concatenate3A_114, %broadcast_in_dim3A_930 : vector<256x288xi1>, vector<256x288xf32>
      %reduce_min3A_932 = arith.constant dense<0x7F800000> : vector<256xf32>
      %reduce_min3A_933 = vector.multi_reduction <minimumf>, %select_n3A_931, %reduce_min3A_932 [1] : vector<256x288xf32> to vector<256xf32>
      %broadcast_in_dim3A_934 = vector.shape_cast %reduce_min3A_933 : vector<256xf32> to vector<256x1xf32>
      %eq3A_935 = arith.constant 25 : i32
      %eq3A_936 = vector.broadcast %eq3A_935 : i32 to vector<256x32xi32>
      %eq3A_937 = arith.cmpi eq, %iota3A_20, %eq3A_936 : vector<256x32xi32>
      %broadcast_in_dim3A_938 = vector.shape_cast %broadcast_in_dim3A_920 : vector<256x1xf32> to vector<256x1xf32>
      %broadcast_in_dim3A_939 = vector.broadcast %broadcast_in_dim3A_938 : vector<256x1xf32> to vector<256x32xf32>
      %select_n3A_940 = arith.select %eq3A_937, %broadcast_in_dim3A_939, %select_n3A_908 : vector<256x32xi1>, vector<256x32xf32>
      %eq3A_941 = arith.constant 25 : i32
      %eq3A_942 = vector.broadcast %eq3A_941 : i32 to vector<256x32xi32>
      %eq3A_943 = arith.cmpi eq, %iota3A_20, %eq3A_942 : vector<256x32xi32>
      %broadcast_in_dim3A_944 = vector.shape_cast %broadcast_in_dim3A_934 : vector<256x1xf32> to vector<256x1xf32>
      %broadcast_in_dim3A_945 = vector.broadcast %broadcast_in_dim3A_944 : vector<256x1xf32> to vector<256x32xf32>
      %select_n3A_946 = arith.select %eq3A_943, %broadcast_in_dim3A_945, %select_n3A_914 : vector<256x32xi1>, vector<256x32xf32>
      %jit3A_947 = arith.constant 0x7F800000 : f32
      %broadcast_in_dim3A_948 = vector.broadcast %jit3A_947 : f32 to vector<256x288xf32>
      %select_n3A_949 = arith.select %eq3A_929, %broadcast_in_dim3A_948, %select_n3A_917 : vector<256x288xi1>, vector<256x288xf32>
      %reduce_min3A_950 = arith.constant dense<0x7F800000> : vector<256xf32>
      %reduce_min3A_951 = vector.multi_reduction <minimumf>, %select_n3A_949, %reduce_min3A_950 [1] : vector<256x288xf32> to vector<256xf32>
      %broadcast_in_dim3A_952 = vector.shape_cast %reduce_min3A_951 : vector<256xf32> to vector<256x1xf32>
      %eq3A_953 = vector.broadcast %broadcast_in_dim3A_952 : vector<256x1xf32> to vector<256x288xf32>
      %eq3A_954 = arith.cmpf oeq, %select_n3A_949, %eq3A_953 : vector<256x288xf32>
      %broadcast_in_dim3A_955 = vector.broadcast %while3A : f32 to vector<256x288xf32>
      %select_n3A_956 = arith.select %eq3A_954, %convert_element_type3A, %broadcast_in_dim3A_955 : vector<256x288xi1>, vector<256x288xf32>
      %reduce_min3A_957 = arith.constant dense<0x7F800000> : vector<256xf32>
      %reduce_min3A_958 = vector.multi_reduction <minimumf>, %select_n3A_956, %reduce_min3A_957 [1] : vector<256x288xf32> to vector<256xf32>
      %broadcast_in_dim3A_959 = vector.shape_cast %reduce_min3A_958 : vector<256xf32> to vector<256x1xf32>
      %eq3A_960 = vector.broadcast %broadcast_in_dim3A_959 : vector<256x1xf32> to vector<256x288xf32>
      %eq3A_961 = arith.cmpf oeq, %convert_element_type3A, %eq3A_960 : vector<256x288xf32>
      %broadcast_in_dim3A_962 = vector.broadcast %while3A : f32 to vector<256x288xf32>
      %select_n3A_963 = arith.select %eq3A_961, %concatenate3A_114, %broadcast_in_dim3A_962 : vector<256x288xi1>, vector<256x288xf32>
      %reduce_min3A_964 = arith.constant dense<0x7F800000> : vector<256xf32>
      %reduce_min3A_965 = vector.multi_reduction <minimumf>, %select_n3A_963, %reduce_min3A_964 [1] : vector<256x288xf32> to vector<256xf32>
      %broadcast_in_dim3A_966 = vector.shape_cast %reduce_min3A_965 : vector<256xf32> to vector<256x1xf32>
      %eq3A_967 = arith.constant 26 : i32
      %eq3A_968 = vector.broadcast %eq3A_967 : i32 to vector<256x32xi32>
      %eq3A_969 = arith.cmpi eq, %iota3A_20, %eq3A_968 : vector<256x32xi32>
      %broadcast_in_dim3A_970 = vector.shape_cast %broadcast_in_dim3A_952 : vector<256x1xf32> to vector<256x1xf32>
      %broadcast_in_dim3A_971 = vector.broadcast %broadcast_in_dim3A_970 : vector<256x1xf32> to vector<256x32xf32>
      %select_n3A_972 = arith.select %eq3A_969, %broadcast_in_dim3A_971, %select_n3A_940 : vector<256x32xi1>, vector<256x32xf32>
      %eq3A_973 = arith.constant 26 : i32
      %eq3A_974 = vector.broadcast %eq3A_973 : i32 to vector<256x32xi32>
      %eq3A_975 = arith.cmpi eq, %iota3A_20, %eq3A_974 : vector<256x32xi32>
      %broadcast_in_dim3A_976 = vector.shape_cast %broadcast_in_dim3A_966 : vector<256x1xf32> to vector<256x1xf32>
      %broadcast_in_dim3A_977 = vector.broadcast %broadcast_in_dim3A_976 : vector<256x1xf32> to vector<256x32xf32>
      %select_n3A_978 = arith.select %eq3A_975, %broadcast_in_dim3A_977, %select_n3A_946 : vector<256x32xi1>, vector<256x32xf32>
      %jit3A_979 = arith.constant 0x7F800000 : f32
      %broadcast_in_dim3A_980 = vector.broadcast %jit3A_979 : f32 to vector<256x288xf32>
      %select_n3A_981 = arith.select %eq3A_961, %broadcast_in_dim3A_980, %select_n3A_949 : vector<256x288xi1>, vector<256x288xf32>
      %reduce_min3A_982 = arith.constant dense<0x7F800000> : vector<256xf32>
      %reduce_min3A_983 = vector.multi_reduction <minimumf>, %select_n3A_981, %reduce_min3A_982 [1] : vector<256x288xf32> to vector<256xf32>
      %broadcast_in_dim3A_984 = vector.shape_cast %reduce_min3A_983 : vector<256xf32> to vector<256x1xf32>
      %eq3A_985 = vector.broadcast %broadcast_in_dim3A_984 : vector<256x1xf32> to vector<256x288xf32>
      %eq3A_986 = arith.cmpf oeq, %select_n3A_981, %eq3A_985 : vector<256x288xf32>
      %broadcast_in_dim3A_987 = vector.broadcast %while3A : f32 to vector<256x288xf32>
      %select_n3A_988 = arith.select %eq3A_986, %convert_element_type3A, %broadcast_in_dim3A_987 : vector<256x288xi1>, vector<256x288xf32>
      %reduce_min3A_989 = arith.constant dense<0x7F800000> : vector<256xf32>
      %reduce_min3A_990 = vector.multi_reduction <minimumf>, %select_n3A_988, %reduce_min3A_989 [1] : vector<256x288xf32> to vector<256xf32>
      %broadcast_in_dim3A_991 = vector.shape_cast %reduce_min3A_990 : vector<256xf32> to vector<256x1xf32>
      %eq3A_992 = vector.broadcast %broadcast_in_dim3A_991 : vector<256x1xf32> to vector<256x288xf32>
      %eq3A_993 = arith.cmpf oeq, %convert_element_type3A, %eq3A_992 : vector<256x288xf32>
      %broadcast_in_dim3A_994 = vector.broadcast %while3A : f32 to vector<256x288xf32>
      %select_n3A_995 = arith.select %eq3A_993, %concatenate3A_114, %broadcast_in_dim3A_994 : vector<256x288xi1>, vector<256x288xf32>
      %reduce_min3A_996 = arith.constant dense<0x7F800000> : vector<256xf32>
      %reduce_min3A_997 = vector.multi_reduction <minimumf>, %select_n3A_995, %reduce_min3A_996 [1] : vector<256x288xf32> to vector<256xf32>
      %broadcast_in_dim3A_998 = vector.shape_cast %reduce_min3A_997 : vector<256xf32> to vector<256x1xf32>
      %eq3A_999 = arith.constant 27 : i32
      %eq3A_1000 = vector.broadcast %eq3A_999 : i32 to vector<256x32xi32>
      %eq3A_1001 = arith.cmpi eq, %iota3A_20, %eq3A_1000 : vector<256x32xi32>
      %broadcast_in_dim3A_1002 = vector.shape_cast %broadcast_in_dim3A_984 : vector<256x1xf32> to vector<256x1xf32>
      %broadcast_in_dim3A_1003 = vector.broadcast %broadcast_in_dim3A_1002 : vector<256x1xf32> to vector<256x32xf32>
      %select_n3A_1004 = arith.select %eq3A_1001, %broadcast_in_dim3A_1003, %select_n3A_972 : vector<256x32xi1>, vector<256x32xf32>
      %eq3A_1005 = arith.constant 27 : i32
      %eq3A_1006 = vector.broadcast %eq3A_1005 : i32 to vector<256x32xi32>
      %eq3A_1007 = arith.cmpi eq, %iota3A_20, %eq3A_1006 : vector<256x32xi32>
      %broadcast_in_dim3A_1008 = vector.shape_cast %broadcast_in_dim3A_998 : vector<256x1xf32> to vector<256x1xf32>
      %broadcast_in_dim3A_1009 = vector.broadcast %broadcast_in_dim3A_1008 : vector<256x1xf32> to vector<256x32xf32>
      %select_n3A_1010 = arith.select %eq3A_1007, %broadcast_in_dim3A_1009, %select_n3A_978 : vector<256x32xi1>, vector<256x32xf32>
      %jit3A_1011 = arith.constant 0x7F800000 : f32
      %broadcast_in_dim3A_1012 = vector.broadcast %jit3A_1011 : f32 to vector<256x288xf32>
      %select_n3A_1013 = arith.select %eq3A_993, %broadcast_in_dim3A_1012, %select_n3A_981 : vector<256x288xi1>, vector<256x288xf32>
      %reduce_min3A_1014 = arith.constant dense<0x7F800000> : vector<256xf32>
      %reduce_min3A_1015 = vector.multi_reduction <minimumf>, %select_n3A_1013, %reduce_min3A_1014 [1] : vector<256x288xf32> to vector<256xf32>
      %broadcast_in_dim3A_1016 = vector.shape_cast %reduce_min3A_1015 : vector<256xf32> to vector<256x1xf32>
      %eq3A_1017 = vector.broadcast %broadcast_in_dim3A_1016 : vector<256x1xf32> to vector<256x288xf32>
      %eq3A_1018 = arith.cmpf oeq, %select_n3A_1013, %eq3A_1017 : vector<256x288xf32>
      %broadcast_in_dim3A_1019 = vector.broadcast %while3A : f32 to vector<256x288xf32>
      %select_n3A_1020 = arith.select %eq3A_1018, %convert_element_type3A, %broadcast_in_dim3A_1019 : vector<256x288xi1>, vector<256x288xf32>
      %reduce_min3A_1021 = arith.constant dense<0x7F800000> : vector<256xf32>
      %reduce_min3A_1022 = vector.multi_reduction <minimumf>, %select_n3A_1020, %reduce_min3A_1021 [1] : vector<256x288xf32> to vector<256xf32>
      %broadcast_in_dim3A_1023 = vector.shape_cast %reduce_min3A_1022 : vector<256xf32> to vector<256x1xf32>
      %eq3A_1024 = vector.broadcast %broadcast_in_dim3A_1023 : vector<256x1xf32> to vector<256x288xf32>
      %eq3A_1025 = arith.cmpf oeq, %convert_element_type3A, %eq3A_1024 : vector<256x288xf32>
      %broadcast_in_dim3A_1026 = vector.broadcast %while3A : f32 to vector<256x288xf32>
      %select_n3A_1027 = arith.select %eq3A_1025, %concatenate3A_114, %broadcast_in_dim3A_1026 : vector<256x288xi1>, vector<256x288xf32>
      %reduce_min3A_1028 = arith.constant dense<0x7F800000> : vector<256xf32>
      %reduce_min3A_1029 = vector.multi_reduction <minimumf>, %select_n3A_1027, %reduce_min3A_1028 [1] : vector<256x288xf32> to vector<256xf32>
      %broadcast_in_dim3A_1030 = vector.shape_cast %reduce_min3A_1029 : vector<256xf32> to vector<256x1xf32>
      %eq3A_1031 = arith.constant 28 : i32
      %eq3A_1032 = vector.broadcast %eq3A_1031 : i32 to vector<256x32xi32>
      %eq3A_1033 = arith.cmpi eq, %iota3A_20, %eq3A_1032 : vector<256x32xi32>
      %broadcast_in_dim3A_1034 = vector.shape_cast %broadcast_in_dim3A_1016 : vector<256x1xf32> to vector<256x1xf32>
      %broadcast_in_dim3A_1035 = vector.broadcast %broadcast_in_dim3A_1034 : vector<256x1xf32> to vector<256x32xf32>
      %select_n3A_1036 = arith.select %eq3A_1033, %broadcast_in_dim3A_1035, %select_n3A_1004 : vector<256x32xi1>, vector<256x32xf32>
      %eq3A_1037 = arith.constant 28 : i32
      %eq3A_1038 = vector.broadcast %eq3A_1037 : i32 to vector<256x32xi32>
      %eq3A_1039 = arith.cmpi eq, %iota3A_20, %eq3A_1038 : vector<256x32xi32>
      %broadcast_in_dim3A_1040 = vector.shape_cast %broadcast_in_dim3A_1030 : vector<256x1xf32> to vector<256x1xf32>
      %broadcast_in_dim3A_1041 = vector.broadcast %broadcast_in_dim3A_1040 : vector<256x1xf32> to vector<256x32xf32>
      %select_n3A_1042 = arith.select %eq3A_1039, %broadcast_in_dim3A_1041, %select_n3A_1010 : vector<256x32xi1>, vector<256x32xf32>
      %jit3A_1043 = arith.constant 0x7F800000 : f32
      %broadcast_in_dim3A_1044 = vector.broadcast %jit3A_1043 : f32 to vector<256x288xf32>
      %select_n3A_1045 = arith.select %eq3A_1025, %broadcast_in_dim3A_1044, %select_n3A_1013 : vector<256x288xi1>, vector<256x288xf32>
      %reduce_min3A_1046 = arith.constant dense<0x7F800000> : vector<256xf32>
      %reduce_min3A_1047 = vector.multi_reduction <minimumf>, %select_n3A_1045, %reduce_min3A_1046 [1] : vector<256x288xf32> to vector<256xf32>
      %broadcast_in_dim3A_1048 = vector.shape_cast %reduce_min3A_1047 : vector<256xf32> to vector<256x1xf32>
      %eq3A_1049 = vector.broadcast %broadcast_in_dim3A_1048 : vector<256x1xf32> to vector<256x288xf32>
      %eq3A_1050 = arith.cmpf oeq, %select_n3A_1045, %eq3A_1049 : vector<256x288xf32>
      %broadcast_in_dim3A_1051 = vector.broadcast %while3A : f32 to vector<256x288xf32>
      %select_n3A_1052 = arith.select %eq3A_1050, %convert_element_type3A, %broadcast_in_dim3A_1051 : vector<256x288xi1>, vector<256x288xf32>
      %reduce_min3A_1053 = arith.constant dense<0x7F800000> : vector<256xf32>
      %reduce_min3A_1054 = vector.multi_reduction <minimumf>, %select_n3A_1052, %reduce_min3A_1053 [1] : vector<256x288xf32> to vector<256xf32>
      %broadcast_in_dim3A_1055 = vector.shape_cast %reduce_min3A_1054 : vector<256xf32> to vector<256x1xf32>
      %eq3A_1056 = vector.broadcast %broadcast_in_dim3A_1055 : vector<256x1xf32> to vector<256x288xf32>
      %eq3A_1057 = arith.cmpf oeq, %convert_element_type3A, %eq3A_1056 : vector<256x288xf32>
      %broadcast_in_dim3A_1058 = vector.broadcast %while3A : f32 to vector<256x288xf32>
      %select_n3A_1059 = arith.select %eq3A_1057, %concatenate3A_114, %broadcast_in_dim3A_1058 : vector<256x288xi1>, vector<256x288xf32>
      %reduce_min3A_1060 = arith.constant dense<0x7F800000> : vector<256xf32>
      %reduce_min3A_1061 = vector.multi_reduction <minimumf>, %select_n3A_1059, %reduce_min3A_1060 [1] : vector<256x288xf32> to vector<256xf32>
      %broadcast_in_dim3A_1062 = vector.shape_cast %reduce_min3A_1061 : vector<256xf32> to vector<256x1xf32>
      %eq3A_1063 = arith.constant 29 : i32
      %eq3A_1064 = vector.broadcast %eq3A_1063 : i32 to vector<256x32xi32>
      %eq3A_1065 = arith.cmpi eq, %iota3A_20, %eq3A_1064 : vector<256x32xi32>
      %broadcast_in_dim3A_1066 = vector.shape_cast %broadcast_in_dim3A_1048 : vector<256x1xf32> to vector<256x1xf32>
      %broadcast_in_dim3A_1067 = vector.broadcast %broadcast_in_dim3A_1066 : vector<256x1xf32> to vector<256x32xf32>
      %select_n3A_1068 = arith.select %eq3A_1065, %broadcast_in_dim3A_1067, %select_n3A_1036 : vector<256x32xi1>, vector<256x32xf32>
      %eq3A_1069 = arith.constant 29 : i32
      %eq3A_1070 = vector.broadcast %eq3A_1069 : i32 to vector<256x32xi32>
      %eq3A_1071 = arith.cmpi eq, %iota3A_20, %eq3A_1070 : vector<256x32xi32>
      %broadcast_in_dim3A_1072 = vector.shape_cast %broadcast_in_dim3A_1062 : vector<256x1xf32> to vector<256x1xf32>
      %broadcast_in_dim3A_1073 = vector.broadcast %broadcast_in_dim3A_1072 : vector<256x1xf32> to vector<256x32xf32>
      %select_n3A_1074 = arith.select %eq3A_1071, %broadcast_in_dim3A_1073, %select_n3A_1042 : vector<256x32xi1>, vector<256x32xf32>
      %jit3A_1075 = arith.constant 0x7F800000 : f32
      %broadcast_in_dim3A_1076 = vector.broadcast %jit3A_1075 : f32 to vector<256x288xf32>
      %select_n3A_1077 = arith.select %eq3A_1057, %broadcast_in_dim3A_1076, %select_n3A_1045 : vector<256x288xi1>, vector<256x288xf32>
      %reduce_min3A_1078 = arith.constant dense<0x7F800000> : vector<256xf32>
      %reduce_min3A_1079 = vector.multi_reduction <minimumf>, %select_n3A_1077, %reduce_min3A_1078 [1] : vector<256x288xf32> to vector<256xf32>
      %broadcast_in_dim3A_1080 = vector.shape_cast %reduce_min3A_1079 : vector<256xf32> to vector<256x1xf32>
      %eq3A_1081 = vector.broadcast %broadcast_in_dim3A_1080 : vector<256x1xf32> to vector<256x288xf32>
      %eq3A_1082 = arith.cmpf oeq, %select_n3A_1077, %eq3A_1081 : vector<256x288xf32>
      %broadcast_in_dim3A_1083 = vector.broadcast %while3A : f32 to vector<256x288xf32>
      %select_n3A_1084 = arith.select %eq3A_1082, %convert_element_type3A, %broadcast_in_dim3A_1083 : vector<256x288xi1>, vector<256x288xf32>
      %reduce_min3A_1085 = arith.constant dense<0x7F800000> : vector<256xf32>
      %reduce_min3A_1086 = vector.multi_reduction <minimumf>, %select_n3A_1084, %reduce_min3A_1085 [1] : vector<256x288xf32> to vector<256xf32>
      %broadcast_in_dim3A_1087 = vector.shape_cast %reduce_min3A_1086 : vector<256xf32> to vector<256x1xf32>
      %eq3A_1088 = vector.broadcast %broadcast_in_dim3A_1087 : vector<256x1xf32> to vector<256x288xf32>
      %eq3A_1089 = arith.cmpf oeq, %convert_element_type3A, %eq3A_1088 : vector<256x288xf32>
      %broadcast_in_dim3A_1090 = vector.broadcast %while3A : f32 to vector<256x288xf32>
      %select_n3A_1091 = arith.select %eq3A_1089, %concatenate3A_114, %broadcast_in_dim3A_1090 : vector<256x288xi1>, vector<256x288xf32>
      %reduce_min3A_1092 = arith.constant dense<0x7F800000> : vector<256xf32>
      %reduce_min3A_1093 = vector.multi_reduction <minimumf>, %select_n3A_1091, %reduce_min3A_1092 [1] : vector<256x288xf32> to vector<256xf32>
      %broadcast_in_dim3A_1094 = vector.shape_cast %reduce_min3A_1093 : vector<256xf32> to vector<256x1xf32>
      %eq3A_1095 = arith.constant 30 : i32
      %eq3A_1096 = vector.broadcast %eq3A_1095 : i32 to vector<256x32xi32>
      %eq3A_1097 = arith.cmpi eq, %iota3A_20, %eq3A_1096 : vector<256x32xi32>
      %broadcast_in_dim3A_1098 = vector.shape_cast %broadcast_in_dim3A_1080 : vector<256x1xf32> to vector<256x1xf32>
      %broadcast_in_dim3A_1099 = vector.broadcast %broadcast_in_dim3A_1098 : vector<256x1xf32> to vector<256x32xf32>
      %select_n3A_1100 = arith.select %eq3A_1097, %broadcast_in_dim3A_1099, %select_n3A_1068 : vector<256x32xi1>, vector<256x32xf32>
      %eq3A_1101 = arith.constant 30 : i32
      %eq3A_1102 = vector.broadcast %eq3A_1101 : i32 to vector<256x32xi32>
      %eq3A_1103 = arith.cmpi eq, %iota3A_20, %eq3A_1102 : vector<256x32xi32>
      %broadcast_in_dim3A_1104 = vector.shape_cast %broadcast_in_dim3A_1094 : vector<256x1xf32> to vector<256x1xf32>
      %broadcast_in_dim3A_1105 = vector.broadcast %broadcast_in_dim3A_1104 : vector<256x1xf32> to vector<256x32xf32>
      %select_n3A_1106 = arith.select %eq3A_1103, %broadcast_in_dim3A_1105, %select_n3A_1074 : vector<256x32xi1>, vector<256x32xf32>
      %jit3A_1107 = arith.constant 0x7F800000 : f32
      %broadcast_in_dim3A_1108 = vector.broadcast %jit3A_1107 : f32 to vector<256x288xf32>
      %select_n3A_1109 = arith.select %eq3A_1089, %broadcast_in_dim3A_1108, %select_n3A_1077 : vector<256x288xi1>, vector<256x288xf32>
      %reduce_min3A_1110 = arith.constant dense<0x7F800000> : vector<256xf32>
      %reduce_min3A_1111 = vector.multi_reduction <minimumf>, %select_n3A_1109, %reduce_min3A_1110 [1] : vector<256x288xf32> to vector<256xf32>
      %broadcast_in_dim3A_1112 = vector.shape_cast %reduce_min3A_1111 : vector<256xf32> to vector<256x1xf32>
      %eq3A_1113 = vector.broadcast %broadcast_in_dim3A_1112 : vector<256x1xf32> to vector<256x288xf32>
      %eq3A_1114 = arith.cmpf oeq, %select_n3A_1109, %eq3A_1113 : vector<256x288xf32>
      %broadcast_in_dim3A_1115 = vector.broadcast %while3A : f32 to vector<256x288xf32>
      %select_n3A_1116 = arith.select %eq3A_1114, %convert_element_type3A, %broadcast_in_dim3A_1115 : vector<256x288xi1>, vector<256x288xf32>
      %reduce_min3A_1117 = arith.constant dense<0x7F800000> : vector<256xf32>
      %reduce_min3A_1118 = vector.multi_reduction <minimumf>, %select_n3A_1116, %reduce_min3A_1117 [1] : vector<256x288xf32> to vector<256xf32>
      %broadcast_in_dim3A_1119 = vector.shape_cast %reduce_min3A_1118 : vector<256xf32> to vector<256x1xf32>
      %eq3A_1120 = vector.broadcast %broadcast_in_dim3A_1119 : vector<256x1xf32> to vector<256x288xf32>
      %eq3A_1121 = arith.cmpf oeq, %convert_element_type3A, %eq3A_1120 : vector<256x288xf32>
      %broadcast_in_dim3A_1122 = vector.broadcast %while3A : f32 to vector<256x288xf32>
      %select_n3A_1123 = arith.select %eq3A_1121, %concatenate3A_114, %broadcast_in_dim3A_1122 : vector<256x288xi1>, vector<256x288xf32>
      %reduce_min3A_1124 = arith.constant dense<0x7F800000> : vector<256xf32>
      %reduce_min3A_1125 = vector.multi_reduction <minimumf>, %select_n3A_1123, %reduce_min3A_1124 [1] : vector<256x288xf32> to vector<256xf32>
      %broadcast_in_dim3A_1126 = vector.shape_cast %reduce_min3A_1125 : vector<256xf32> to vector<256x1xf32>
      %eq3A_1127 = arith.constant 31 : i32
      %eq3A_1128 = vector.broadcast %eq3A_1127 : i32 to vector<256x32xi32>
      %eq3A_1129 = arith.cmpi eq, %iota3A_20, %eq3A_1128 : vector<256x32xi32>
      %broadcast_in_dim3A_1130 = vector.shape_cast %broadcast_in_dim3A_1112 : vector<256x1xf32> to vector<256x1xf32>
      %broadcast_in_dim3A_1131 = vector.broadcast %broadcast_in_dim3A_1130 : vector<256x1xf32> to vector<256x32xf32>
      %select_n3A_1132 = arith.select %eq3A_1129, %broadcast_in_dim3A_1131, %select_n3A_1100 : vector<256x32xi1>, vector<256x32xf32>
      %eq3A_1133 = arith.constant 31 : i32
      %eq3A_1134 = vector.broadcast %eq3A_1133 : i32 to vector<256x32xi32>
      %eq3A_1135 = arith.cmpi eq, %iota3A_20, %eq3A_1134 : vector<256x32xi32>
      %broadcast_in_dim3A_1136 = vector.shape_cast %broadcast_in_dim3A_1126 : vector<256x1xf32> to vector<256x1xf32>
      %broadcast_in_dim3A_1137 = vector.broadcast %broadcast_in_dim3A_1136 : vector<256x1xf32> to vector<256x32xf32>
      %select_n3A_1138 = arith.select %eq3A_1135, %broadcast_in_dim3A_1137, %select_n3A_1106 : vector<256x32xi1>, vector<256x32xf32>
      %jit3A_1139 = arith.constant 0x7F800000 : f32
      %broadcast_in_dim3A_1140 = vector.broadcast %jit3A_1139 : f32 to vector<256x288xf32>
      %select_n3A_1141 = arith.select %eq3A_1121, %broadcast_in_dim3A_1140, %select_n3A_1109 : vector<256x288xi1>, vector<256x288xf32>
      scf.yield %select_n3A_1132, %select_n3A_1138 : vector<256x32xf32>, vector<256x32xf32>
    }
    %while3A_34 = arith.constant 1 : i32
    %while3A_35:2 = scf.for %while3A_62 = %while3A_31 to %while3A_27 step %while3A_34 iter_args(%while3A_63 = %while3A_33#0, %while3A_64 = %while3A_33#1) -> (vector<256x32xf32>, vector<256x32xf32>)  : i32 {
      %mul3A_65 = arith.constant 256 : i32
      %mul3A_66 = arith.muli %while3A_62, %mul3A_65 : i32
      %add3A_67 = arith.addi %get3A_1, %mul3A_66 : i32
      %multiple_of3A = tpu.assume_multiple %add3A_67, 256 : i32
      %get3A_68 = arith.constant 0 : index
      %get3A_69 = arith.index_cast %multiple_of3A : i32 to index
      %get3A_70 = vector.load %arg3[%get3A_68, %get3A_69] : memref<8x10240xf32, #tpu.memory_space<vmem>>, vector<8x256xf32>
      %slice3A_71 = vector.extract_strided_slice %get3A_70 {offsets = [0, 0], sizes = [1, 256], strides = [1, 1]} : vector<8x256xf32> to vector<1x256xf32>
      %slice3A_72 = vector.extract_strided_slice %get3A_70 {offsets = [1, 0], sizes = [1, 256], strides = [1, 1]} : vector<8x256xf32> to vector<1x256xf32>
      %slice3A_73 = vector.extract_strided_slice %get3A_70 {offsets = [2, 0], sizes = [1, 256], strides = [1, 1]} : vector<8x256xf32> to vector<1x256xf32>
      %slice3A_74 = vector.extract_strided_slice %get3A_70 {offsets = [3, 0], sizes = [1, 256], strides = [1, 1]} : vector<8x256xf32> to vector<1x256xf32>
      %mul3A_75 = arith.mulf %slice3A_71, %slice3A_71 : vector<1x256xf32>
      %mul3A_76 = arith.mulf %slice3A_72, %slice3A_72 : vector<1x256xf32>
      %add3A_77 = arith.addf %mul3A_75, %mul3A_76 : vector<1x256xf32>
      %mul3A_78 = arith.mulf %slice3A_73, %slice3A_73 : vector<1x256xf32>
      %add3A_79 = arith.addf %add3A_77, %mul3A_78 : vector<1x256xf32>
      %add3A_80 = vector.broadcast %add3A_12 : vector<256x1xf32> to vector<256x256xf32>
      %add3A_81 = vector.broadcast %add3A_79 : vector<1x256xf32> to vector<256x256xf32>
      %add3A_82 = arith.addf %add3A_80, %add3A_81 : vector<256x256xf32>
      %mul3A_83 = vector.broadcast %slice3A : vector<256x1xf32> to vector<256x256xf32>
      %mul3A_84 = vector.broadcast %slice3A_71 : vector<1x256xf32> to vector<256x256xf32>
      %mul3A_85 = arith.mulf %mul3A_83, %mul3A_84 : vector<256x256xf32>
      %mul3A_86 = vector.broadcast %slice3A_8 : vector<256x1xf32> to vector<256x256xf32>
      %mul3A_87 = vector.broadcast %slice3A_72 : vector<1x256xf32> to vector<256x256xf32>
      %mul3A_88 = arith.mulf %mul3A_86, %mul3A_87 : vector<256x256xf32>
      %add3A_89 = arith.addf %mul3A_85, %mul3A_88 : vector<256x256xf32>
      %mul3A_90 = vector.broadcast %slice3A_9 : vector<256x1xf32> to vector<256x256xf32>
      %mul3A_91 = vector.broadcast %slice3A_73 : vector<1x256xf32> to vector<256x256xf32>
      %mul3A_92 = arith.mulf %mul3A_90, %mul3A_91 : vector<256x256xf32>
      %add3A_93 = arith.addf %add3A_89, %mul3A_92 : vector<256x256xf32>
      %mul3A_94 = arith.constant 2.000000e+00 : f32
      %mul3A_95 = vector.broadcast %mul3A_94 : f32 to vector<256x256xf32>
      %mul3A_96 = arith.mulf %mul3A_95, %add3A_93 : vector<256x256xf32>
      %sub3A = arith.subf %add3A_82, %mul3A_96 : vector<256x256xf32>
      %iota3A_97 = tpu.iota {dimensions = array<i32: 1>} : vector<1x256xi32>
      %add3A_98 = vector.broadcast %multiple_of3A : i32 to vector<1x256xi32>
      %add3A_99 = arith.addi %add3A_98, %iota3A_97 : vector<1x256xi32>
      %eq3A = vector.broadcast %get3A_15 : vector<256x1xf32> to vector<256x256xf32>
      %eq3A_100 = vector.broadcast %slice3A_74 : vector<1x256xf32> to vector<256x256xf32>
      %eq3A_101 = arith.cmpf oeq, %eq3A, %eq3A_100 : vector<256x256xf32>
      %ne3A = vector.broadcast %add3A_19 : vector<256x1xi32> to vector<256x256xi32>
      %ne3A_102 = vector.broadcast %add3A_99 : vector<1x256xi32> to vector<256x256xi32>
      %ne3A_103 = arith.cmpi ne, %ne3A, %ne3A_102 : vector<256x256xi32>
      %and3A = arith.andi %eq3A_101, %ne3A_103 : vector<256x256xi1>
      %lt3A_104 = arith.constant 1.000000e+02 : f32
      %lt3A_105 = vector.broadcast %lt3A_104 : f32 to vector<256x256xf32>
      %lt3A_106 = arith.cmpf olt, %sub3A, %lt3A_105 : vector<256x256xf32>
      %and3A_107 = arith.andi %and3A, %lt3A_106 : vector<256x256xi1>
      %jit3A_108 = arith.constant 0x7F800000 : f32
      %broadcast_in_dim3A_109 = vector.broadcast %jit3A_108 : f32 to vector<256x256xf32>
      %select_n3A_110 = arith.select %and3A_107, %sub3A, %broadcast_in_dim3A_109 : vector<256x256xi1>, vector<256x256xf32>
      %convert_element_type3A_111 = arith.sitofp %add3A_99 : vector<1x256xi32> to vector<1x256xf32>
      %broadcast_in_dim3A_112 = vector.shape_cast %convert_element_type3A_111 : vector<1x256xf32> to vector<1x256xf32>
      %broadcast_in_dim3A_113 = vector.broadcast %broadcast_in_dim3A_112 : vector<1x256xf32> to vector<256x256xf32>
      %concatenate3A = tpu.concatenate %while3A_63, %select_n3A_110 in 1 : vector<256x32xf32>, vector<256x256xf32> -> vector<256x288xf32>
      %concatenate3A_114 = tpu.concatenate %while3A_64, %broadcast_in_dim3A_113 in 1 : vector<256x32xf32>, vector<256x256xf32> -> vector<256x288xf32>
      %broadcast_in_dim3A_115 = arith.constant 0x7F800000 : f32
      %broadcast_in_dim3A_116 = vector.broadcast %broadcast_in_dim3A_115 : f32 to vector<256x32xf32>
      %broadcast_in_dim3A_117 = arith.constant 0.000000e+00 : f32
      %broadcast_in_dim3A_118 = vector.broadcast %broadcast_in_dim3A_117 : f32 to vector<256x32xf32>
      %reduce_min3A = arith.constant dense<0x7F800000> : vector<256xf32>
      %reduce_min3A_119 = vector.multi_reduction <minimumf>, %concatenate3A, %reduce_min3A [1] : vector<256x288xf32> to vector<256xf32>
      %broadcast_in_dim3A_120 = vector.shape_cast %reduce_min3A_119 : vector<256xf32> to vector<256x1xf32>
      %eq3A_121 = vector.broadcast %broadcast_in_dim3A_120 : vector<256x1xf32> to vector<256x288xf32>
      %eq3A_122 = arith.cmpf oeq, %concatenate3A, %eq3A_121 : vector<256x288xf32>
      %broadcast_in_dim3A_123 = vector.broadcast %while3A : f32 to vector<256x288xf32>
      %select_n3A_124 = arith.select %eq3A_122, %convert_element_type3A, %broadcast_in_dim3A_123 : vector<256x288xi1>, vector<256x288xf32>
      %reduce_min3A_125 = arith.constant dense<0x7F800000> : vector<256xf32>
      %reduce_min3A_126 = vector.multi_reduction <minimumf>, %select_n3A_124, %reduce_min3A_125 [1] : vector<256x288xf32> to vector<256xf32>
      %broadcast_in_dim3A_127 = vector.shape_cast %reduce_min3A_126 : vector<256xf32> to vector<256x1xf32>
      %eq3A_128 = vector.broadcast %broadcast_in_dim3A_127 : vector<256x1xf32> to vector<256x288xf32>
      %eq3A_129 = arith.cmpf oeq, %convert_element_type3A, %eq3A_128 : vector<256x288xf32>
      %broadcast_in_dim3A_130 = vector.broadcast %while3A : f32 to vector<256x288xf32>
      %select_n3A_131 = arith.select %eq3A_129, %concatenate3A_114, %broadcast_in_dim3A_130 : vector<256x288xi1>, vector<256x288xf32>
      %reduce_min3A_132 = arith.constant dense<0x7F800000> : vector<256xf32>
      %reduce_min3A_133 = vector.multi_reduction <minimumf>, %select_n3A_131, %reduce_min3A_132 [1] : vector<256x288xf32> to vector<256xf32>
      %broadcast_in_dim3A_134 = vector.shape_cast %reduce_min3A_133 : vector<256xf32> to vector<256x1xf32>
      %eq3A_135 = arith.constant 0 : i32
      %eq3A_136 = vector.broadcast %eq3A_135 : i32 to vector<256x32xi32>
      %eq3A_137 = arith.cmpi eq, %iota3A_20, %eq3A_136 : vector<256x32xi32>
      %broadcast_in_dim3A_138 = vector.shape_cast %broadcast_in_dim3A_120 : vector<256x1xf32> to vector<256x1xf32>
      %broadcast_in_dim3A_139 = vector.broadcast %broadcast_in_dim3A_138 : vector<256x1xf32> to vector<256x32xf32>
      %select_n3A_140 = arith.select %eq3A_137, %broadcast_in_dim3A_139, %broadcast_in_dim3A_116 : vector<256x32xi1>, vector<256x32xf32>
      %eq3A_141 = arith.constant 0 : i32
      %eq3A_142 = vector.broadcast %eq3A_141 : i32 to vector<256x32xi32>
      %eq3A_143 = arith.cmpi eq, %iota3A_20, %eq3A_142 : vector<256x32xi32>
      %broadcast_in_dim3A_144 = vector.shape_cast %broadcast_in_dim3A_134 : vector<256x1xf32> to vector<256x1xf32>
      %broadcast_in_dim3A_145 = vector.broadcast %broadcast_in_dim3A_144 : vector<256x1xf32> to vector<256x32xf32>
      %select_n3A_146 = arith.select %eq3A_143, %broadcast_in_dim3A_145, %broadcast_in_dim3A_118 : vector<256x32xi1>, vector<256x32xf32>
      %jit3A_147 = arith.constant 0x7F800000 : f32
      %broadcast_in_dim3A_148 = vector.broadcast %jit3A_147 : f32 to vector<256x288xf32>
      %select_n3A_149 = arith.select %eq3A_129, %broadcast_in_dim3A_148, %concatenate3A : vector<256x288xi1>, vector<256x288xf32>
      %reduce_min3A_150 = arith.constant dense<0x7F800000> : vector<256xf32>
      %reduce_min3A_151 = vector.multi_reduction <minimumf>, %select_n3A_149, %reduce_min3A_150 [1] : vector<256x288xf32> to vector<256xf32>
      %broadcast_in_dim3A_152 = vector.shape_cast %reduce_min3A_151 : vector<256xf32> to vector<256x1xf32>
      %eq3A_153 = vector.broadcast %broadcast_in_dim3A_152 : vector<256x1xf32> to vector<256x288xf32>
      %eq3A_154 = arith.cmpf oeq, %select_n3A_149, %eq3A_153 : vector<256x288xf32>
      %broadcast_in_dim3A_155 = vector.broadcast %while3A : f32 to vector<256x288xf32>
      %select_n3A_156 = arith.select %eq3A_154, %convert_element_type3A, %broadcast_in_dim3A_155 : vector<256x288xi1>, vector<256x288xf32>
      %reduce_min3A_157 = arith.constant dense<0x7F800000> : vector<256xf32>
      %reduce_min3A_158 = vector.multi_reduction <minimumf>, %select_n3A_156, %reduce_min3A_157 [1] : vector<256x288xf32> to vector<256xf32>
      %broadcast_in_dim3A_159 = vector.shape_cast %reduce_min3A_158 : vector<256xf32> to vector<256x1xf32>
      %eq3A_160 = vector.broadcast %broadcast_in_dim3A_159 : vector<256x1xf32> to vector<256x288xf32>
      %eq3A_161 = arith.cmpf oeq, %convert_element_type3A, %eq3A_160 : vector<256x288xf32>
      %broadcast_in_dim3A_162 = vector.broadcast %while3A : f32 to vector<256x288xf32>
      %select_n3A_163 = arith.select %eq3A_161, %concatenate3A_114, %broadcast_in_dim3A_162 : vector<256x288xi1>, vector<256x288xf32>
      %reduce_min3A_164 = arith.constant dense<0x7F800000> : vector<256xf32>
      %reduce_min3A_165 = vector.multi_reduction <minimumf>, %select_n3A_163, %reduce_min3A_164 [1] : vector<256x288xf32> to vector<256xf32>
      %broadcast_in_dim3A_166 = vector.shape_cast %reduce_min3A_165 : vector<256xf32> to vector<256x1xf32>
      %eq3A_167 = arith.constant 1 : i32
      %eq3A_168 = vector.broadcast %eq3A_167 : i32 to vector<256x32xi32>
      %eq3A_169 = arith.cmpi eq, %iota3A_20, %eq3A_168 : vector<256x32xi32>
      %broadcast_in_dim3A_170 = vector.shape_cast %broadcast_in_dim3A_152 : vector<256x1xf32> to vector<256x1xf32>
      %broadcast_in_dim3A_171 = vector.broadcast %broadcast_in_dim3A_170 : vector<256x1xf32> to vector<256x32xf32>
      %select_n3A_172 = arith.select %eq3A_169, %broadcast_in_dim3A_171, %select_n3A_140 : vector<256x32xi1>, vector<256x32xf32>
      %eq3A_173 = arith.constant 1 : i32
      %eq3A_174 = vector.broadcast %eq3A_173 : i32 to vector<256x32xi32>
      %eq3A_175 = arith.cmpi eq, %iota3A_20, %eq3A_174 : vector<256x32xi32>
      %broadcast_in_dim3A_176 = vector.shape_cast %broadcast_in_dim3A_166 : vector<256x1xf32> to vector<256x1xf32>
      %broadcast_in_dim3A_177 = vector.broadcast %broadcast_in_dim3A_176 : vector<256x1xf32> to vector<256x32xf32>
      %select_n3A_178 = arith.select %eq3A_175, %broadcast_in_dim3A_177, %select_n3A_146 : vector<256x32xi1>, vector<256x32xf32>
      %jit3A_179 = arith.constant 0x7F800000 : f32
      %broadcast_in_dim3A_180 = vector.broadcast %jit3A_179 : f32 to vector<256x288xf32>
      %select_n3A_181 = arith.select %eq3A_161, %broadcast_in_dim3A_180, %select_n3A_149 : vector<256x288xi1>, vector<256x288xf32>
      %reduce_min3A_182 = arith.constant dense<0x7F800000> : vector<256xf32>
      %reduce_min3A_183 = vector.multi_reduction <minimumf>, %select_n3A_181, %reduce_min3A_182 [1] : vector<256x288xf32> to vector<256xf32>
      %broadcast_in_dim3A_184 = vector.shape_cast %reduce_min3A_183 : vector<256xf32> to vector<256x1xf32>
      %eq3A_185 = vector.broadcast %broadcast_in_dim3A_184 : vector<256x1xf32> to vector<256x288xf32>
      %eq3A_186 = arith.cmpf oeq, %select_n3A_181, %eq3A_185 : vector<256x288xf32>
      %broadcast_in_dim3A_187 = vector.broadcast %while3A : f32 to vector<256x288xf32>
      %select_n3A_188 = arith.select %eq3A_186, %convert_element_type3A, %broadcast_in_dim3A_187 : vector<256x288xi1>, vector<256x288xf32>
      %reduce_min3A_189 = arith.constant dense<0x7F800000> : vector<256xf32>
      %reduce_min3A_190 = vector.multi_reduction <minimumf>, %select_n3A_188, %reduce_min3A_189 [1] : vector<256x288xf32> to vector<256xf32>
      %broadcast_in_dim3A_191 = vector.shape_cast %reduce_min3A_190 : vector<256xf32> to vector<256x1xf32>
      %eq3A_192 = vector.broadcast %broadcast_in_dim3A_191 : vector<256x1xf32> to vector<256x288xf32>
      %eq3A_193 = arith.cmpf oeq, %convert_element_type3A, %eq3A_192 : vector<256x288xf32>
      %broadcast_in_dim3A_194 = vector.broadcast %while3A : f32 to vector<256x288xf32>
      %select_n3A_195 = arith.select %eq3A_193, %concatenate3A_114, %broadcast_in_dim3A_194 : vector<256x288xi1>, vector<256x288xf32>
      %reduce_min3A_196 = arith.constant dense<0x7F800000> : vector<256xf32>
      %reduce_min3A_197 = vector.multi_reduction <minimumf>, %select_n3A_195, %reduce_min3A_196 [1] : vector<256x288xf32> to vector<256xf32>
      %broadcast_in_dim3A_198 = vector.shape_cast %reduce_min3A_197 : vector<256xf32> to vector<256x1xf32>
      %eq3A_199 = arith.constant 2 : i32
      %eq3A_200 = vector.broadcast %eq3A_199 : i32 to vector<256x32xi32>
      %eq3A_201 = arith.cmpi eq, %iota3A_20, %eq3A_200 : vector<256x32xi32>
      %broadcast_in_dim3A_202 = vector.shape_cast %broadcast_in_dim3A_184 : vector<256x1xf32> to vector<256x1xf32>
      %broadcast_in_dim3A_203 = vector.broadcast %broadcast_in_dim3A_202 : vector<256x1xf32> to vector<256x32xf32>
      %select_n3A_204 = arith.select %eq3A_201, %broadcast_in_dim3A_203, %select_n3A_172 : vector<256x32xi1>, vector<256x32xf32>
      %eq3A_205 = arith.constant 2 : i32
      %eq3A_206 = vector.broadcast %eq3A_205 : i32 to vector<256x32xi32>
      %eq3A_207 = arith.cmpi eq, %iota3A_20, %eq3A_206 : vector<256x32xi32>
      %broadcast_in_dim3A_208 = vector.shape_cast %broadcast_in_dim3A_198 : vector<256x1xf32> to vector<256x1xf32>
      %broadcast_in_dim3A_209 = vector.broadcast %broadcast_in_dim3A_208 : vector<256x1xf32> to vector<256x32xf32>
      %select_n3A_210 = arith.select %eq3A_207, %broadcast_in_dim3A_209, %select_n3A_178 : vector<256x32xi1>, vector<256x32xf32>
      %jit3A_211 = arith.constant 0x7F800000 : f32
      %broadcast_in_dim3A_212 = vector.broadcast %jit3A_211 : f32 to vector<256x288xf32>
      %select_n3A_213 = arith.select %eq3A_193, %broadcast_in_dim3A_212, %select_n3A_181 : vector<256x288xi1>, vector<256x288xf32>
      %reduce_min3A_214 = arith.constant dense<0x7F800000> : vector<256xf32>
      %reduce_min3A_215 = vector.multi_reduction <minimumf>, %select_n3A_213, %reduce_min3A_214 [1] : vector<256x288xf32> to vector<256xf32>
      %broadcast_in_dim3A_216 = vector.shape_cast %reduce_min3A_215 : vector<256xf32> to vector<256x1xf32>
      %eq3A_217 = vector.broadcast %broadcast_in_dim3A_216 : vector<256x1xf32> to vector<256x288xf32>
      %eq3A_218 = arith.cmpf oeq, %select_n3A_213, %eq3A_217 : vector<256x288xf32>
      %broadcast_in_dim3A_219 = vector.broadcast %while3A : f32 to vector<256x288xf32>
      %select_n3A_220 = arith.select %eq3A_218, %convert_element_type3A, %broadcast_in_dim3A_219 : vector<256x288xi1>, vector<256x288xf32>
      %reduce_min3A_221 = arith.constant dense<0x7F800000> : vector<256xf32>
      %reduce_min3A_222 = vector.multi_reduction <minimumf>, %select_n3A_220, %reduce_min3A_221 [1] : vector<256x288xf32> to vector<256xf32>
      %broadcast_in_dim3A_223 = vector.shape_cast %reduce_min3A_222 : vector<256xf32> to vector<256x1xf32>
      %eq3A_224 = vector.broadcast %broadcast_in_dim3A_223 : vector<256x1xf32> to vector<256x288xf32>
      %eq3A_225 = arith.cmpf oeq, %convert_element_type3A, %eq3A_224 : vector<256x288xf32>
      %broadcast_in_dim3A_226 = vector.broadcast %while3A : f32 to vector<256x288xf32>
      %select_n3A_227 = arith.select %eq3A_225, %concatenate3A_114, %broadcast_in_dim3A_226 : vector<256x288xi1>, vector<256x288xf32>
      %reduce_min3A_228 = arith.constant dense<0x7F800000> : vector<256xf32>
      %reduce_min3A_229 = vector.multi_reduction <minimumf>, %select_n3A_227, %reduce_min3A_228 [1] : vector<256x288xf32> to vector<256xf32>
      %broadcast_in_dim3A_230 = vector.shape_cast %reduce_min3A_229 : vector<256xf32> to vector<256x1xf32>
      %eq3A_231 = arith.constant 3 : i32
      %eq3A_232 = vector.broadcast %eq3A_231 : i32 to vector<256x32xi32>
      %eq3A_233 = arith.cmpi eq, %iota3A_20, %eq3A_232 : vector<256x32xi32>
      %broadcast_in_dim3A_234 = vector.shape_cast %broadcast_in_dim3A_216 : vector<256x1xf32> to vector<256x1xf32>
      %broadcast_in_dim3A_235 = vector.broadcast %broadcast_in_dim3A_234 : vector<256x1xf32> to vector<256x32xf32>
      %select_n3A_236 = arith.select %eq3A_233, %broadcast_in_dim3A_235, %select_n3A_204 : vector<256x32xi1>, vector<256x32xf32>
      %eq3A_237 = arith.constant 3 : i32
      %eq3A_238 = vector.broadcast %eq3A_237 : i32 to vector<256x32xi32>
      %eq3A_239 = arith.cmpi eq, %iota3A_20, %eq3A_238 : vector<256x32xi32>
      %broadcast_in_dim3A_240 = vector.shape_cast %broadcast_in_dim3A_230 : vector<256x1xf32> to vector<256x1xf32>
      %broadcast_in_dim3A_241 = vector.broadcast %broadcast_in_dim3A_240 : vector<256x1xf32> to vector<256x32xf32>
      %select_n3A_242 = arith.select %eq3A_239, %broadcast_in_dim3A_241, %select_n3A_210 : vector<256x32xi1>, vector<256x32xf32>
      %jit3A_243 = arith.constant 0x7F800000 : f32
      %broadcast_in_dim3A_244 = vector.broadcast %jit3A_243 : f32 to vector<256x288xf32>
      %select_n3A_245 = arith.select %eq3A_225, %broadcast_in_dim3A_244, %select_n3A_213 : vector<256x288xi1>, vector<256x288xf32>
      %reduce_min3A_246 = arith.constant dense<0x7F800000> : vector<256xf32>
      %reduce_min3A_247 = vector.multi_reduction <minimumf>, %select_n3A_245, %reduce_min3A_246 [1] : vector<256x288xf32> to vector<256xf32>
      %broadcast_in_dim3A_248 = vector.shape_cast %reduce_min3A_247 : vector<256xf32> to vector<256x1xf32>
      %eq3A_249 = vector.broadcast %broadcast_in_dim3A_248 : vector<256x1xf32> to vector<256x288xf32>
      %eq3A_250 = arith.cmpf oeq, %select_n3A_245, %eq3A_249 : vector<256x288xf32>
      %broadcast_in_dim3A_251 = vector.broadcast %while3A : f32 to vector<256x288xf32>
      %select_n3A_252 = arith.select %eq3A_250, %convert_element_type3A, %broadcast_in_dim3A_251 : vector<256x288xi1>, vector<256x288xf32>
      %reduce_min3A_253 = arith.constant dense<0x7F800000> : vector<256xf32>
      %reduce_min3A_254 = vector.multi_reduction <minimumf>, %select_n3A_252, %reduce_min3A_253 [1] : vector<256x288xf32> to vector<256xf32>
      %broadcast_in_dim3A_255 = vector.shape_cast %reduce_min3A_254 : vector<256xf32> to vector<256x1xf32>
      %eq3A_256 = vector.broadcast %broadcast_in_dim3A_255 : vector<256x1xf32> to vector<256x288xf32>
      %eq3A_257 = arith.cmpf oeq, %convert_element_type3A, %eq3A_256 : vector<256x288xf32>
      %broadcast_in_dim3A_258 = vector.broadcast %while3A : f32 to vector<256x288xf32>
      %select_n3A_259 = arith.select %eq3A_257, %concatenate3A_114, %broadcast_in_dim3A_258 : vector<256x288xi1>, vector<256x288xf32>
      %reduce_min3A_260 = arith.constant dense<0x7F800000> : vector<256xf32>
      %reduce_min3A_261 = vector.multi_reduction <minimumf>, %select_n3A_259, %reduce_min3A_260 [1] : vector<256x288xf32> to vector<256xf32>
      %broadcast_in_dim3A_262 = vector.shape_cast %reduce_min3A_261 : vector<256xf32> to vector<256x1xf32>
      %eq3A_263 = arith.constant 4 : i32
      %eq3A_264 = vector.broadcast %eq3A_263 : i32 to vector<256x32xi32>
      %eq3A_265 = arith.cmpi eq, %iota3A_20, %eq3A_264 : vector<256x32xi32>
      %broadcast_in_dim3A_266 = vector.shape_cast %broadcast_in_dim3A_248 : vector<256x1xf32> to vector<256x1xf32>
      %broadcast_in_dim3A_267 = vector.broadcast %broadcast_in_dim3A_266 : vector<256x1xf32> to vector<256x32xf32>
      %select_n3A_268 = arith.select %eq3A_265, %broadcast_in_dim3A_267, %select_n3A_236 : vector<256x32xi1>, vector<256x32xf32>
      %eq3A_269 = arith.constant 4 : i32
      %eq3A_270 = vector.broadcast %eq3A_269 : i32 to vector<256x32xi32>
      %eq3A_271 = arith.cmpi eq, %iota3A_20, %eq3A_270 : vector<256x32xi32>
      %broadcast_in_dim3A_272 = vector.shape_cast %broadcast_in_dim3A_262 : vector<256x1xf32> to vector<256x1xf32>
      %broadcast_in_dim3A_273 = vector.broadcast %broadcast_in_dim3A_272 : vector<256x1xf32> to vector<256x32xf32>
      %select_n3A_274 = arith.select %eq3A_271, %broadcast_in_dim3A_273, %select_n3A_242 : vector<256x32xi1>, vector<256x32xf32>
      %jit3A_275 = arith.constant 0x7F800000 : f32
      %broadcast_in_dim3A_276 = vector.broadcast %jit3A_275 : f32 to vector<256x288xf32>
      %select_n3A_277 = arith.select %eq3A_257, %broadcast_in_dim3A_276, %select_n3A_245 : vector<256x288xi1>, vector<256x288xf32>
      %reduce_min3A_278 = arith.constant dense<0x7F800000> : vector<256xf32>
      %reduce_min3A_279 = vector.multi_reduction <minimumf>, %select_n3A_277, %reduce_min3A_278 [1] : vector<256x288xf32> to vector<256xf32>
      %broadcast_in_dim3A_280 = vector.shape_cast %reduce_min3A_279 : vector<256xf32> to vector<256x1xf32>
      %eq3A_281 = vector.broadcast %broadcast_in_dim3A_280 : vector<256x1xf32> to vector<256x288xf32>
      %eq3A_282 = arith.cmpf oeq, %select_n3A_277, %eq3A_281 : vector<256x288xf32>
      %broadcast_in_dim3A_283 = vector.broadcast %while3A : f32 to vector<256x288xf32>
      %select_n3A_284 = arith.select %eq3A_282, %convert_element_type3A, %broadcast_in_dim3A_283 : vector<256x288xi1>, vector<256x288xf32>
      %reduce_min3A_285 = arith.constant dense<0x7F800000> : vector<256xf32>
      %reduce_min3A_286 = vector.multi_reduction <minimumf>, %select_n3A_284, %reduce_min3A_285 [1] : vector<256x288xf32> to vector<256xf32>
      %broadcast_in_dim3A_287 = vector.shape_cast %reduce_min3A_286 : vector<256xf32> to vector<256x1xf32>
      %eq3A_288 = vector.broadcast %broadcast_in_dim3A_287 : vector<256x1xf32> to vector<256x288xf32>
      %eq3A_289 = arith.cmpf oeq, %convert_element_type3A, %eq3A_288 : vector<256x288xf32>
      %broadcast_in_dim3A_290 = vector.broadcast %while3A : f32 to vector<256x288xf32>
      %select_n3A_291 = arith.select %eq3A_289, %concatenate3A_114, %broadcast_in_dim3A_290 : vector<256x288xi1>, vector<256x288xf32>
      %reduce_min3A_292 = arith.constant dense<0x7F800000> : vector<256xf32>
      %reduce_min3A_293 = vector.multi_reduction <minimumf>, %select_n3A_291, %reduce_min3A_292 [1] : vector<256x288xf32> to vector<256xf32>
      %broadcast_in_dim3A_294 = vector.shape_cast %reduce_min3A_293 : vector<256xf32> to vector<256x1xf32>
      %eq3A_295 = arith.constant 5 : i32
      %eq3A_296 = vector.broadcast %eq3A_295 : i32 to vector<256x32xi32>
      %eq3A_297 = arith.cmpi eq, %iota3A_20, %eq3A_296 : vector<256x32xi32>
      %broadcast_in_dim3A_298 = vector.shape_cast %broadcast_in_dim3A_280 : vector<256x1xf32> to vector<256x1xf32>
      %broadcast_in_dim3A_299 = vector.broadcast %broadcast_in_dim3A_298 : vector<256x1xf32> to vector<256x32xf32>
      %select_n3A_300 = arith.select %eq3A_297, %broadcast_in_dim3A_299, %select_n3A_268 : vector<256x32xi1>, vector<256x32xf32>
      %eq3A_301 = arith.constant 5 : i32
      %eq3A_302 = vector.broadcast %eq3A_301 : i32 to vector<256x32xi32>
      %eq3A_303 = arith.cmpi eq, %iota3A_20, %eq3A_302 : vector<256x32xi32>
      %broadcast_in_dim3A_304 = vector.shape_cast %broadcast_in_dim3A_294 : vector<256x1xf32> to vector<256x1xf32>
      %broadcast_in_dim3A_305 = vector.broadcast %broadcast_in_dim3A_304 : vector<256x1xf32> to vector<256x32xf32>
      %select_n3A_306 = arith.select %eq3A_303, %broadcast_in_dim3A_305, %select_n3A_274 : vector<256x32xi1>, vector<256x32xf32>
      %jit3A_307 = arith.constant 0x7F800000 : f32
      %broadcast_in_dim3A_308 = vector.broadcast %jit3A_307 : f32 to vector<256x288xf32>
      %select_n3A_309 = arith.select %eq3A_289, %broadcast_in_dim3A_308, %select_n3A_277 : vector<256x288xi1>, vector<256x288xf32>
      %reduce_min3A_310 = arith.constant dense<0x7F800000> : vector<256xf32>
      %reduce_min3A_311 = vector.multi_reduction <minimumf>, %select_n3A_309, %reduce_min3A_310 [1] : vector<256x288xf32> to vector<256xf32>
      %broadcast_in_dim3A_312 = vector.shape_cast %reduce_min3A_311 : vector<256xf32> to vector<256x1xf32>
      %eq3A_313 = vector.broadcast %broadcast_in_dim3A_312 : vector<256x1xf32> to vector<256x288xf32>
      %eq3A_314 = arith.cmpf oeq, %select_n3A_309, %eq3A_313 : vector<256x288xf32>
      %broadcast_in_dim3A_315 = vector.broadcast %while3A : f32 to vector<256x288xf32>
      %select_n3A_316 = arith.select %eq3A_314, %convert_element_type3A, %broadcast_in_dim3A_315 : vector<256x288xi1>, vector<256x288xf32>
      %reduce_min3A_317 = arith.constant dense<0x7F800000> : vector<256xf32>
      %reduce_min3A_318 = vector.multi_reduction <minimumf>, %select_n3A_316, %reduce_min3A_317 [1] : vector<256x288xf32> to vector<256xf32>
      %broadcast_in_dim3A_319 = vector.shape_cast %reduce_min3A_318 : vector<256xf32> to vector<256x1xf32>
      %eq3A_320 = vector.broadcast %broadcast_in_dim3A_319 : vector<256x1xf32> to vector<256x288xf32>
      %eq3A_321 = arith.cmpf oeq, %convert_element_type3A, %eq3A_320 : vector<256x288xf32>
      %broadcast_in_dim3A_322 = vector.broadcast %while3A : f32 to vector<256x288xf32>
      %select_n3A_323 = arith.select %eq3A_321, %concatenate3A_114, %broadcast_in_dim3A_322 : vector<256x288xi1>, vector<256x288xf32>
      %reduce_min3A_324 = arith.constant dense<0x7F800000> : vector<256xf32>
      %reduce_min3A_325 = vector.multi_reduction <minimumf>, %select_n3A_323, %reduce_min3A_324 [1] : vector<256x288xf32> to vector<256xf32>
      %broadcast_in_dim3A_326 = vector.shape_cast %reduce_min3A_325 : vector<256xf32> to vector<256x1xf32>
      %eq3A_327 = arith.constant 6 : i32
      %eq3A_328 = vector.broadcast %eq3A_327 : i32 to vector<256x32xi32>
      %eq3A_329 = arith.cmpi eq, %iota3A_20, %eq3A_328 : vector<256x32xi32>
      %broadcast_in_dim3A_330 = vector.shape_cast %broadcast_in_dim3A_312 : vector<256x1xf32> to vector<256x1xf32>
      %broadcast_in_dim3A_331 = vector.broadcast %broadcast_in_dim3A_330 : vector<256x1xf32> to vector<256x32xf32>
      %select_n3A_332 = arith.select %eq3A_329, %broadcast_in_dim3A_331, %select_n3A_300 : vector<256x32xi1>, vector<256x32xf32>
      %eq3A_333 = arith.constant 6 : i32
      %eq3A_334 = vector.broadcast %eq3A_333 : i32 to vector<256x32xi32>
      %eq3A_335 = arith.cmpi eq, %iota3A_20, %eq3A_334 : vector<256x32xi32>
      %broadcast_in_dim3A_336 = vector.shape_cast %broadcast_in_dim3A_326 : vector<256x1xf32> to vector<256x1xf32>
      %broadcast_in_dim3A_337 = vector.broadcast %broadcast_in_dim3A_336 : vector<256x1xf32> to vector<256x32xf32>
      %select_n3A_338 = arith.select %eq3A_335, %broadcast_in_dim3A_337, %select_n3A_306 : vector<256x32xi1>, vector<256x32xf32>
      %jit3A_339 = arith.constant 0x7F800000 : f32
      %broadcast_in_dim3A_340 = vector.broadcast %jit3A_339 : f32 to vector<256x288xf32>
      %select_n3A_341 = arith.select %eq3A_321, %broadcast_in_dim3A_340, %select_n3A_309 : vector<256x288xi1>, vector<256x288xf32>
      %reduce_min3A_342 = arith.constant dense<0x7F800000> : vector<256xf32>
      %reduce_min3A_343 = vector.multi_reduction <minimumf>, %select_n3A_341, %reduce_min3A_342 [1] : vector<256x288xf32> to vector<256xf32>
      %broadcast_in_dim3A_344 = vector.shape_cast %reduce_min3A_343 : vector<256xf32> to vector<256x1xf32>
      %eq3A_345 = vector.broadcast %broadcast_in_dim3A_344 : vector<256x1xf32> to vector<256x288xf32>
      %eq3A_346 = arith.cmpf oeq, %select_n3A_341, %eq3A_345 : vector<256x288xf32>
      %broadcast_in_dim3A_347 = vector.broadcast %while3A : f32 to vector<256x288xf32>
      %select_n3A_348 = arith.select %eq3A_346, %convert_element_type3A, %broadcast_in_dim3A_347 : vector<256x288xi1>, vector<256x288xf32>
      %reduce_min3A_349 = arith.constant dense<0x7F800000> : vector<256xf32>
      %reduce_min3A_350 = vector.multi_reduction <minimumf>, %select_n3A_348, %reduce_min3A_349 [1] : vector<256x288xf32> to vector<256xf32>
      %broadcast_in_dim3A_351 = vector.shape_cast %reduce_min3A_350 : vector<256xf32> to vector<256x1xf32>
      %eq3A_352 = vector.broadcast %broadcast_in_dim3A_351 : vector<256x1xf32> to vector<256x288xf32>
      %eq3A_353 = arith.cmpf oeq, %convert_element_type3A, %eq3A_352 : vector<256x288xf32>
      %broadcast_in_dim3A_354 = vector.broadcast %while3A : f32 to vector<256x288xf32>
      %select_n3A_355 = arith.select %eq3A_353, %concatenate3A_114, %broadcast_in_dim3A_354 : vector<256x288xi1>, vector<256x288xf32>
      %reduce_min3A_356 = arith.constant dense<0x7F800000> : vector<256xf32>
      %reduce_min3A_357 = vector.multi_reduction <minimumf>, %select_n3A_355, %reduce_min3A_356 [1] : vector<256x288xf32> to vector<256xf32>
      %broadcast_in_dim3A_358 = vector.shape_cast %reduce_min3A_357 : vector<256xf32> to vector<256x1xf32>
      %eq3A_359 = arith.constant 7 : i32
      %eq3A_360 = vector.broadcast %eq3A_359 : i32 to vector<256x32xi32>
      %eq3A_361 = arith.cmpi eq, %iota3A_20, %eq3A_360 : vector<256x32xi32>
      %broadcast_in_dim3A_362 = vector.shape_cast %broadcast_in_dim3A_344 : vector<256x1xf32> to vector<256x1xf32>
      %broadcast_in_dim3A_363 = vector.broadcast %broadcast_in_dim3A_362 : vector<256x1xf32> to vector<256x32xf32>
      %select_n3A_364 = arith.select %eq3A_361, %broadcast_in_dim3A_363, %select_n3A_332 : vector<256x32xi1>, vector<256x32xf32>
      %eq3A_365 = arith.constant 7 : i32
      %eq3A_366 = vector.broadcast %eq3A_365 : i32 to vector<256x32xi32>
      %eq3A_367 = arith.cmpi eq, %iota3A_20, %eq3A_366 : vector<256x32xi32>
      %broadcast_in_dim3A_368 = vector.shape_cast %broadcast_in_dim3A_358 : vector<256x1xf32> to vector<256x1xf32>
      %broadcast_in_dim3A_369 = vector.broadcast %broadcast_in_dim3A_368 : vector<256x1xf32> to vector<256x32xf32>
      %select_n3A_370 = arith.select %eq3A_367, %broadcast_in_dim3A_369, %select_n3A_338 : vector<256x32xi1>, vector<256x32xf32>
      %jit3A_371 = arith.constant 0x7F800000 : f32
      %broadcast_in_dim3A_372 = vector.broadcast %jit3A_371 : f32 to vector<256x288xf32>
      %select_n3A_373 = arith.select %eq3A_353, %broadcast_in_dim3A_372, %select_n3A_341 : vector<256x288xi1>, vector<256x288xf32>
      %reduce_min3A_374 = arith.constant dense<0x7F800000> : vector<256xf32>
      %reduce_min3A_375 = vector.multi_reduction <minimumf>, %select_n3A_373, %reduce_min3A_374 [1] : vector<256x288xf32> to vector<256xf32>
      %broadcast_in_dim3A_376 = vector.shape_cast %reduce_min3A_375 : vector<256xf32> to vector<256x1xf32>
      %eq3A_377 = vector.broadcast %broadcast_in_dim3A_376 : vector<256x1xf32> to vector<256x288xf32>
      %eq3A_378 = arith.cmpf oeq, %select_n3A_373, %eq3A_377 : vector<256x288xf32>
      %broadcast_in_dim3A_379 = vector.broadcast %while3A : f32 to vector<256x288xf32>
      %select_n3A_380 = arith.select %eq3A_378, %convert_element_type3A, %broadcast_in_dim3A_379 : vector<256x288xi1>, vector<256x288xf32>
      %reduce_min3A_381 = arith.constant dense<0x7F800000> : vector<256xf32>
      %reduce_min3A_382 = vector.multi_reduction <minimumf>, %select_n3A_380, %reduce_min3A_381 [1] : vector<256x288xf32> to vector<256xf32>
      %broadcast_in_dim3A_383 = vector.shape_cast %reduce_min3A_382 : vector<256xf32> to vector<256x1xf32>
      %eq3A_384 = vector.broadcast %broadcast_in_dim3A_383 : vector<256x1xf32> to vector<256x288xf32>
      %eq3A_385 = arith.cmpf oeq, %convert_element_type3A, %eq3A_384 : vector<256x288xf32>
      %broadcast_in_dim3A_386 = vector.broadcast %while3A : f32 to vector<256x288xf32>
      %select_n3A_387 = arith.select %eq3A_385, %concatenate3A_114, %broadcast_in_dim3A_386 : vector<256x288xi1>, vector<256x288xf32>
      %reduce_min3A_388 = arith.constant dense<0x7F800000> : vector<256xf32>
      %reduce_min3A_389 = vector.multi_reduction <minimumf>, %select_n3A_387, %reduce_min3A_388 [1] : vector<256x288xf32> to vector<256xf32>
      %broadcast_in_dim3A_390 = vector.shape_cast %reduce_min3A_389 : vector<256xf32> to vector<256x1xf32>
      %eq3A_391 = arith.constant 8 : i32
      %eq3A_392 = vector.broadcast %eq3A_391 : i32 to vector<256x32xi32>
      %eq3A_393 = arith.cmpi eq, %iota3A_20, %eq3A_392 : vector<256x32xi32>
      %broadcast_in_dim3A_394 = vector.shape_cast %broadcast_in_dim3A_376 : vector<256x1xf32> to vector<256x1xf32>
      %broadcast_in_dim3A_395 = vector.broadcast %broadcast_in_dim3A_394 : vector<256x1xf32> to vector<256x32xf32>
      %select_n3A_396 = arith.select %eq3A_393, %broadcast_in_dim3A_395, %select_n3A_364 : vector<256x32xi1>, vector<256x32xf32>
      %eq3A_397 = arith.constant 8 : i32
      %eq3A_398 = vector.broadcast %eq3A_397 : i32 to vector<256x32xi32>
      %eq3A_399 = arith.cmpi eq, %iota3A_20, %eq3A_398 : vector<256x32xi32>
      %broadcast_in_dim3A_400 = vector.shape_cast %broadcast_in_dim3A_390 : vector<256x1xf32> to vector<256x1xf32>
      %broadcast_in_dim3A_401 = vector.broadcast %broadcast_in_dim3A_400 : vector<256x1xf32> to vector<256x32xf32>
      %select_n3A_402 = arith.select %eq3A_399, %broadcast_in_dim3A_401, %select_n3A_370 : vector<256x32xi1>, vector<256x32xf32>
      %jit3A_403 = arith.constant 0x7F800000 : f32
      %broadcast_in_dim3A_404 = vector.broadcast %jit3A_403 : f32 to vector<256x288xf32>
      %select_n3A_405 = arith.select %eq3A_385, %broadcast_in_dim3A_404, %select_n3A_373 : vector<256x288xi1>, vector<256x288xf32>
      %reduce_min3A_406 = arith.constant dense<0x7F800000> : vector<256xf32>
      %reduce_min3A_407 = vector.multi_reduction <minimumf>, %select_n3A_405, %reduce_min3A_406 [1] : vector<256x288xf32> to vector<256xf32>
      %broadcast_in_dim3A_408 = vector.shape_cast %reduce_min3A_407 : vector<256xf32> to vector<256x1xf32>
      %eq3A_409 = vector.broadcast %broadcast_in_dim3A_408 : vector<256x1xf32> to vector<256x288xf32>
      %eq3A_410 = arith.cmpf oeq, %select_n3A_405, %eq3A_409 : vector<256x288xf32>
      %broadcast_in_dim3A_411 = vector.broadcast %while3A : f32 to vector<256x288xf32>
      %select_n3A_412 = arith.select %eq3A_410, %convert_element_type3A, %broadcast_in_dim3A_411 : vector<256x288xi1>, vector<256x288xf32>
      %reduce_min3A_413 = arith.constant dense<0x7F800000> : vector<256xf32>
      %reduce_min3A_414 = vector.multi_reduction <minimumf>, %select_n3A_412, %reduce_min3A_413 [1] : vector<256x288xf32> to vector<256xf32>
      %broadcast_in_dim3A_415 = vector.shape_cast %reduce_min3A_414 : vector<256xf32> to vector<256x1xf32>
      %eq3A_416 = vector.broadcast %broadcast_in_dim3A_415 : vector<256x1xf32> to vector<256x288xf32>
      %eq3A_417 = arith.cmpf oeq, %convert_element_type3A, %eq3A_416 : vector<256x288xf32>
      %broadcast_in_dim3A_418 = vector.broadcast %while3A : f32 to vector<256x288xf32>
      %select_n3A_419 = arith.select %eq3A_417, %concatenate3A_114, %broadcast_in_dim3A_418 : vector<256x288xi1>, vector<256x288xf32>
      %reduce_min3A_420 = arith.constant dense<0x7F800000> : vector<256xf32>
      %reduce_min3A_421 = vector.multi_reduction <minimumf>, %select_n3A_419, %reduce_min3A_420 [1] : vector<256x288xf32> to vector<256xf32>
      %broadcast_in_dim3A_422 = vector.shape_cast %reduce_min3A_421 : vector<256xf32> to vector<256x1xf32>
      %eq3A_423 = arith.constant 9 : i32
      %eq3A_424 = vector.broadcast %eq3A_423 : i32 to vector<256x32xi32>
      %eq3A_425 = arith.cmpi eq, %iota3A_20, %eq3A_424 : vector<256x32xi32>
      %broadcast_in_dim3A_426 = vector.shape_cast %broadcast_in_dim3A_408 : vector<256x1xf32> to vector<256x1xf32>
      %broadcast_in_dim3A_427 = vector.broadcast %broadcast_in_dim3A_426 : vector<256x1xf32> to vector<256x32xf32>
      %select_n3A_428 = arith.select %eq3A_425, %broadcast_in_dim3A_427, %select_n3A_396 : vector<256x32xi1>, vector<256x32xf32>
      %eq3A_429 = arith.constant 9 : i32
      %eq3A_430 = vector.broadcast %eq3A_429 : i32 to vector<256x32xi32>
      %eq3A_431 = arith.cmpi eq, %iota3A_20, %eq3A_430 : vector<256x32xi32>
      %broadcast_in_dim3A_432 = vector.shape_cast %broadcast_in_dim3A_422 : vector<256x1xf32> to vector<256x1xf32>
      %broadcast_in_dim3A_433 = vector.broadcast %broadcast_in_dim3A_432 : vector<256x1xf32> to vector<256x32xf32>
      %select_n3A_434 = arith.select %eq3A_431, %broadcast_in_dim3A_433, %select_n3A_402 : vector<256x32xi1>, vector<256x32xf32>
      %jit3A_435 = arith.constant 0x7F800000 : f32
      %broadcast_in_dim3A_436 = vector.broadcast %jit3A_435 : f32 to vector<256x288xf32>
      %select_n3A_437 = arith.select %eq3A_417, %broadcast_in_dim3A_436, %select_n3A_405 : vector<256x288xi1>, vector<256x288xf32>
      %reduce_min3A_438 = arith.constant dense<0x7F800000> : vector<256xf32>
      %reduce_min3A_439 = vector.multi_reduction <minimumf>, %select_n3A_437, %reduce_min3A_438 [1] : vector<256x288xf32> to vector<256xf32>
      %broadcast_in_dim3A_440 = vector.shape_cast %reduce_min3A_439 : vector<256xf32> to vector<256x1xf32>
      %eq3A_441 = vector.broadcast %broadcast_in_dim3A_440 : vector<256x1xf32> to vector<256x288xf32>
      %eq3A_442 = arith.cmpf oeq, %select_n3A_437, %eq3A_441 : vector<256x288xf32>
      %broadcast_in_dim3A_443 = vector.broadcast %while3A : f32 to vector<256x288xf32>
      %select_n3A_444 = arith.select %eq3A_442, %convert_element_type3A, %broadcast_in_dim3A_443 : vector<256x288xi1>, vector<256x288xf32>
      %reduce_min3A_445 = arith.constant dense<0x7F800000> : vector<256xf32>
      %reduce_min3A_446 = vector.multi_reduction <minimumf>, %select_n3A_444, %reduce_min3A_445 [1] : vector<256x288xf32> to vector<256xf32>
      %broadcast_in_dim3A_447 = vector.shape_cast %reduce_min3A_446 : vector<256xf32> to vector<256x1xf32>
      %eq3A_448 = vector.broadcast %broadcast_in_dim3A_447 : vector<256x1xf32> to vector<256x288xf32>
      %eq3A_449 = arith.cmpf oeq, %convert_element_type3A, %eq3A_448 : vector<256x288xf32>
      %broadcast_in_dim3A_450 = vector.broadcast %while3A : f32 to vector<256x288xf32>
      %select_n3A_451 = arith.select %eq3A_449, %concatenate3A_114, %broadcast_in_dim3A_450 : vector<256x288xi1>, vector<256x288xf32>
      %reduce_min3A_452 = arith.constant dense<0x7F800000> : vector<256xf32>
      %reduce_min3A_453 = vector.multi_reduction <minimumf>, %select_n3A_451, %reduce_min3A_452 [1] : vector<256x288xf32> to vector<256xf32>
      %broadcast_in_dim3A_454 = vector.shape_cast %reduce_min3A_453 : vector<256xf32> to vector<256x1xf32>
      %eq3A_455 = arith.constant 10 : i32
      %eq3A_456 = vector.broadcast %eq3A_455 : i32 to vector<256x32xi32>
      %eq3A_457 = arith.cmpi eq, %iota3A_20, %eq3A_456 : vector<256x32xi32>
      %broadcast_in_dim3A_458 = vector.shape_cast %broadcast_in_dim3A_440 : vector<256x1xf32> to vector<256x1xf32>
      %broadcast_in_dim3A_459 = vector.broadcast %broadcast_in_dim3A_458 : vector<256x1xf32> to vector<256x32xf32>
      %select_n3A_460 = arith.select %eq3A_457, %broadcast_in_dim3A_459, %select_n3A_428 : vector<256x32xi1>, vector<256x32xf32>
      %eq3A_461 = arith.constant 10 : i32
      %eq3A_462 = vector.broadcast %eq3A_461 : i32 to vector<256x32xi32>
      %eq3A_463 = arith.cmpi eq, %iota3A_20, %eq3A_462 : vector<256x32xi32>
      %broadcast_in_dim3A_464 = vector.shape_cast %broadcast_in_dim3A_454 : vector<256x1xf32> to vector<256x1xf32>
      %broadcast_in_dim3A_465 = vector.broadcast %broadcast_in_dim3A_464 : vector<256x1xf32> to vector<256x32xf32>
      %select_n3A_466 = arith.select %eq3A_463, %broadcast_in_dim3A_465, %select_n3A_434 : vector<256x32xi1>, vector<256x32xf32>
      %jit3A_467 = arith.constant 0x7F800000 : f32
      %broadcast_in_dim3A_468 = vector.broadcast %jit3A_467 : f32 to vector<256x288xf32>
      %select_n3A_469 = arith.select %eq3A_449, %broadcast_in_dim3A_468, %select_n3A_437 : vector<256x288xi1>, vector<256x288xf32>
      %reduce_min3A_470 = arith.constant dense<0x7F800000> : vector<256xf32>
      %reduce_min3A_471 = vector.multi_reduction <minimumf>, %select_n3A_469, %reduce_min3A_470 [1] : vector<256x288xf32> to vector<256xf32>
      %broadcast_in_dim3A_472 = vector.shape_cast %reduce_min3A_471 : vector<256xf32> to vector<256x1xf32>
      %eq3A_473 = vector.broadcast %broadcast_in_dim3A_472 : vector<256x1xf32> to vector<256x288xf32>
      %eq3A_474 = arith.cmpf oeq, %select_n3A_469, %eq3A_473 : vector<256x288xf32>
      %broadcast_in_dim3A_475 = vector.broadcast %while3A : f32 to vector<256x288xf32>
      %select_n3A_476 = arith.select %eq3A_474, %convert_element_type3A, %broadcast_in_dim3A_475 : vector<256x288xi1>, vector<256x288xf32>
      %reduce_min3A_477 = arith.constant dense<0x7F800000> : vector<256xf32>
      %reduce_min3A_478 = vector.multi_reduction <minimumf>, %select_n3A_476, %reduce_min3A_477 [1] : vector<256x288xf32> to vector<256xf32>
      %broadcast_in_dim3A_479 = vector.shape_cast %reduce_min3A_478 : vector<256xf32> to vector<256x1xf32>
      %eq3A_480 = vector.broadcast %broadcast_in_dim3A_479 : vector<256x1xf32> to vector<256x288xf32>
      %eq3A_481 = arith.cmpf oeq, %convert_element_type3A, %eq3A_480 : vector<256x288xf32>
      %broadcast_in_dim3A_482 = vector.broadcast %while3A : f32 to vector<256x288xf32>
      %select_n3A_483 = arith.select %eq3A_481, %concatenate3A_114, %broadcast_in_dim3A_482 : vector<256x288xi1>, vector<256x288xf32>
      %reduce_min3A_484 = arith.constant dense<0x7F800000> : vector<256xf32>
      %reduce_min3A_485 = vector.multi_reduction <minimumf>, %select_n3A_483, %reduce_min3A_484 [1] : vector<256x288xf32> to vector<256xf32>
      %broadcast_in_dim3A_486 = vector.shape_cast %reduce_min3A_485 : vector<256xf32> to vector<256x1xf32>
      %eq3A_487 = arith.constant 11 : i32
      %eq3A_488 = vector.broadcast %eq3A_487 : i32 to vector<256x32xi32>
      %eq3A_489 = arith.cmpi eq, %iota3A_20, %eq3A_488 : vector<256x32xi32>
      %broadcast_in_dim3A_490 = vector.shape_cast %broadcast_in_dim3A_472 : vector<256x1xf32> to vector<256x1xf32>
      %broadcast_in_dim3A_491 = vector.broadcast %broadcast_in_dim3A_490 : vector<256x1xf32> to vector<256x32xf32>
      %select_n3A_492 = arith.select %eq3A_489, %broadcast_in_dim3A_491, %select_n3A_460 : vector<256x32xi1>, vector<256x32xf32>
      %eq3A_493 = arith.constant 11 : i32
      %eq3A_494 = vector.broadcast %eq3A_493 : i32 to vector<256x32xi32>
      %eq3A_495 = arith.cmpi eq, %iota3A_20, %eq3A_494 : vector<256x32xi32>
      %broadcast_in_dim3A_496 = vector.shape_cast %broadcast_in_dim3A_486 : vector<256x1xf32> to vector<256x1xf32>
      %broadcast_in_dim3A_497 = vector.broadcast %broadcast_in_dim3A_496 : vector<256x1xf32> to vector<256x32xf32>
      %select_n3A_498 = arith.select %eq3A_495, %broadcast_in_dim3A_497, %select_n3A_466 : vector<256x32xi1>, vector<256x32xf32>
      %jit3A_499 = arith.constant 0x7F800000 : f32
      %broadcast_in_dim3A_500 = vector.broadcast %jit3A_499 : f32 to vector<256x288xf32>
      %select_n3A_501 = arith.select %eq3A_481, %broadcast_in_dim3A_500, %select_n3A_469 : vector<256x288xi1>, vector<256x288xf32>
      %reduce_min3A_502 = arith.constant dense<0x7F800000> : vector<256xf32>
      %reduce_min3A_503 = vector.multi_reduction <minimumf>, %select_n3A_501, %reduce_min3A_502 [1] : vector<256x288xf32> to vector<256xf32>
      %broadcast_in_dim3A_504 = vector.shape_cast %reduce_min3A_503 : vector<256xf32> to vector<256x1xf32>
      %eq3A_505 = vector.broadcast %broadcast_in_dim3A_504 : vector<256x1xf32> to vector<256x288xf32>
      %eq3A_506 = arith.cmpf oeq, %select_n3A_501, %eq3A_505 : vector<256x288xf32>
      %broadcast_in_dim3A_507 = vector.broadcast %while3A : f32 to vector<256x288xf32>
      %select_n3A_508 = arith.select %eq3A_506, %convert_element_type3A, %broadcast_in_dim3A_507 : vector<256x288xi1>, vector<256x288xf32>
      %reduce_min3A_509 = arith.constant dense<0x7F800000> : vector<256xf32>
      %reduce_min3A_510 = vector.multi_reduction <minimumf>, %select_n3A_508, %reduce_min3A_509 [1] : vector<256x288xf32> to vector<256xf32>
      %broadcast_in_dim3A_511 = vector.shape_cast %reduce_min3A_510 : vector<256xf32> to vector<256x1xf32>
      %eq3A_512 = vector.broadcast %broadcast_in_dim3A_511 : vector<256x1xf32> to vector<256x288xf32>
      %eq3A_513 = arith.cmpf oeq, %convert_element_type3A, %eq3A_512 : vector<256x288xf32>
      %broadcast_in_dim3A_514 = vector.broadcast %while3A : f32 to vector<256x288xf32>
      %select_n3A_515 = arith.select %eq3A_513, %concatenate3A_114, %broadcast_in_dim3A_514 : vector<256x288xi1>, vector<256x288xf32>
      %reduce_min3A_516 = arith.constant dense<0x7F800000> : vector<256xf32>
      %reduce_min3A_517 = vector.multi_reduction <minimumf>, %select_n3A_515, %reduce_min3A_516 [1] : vector<256x288xf32> to vector<256xf32>
      %broadcast_in_dim3A_518 = vector.shape_cast %reduce_min3A_517 : vector<256xf32> to vector<256x1xf32>
      %eq3A_519 = arith.constant 12 : i32
      %eq3A_520 = vector.broadcast %eq3A_519 : i32 to vector<256x32xi32>
      %eq3A_521 = arith.cmpi eq, %iota3A_20, %eq3A_520 : vector<256x32xi32>
      %broadcast_in_dim3A_522 = vector.shape_cast %broadcast_in_dim3A_504 : vector<256x1xf32> to vector<256x1xf32>
      %broadcast_in_dim3A_523 = vector.broadcast %broadcast_in_dim3A_522 : vector<256x1xf32> to vector<256x32xf32>
      %select_n3A_524 = arith.select %eq3A_521, %broadcast_in_dim3A_523, %select_n3A_492 : vector<256x32xi1>, vector<256x32xf32>
      %eq3A_525 = arith.constant 12 : i32
      %eq3A_526 = vector.broadcast %eq3A_525 : i32 to vector<256x32xi32>
      %eq3A_527 = arith.cmpi eq, %iota3A_20, %eq3A_526 : vector<256x32xi32>
      %broadcast_in_dim3A_528 = vector.shape_cast %broadcast_in_dim3A_518 : vector<256x1xf32> to vector<256x1xf32>
      %broadcast_in_dim3A_529 = vector.broadcast %broadcast_in_dim3A_528 : vector<256x1xf32> to vector<256x32xf32>
      %select_n3A_530 = arith.select %eq3A_527, %broadcast_in_dim3A_529, %select_n3A_498 : vector<256x32xi1>, vector<256x32xf32>
      %jit3A_531 = arith.constant 0x7F800000 : f32
      %broadcast_in_dim3A_532 = vector.broadcast %jit3A_531 : f32 to vector<256x288xf32>
      %select_n3A_533 = arith.select %eq3A_513, %broadcast_in_dim3A_532, %select_n3A_501 : vector<256x288xi1>, vector<256x288xf32>
      %reduce_min3A_534 = arith.constant dense<0x7F800000> : vector<256xf32>
      %reduce_min3A_535 = vector.multi_reduction <minimumf>, %select_n3A_533, %reduce_min3A_534 [1] : vector<256x288xf32> to vector<256xf32>
      %broadcast_in_dim3A_536 = vector.shape_cast %reduce_min3A_535 : vector<256xf32> to vector<256x1xf32>
      %eq3A_537 = vector.broadcast %broadcast_in_dim3A_536 : vector<256x1xf32> to vector<256x288xf32>
      %eq3A_538 = arith.cmpf oeq, %select_n3A_533, %eq3A_537 : vector<256x288xf32>
      %broadcast_in_dim3A_539 = vector.broadcast %while3A : f32 to vector<256x288xf32>
      %select_n3A_540 = arith.select %eq3A_538, %convert_element_type3A, %broadcast_in_dim3A_539 : vector<256x288xi1>, vector<256x288xf32>
      %reduce_min3A_541 = arith.constant dense<0x7F800000> : vector<256xf32>
      %reduce_min3A_542 = vector.multi_reduction <minimumf>, %select_n3A_540, %reduce_min3A_541 [1] : vector<256x288xf32> to vector<256xf32>
      %broadcast_in_dim3A_543 = vector.shape_cast %reduce_min3A_542 : vector<256xf32> to vector<256x1xf32>
      %eq3A_544 = vector.broadcast %broadcast_in_dim3A_543 : vector<256x1xf32> to vector<256x288xf32>
      %eq3A_545 = arith.cmpf oeq, %convert_element_type3A, %eq3A_544 : vector<256x288xf32>
      %broadcast_in_dim3A_546 = vector.broadcast %while3A : f32 to vector<256x288xf32>
      %select_n3A_547 = arith.select %eq3A_545, %concatenate3A_114, %broadcast_in_dim3A_546 : vector<256x288xi1>, vector<256x288xf32>
      %reduce_min3A_548 = arith.constant dense<0x7F800000> : vector<256xf32>
      %reduce_min3A_549 = vector.multi_reduction <minimumf>, %select_n3A_547, %reduce_min3A_548 [1] : vector<256x288xf32> to vector<256xf32>
      %broadcast_in_dim3A_550 = vector.shape_cast %reduce_min3A_549 : vector<256xf32> to vector<256x1xf32>
      %eq3A_551 = arith.constant 13 : i32
      %eq3A_552 = vector.broadcast %eq3A_551 : i32 to vector<256x32xi32>
      %eq3A_553 = arith.cmpi eq, %iota3A_20, %eq3A_552 : vector<256x32xi32>
      %broadcast_in_dim3A_554 = vector.shape_cast %broadcast_in_dim3A_536 : vector<256x1xf32> to vector<256x1xf32>
      %broadcast_in_dim3A_555 = vector.broadcast %broadcast_in_dim3A_554 : vector<256x1xf32> to vector<256x32xf32>
      %select_n3A_556 = arith.select %eq3A_553, %broadcast_in_dim3A_555, %select_n3A_524 : vector<256x32xi1>, vector<256x32xf32>
      %eq3A_557 = arith.constant 13 : i32
      %eq3A_558 = vector.broadcast %eq3A_557 : i32 to vector<256x32xi32>
      %eq3A_559 = arith.cmpi eq, %iota3A_20, %eq3A_558 : vector<256x32xi32>
      %broadcast_in_dim3A_560 = vector.shape_cast %broadcast_in_dim3A_550 : vector<256x1xf32> to vector<256x1xf32>
      %broadcast_in_dim3A_561 = vector.broadcast %broadcast_in_dim3A_560 : vector<256x1xf32> to vector<256x32xf32>
      %select_n3A_562 = arith.select %eq3A_559, %broadcast_in_dim3A_561, %select_n3A_530 : vector<256x32xi1>, vector<256x32xf32>
      %jit3A_563 = arith.constant 0x7F800000 : f32
      %broadcast_in_dim3A_564 = vector.broadcast %jit3A_563 : f32 to vector<256x288xf32>
      %select_n3A_565 = arith.select %eq3A_545, %broadcast_in_dim3A_564, %select_n3A_533 : vector<256x288xi1>, vector<256x288xf32>
      %reduce_min3A_566 = arith.constant dense<0x7F800000> : vector<256xf32>
      %reduce_min3A_567 = vector.multi_reduction <minimumf>, %select_n3A_565, %reduce_min3A_566 [1] : vector<256x288xf32> to vector<256xf32>
      %broadcast_in_dim3A_568 = vector.shape_cast %reduce_min3A_567 : vector<256xf32> to vector<256x1xf32>
      %eq3A_569 = vector.broadcast %broadcast_in_dim3A_568 : vector<256x1xf32> to vector<256x288xf32>
      %eq3A_570 = arith.cmpf oeq, %select_n3A_565, %eq3A_569 : vector<256x288xf32>
      %broadcast_in_dim3A_571 = vector.broadcast %while3A : f32 to vector<256x288xf32>
      %select_n3A_572 = arith.select %eq3A_570, %convert_element_type3A, %broadcast_in_dim3A_571 : vector<256x288xi1>, vector<256x288xf32>
      %reduce_min3A_573 = arith.constant dense<0x7F800000> : vector<256xf32>
      %reduce_min3A_574 = vector.multi_reduction <minimumf>, %select_n3A_572, %reduce_min3A_573 [1] : vector<256x288xf32> to vector<256xf32>
      %broadcast_in_dim3A_575 = vector.shape_cast %reduce_min3A_574 : vector<256xf32> to vector<256x1xf32>
      %eq3A_576 = vector.broadcast %broadcast_in_dim3A_575 : vector<256x1xf32> to vector<256x288xf32>
      %eq3A_577 = arith.cmpf oeq, %convert_element_type3A, %eq3A_576 : vector<256x288xf32>
      %broadcast_in_dim3A_578 = vector.broadcast %while3A : f32 to vector<256x288xf32>
      %select_n3A_579 = arith.select %eq3A_577, %concatenate3A_114, %broadcast_in_dim3A_578 : vector<256x288xi1>, vector<256x288xf32>
      %reduce_min3A_580 = arith.constant dense<0x7F800000> : vector<256xf32>
      %reduce_min3A_581 = vector.multi_reduction <minimumf>, %select_n3A_579, %reduce_min3A_580 [1] : vector<256x288xf32> to vector<256xf32>
      %broadcast_in_dim3A_582 = vector.shape_cast %reduce_min3A_581 : vector<256xf32> to vector<256x1xf32>
      %eq3A_583 = arith.constant 14 : i32
      %eq3A_584 = vector.broadcast %eq3A_583 : i32 to vector<256x32xi32>
      %eq3A_585 = arith.cmpi eq, %iota3A_20, %eq3A_584 : vector<256x32xi32>
      %broadcast_in_dim3A_586 = vector.shape_cast %broadcast_in_dim3A_568 : vector<256x1xf32> to vector<256x1xf32>
      %broadcast_in_dim3A_587 = vector.broadcast %broadcast_in_dim3A_586 : vector<256x1xf32> to vector<256x32xf32>
      %select_n3A_588 = arith.select %eq3A_585, %broadcast_in_dim3A_587, %select_n3A_556 : vector<256x32xi1>, vector<256x32xf32>
      %eq3A_589 = arith.constant 14 : i32
      %eq3A_590 = vector.broadcast %eq3A_589 : i32 to vector<256x32xi32>
      %eq3A_591 = arith.cmpi eq, %iota3A_20, %eq3A_590 : vector<256x32xi32>
      %broadcast_in_dim3A_592 = vector.shape_cast %broadcast_in_dim3A_582 : vector<256x1xf32> to vector<256x1xf32>
      %broadcast_in_dim3A_593 = vector.broadcast %broadcast_in_dim3A_592 : vector<256x1xf32> to vector<256x32xf32>
      %select_n3A_594 = arith.select %eq3A_591, %broadcast_in_dim3A_593, %select_n3A_562 : vector<256x32xi1>, vector<256x32xf32>
      %jit3A_595 = arith.constant 0x7F800000 : f32
      %broadcast_in_dim3A_596 = vector.broadcast %jit3A_595 : f32 to vector<256x288xf32>
      %select_n3A_597 = arith.select %eq3A_577, %broadcast_in_dim3A_596, %select_n3A_565 : vector<256x288xi1>, vector<256x288xf32>
      %reduce_min3A_598 = arith.constant dense<0x7F800000> : vector<256xf32>
      %reduce_min3A_599 = vector.multi_reduction <minimumf>, %select_n3A_597, %reduce_min3A_598 [1] : vector<256x288xf32> to vector<256xf32>
      %broadcast_in_dim3A_600 = vector.shape_cast %reduce_min3A_599 : vector<256xf32> to vector<256x1xf32>
      %eq3A_601 = vector.broadcast %broadcast_in_dim3A_600 : vector<256x1xf32> to vector<256x288xf32>
      %eq3A_602 = arith.cmpf oeq, %select_n3A_597, %eq3A_601 : vector<256x288xf32>
      %broadcast_in_dim3A_603 = vector.broadcast %while3A : f32 to vector<256x288xf32>
      %select_n3A_604 = arith.select %eq3A_602, %convert_element_type3A, %broadcast_in_dim3A_603 : vector<256x288xi1>, vector<256x288xf32>
      %reduce_min3A_605 = arith.constant dense<0x7F800000> : vector<256xf32>
      %reduce_min3A_606 = vector.multi_reduction <minimumf>, %select_n3A_604, %reduce_min3A_605 [1] : vector<256x288xf32> to vector<256xf32>
      %broadcast_in_dim3A_607 = vector.shape_cast %reduce_min3A_606 : vector<256xf32> to vector<256x1xf32>
      %eq3A_608 = vector.broadcast %broadcast_in_dim3A_607 : vector<256x1xf32> to vector<256x288xf32>
      %eq3A_609 = arith.cmpf oeq, %convert_element_type3A, %eq3A_608 : vector<256x288xf32>
      %broadcast_in_dim3A_610 = vector.broadcast %while3A : f32 to vector<256x288xf32>
      %select_n3A_611 = arith.select %eq3A_609, %concatenate3A_114, %broadcast_in_dim3A_610 : vector<256x288xi1>, vector<256x288xf32>
      %reduce_min3A_612 = arith.constant dense<0x7F800000> : vector<256xf32>
      %reduce_min3A_613 = vector.multi_reduction <minimumf>, %select_n3A_611, %reduce_min3A_612 [1] : vector<256x288xf32> to vector<256xf32>
      %broadcast_in_dim3A_614 = vector.shape_cast %reduce_min3A_613 : vector<256xf32> to vector<256x1xf32>
      %eq3A_615 = arith.constant 15 : i32
      %eq3A_616 = vector.broadcast %eq3A_615 : i32 to vector<256x32xi32>
      %eq3A_617 = arith.cmpi eq, %iota3A_20, %eq3A_616 : vector<256x32xi32>
      %broadcast_in_dim3A_618 = vector.shape_cast %broadcast_in_dim3A_600 : vector<256x1xf32> to vector<256x1xf32>
      %broadcast_in_dim3A_619 = vector.broadcast %broadcast_in_dim3A_618 : vector<256x1xf32> to vector<256x32xf32>
      %select_n3A_620 = arith.select %eq3A_617, %broadcast_in_dim3A_619, %select_n3A_588 : vector<256x32xi1>, vector<256x32xf32>
      %eq3A_621 = arith.constant 15 : i32
      %eq3A_622 = vector.broadcast %eq3A_621 : i32 to vector<256x32xi32>
      %eq3A_623 = arith.cmpi eq, %iota3A_20, %eq3A_622 : vector<256x32xi32>
      %broadcast_in_dim3A_624 = vector.shape_cast %broadcast_in_dim3A_614 : vector<256x1xf32> to vector<256x1xf32>
      %broadcast_in_dim3A_625 = vector.broadcast %broadcast_in_dim3A_624 : vector<256x1xf32> to vector<256x32xf32>
      %select_n3A_626 = arith.select %eq3A_623, %broadcast_in_dim3A_625, %select_n3A_594 : vector<256x32xi1>, vector<256x32xf32>
      %jit3A_627 = arith.constant 0x7F800000 : f32
      %broadcast_in_dim3A_628 = vector.broadcast %jit3A_627 : f32 to vector<256x288xf32>
      %select_n3A_629 = arith.select %eq3A_609, %broadcast_in_dim3A_628, %select_n3A_597 : vector<256x288xi1>, vector<256x288xf32>
      %reduce_min3A_630 = arith.constant dense<0x7F800000> : vector<256xf32>
      %reduce_min3A_631 = vector.multi_reduction <minimumf>, %select_n3A_629, %reduce_min3A_630 [1] : vector<256x288xf32> to vector<256xf32>
      %broadcast_in_dim3A_632 = vector.shape_cast %reduce_min3A_631 : vector<256xf32> to vector<256x1xf32>
      %eq3A_633 = vector.broadcast %broadcast_in_dim3A_632 : vector<256x1xf32> to vector<256x288xf32>
      %eq3A_634 = arith.cmpf oeq, %select_n3A_629, %eq3A_633 : vector<256x288xf32>
      %broadcast_in_dim3A_635 = vector.broadcast %while3A : f32 to vector<256x288xf32>
      %select_n3A_636 = arith.select %eq3A_634, %convert_element_type3A, %broadcast_in_dim3A_635 : vector<256x288xi1>, vector<256x288xf32>
      %reduce_min3A_637 = arith.constant dense<0x7F800000> : vector<256xf32>
      %reduce_min3A_638 = vector.multi_reduction <minimumf>, %select_n3A_636, %reduce_min3A_637 [1] : vector<256x288xf32> to vector<256xf32>
      %broadcast_in_dim3A_639 = vector.shape_cast %reduce_min3A_638 : vector<256xf32> to vector<256x1xf32>
      %eq3A_640 = vector.broadcast %broadcast_in_dim3A_639 : vector<256x1xf32> to vector<256x288xf32>
      %eq3A_641 = arith.cmpf oeq, %convert_element_type3A, %eq3A_640 : vector<256x288xf32>
      %broadcast_in_dim3A_642 = vector.broadcast %while3A : f32 to vector<256x288xf32>
      %select_n3A_643 = arith.select %eq3A_641, %concatenate3A_114, %broadcast_in_dim3A_642 : vector<256x288xi1>, vector<256x288xf32>
      %reduce_min3A_644 = arith.constant dense<0x7F800000> : vector<256xf32>
      %reduce_min3A_645 = vector.multi_reduction <minimumf>, %select_n3A_643, %reduce_min3A_644 [1] : vector<256x288xf32> to vector<256xf32>
      %broadcast_in_dim3A_646 = vector.shape_cast %reduce_min3A_645 : vector<256xf32> to vector<256x1xf32>
      %eq3A_647 = arith.constant 16 : i32
      %eq3A_648 = vector.broadcast %eq3A_647 : i32 to vector<256x32xi32>
      %eq3A_649 = arith.cmpi eq, %iota3A_20, %eq3A_648 : vector<256x32xi32>
      %broadcast_in_dim3A_650 = vector.shape_cast %broadcast_in_dim3A_632 : vector<256x1xf32> to vector<256x1xf32>
      %broadcast_in_dim3A_651 = vector.broadcast %broadcast_in_dim3A_650 : vector<256x1xf32> to vector<256x32xf32>
      %select_n3A_652 = arith.select %eq3A_649, %broadcast_in_dim3A_651, %select_n3A_620 : vector<256x32xi1>, vector<256x32xf32>
      %eq3A_653 = arith.constant 16 : i32
      %eq3A_654 = vector.broadcast %eq3A_653 : i32 to vector<256x32xi32>
      %eq3A_655 = arith.cmpi eq, %iota3A_20, %eq3A_654 : vector<256x32xi32>
      %broadcast_in_dim3A_656 = vector.shape_cast %broadcast_in_dim3A_646 : vector<256x1xf32> to vector<256x1xf32>
      %broadcast_in_dim3A_657 = vector.broadcast %broadcast_in_dim3A_656 : vector<256x1xf32> to vector<256x32xf32>
      %select_n3A_658 = arith.select %eq3A_655, %broadcast_in_dim3A_657, %select_n3A_626 : vector<256x32xi1>, vector<256x32xf32>
      %jit3A_659 = arith.constant 0x7F800000 : f32
      %broadcast_in_dim3A_660 = vector.broadcast %jit3A_659 : f32 to vector<256x288xf32>
      %select_n3A_661 = arith.select %eq3A_641, %broadcast_in_dim3A_660, %select_n3A_629 : vector<256x288xi1>, vector<256x288xf32>
      %reduce_min3A_662 = arith.constant dense<0x7F800000> : vector<256xf32>
      %reduce_min3A_663 = vector.multi_reduction <minimumf>, %select_n3A_661, %reduce_min3A_662 [1] : vector<256x288xf32> to vector<256xf32>
      %broadcast_in_dim3A_664 = vector.shape_cast %reduce_min3A_663 : vector<256xf32> to vector<256x1xf32>
      %eq3A_665 = vector.broadcast %broadcast_in_dim3A_664 : vector<256x1xf32> to vector<256x288xf32>
      %eq3A_666 = arith.cmpf oeq, %select_n3A_661, %eq3A_665 : vector<256x288xf32>
      %broadcast_in_dim3A_667 = vector.broadcast %while3A : f32 to vector<256x288xf32>
      %select_n3A_668 = arith.select %eq3A_666, %convert_element_type3A, %broadcast_in_dim3A_667 : vector<256x288xi1>, vector<256x288xf32>
      %reduce_min3A_669 = arith.constant dense<0x7F800000> : vector<256xf32>
      %reduce_min3A_670 = vector.multi_reduction <minimumf>, %select_n3A_668, %reduce_min3A_669 [1] : vector<256x288xf32> to vector<256xf32>
      %broadcast_in_dim3A_671 = vector.shape_cast %reduce_min3A_670 : vector<256xf32> to vector<256x1xf32>
      %eq3A_672 = vector.broadcast %broadcast_in_dim3A_671 : vector<256x1xf32> to vector<256x288xf32>
      %eq3A_673 = arith.cmpf oeq, %convert_element_type3A, %eq3A_672 : vector<256x288xf32>
      %broadcast_in_dim3A_674 = vector.broadcast %while3A : f32 to vector<256x288xf32>
      %select_n3A_675 = arith.select %eq3A_673, %concatenate3A_114, %broadcast_in_dim3A_674 : vector<256x288xi1>, vector<256x288xf32>
      %reduce_min3A_676 = arith.constant dense<0x7F800000> : vector<256xf32>
      %reduce_min3A_677 = vector.multi_reduction <minimumf>, %select_n3A_675, %reduce_min3A_676 [1] : vector<256x288xf32> to vector<256xf32>
      %broadcast_in_dim3A_678 = vector.shape_cast %reduce_min3A_677 : vector<256xf32> to vector<256x1xf32>
      %eq3A_679 = arith.constant 17 : i32
      %eq3A_680 = vector.broadcast %eq3A_679 : i32 to vector<256x32xi32>
      %eq3A_681 = arith.cmpi eq, %iota3A_20, %eq3A_680 : vector<256x32xi32>
      %broadcast_in_dim3A_682 = vector.shape_cast %broadcast_in_dim3A_664 : vector<256x1xf32> to vector<256x1xf32>
      %broadcast_in_dim3A_683 = vector.broadcast %broadcast_in_dim3A_682 : vector<256x1xf32> to vector<256x32xf32>
      %select_n3A_684 = arith.select %eq3A_681, %broadcast_in_dim3A_683, %select_n3A_652 : vector<256x32xi1>, vector<256x32xf32>
      %eq3A_685 = arith.constant 17 : i32
      %eq3A_686 = vector.broadcast %eq3A_685 : i32 to vector<256x32xi32>
      %eq3A_687 = arith.cmpi eq, %iota3A_20, %eq3A_686 : vector<256x32xi32>
      %broadcast_in_dim3A_688 = vector.shape_cast %broadcast_in_dim3A_678 : vector<256x1xf32> to vector<256x1xf32>
      %broadcast_in_dim3A_689 = vector.broadcast %broadcast_in_dim3A_688 : vector<256x1xf32> to vector<256x32xf32>
      %select_n3A_690 = arith.select %eq3A_687, %broadcast_in_dim3A_689, %select_n3A_658 : vector<256x32xi1>, vector<256x32xf32>
      %jit3A_691 = arith.constant 0x7F800000 : f32
      %broadcast_in_dim3A_692 = vector.broadcast %jit3A_691 : f32 to vector<256x288xf32>
      %select_n3A_693 = arith.select %eq3A_673, %broadcast_in_dim3A_692, %select_n3A_661 : vector<256x288xi1>, vector<256x288xf32>
      %reduce_min3A_694 = arith.constant dense<0x7F800000> : vector<256xf32>
      %reduce_min3A_695 = vector.multi_reduction <minimumf>, %select_n3A_693, %reduce_min3A_694 [1] : vector<256x288xf32> to vector<256xf32>
      %broadcast_in_dim3A_696 = vector.shape_cast %reduce_min3A_695 : vector<256xf32> to vector<256x1xf32>
      %eq3A_697 = vector.broadcast %broadcast_in_dim3A_696 : vector<256x1xf32> to vector<256x288xf32>
      %eq3A_698 = arith.cmpf oeq, %select_n3A_693, %eq3A_697 : vector<256x288xf32>
      %broadcast_in_dim3A_699 = vector.broadcast %while3A : f32 to vector<256x288xf32>
      %select_n3A_700 = arith.select %eq3A_698, %convert_element_type3A, %broadcast_in_dim3A_699 : vector<256x288xi1>, vector<256x288xf32>
      %reduce_min3A_701 = arith.constant dense<0x7F800000> : vector<256xf32>
      %reduce_min3A_702 = vector.multi_reduction <minimumf>, %select_n3A_700, %reduce_min3A_701 [1] : vector<256x288xf32> to vector<256xf32>
      %broadcast_in_dim3A_703 = vector.shape_cast %reduce_min3A_702 : vector<256xf32> to vector<256x1xf32>
      %eq3A_704 = vector.broadcast %broadcast_in_dim3A_703 : vector<256x1xf32> to vector<256x288xf32>
      %eq3A_705 = arith.cmpf oeq, %convert_element_type3A, %eq3A_704 : vector<256x288xf32>
      %broadcast_in_dim3A_706 = vector.broadcast %while3A : f32 to vector<256x288xf32>
      %select_n3A_707 = arith.select %eq3A_705, %concatenate3A_114, %broadcast_in_dim3A_706 : vector<256x288xi1>, vector<256x288xf32>
      %reduce_min3A_708 = arith.constant dense<0x7F800000> : vector<256xf32>
      %reduce_min3A_709 = vector.multi_reduction <minimumf>, %select_n3A_707, %reduce_min3A_708 [1] : vector<256x288xf32> to vector<256xf32>
      %broadcast_in_dim3A_710 = vector.shape_cast %reduce_min3A_709 : vector<256xf32> to vector<256x1xf32>
      %eq3A_711 = arith.constant 18 : i32
      %eq3A_712 = vector.broadcast %eq3A_711 : i32 to vector<256x32xi32>
      %eq3A_713 = arith.cmpi eq, %iota3A_20, %eq3A_712 : vector<256x32xi32>
      %broadcast_in_dim3A_714 = vector.shape_cast %broadcast_in_dim3A_696 : vector<256x1xf32> to vector<256x1xf32>
      %broadcast_in_dim3A_715 = vector.broadcast %broadcast_in_dim3A_714 : vector<256x1xf32> to vector<256x32xf32>
      %select_n3A_716 = arith.select %eq3A_713, %broadcast_in_dim3A_715, %select_n3A_684 : vector<256x32xi1>, vector<256x32xf32>
      %eq3A_717 = arith.constant 18 : i32
      %eq3A_718 = vector.broadcast %eq3A_717 : i32 to vector<256x32xi32>
      %eq3A_719 = arith.cmpi eq, %iota3A_20, %eq3A_718 : vector<256x32xi32>
      %broadcast_in_dim3A_720 = vector.shape_cast %broadcast_in_dim3A_710 : vector<256x1xf32> to vector<256x1xf32>
      %broadcast_in_dim3A_721 = vector.broadcast %broadcast_in_dim3A_720 : vector<256x1xf32> to vector<256x32xf32>
      %select_n3A_722 = arith.select %eq3A_719, %broadcast_in_dim3A_721, %select_n3A_690 : vector<256x32xi1>, vector<256x32xf32>
      %jit3A_723 = arith.constant 0x7F800000 : f32
      %broadcast_in_dim3A_724 = vector.broadcast %jit3A_723 : f32 to vector<256x288xf32>
      %select_n3A_725 = arith.select %eq3A_705, %broadcast_in_dim3A_724, %select_n3A_693 : vector<256x288xi1>, vector<256x288xf32>
      %reduce_min3A_726 = arith.constant dense<0x7F800000> : vector<256xf32>
      %reduce_min3A_727 = vector.multi_reduction <minimumf>, %select_n3A_725, %reduce_min3A_726 [1] : vector<256x288xf32> to vector<256xf32>
      %broadcast_in_dim3A_728 = vector.shape_cast %reduce_min3A_727 : vector<256xf32> to vector<256x1xf32>
      %eq3A_729 = vector.broadcast %broadcast_in_dim3A_728 : vector<256x1xf32> to vector<256x288xf32>
      %eq3A_730 = arith.cmpf oeq, %select_n3A_725, %eq3A_729 : vector<256x288xf32>
      %broadcast_in_dim3A_731 = vector.broadcast %while3A : f32 to vector<256x288xf32>
      %select_n3A_732 = arith.select %eq3A_730, %convert_element_type3A, %broadcast_in_dim3A_731 : vector<256x288xi1>, vector<256x288xf32>
      %reduce_min3A_733 = arith.constant dense<0x7F800000> : vector<256xf32>
      %reduce_min3A_734 = vector.multi_reduction <minimumf>, %select_n3A_732, %reduce_min3A_733 [1] : vector<256x288xf32> to vector<256xf32>
      %broadcast_in_dim3A_735 = vector.shape_cast %reduce_min3A_734 : vector<256xf32> to vector<256x1xf32>
      %eq3A_736 = vector.broadcast %broadcast_in_dim3A_735 : vector<256x1xf32> to vector<256x288xf32>
      %eq3A_737 = arith.cmpf oeq, %convert_element_type3A, %eq3A_736 : vector<256x288xf32>
      %broadcast_in_dim3A_738 = vector.broadcast %while3A : f32 to vector<256x288xf32>
      %select_n3A_739 = arith.select %eq3A_737, %concatenate3A_114, %broadcast_in_dim3A_738 : vector<256x288xi1>, vector<256x288xf32>
      %reduce_min3A_740 = arith.constant dense<0x7F800000> : vector<256xf32>
      %reduce_min3A_741 = vector.multi_reduction <minimumf>, %select_n3A_739, %reduce_min3A_740 [1] : vector<256x288xf32> to vector<256xf32>
      %broadcast_in_dim3A_742 = vector.shape_cast %reduce_min3A_741 : vector<256xf32> to vector<256x1xf32>
      %eq3A_743 = arith.constant 19 : i32
      %eq3A_744 = vector.broadcast %eq3A_743 : i32 to vector<256x32xi32>
      %eq3A_745 = arith.cmpi eq, %iota3A_20, %eq3A_744 : vector<256x32xi32>
      %broadcast_in_dim3A_746 = vector.shape_cast %broadcast_in_dim3A_728 : vector<256x1xf32> to vector<256x1xf32>
      %broadcast_in_dim3A_747 = vector.broadcast %broadcast_in_dim3A_746 : vector<256x1xf32> to vector<256x32xf32>
      %select_n3A_748 = arith.select %eq3A_745, %broadcast_in_dim3A_747, %select_n3A_716 : vector<256x32xi1>, vector<256x32xf32>
      %eq3A_749 = arith.constant 19 : i32
      %eq3A_750 = vector.broadcast %eq3A_749 : i32 to vector<256x32xi32>
      %eq3A_751 = arith.cmpi eq, %iota3A_20, %eq3A_750 : vector<256x32xi32>
      %broadcast_in_dim3A_752 = vector.shape_cast %broadcast_in_dim3A_742 : vector<256x1xf32> to vector<256x1xf32>
      %broadcast_in_dim3A_753 = vector.broadcast %broadcast_in_dim3A_752 : vector<256x1xf32> to vector<256x32xf32>
      %select_n3A_754 = arith.select %eq3A_751, %broadcast_in_dim3A_753, %select_n3A_722 : vector<256x32xi1>, vector<256x32xf32>
      %jit3A_755 = arith.constant 0x7F800000 : f32
      %broadcast_in_dim3A_756 = vector.broadcast %jit3A_755 : f32 to vector<256x288xf32>
      %select_n3A_757 = arith.select %eq3A_737, %broadcast_in_dim3A_756, %select_n3A_725 : vector<256x288xi1>, vector<256x288xf32>
      %reduce_min3A_758 = arith.constant dense<0x7F800000> : vector<256xf32>
      %reduce_min3A_759 = vector.multi_reduction <minimumf>, %select_n3A_757, %reduce_min3A_758 [1] : vector<256x288xf32> to vector<256xf32>
      %broadcast_in_dim3A_760 = vector.shape_cast %reduce_min3A_759 : vector<256xf32> to vector<256x1xf32>
      %eq3A_761 = vector.broadcast %broadcast_in_dim3A_760 : vector<256x1xf32> to vector<256x288xf32>
      %eq3A_762 = arith.cmpf oeq, %select_n3A_757, %eq3A_761 : vector<256x288xf32>
      %broadcast_in_dim3A_763 = vector.broadcast %while3A : f32 to vector<256x288xf32>
      %select_n3A_764 = arith.select %eq3A_762, %convert_element_type3A, %broadcast_in_dim3A_763 : vector<256x288xi1>, vector<256x288xf32>
      %reduce_min3A_765 = arith.constant dense<0x7F800000> : vector<256xf32>
      %reduce_min3A_766 = vector.multi_reduction <minimumf>, %select_n3A_764, %reduce_min3A_765 [1] : vector<256x288xf32> to vector<256xf32>
      %broadcast_in_dim3A_767 = vector.shape_cast %reduce_min3A_766 : vector<256xf32> to vector<256x1xf32>
      %eq3A_768 = vector.broadcast %broadcast_in_dim3A_767 : vector<256x1xf32> to vector<256x288xf32>
      %eq3A_769 = arith.cmpf oeq, %convert_element_type3A, %eq3A_768 : vector<256x288xf32>
      %broadcast_in_dim3A_770 = vector.broadcast %while3A : f32 to vector<256x288xf32>
      %select_n3A_771 = arith.select %eq3A_769, %concatenate3A_114, %broadcast_in_dim3A_770 : vector<256x288xi1>, vector<256x288xf32>
      %reduce_min3A_772 = arith.constant dense<0x7F800000> : vector<256xf32>
      %reduce_min3A_773 = vector.multi_reduction <minimumf>, %select_n3A_771, %reduce_min3A_772 [1] : vector<256x288xf32> to vector<256xf32>
      %broadcast_in_dim3A_774 = vector.shape_cast %reduce_min3A_773 : vector<256xf32> to vector<256x1xf32>
      %eq3A_775 = arith.constant 20 : i32
      %eq3A_776 = vector.broadcast %eq3A_775 : i32 to vector<256x32xi32>
      %eq3A_777 = arith.cmpi eq, %iota3A_20, %eq3A_776 : vector<256x32xi32>
      %broadcast_in_dim3A_778 = vector.shape_cast %broadcast_in_dim3A_760 : vector<256x1xf32> to vector<256x1xf32>
      %broadcast_in_dim3A_779 = vector.broadcast %broadcast_in_dim3A_778 : vector<256x1xf32> to vector<256x32xf32>
      %select_n3A_780 = arith.select %eq3A_777, %broadcast_in_dim3A_779, %select_n3A_748 : vector<256x32xi1>, vector<256x32xf32>
      %eq3A_781 = arith.constant 20 : i32
      %eq3A_782 = vector.broadcast %eq3A_781 : i32 to vector<256x32xi32>
      %eq3A_783 = arith.cmpi eq, %iota3A_20, %eq3A_782 : vector<256x32xi32>
      %broadcast_in_dim3A_784 = vector.shape_cast %broadcast_in_dim3A_774 : vector<256x1xf32> to vector<256x1xf32>
      %broadcast_in_dim3A_785 = vector.broadcast %broadcast_in_dim3A_784 : vector<256x1xf32> to vector<256x32xf32>
      %select_n3A_786 = arith.select %eq3A_783, %broadcast_in_dim3A_785, %select_n3A_754 : vector<256x32xi1>, vector<256x32xf32>
      %jit3A_787 = arith.constant 0x7F800000 : f32
      %broadcast_in_dim3A_788 = vector.broadcast %jit3A_787 : f32 to vector<256x288xf32>
      %select_n3A_789 = arith.select %eq3A_769, %broadcast_in_dim3A_788, %select_n3A_757 : vector<256x288xi1>, vector<256x288xf32>
      %reduce_min3A_790 = arith.constant dense<0x7F800000> : vector<256xf32>
      %reduce_min3A_791 = vector.multi_reduction <minimumf>, %select_n3A_789, %reduce_min3A_790 [1] : vector<256x288xf32> to vector<256xf32>
      %broadcast_in_dim3A_792 = vector.shape_cast %reduce_min3A_791 : vector<256xf32> to vector<256x1xf32>
      %eq3A_793 = vector.broadcast %broadcast_in_dim3A_792 : vector<256x1xf32> to vector<256x288xf32>
      %eq3A_794 = arith.cmpf oeq, %select_n3A_789, %eq3A_793 : vector<256x288xf32>
      %broadcast_in_dim3A_795 = vector.broadcast %while3A : f32 to vector<256x288xf32>
      %select_n3A_796 = arith.select %eq3A_794, %convert_element_type3A, %broadcast_in_dim3A_795 : vector<256x288xi1>, vector<256x288xf32>
      %reduce_min3A_797 = arith.constant dense<0x7F800000> : vector<256xf32>
      %reduce_min3A_798 = vector.multi_reduction <minimumf>, %select_n3A_796, %reduce_min3A_797 [1] : vector<256x288xf32> to vector<256xf32>
      %broadcast_in_dim3A_799 = vector.shape_cast %reduce_min3A_798 : vector<256xf32> to vector<256x1xf32>
      %eq3A_800 = vector.broadcast %broadcast_in_dim3A_799 : vector<256x1xf32> to vector<256x288xf32>
      %eq3A_801 = arith.cmpf oeq, %convert_element_type3A, %eq3A_800 : vector<256x288xf32>
      %broadcast_in_dim3A_802 = vector.broadcast %while3A : f32 to vector<256x288xf32>
      %select_n3A_803 = arith.select %eq3A_801, %concatenate3A_114, %broadcast_in_dim3A_802 : vector<256x288xi1>, vector<256x288xf32>
      %reduce_min3A_804 = arith.constant dense<0x7F800000> : vector<256xf32>
      %reduce_min3A_805 = vector.multi_reduction <minimumf>, %select_n3A_803, %reduce_min3A_804 [1] : vector<256x288xf32> to vector<256xf32>
      %broadcast_in_dim3A_806 = vector.shape_cast %reduce_min3A_805 : vector<256xf32> to vector<256x1xf32>
      %eq3A_807 = arith.constant 21 : i32
      %eq3A_808 = vector.broadcast %eq3A_807 : i32 to vector<256x32xi32>
      %eq3A_809 = arith.cmpi eq, %iota3A_20, %eq3A_808 : vector<256x32xi32>
      %broadcast_in_dim3A_810 = vector.shape_cast %broadcast_in_dim3A_792 : vector<256x1xf32> to vector<256x1xf32>
      %broadcast_in_dim3A_811 = vector.broadcast %broadcast_in_dim3A_810 : vector<256x1xf32> to vector<256x32xf32>
      %select_n3A_812 = arith.select %eq3A_809, %broadcast_in_dim3A_811, %select_n3A_780 : vector<256x32xi1>, vector<256x32xf32>
      %eq3A_813 = arith.constant 21 : i32
      %eq3A_814 = vector.broadcast %eq3A_813 : i32 to vector<256x32xi32>
      %eq3A_815 = arith.cmpi eq, %iota3A_20, %eq3A_814 : vector<256x32xi32>
      %broadcast_in_dim3A_816 = vector.shape_cast %broadcast_in_dim3A_806 : vector<256x1xf32> to vector<256x1xf32>
      %broadcast_in_dim3A_817 = vector.broadcast %broadcast_in_dim3A_816 : vector<256x1xf32> to vector<256x32xf32>
      %select_n3A_818 = arith.select %eq3A_815, %broadcast_in_dim3A_817, %select_n3A_786 : vector<256x32xi1>, vector<256x32xf32>
      %jit3A_819 = arith.constant 0x7F800000 : f32
      %broadcast_in_dim3A_820 = vector.broadcast %jit3A_819 : f32 to vector<256x288xf32>
      %select_n3A_821 = arith.select %eq3A_801, %broadcast_in_dim3A_820, %select_n3A_789 : vector<256x288xi1>, vector<256x288xf32>
      %reduce_min3A_822 = arith.constant dense<0x7F800000> : vector<256xf32>
      %reduce_min3A_823 = vector.multi_reduction <minimumf>, %select_n3A_821, %reduce_min3A_822 [1] : vector<256x288xf32> to vector<256xf32>
      %broadcast_in_dim3A_824 = vector.shape_cast %reduce_min3A_823 : vector<256xf32> to vector<256x1xf32>
      %eq3A_825 = vector.broadcast %broadcast_in_dim3A_824 : vector<256x1xf32> to vector<256x288xf32>
      %eq3A_826 = arith.cmpf oeq, %select_n3A_821, %eq3A_825 : vector<256x288xf32>
      %broadcast_in_dim3A_827 = vector.broadcast %while3A : f32 to vector<256x288xf32>
      %select_n3A_828 = arith.select %eq3A_826, %convert_element_type3A, %broadcast_in_dim3A_827 : vector<256x288xi1>, vector<256x288xf32>
      %reduce_min3A_829 = arith.constant dense<0x7F800000> : vector<256xf32>
      %reduce_min3A_830 = vector.multi_reduction <minimumf>, %select_n3A_828, %reduce_min3A_829 [1] : vector<256x288xf32> to vector<256xf32>
      %broadcast_in_dim3A_831 = vector.shape_cast %reduce_min3A_830 : vector<256xf32> to vector<256x1xf32>
      %eq3A_832 = vector.broadcast %broadcast_in_dim3A_831 : vector<256x1xf32> to vector<256x288xf32>
      %eq3A_833 = arith.cmpf oeq, %convert_element_type3A, %eq3A_832 : vector<256x288xf32>
      %broadcast_in_dim3A_834 = vector.broadcast %while3A : f32 to vector<256x288xf32>
      %select_n3A_835 = arith.select %eq3A_833, %concatenate3A_114, %broadcast_in_dim3A_834 : vector<256x288xi1>, vector<256x288xf32>
      %reduce_min3A_836 = arith.constant dense<0x7F800000> : vector<256xf32>
      %reduce_min3A_837 = vector.multi_reduction <minimumf>, %select_n3A_835, %reduce_min3A_836 [1] : vector<256x288xf32> to vector<256xf32>
      %broadcast_in_dim3A_838 = vector.shape_cast %reduce_min3A_837 : vector<256xf32> to vector<256x1xf32>
      %eq3A_839 = arith.constant 22 : i32
      %eq3A_840 = vector.broadcast %eq3A_839 : i32 to vector<256x32xi32>
      %eq3A_841 = arith.cmpi eq, %iota3A_20, %eq3A_840 : vector<256x32xi32>
      %broadcast_in_dim3A_842 = vector.shape_cast %broadcast_in_dim3A_824 : vector<256x1xf32> to vector<256x1xf32>
      %broadcast_in_dim3A_843 = vector.broadcast %broadcast_in_dim3A_842 : vector<256x1xf32> to vector<256x32xf32>
      %select_n3A_844 = arith.select %eq3A_841, %broadcast_in_dim3A_843, %select_n3A_812 : vector<256x32xi1>, vector<256x32xf32>
      %eq3A_845 = arith.constant 22 : i32
      %eq3A_846 = vector.broadcast %eq3A_845 : i32 to vector<256x32xi32>
      %eq3A_847 = arith.cmpi eq, %iota3A_20, %eq3A_846 : vector<256x32xi32>
      %broadcast_in_dim3A_848 = vector.shape_cast %broadcast_in_dim3A_838 : vector<256x1xf32> to vector<256x1xf32>
      %broadcast_in_dim3A_849 = vector.broadcast %broadcast_in_dim3A_848 : vector<256x1xf32> to vector<256x32xf32>
      %select_n3A_850 = arith.select %eq3A_847, %broadcast_in_dim3A_849, %select_n3A_818 : vector<256x32xi1>, vector<256x32xf32>
      %jit3A_851 = arith.constant 0x7F800000 : f32
      %broadcast_in_dim3A_852 = vector.broadcast %jit3A_851 : f32 to vector<256x288xf32>
      %select_n3A_853 = arith.select %eq3A_833, %broadcast_in_dim3A_852, %select_n3A_821 : vector<256x288xi1>, vector<256x288xf32>
      %reduce_min3A_854 = arith.constant dense<0x7F800000> : vector<256xf32>
      %reduce_min3A_855 = vector.multi_reduction <minimumf>, %select_n3A_853, %reduce_min3A_854 [1] : vector<256x288xf32> to vector<256xf32>
      %broadcast_in_dim3A_856 = vector.shape_cast %reduce_min3A_855 : vector<256xf32> to vector<256x1xf32>
      %eq3A_857 = vector.broadcast %broadcast_in_dim3A_856 : vector<256x1xf32> to vector<256x288xf32>
      %eq3A_858 = arith.cmpf oeq, %select_n3A_853, %eq3A_857 : vector<256x288xf32>
      %broadcast_in_dim3A_859 = vector.broadcast %while3A : f32 to vector<256x288xf32>
      %select_n3A_860 = arith.select %eq3A_858, %convert_element_type3A, %broadcast_in_dim3A_859 : vector<256x288xi1>, vector<256x288xf32>
      %reduce_min3A_861 = arith.constant dense<0x7F800000> : vector<256xf32>
      %reduce_min3A_862 = vector.multi_reduction <minimumf>, %select_n3A_860, %reduce_min3A_861 [1] : vector<256x288xf32> to vector<256xf32>
      %broadcast_in_dim3A_863 = vector.shape_cast %reduce_min3A_862 : vector<256xf32> to vector<256x1xf32>
      %eq3A_864 = vector.broadcast %broadcast_in_dim3A_863 : vector<256x1xf32> to vector<256x288xf32>
      %eq3A_865 = arith.cmpf oeq, %convert_element_type3A, %eq3A_864 : vector<256x288xf32>
      %broadcast_in_dim3A_866 = vector.broadcast %while3A : f32 to vector<256x288xf32>
      %select_n3A_867 = arith.select %eq3A_865, %concatenate3A_114, %broadcast_in_dim3A_866 : vector<256x288xi1>, vector<256x288xf32>
      %reduce_min3A_868 = arith.constant dense<0x7F800000> : vector<256xf32>
      %reduce_min3A_869 = vector.multi_reduction <minimumf>, %select_n3A_867, %reduce_min3A_868 [1] : vector<256x288xf32> to vector<256xf32>
      %broadcast_in_dim3A_870 = vector.shape_cast %reduce_min3A_869 : vector<256xf32> to vector<256x1xf32>
      %eq3A_871 = arith.constant 23 : i32
      %eq3A_872 = vector.broadcast %eq3A_871 : i32 to vector<256x32xi32>
      %eq3A_873 = arith.cmpi eq, %iota3A_20, %eq3A_872 : vector<256x32xi32>
      %broadcast_in_dim3A_874 = vector.shape_cast %broadcast_in_dim3A_856 : vector<256x1xf32> to vector<256x1xf32>
      %broadcast_in_dim3A_875 = vector.broadcast %broadcast_in_dim3A_874 : vector<256x1xf32> to vector<256x32xf32>
      %select_n3A_876 = arith.select %eq3A_873, %broadcast_in_dim3A_875, %select_n3A_844 : vector<256x32xi1>, vector<256x32xf32>
      %eq3A_877 = arith.constant 23 : i32
      %eq3A_878 = vector.broadcast %eq3A_877 : i32 to vector<256x32xi32>
      %eq3A_879 = arith.cmpi eq, %iota3A_20, %eq3A_878 : vector<256x32xi32>
      %broadcast_in_dim3A_880 = vector.shape_cast %broadcast_in_dim3A_870 : vector<256x1xf32> to vector<256x1xf32>
      %broadcast_in_dim3A_881 = vector.broadcast %broadcast_in_dim3A_880 : vector<256x1xf32> to vector<256x32xf32>
      %select_n3A_882 = arith.select %eq3A_879, %broadcast_in_dim3A_881, %select_n3A_850 : vector<256x32xi1>, vector<256x32xf32>
      %jit3A_883 = arith.constant 0x7F800000 : f32
      %broadcast_in_dim3A_884 = vector.broadcast %jit3A_883 : f32 to vector<256x288xf32>
      %select_n3A_885 = arith.select %eq3A_865, %broadcast_in_dim3A_884, %select_n3A_853 : vector<256x288xi1>, vector<256x288xf32>
      %reduce_min3A_886 = arith.constant dense<0x7F800000> : vector<256xf32>
      %reduce_min3A_887 = vector.multi_reduction <minimumf>, %select_n3A_885, %reduce_min3A_886 [1] : vector<256x288xf32> to vector<256xf32>
      %broadcast_in_dim3A_888 = vector.shape_cast %reduce_min3A_887 : vector<256xf32> to vector<256x1xf32>
      %eq3A_889 = vector.broadcast %broadcast_in_dim3A_888 : vector<256x1xf32> to vector<256x288xf32>
      %eq3A_890 = arith.cmpf oeq, %select_n3A_885, %eq3A_889 : vector<256x288xf32>
      %broadcast_in_dim3A_891 = vector.broadcast %while3A : f32 to vector<256x288xf32>
      %select_n3A_892 = arith.select %eq3A_890, %convert_element_type3A, %broadcast_in_dim3A_891 : vector<256x288xi1>, vector<256x288xf32>
      %reduce_min3A_893 = arith.constant dense<0x7F800000> : vector<256xf32>
      %reduce_min3A_894 = vector.multi_reduction <minimumf>, %select_n3A_892, %reduce_min3A_893 [1] : vector<256x288xf32> to vector<256xf32>
      %broadcast_in_dim3A_895 = vector.shape_cast %reduce_min3A_894 : vector<256xf32> to vector<256x1xf32>
      %eq3A_896 = vector.broadcast %broadcast_in_dim3A_895 : vector<256x1xf32> to vector<256x288xf32>
      %eq3A_897 = arith.cmpf oeq, %convert_element_type3A, %eq3A_896 : vector<256x288xf32>
      %broadcast_in_dim3A_898 = vector.broadcast %while3A : f32 to vector<256x288xf32>
      %select_n3A_899 = arith.select %eq3A_897, %concatenate3A_114, %broadcast_in_dim3A_898 : vector<256x288xi1>, vector<256x288xf32>
      %reduce_min3A_900 = arith.constant dense<0x7F800000> : vector<256xf32>
      %reduce_min3A_901 = vector.multi_reduction <minimumf>, %select_n3A_899, %reduce_min3A_900 [1] : vector<256x288xf32> to vector<256xf32>
      %broadcast_in_dim3A_902 = vector.shape_cast %reduce_min3A_901 : vector<256xf32> to vector<256x1xf32>
      %eq3A_903 = arith.constant 24 : i32
      %eq3A_904 = vector.broadcast %eq3A_903 : i32 to vector<256x32xi32>
      %eq3A_905 = arith.cmpi eq, %iota3A_20, %eq3A_904 : vector<256x32xi32>
      %broadcast_in_dim3A_906 = vector.shape_cast %broadcast_in_dim3A_888 : vector<256x1xf32> to vector<256x1xf32>
      %broadcast_in_dim3A_907 = vector.broadcast %broadcast_in_dim3A_906 : vector<256x1xf32> to vector<256x32xf32>
      %select_n3A_908 = arith.select %eq3A_905, %broadcast_in_dim3A_907, %select_n3A_876 : vector<256x32xi1>, vector<256x32xf32>
      %eq3A_909 = arith.constant 24 : i32
      %eq3A_910 = vector.broadcast %eq3A_909 : i32 to vector<256x32xi32>
      %eq3A_911 = arith.cmpi eq, %iota3A_20, %eq3A_910 : vector<256x32xi32>
      %broadcast_in_dim3A_912 = vector.shape_cast %broadcast_in_dim3A_902 : vector<256x1xf32> to vector<256x1xf32>
      %broadcast_in_dim3A_913 = vector.broadcast %broadcast_in_dim3A_912 : vector<256x1xf32> to vector<256x32xf32>
      %select_n3A_914 = arith.select %eq3A_911, %broadcast_in_dim3A_913, %select_n3A_882 : vector<256x32xi1>, vector<256x32xf32>
      %jit3A_915 = arith.constant 0x7F800000 : f32
      %broadcast_in_dim3A_916 = vector.broadcast %jit3A_915 : f32 to vector<256x288xf32>
      %select_n3A_917 = arith.select %eq3A_897, %broadcast_in_dim3A_916, %select_n3A_885 : vector<256x288xi1>, vector<256x288xf32>
      %reduce_min3A_918 = arith.constant dense<0x7F800000> : vector<256xf32>
      %reduce_min3A_919 = vector.multi_reduction <minimumf>, %select_n3A_917, %reduce_min3A_918 [1] : vector<256x288xf32> to vector<256xf32>
      %broadcast_in_dim3A_920 = vector.shape_cast %reduce_min3A_919 : vector<256xf32> to vector<256x1xf32>
      %eq3A_921 = vector.broadcast %broadcast_in_dim3A_920 : vector<256x1xf32> to vector<256x288xf32>
      %eq3A_922 = arith.cmpf oeq, %select_n3A_917, %eq3A_921 : vector<256x288xf32>
      %broadcast_in_dim3A_923 = vector.broadcast %while3A : f32 to vector<256x288xf32>
      %select_n3A_924 = arith.select %eq3A_922, %convert_element_type3A, %broadcast_in_dim3A_923 : vector<256x288xi1>, vector<256x288xf32>
      %reduce_min3A_925 = arith.constant dense<0x7F800000> : vector<256xf32>
      %reduce_min3A_926 = vector.multi_reduction <minimumf>, %select_n3A_924, %reduce_min3A_925 [1] : vector<256x288xf32> to vector<256xf32>
      %broadcast_in_dim3A_927 = vector.shape_cast %reduce_min3A_926 : vector<256xf32> to vector<256x1xf32>
      %eq3A_928 = vector.broadcast %broadcast_in_dim3A_927 : vector<256x1xf32> to vector<256x288xf32>
      %eq3A_929 = arith.cmpf oeq, %convert_element_type3A, %eq3A_928 : vector<256x288xf32>
      %broadcast_in_dim3A_930 = vector.broadcast %while3A : f32 to vector<256x288xf32>
      %select_n3A_931 = arith.select %eq3A_929, %concatenate3A_114, %broadcast_in_dim3A_930 : vector<256x288xi1>, vector<256x288xf32>
      %reduce_min3A_932 = arith.constant dense<0x7F800000> : vector<256xf32>
      %reduce_min3A_933 = vector.multi_reduction <minimumf>, %select_n3A_931, %reduce_min3A_932 [1] : vector<256x288xf32> to vector<256xf32>
      %broadcast_in_dim3A_934 = vector.shape_cast %reduce_min3A_933 : vector<256xf32> to vector<256x1xf32>
      %eq3A_935 = arith.constant 25 : i32
      %eq3A_936 = vector.broadcast %eq3A_935 : i32 to vector<256x32xi32>
      %eq3A_937 = arith.cmpi eq, %iota3A_20, %eq3A_936 : vector<256x32xi32>
      %broadcast_in_dim3A_938 = vector.shape_cast %broadcast_in_dim3A_920 : vector<256x1xf32> to vector<256x1xf32>
      %broadcast_in_dim3A_939 = vector.broadcast %broadcast_in_dim3A_938 : vector<256x1xf32> to vector<256x32xf32>
      %select_n3A_940 = arith.select %eq3A_937, %broadcast_in_dim3A_939, %select_n3A_908 : vector<256x32xi1>, vector<256x32xf32>
      %eq3A_941 = arith.constant 25 : i32
      %eq3A_942 = vector.broadcast %eq3A_941 : i32 to vector<256x32xi32>
      %eq3A_943 = arith.cmpi eq, %iota3A_20, %eq3A_942 : vector<256x32xi32>
      %broadcast_in_dim3A_944 = vector.shape_cast %broadcast_in_dim3A_934 : vector<256x1xf32> to vector<256x1xf32>
      %broadcast_in_dim3A_945 = vector.broadcast %broadcast_in_dim3A_944 : vector<256x1xf32> to vector<256x32xf32>
      %select_n3A_946 = arith.select %eq3A_943, %broadcast_in_dim3A_945, %select_n3A_914 : vector<256x32xi1>, vector<256x32xf32>
      %jit3A_947 = arith.constant 0x7F800000 : f32
      %broadcast_in_dim3A_948 = vector.broadcast %jit3A_947 : f32 to vector<256x288xf32>
      %select_n3A_949 = arith.select %eq3A_929, %broadcast_in_dim3A_948, %select_n3A_917 : vector<256x288xi1>, vector<256x288xf32>
      %reduce_min3A_950 = arith.constant dense<0x7F800000> : vector<256xf32>
      %reduce_min3A_951 = vector.multi_reduction <minimumf>, %select_n3A_949, %reduce_min3A_950 [1] : vector<256x288xf32> to vector<256xf32>
      %broadcast_in_dim3A_952 = vector.shape_cast %reduce_min3A_951 : vector<256xf32> to vector<256x1xf32>
      %eq3A_953 = vector.broadcast %broadcast_in_dim3A_952 : vector<256x1xf32> to vector<256x288xf32>
      %eq3A_954 = arith.cmpf oeq, %select_n3A_949, %eq3A_953 : vector<256x288xf32>
      %broadcast_in_dim3A_955 = vector.broadcast %while3A : f32 to vector<256x288xf32>
      %select_n3A_956 = arith.select %eq3A_954, %convert_element_type3A, %broadcast_in_dim3A_955 : vector<256x288xi1>, vector<256x288xf32>
      %reduce_min3A_957 = arith.constant dense<0x7F800000> : vector<256xf32>
      %reduce_min3A_958 = vector.multi_reduction <minimumf>, %select_n3A_956, %reduce_min3A_957 [1] : vector<256x288xf32> to vector<256xf32>
      %broadcast_in_dim3A_959 = vector.shape_cast %reduce_min3A_958 : vector<256xf32> to vector<256x1xf32>
      %eq3A_960 = vector.broadcast %broadcast_in_dim3A_959 : vector<256x1xf32> to vector<256x288xf32>
      %eq3A_961 = arith.cmpf oeq, %convert_element_type3A, %eq3A_960 : vector<256x288xf32>
      %broadcast_in_dim3A_962 = vector.broadcast %while3A : f32 to vector<256x288xf32>
      %select_n3A_963 = arith.select %eq3A_961, %concatenate3A_114, %broadcast_in_dim3A_962 : vector<256x288xi1>, vector<256x288xf32>
      %reduce_min3A_964 = arith.constant dense<0x7F800000> : vector<256xf32>
      %reduce_min3A_965 = vector.multi_reduction <minimumf>, %select_n3A_963, %reduce_min3A_964 [1] : vector<256x288xf32> to vector<256xf32>
      %broadcast_in_dim3A_966 = vector.shape_cast %reduce_min3A_965 : vector<256xf32> to vector<256x1xf32>
      %eq3A_967 = arith.constant 26 : i32
      %eq3A_968 = vector.broadcast %eq3A_967 : i32 to vector<256x32xi32>
      %eq3A_969 = arith.cmpi eq, %iota3A_20, %eq3A_968 : vector<256x32xi32>
      %broadcast_in_dim3A_970 = vector.shape_cast %broadcast_in_dim3A_952 : vector<256x1xf32> to vector<256x1xf32>
      %broadcast_in_dim3A_971 = vector.broadcast %broadcast_in_dim3A_970 : vector<256x1xf32> to vector<256x32xf32>
      %select_n3A_972 = arith.select %eq3A_969, %broadcast_in_dim3A_971, %select_n3A_940 : vector<256x32xi1>, vector<256x32xf32>
      %eq3A_973 = arith.constant 26 : i32
      %eq3A_974 = vector.broadcast %eq3A_973 : i32 to vector<256x32xi32>
      %eq3A_975 = arith.cmpi eq, %iota3A_20, %eq3A_974 : vector<256x32xi32>
      %broadcast_in_dim3A_976 = vector.shape_cast %broadcast_in_dim3A_966 : vector<256x1xf32> to vector<256x1xf32>
      %broadcast_in_dim3A_977 = vector.broadcast %broadcast_in_dim3A_976 : vector<256x1xf32> to vector<256x32xf32>
      %select_n3A_978 = arith.select %eq3A_975, %broadcast_in_dim3A_977, %select_n3A_946 : vector<256x32xi1>, vector<256x32xf32>
      %jit3A_979 = arith.constant 0x7F800000 : f32
      %broadcast_in_dim3A_980 = vector.broadcast %jit3A_979 : f32 to vector<256x288xf32>
      %select_n3A_981 = arith.select %eq3A_961, %broadcast_in_dim3A_980, %select_n3A_949 : vector<256x288xi1>, vector<256x288xf32>
      %reduce_min3A_982 = arith.constant dense<0x7F800000> : vector<256xf32>
      %reduce_min3A_983 = vector.multi_reduction <minimumf>, %select_n3A_981, %reduce_min3A_982 [1] : vector<256x288xf32> to vector<256xf32>
      %broadcast_in_dim3A_984 = vector.shape_cast %reduce_min3A_983 : vector<256xf32> to vector<256x1xf32>
      %eq3A_985 = vector.broadcast %broadcast_in_dim3A_984 : vector<256x1xf32> to vector<256x288xf32>
      %eq3A_986 = arith.cmpf oeq, %select_n3A_981, %eq3A_985 : vector<256x288xf32>
      %broadcast_in_dim3A_987 = vector.broadcast %while3A : f32 to vector<256x288xf32>
      %select_n3A_988 = arith.select %eq3A_986, %convert_element_type3A, %broadcast_in_dim3A_987 : vector<256x288xi1>, vector<256x288xf32>
      %reduce_min3A_989 = arith.constant dense<0x7F800000> : vector<256xf32>
      %reduce_min3A_990 = vector.multi_reduction <minimumf>, %select_n3A_988, %reduce_min3A_989 [1] : vector<256x288xf32> to vector<256xf32>
      %broadcast_in_dim3A_991 = vector.shape_cast %reduce_min3A_990 : vector<256xf32> to vector<256x1xf32>
      %eq3A_992 = vector.broadcast %broadcast_in_dim3A_991 : vector<256x1xf32> to vector<256x288xf32>
      %eq3A_993 = arith.cmpf oeq, %convert_element_type3A, %eq3A_992 : vector<256x288xf32>
      %broadcast_in_dim3A_994 = vector.broadcast %while3A : f32 to vector<256x288xf32>
      %select_n3A_995 = arith.select %eq3A_993, %concatenate3A_114, %broadcast_in_dim3A_994 : vector<256x288xi1>, vector<256x288xf32>
      %reduce_min3A_996 = arith.constant dense<0x7F800000> : vector<256xf32>
      %reduce_min3A_997 = vector.multi_reduction <minimumf>, %select_n3A_995, %reduce_min3A_996 [1] : vector<256x288xf32> to vector<256xf32>
      %broadcast_in_dim3A_998 = vector.shape_cast %reduce_min3A_997 : vector<256xf32> to vector<256x1xf32>
      %eq3A_999 = arith.constant 27 : i32
      %eq3A_1000 = vector.broadcast %eq3A_999 : i32 to vector<256x32xi32>
      %eq3A_1001 = arith.cmpi eq, %iota3A_20, %eq3A_1000 : vector<256x32xi32>
      %broadcast_in_dim3A_1002 = vector.shape_cast %broadcast_in_dim3A_984 : vector<256x1xf32> to vector<256x1xf32>
      %broadcast_in_dim3A_1003 = vector.broadcast %broadcast_in_dim3A_1002 : vector<256x1xf32> to vector<256x32xf32>
      %select_n3A_1004 = arith.select %eq3A_1001, %broadcast_in_dim3A_1003, %select_n3A_972 : vector<256x32xi1>, vector<256x32xf32>
      %eq3A_1005 = arith.constant 27 : i32
      %eq3A_1006 = vector.broadcast %eq3A_1005 : i32 to vector<256x32xi32>
      %eq3A_1007 = arith.cmpi eq, %iota3A_20, %eq3A_1006 : vector<256x32xi32>
      %broadcast_in_dim3A_1008 = vector.shape_cast %broadcast_in_dim3A_998 : vector<256x1xf32> to vector<256x1xf32>
      %broadcast_in_dim3A_1009 = vector.broadcast %broadcast_in_dim3A_1008 : vector<256x1xf32> to vector<256x32xf32>
      %select_n3A_1010 = arith.select %eq3A_1007, %broadcast_in_dim3A_1009, %select_n3A_978 : vector<256x32xi1>, vector<256x32xf32>
      %jit3A_1011 = arith.constant 0x7F800000 : f32
      %broadcast_in_dim3A_1012 = vector.broadcast %jit3A_1011 : f32 to vector<256x288xf32>
      %select_n3A_1013 = arith.select %eq3A_993, %broadcast_in_dim3A_1012, %select_n3A_981 : vector<256x288xi1>, vector<256x288xf32>
      %reduce_min3A_1014 = arith.constant dense<0x7F800000> : vector<256xf32>
      %reduce_min3A_1015 = vector.multi_reduction <minimumf>, %select_n3A_1013, %reduce_min3A_1014 [1] : vector<256x288xf32> to vector<256xf32>
      %broadcast_in_dim3A_1016 = vector.shape_cast %reduce_min3A_1015 : vector<256xf32> to vector<256x1xf32>
      %eq3A_1017 = vector.broadcast %broadcast_in_dim3A_1016 : vector<256x1xf32> to vector<256x288xf32>
      %eq3A_1018 = arith.cmpf oeq, %select_n3A_1013, %eq3A_1017 : vector<256x288xf32>
      %broadcast_in_dim3A_1019 = vector.broadcast %while3A : f32 to vector<256x288xf32>
      %select_n3A_1020 = arith.select %eq3A_1018, %convert_element_type3A, %broadcast_in_dim3A_1019 : vector<256x288xi1>, vector<256x288xf32>
      %reduce_min3A_1021 = arith.constant dense<0x7F800000> : vector<256xf32>
      %reduce_min3A_1022 = vector.multi_reduction <minimumf>, %select_n3A_1020, %reduce_min3A_1021 [1] : vector<256x288xf32> to vector<256xf32>
      %broadcast_in_dim3A_1023 = vector.shape_cast %reduce_min3A_1022 : vector<256xf32> to vector<256x1xf32>
      %eq3A_1024 = vector.broadcast %broadcast_in_dim3A_1023 : vector<256x1xf32> to vector<256x288xf32>
      %eq3A_1025 = arith.cmpf oeq, %convert_element_type3A, %eq3A_1024 : vector<256x288xf32>
      %broadcast_in_dim3A_1026 = vector.broadcast %while3A : f32 to vector<256x288xf32>
      %select_n3A_1027 = arith.select %eq3A_1025, %concatenate3A_114, %broadcast_in_dim3A_1026 : vector<256x288xi1>, vector<256x288xf32>
      %reduce_min3A_1028 = arith.constant dense<0x7F800000> : vector<256xf32>
      %reduce_min3A_1029 = vector.multi_reduction <minimumf>, %select_n3A_1027, %reduce_min3A_1028 [1] : vector<256x288xf32> to vector<256xf32>
      %broadcast_in_dim3A_1030 = vector.shape_cast %reduce_min3A_1029 : vector<256xf32> to vector<256x1xf32>
      %eq3A_1031 = arith.constant 28 : i32
      %eq3A_1032 = vector.broadcast %eq3A_1031 : i32 to vector<256x32xi32>
      %eq3A_1033 = arith.cmpi eq, %iota3A_20, %eq3A_1032 : vector<256x32xi32>
      %broadcast_in_dim3A_1034 = vector.shape_cast %broadcast_in_dim3A_1016 : vector<256x1xf32> to vector<256x1xf32>
      %broadcast_in_dim3A_1035 = vector.broadcast %broadcast_in_dim3A_1034 : vector<256x1xf32> to vector<256x32xf32>
      %select_n3A_1036 = arith.select %eq3A_1033, %broadcast_in_dim3A_1035, %select_n3A_1004 : vector<256x32xi1>, vector<256x32xf32>
      %eq3A_1037 = arith.constant 28 : i32
      %eq3A_1038 = vector.broadcast %eq3A_1037 : i32 to vector<256x32xi32>
      %eq3A_1039 = arith.cmpi eq, %iota3A_20, %eq3A_1038 : vector<256x32xi32>
      %broadcast_in_dim3A_1040 = vector.shape_cast %broadcast_in_dim3A_1030 : vector<256x1xf32> to vector<256x1xf32>
      %broadcast_in_dim3A_1041 = vector.broadcast %broadcast_in_dim3A_1040 : vector<256x1xf32> to vector<256x32xf32>
      %select_n3A_1042 = arith.select %eq3A_1039, %broadcast_in_dim3A_1041, %select_n3A_1010 : vector<256x32xi1>, vector<256x32xf32>
      %jit3A_1043 = arith.constant 0x7F800000 : f32
      %broadcast_in_dim3A_1044 = vector.broadcast %jit3A_1043 : f32 to vector<256x288xf32>
      %select_n3A_1045 = arith.select %eq3A_1025, %broadcast_in_dim3A_1044, %select_n3A_1013 : vector<256x288xi1>, vector<256x288xf32>
      %reduce_min3A_1046 = arith.constant dense<0x7F800000> : vector<256xf32>
      %reduce_min3A_1047 = vector.multi_reduction <minimumf>, %select_n3A_1045, %reduce_min3A_1046 [1] : vector<256x288xf32> to vector<256xf32>
      %broadcast_in_dim3A_1048 = vector.shape_cast %reduce_min3A_1047 : vector<256xf32> to vector<256x1xf32>
      %eq3A_1049 = vector.broadcast %broadcast_in_dim3A_1048 : vector<256x1xf32> to vector<256x288xf32>
      %eq3A_1050 = arith.cmpf oeq, %select_n3A_1045, %eq3A_1049 : vector<256x288xf32>
      %broadcast_in_dim3A_1051 = vector.broadcast %while3A : f32 to vector<256x288xf32>
      %select_n3A_1052 = arith.select %eq3A_1050, %convert_element_type3A, %broadcast_in_dim3A_1051 : vector<256x288xi1>, vector<256x288xf32>
      %reduce_min3A_1053 = arith.constant dense<0x7F800000> : vector<256xf32>
      %reduce_min3A_1054 = vector.multi_reduction <minimumf>, %select_n3A_1052, %reduce_min3A_1053 [1] : vector<256x288xf32> to vector<256xf32>
      %broadcast_in_dim3A_1055 = vector.shape_cast %reduce_min3A_1054 : vector<256xf32> to vector<256x1xf32>
      %eq3A_1056 = vector.broadcast %broadcast_in_dim3A_1055 : vector<256x1xf32> to vector<256x288xf32>
      %eq3A_1057 = arith.cmpf oeq, %convert_element_type3A, %eq3A_1056 : vector<256x288xf32>
      %broadcast_in_dim3A_1058 = vector.broadcast %while3A : f32 to vector<256x288xf32>
      %select_n3A_1059 = arith.select %eq3A_1057, %concatenate3A_114, %broadcast_in_dim3A_1058 : vector<256x288xi1>, vector<256x288xf32>
      %reduce_min3A_1060 = arith.constant dense<0x7F800000> : vector<256xf32>
      %reduce_min3A_1061 = vector.multi_reduction <minimumf>, %select_n3A_1059, %reduce_min3A_1060 [1] : vector<256x288xf32> to vector<256xf32>
      %broadcast_in_dim3A_1062 = vector.shape_cast %reduce_min3A_1061 : vector<256xf32> to vector<256x1xf32>
      %eq3A_1063 = arith.constant 29 : i32
      %eq3A_1064 = vector.broadcast %eq3A_1063 : i32 to vector<256x32xi32>
      %eq3A_1065 = arith.cmpi eq, %iota3A_20, %eq3A_1064 : vector<256x32xi32>
      %broadcast_in_dim3A_1066 = vector.shape_cast %broadcast_in_dim3A_1048 : vector<256x1xf32> to vector<256x1xf32>
      %broadcast_in_dim3A_1067 = vector.broadcast %broadcast_in_dim3A_1066 : vector<256x1xf32> to vector<256x32xf32>
      %select_n3A_1068 = arith.select %eq3A_1065, %broadcast_in_dim3A_1067, %select_n3A_1036 : vector<256x32xi1>, vector<256x32xf32>
      %eq3A_1069 = arith.constant 29 : i32
      %eq3A_1070 = vector.broadcast %eq3A_1069 : i32 to vector<256x32xi32>
      %eq3A_1071 = arith.cmpi eq, %iota3A_20, %eq3A_1070 : vector<256x32xi32>
      %broadcast_in_dim3A_1072 = vector.shape_cast %broadcast_in_dim3A_1062 : vector<256x1xf32> to vector<256x1xf32>
      %broadcast_in_dim3A_1073 = vector.broadcast %broadcast_in_dim3A_1072 : vector<256x1xf32> to vector<256x32xf32>
      %select_n3A_1074 = arith.select %eq3A_1071, %broadcast_in_dim3A_1073, %select_n3A_1042 : vector<256x32xi1>, vector<256x32xf32>
      %jit3A_1075 = arith.constant 0x7F800000 : f32
      %broadcast_in_dim3A_1076 = vector.broadcast %jit3A_1075 : f32 to vector<256x288xf32>
      %select_n3A_1077 = arith.select %eq3A_1057, %broadcast_in_dim3A_1076, %select_n3A_1045 : vector<256x288xi1>, vector<256x288xf32>
      %reduce_min3A_1078 = arith.constant dense<0x7F800000> : vector<256xf32>
      %reduce_min3A_1079 = vector.multi_reduction <minimumf>, %select_n3A_1077, %reduce_min3A_1078 [1] : vector<256x288xf32> to vector<256xf32>
      %broadcast_in_dim3A_1080 = vector.shape_cast %reduce_min3A_1079 : vector<256xf32> to vector<256x1xf32>
      %eq3A_1081 = vector.broadcast %broadcast_in_dim3A_1080 : vector<256x1xf32> to vector<256x288xf32>
      %eq3A_1082 = arith.cmpf oeq, %select_n3A_1077, %eq3A_1081 : vector<256x288xf32>
      %broadcast_in_dim3A_1083 = vector.broadcast %while3A : f32 to vector<256x288xf32>
      %select_n3A_1084 = arith.select %eq3A_1082, %convert_element_type3A, %broadcast_in_dim3A_1083 : vector<256x288xi1>, vector<256x288xf32>
      %reduce_min3A_1085 = arith.constant dense<0x7F800000> : vector<256xf32>
      %reduce_min3A_1086 = vector.multi_reduction <minimumf>, %select_n3A_1084, %reduce_min3A_1085 [1] : vector<256x288xf32> to vector<256xf32>
      %broadcast_in_dim3A_1087 = vector.shape_cast %reduce_min3A_1086 : vector<256xf32> to vector<256x1xf32>
      %eq3A_1088 = vector.broadcast %broadcast_in_dim3A_1087 : vector<256x1xf32> to vector<256x288xf32>
      %eq3A_1089 = arith.cmpf oeq, %convert_element_type3A, %eq3A_1088 : vector<256x288xf32>
      %broadcast_in_dim3A_1090 = vector.broadcast %while3A : f32 to vector<256x288xf32>
      %select_n3A_1091 = arith.select %eq3A_1089, %concatenate3A_114, %broadcast_in_dim3A_1090 : vector<256x288xi1>, vector<256x288xf32>
      %reduce_min3A_1092 = arith.constant dense<0x7F800000> : vector<256xf32>
      %reduce_min3A_1093 = vector.multi_reduction <minimumf>, %select_n3A_1091, %reduce_min3A_1092 [1] : vector<256x288xf32> to vector<256xf32>
      %broadcast_in_dim3A_1094 = vector.shape_cast %reduce_min3A_1093 : vector<256xf32> to vector<256x1xf32>
      %eq3A_1095 = arith.constant 30 : i32
      %eq3A_1096 = vector.broadcast %eq3A_1095 : i32 to vector<256x32xi32>
      %eq3A_1097 = arith.cmpi eq, %iota3A_20, %eq3A_1096 : vector<256x32xi32>
      %broadcast_in_dim3A_1098 = vector.shape_cast %broadcast_in_dim3A_1080 : vector<256x1xf32> to vector<256x1xf32>
      %broadcast_in_dim3A_1099 = vector.broadcast %broadcast_in_dim3A_1098 : vector<256x1xf32> to vector<256x32xf32>
      %select_n3A_1100 = arith.select %eq3A_1097, %broadcast_in_dim3A_1099, %select_n3A_1068 : vector<256x32xi1>, vector<256x32xf32>
      %eq3A_1101 = arith.constant 30 : i32
      %eq3A_1102 = vector.broadcast %eq3A_1101 : i32 to vector<256x32xi32>
      %eq3A_1103 = arith.cmpi eq, %iota3A_20, %eq3A_1102 : vector<256x32xi32>
      %broadcast_in_dim3A_1104 = vector.shape_cast %broadcast_in_dim3A_1094 : vector<256x1xf32> to vector<256x1xf32>
      %broadcast_in_dim3A_1105 = vector.broadcast %broadcast_in_dim3A_1104 : vector<256x1xf32> to vector<256x32xf32>
      %select_n3A_1106 = arith.select %eq3A_1103, %broadcast_in_dim3A_1105, %select_n3A_1074 : vector<256x32xi1>, vector<256x32xf32>
      %jit3A_1107 = arith.constant 0x7F800000 : f32
      %broadcast_in_dim3A_1108 = vector.broadcast %jit3A_1107 : f32 to vector<256x288xf32>
      %select_n3A_1109 = arith.select %eq3A_1089, %broadcast_in_dim3A_1108, %select_n3A_1077 : vector<256x288xi1>, vector<256x288xf32>
      %reduce_min3A_1110 = arith.constant dense<0x7F800000> : vector<256xf32>
      %reduce_min3A_1111 = vector.multi_reduction <minimumf>, %select_n3A_1109, %reduce_min3A_1110 [1] : vector<256x288xf32> to vector<256xf32>
      %broadcast_in_dim3A_1112 = vector.shape_cast %reduce_min3A_1111 : vector<256xf32> to vector<256x1xf32>
      %eq3A_1113 = vector.broadcast %broadcast_in_dim3A_1112 : vector<256x1xf32> to vector<256x288xf32>
      %eq3A_1114 = arith.cmpf oeq, %select_n3A_1109, %eq3A_1113 : vector<256x288xf32>
      %broadcast_in_dim3A_1115 = vector.broadcast %while3A : f32 to vector<256x288xf32>
      %select_n3A_1116 = arith.select %eq3A_1114, %convert_element_type3A, %broadcast_in_dim3A_1115 : vector<256x288xi1>, vector<256x288xf32>
      %reduce_min3A_1117 = arith.constant dense<0x7F800000> : vector<256xf32>
      %reduce_min3A_1118 = vector.multi_reduction <minimumf>, %select_n3A_1116, %reduce_min3A_1117 [1] : vector<256x288xf32> to vector<256xf32>
      %broadcast_in_dim3A_1119 = vector.shape_cast %reduce_min3A_1118 : vector<256xf32> to vector<256x1xf32>
      %eq3A_1120 = vector.broadcast %broadcast_in_dim3A_1119 : vector<256x1xf32> to vector<256x288xf32>
      %eq3A_1121 = arith.cmpf oeq, %convert_element_type3A, %eq3A_1120 : vector<256x288xf32>
      %broadcast_in_dim3A_1122 = vector.broadcast %while3A : f32 to vector<256x288xf32>
      %select_n3A_1123 = arith.select %eq3A_1121, %concatenate3A_114, %broadcast_in_dim3A_1122 : vector<256x288xi1>, vector<256x288xf32>
      %reduce_min3A_1124 = arith.constant dense<0x7F800000> : vector<256xf32>
      %reduce_min3A_1125 = vector.multi_reduction <minimumf>, %select_n3A_1123, %reduce_min3A_1124 [1] : vector<256x288xf32> to vector<256xf32>
      %broadcast_in_dim3A_1126 = vector.shape_cast %reduce_min3A_1125 : vector<256xf32> to vector<256x1xf32>
      %eq3A_1127 = arith.constant 31 : i32
      %eq3A_1128 = vector.broadcast %eq3A_1127 : i32 to vector<256x32xi32>
      %eq3A_1129 = arith.cmpi eq, %iota3A_20, %eq3A_1128 : vector<256x32xi32>
      %broadcast_in_dim3A_1130 = vector.shape_cast %broadcast_in_dim3A_1112 : vector<256x1xf32> to vector<256x1xf32>
      %broadcast_in_dim3A_1131 = vector.broadcast %broadcast_in_dim3A_1130 : vector<256x1xf32> to vector<256x32xf32>
      %select_n3A_1132 = arith.select %eq3A_1129, %broadcast_in_dim3A_1131, %select_n3A_1100 : vector<256x32xi1>, vector<256x32xf32>
      %eq3A_1133 = arith.constant 31 : i32
      %eq3A_1134 = vector.broadcast %eq3A_1133 : i32 to vector<256x32xi32>
      %eq3A_1135 = arith.cmpi eq, %iota3A_20, %eq3A_1134 : vector<256x32xi32>
      %broadcast_in_dim3A_1136 = vector.shape_cast %broadcast_in_dim3A_1126 : vector<256x1xf32> to vector<256x1xf32>
      %broadcast_in_dim3A_1137 = vector.broadcast %broadcast_in_dim3A_1136 : vector<256x1xf32> to vector<256x32xf32>
      %select_n3A_1138 = arith.select %eq3A_1135, %broadcast_in_dim3A_1137, %select_n3A_1106 : vector<256x32xi1>, vector<256x32xf32>
      %jit3A_1139 = arith.constant 0x7F800000 : f32
      %broadcast_in_dim3A_1140 = vector.broadcast %jit3A_1139 : f32 to vector<256x288xf32>
      %select_n3A_1141 = arith.select %eq3A_1121, %broadcast_in_dim3A_1140, %select_n3A_1109 : vector<256x288xi1>, vector<256x288xf32>
      scf.yield %select_n3A_1132, %select_n3A_1138 : vector<256x32xf32>, vector<256x32xf32>
    }
    %lt3A = arith.constant 0x7F800000 : f32
    %lt3A_36 = vector.broadcast %lt3A : f32 to vector<256x32xf32>
    %lt3A_37 = arith.cmpf olt, %while3A_35#0, %lt3A_36 : vector<256x32xf32>
    %convert_element_type3A_38 = arith.fptosi %while3A_35#1 : vector<256x32xf32> to vector<256x32xi32>
    %swap3A = arith.constant 0 : index
    %swap3A_39 = arith.constant 0 : index
    %swap3A_40 = vector.load %arg5[%swap3A, %swap3A_39] : memref<256x32xi32, #tpu.memory_space<vmem>>, vector<256x32xi32>
    tpu.vector_store %arg5[%swap3A, %swap3A_39], %convert_element_type3A_38 {strides = array<i32>} : memref<256x32xi32, #tpu.memory_space<vmem>>, vector<256x32xi32>,
    %max3A = arith.constant 9.99999996E-13 : f32
    %max3A_41 = vector.broadcast %max3A : f32 to vector<256x32xf32>
    %max3A_42 = arith.maximumf %while3A_35#0, %max3A_41 : vector<256x32xf32>
    %sqrt3A = math.sqrt %max3A_42 : vector<256x32xf32>
    %mul3A_43 = arith.constant 0.314159274 : f32
    %mul3A_44 = vector.broadcast %mul3A_43 : f32 to vector<256x32xf32>
    %mul3A_45 = arith.mulf %sqrt3A, %mul3A_44 : vector<256x32xf32>
    %cos3A = math.cos %mul3A_45 : vector<256x32xf32>
    %add3A_46 = arith.constant 1.000000e+00 : f32
    %add3A_47 = vector.broadcast %add3A_46 : f32 to vector<256x32xf32>
    %add3A_48 = arith.addf %cos3A, %add3A_47 : vector<256x32xf32>
    %mul3A_49 = arith.constant 5.000000e-01 : f32
    %mul3A_50 = vector.broadcast %mul3A_49 : f32 to vector<256x32xf32>
    %mul3A_51 = arith.mulf %mul3A_50, %add3A_48 : vector<256x32xf32>
    %jit3A = arith.constant 0.000000e+00 : f32
    %broadcast_in_dim3A_52 = vector.broadcast %jit3A : f32 to vector<256x32xf32>
    %select_n3A = arith.select %lt3A_37, %mul3A_51, %broadcast_in_dim3A_52 : vector<256x32xi1>, vector<256x32xf32>
    %swap3A_53 = arith.constant 0 : index
    %swap3A_54 = arith.constant 0 : index
    %swap3A_55 = vector.load %arg7[%swap3A_53, %swap3A_54] : memref<256x32xf32, #tpu.memory_space<vmem>>, vector<256x32xf32>
    tpu.vector_store %arg7[%swap3A_53, %swap3A_54], %select_n3A {strides = array<i32>} : memref<256x32xf32, #tpu.memory_space<vmem>>, vector<256x32xf32>,
    %jit3A_56 = arith.constant 0.000000e+00 : f32
    %broadcast_in_dim3A_57 = vector.broadcast %jit3A_56 : f32 to vector<256x32xf32>
    %select_n3A_58 = arith.select %lt3A_37, %sqrt3A, %broadcast_in_dim3A_57 : vector<256x32xi1>, vector<256x32xf32>
    %swap3A_59 = arith.constant 0 : index
    %swap3A_60 = arith.constant 0 : index
    %swap3A_61 = vector.load %arg6[%swap3A_59, %swap3A_60] : memref<256x32xf32, #tpu.memory_space<vmem>>, vector<256x32xf32>
    tpu.vector_store %arg6[%swap3A_59, %swap3A_60], %select_n3A_58 {strides = array<i32>} : memref<256x32xf32, #tpu.memory_space<vmem>>, vector<256x32xf32>,
    return
  }
  func.func @transform_0(%arg0: i32, %arg1: memref<40x2xi32, #tpu.memory_space<smem>>) -> (i32, i32) {
    %c0_i32 = arith.constant 0 : i32
    %c0_i32_0 = arith.constant 0 : i32
    return %arg0, %c0_i32 : i32, i32
  }
  func.func @transform_1(%arg0: i32, %arg1: memref<40x2xi32, #tpu.memory_space<smem>>) -> (i32, i32) {
    %c0_i32 = arith.constant 0 : i32
    %c0_i32_0 = arith.constant 0 : i32
    %c0_i32_1 = arith.constant 0 : i32
    return %c0_i32, %c0_i32_0 : i32, i32
  }
  func.func @transform_2(%arg0: i32, %arg1: memref<40x2xi32, #tpu.memory_space<smem>>) -> (i32, i32) {
    %c0_i32 = arith.constant 0 : i32
    %c0_i32_0 = arith.constant 0 : i32
    return %arg0, %c0_i32 : i32, i32
  }
  func.func @transform_3(%arg0: i32, %arg1: memref<40x2xi32, #tpu.memory_space<smem>>) -> (i32, i32) {
    %c0_i32 = arith.constant 0 : i32
    %c0_i32_0 = arith.constant 0 : i32
    return %arg0, %c0_i32 : i32, i32
  }
  func.func @transform_4(%arg0: i32, %arg1: memref<40x2xi32, #tpu.memory_space<smem>>) -> (i32, i32) {
    %c0_i32 = arith.constant 0 : i32
    %c0_i32_0 = arith.constant 0 : i32
    return %arg0, %c0_i32 : i32, i32
  }
  func.func @transform_5(%arg0: i32, %arg1: memref<40x2xi32, #tpu.memory_space<smem>>) -> (i32, i32) {
    %c0_i32 = arith.constant 0 : i32
    %c0_i32_0 = arith.constant 0 : i32
    return %arg0, %c0_i32 : i32, i32
  }
}

module attributes {stable_mosaic.version = 14 : i64} {
  func.func @_interaction_body(%arg0: i32, %arg1: memref<8192x64xf32, #tpu.memory_space<vmem>>, %arg2: memref<1x1x8192xf32, #tpu.memory_space<vmem>>, %arg3: memref<1x1x8192xf32, #tpu.memory_space<vmem>>, %arg4: memref<256x64xf32, #tpu.memory_space<vmem>>, %arg5: memref<1x50xf32, #tpu.memory_space<vmem>>, %arg6: memref<50x64xf32, #tpu.memory_space<vmem>>, %arg7: memref<1x64xf32, #tpu.memory_space<vmem>>, %arg8: memref<64x64xf32, #tpu.memory_space<vmem>>, %arg9: memref<1x64xf32, #tpu.memory_space<vmem>>, %arg10: memref<64x64xf32, #tpu.memory_space<vmem>>, %arg11: memref<1x64xf32, #tpu.memory_space<vmem>>, %arg12: memref<64x64xf32, #tpu.memory_space<vmem>>, %arg13: memref<1x64xf32, #tpu.memory_space<vmem>>, %arg14: memref<64x64xf32, #tpu.memory_space<vmem>>, %arg15: memref<256x64xf32, #tpu.memory_space<vmem>>, %arg16: memref<256x64xf32, #tpu.memory_space<vmem>>) attributes {dimension_semantics = [#tpu.dimension_semantics<arbitrary>], iteration_bounds = array<i64: 40>, scalar_prefetch = 0 : i64, scratch_operands = 0 : i64, tpu.core_type = #tpu.core_type<tc>, window_params = [{transform_indices = @transform_0, window_bounds = array<i64: 8192, 64>}, {transform_indices = @transform_1, window_bounds = array<i64: 1, 1, 8192>}, {transform_indices = @transform_2, window_bounds = array<i64: 1, 1, 8192>}, {transform_indices = @transform_3, window_bounds = array<i64: 256, 64>}, {pipeline_mode = #tpu.pipeline_mode<synchronous>, transform_indices = @transform_4, window_bounds = array<i64: 1, 50>}, {pipeline_mode = #tpu.pipeline_mode<synchronous>, transform_indices = @transform_5, window_bounds = array<i64: 50, 64>}, {pipeline_mode = #tpu.pipeline_mode<synchronous>, transform_indices = @transform_6, window_bounds = array<i64: 1, 64>}, {pipeline_mode = #tpu.pipeline_mode<synchronous>, transform_indices = @transform_7, window_bounds = array<i64: 64, 64>}, {pipeline_mode = #tpu.pipeline_mode<synchronous>, transform_indices = @transform_8, window_bounds = array<i64: 1, 64>}, {pipeline_mode = #tpu.pipeline_mode<synchronous>, transform_indices = @transform_9, window_bounds = array<i64: 64, 64>}, {pipeline_mode = #tpu.pipeline_mode<synchronous>, transform_indices = @transform_10, window_bounds = array<i64: 1, 64>}, {pipeline_mode = #tpu.pipeline_mode<synchronous>, transform_indices = @transform_11, window_bounds = array<i64: 64, 64>}, {pipeline_mode = #tpu.pipeline_mode<synchronous>, transform_indices = @transform_12, window_bounds = array<i64: 1, 64>}, {pipeline_mode = #tpu.pipeline_mode<synchronous>, transform_indices = @transform_13, window_bounds = array<i64: 64, 64>}, {transform_indices = @transform_14, window_bounds = array<i64: 256, 64>}, {transform_indices = @transform_15, window_bounds = array<i64: 256, 64>}]} {
    %get3A = arith.constant 0 : index
    %get3A_0 = arith.constant 0 : index
    %get3A_1 = arith.constant 0 : index
    %get3A_2 = vector.load %arg2[%get3A, %get3A_0, %get3A_1] : memref<1x1x8192xf32, #tpu.memory_space<vmem>>, vector<1x1x8192xf32>
    %reshape3A = vector.shape_cast %get3A_2 : vector<1x1x8192xf32> to vector<1x8192xf32>
    %transpose3A = tpu.transpose %reshape3A, [1, 0] : vector<1x8192xf32> -> vector<8192x1xf32>
    %get3A_3 = arith.constant 0 : index
    %get3A_4 = arith.constant 0 : index
    %get3A_5 = vector.load %arg5[%get3A_3, %get3A_4] : memref<1x50xf32, #tpu.memory_space<vmem>>, vector<1x50xf32>
    %sub3A = vector.broadcast %transpose3A : vector<8192x1xf32> to vector<8192x50xf32>
    %sub3A_6 = vector.broadcast %get3A_5 : vector<1x50xf32> to vector<8192x50xf32>
    %sub3A_7 = arith.subf %sub3A, %sub3A_6 : vector<8192x50xf32>
    %integer_pow3A = arith.mulf %sub3A_7, %sub3A_7 : vector<8192x50xf32>
    %mul3A = arith.constant -1.200500e+01 : f32
    %mul3A_8 = vector.broadcast %mul3A : f32 to vector<8192x50xf32>
    %mul3A_9 = arith.mulf %mul3A_8, %integer_pow3A : vector<8192x50xf32>
    %exp3A = math.exp %mul3A_9 : vector<8192x50xf32>
    %get3A_10 = arith.constant 0 : index
    %get3A_11 = arith.constant 0 : index
    %get3A_12 = vector.load %arg6[%get3A_10, %get3A_11] : memref<50x64xf32, #tpu.memory_space<vmem>>, vector<50x64xf32>
    %dot_general3A = arith.constant dense<0.000000e+00> : vector<8192x64xf32>
    %dot_general3A_13 = tpu.matmul %exp3A, %get3A_12, %dot_general3A {dimension_numbers = #tpu.dot_dimension_numbers<[1], [0], [0], [1], [0, 0, 1, 1], [], []>, transpose_lhs_hint = false} : vector<8192x50xf32>, vector<50x64xf32>, vector<8192x64xf32> -> vector<8192x64xf32>
    %get3A_14 = arith.constant 0 : index
    %get3A_15 = arith.constant 0 : index
    %get3A_16 = vector.load %arg7[%get3A_14, %get3A_15] : memref<1x64xf32, #tpu.memory_space<vmem>>, vector<1x64xf32>
    %add3A = vector.broadcast %get3A_16 : vector<1x64xf32> to vector<8192x64xf32>
    %add3A_17 = arith.addf %dot_general3A_13, %add3A : vector<8192x64xf32>
    %custom_jvp_call3A = arith.constant 0.000000e+00 : f32
    %max3A = vector.broadcast %custom_jvp_call3A : f32 to vector<8192x64xf32>
    %max3A_18 = arith.maximumf %add3A_17, %max3A : vector<8192x64xf32>
    %sub3A_19 = vector.broadcast %custom_jvp_call3A : f32 to vector<8192x64xf32>
    %sub3A_20 = arith.subf %add3A_17, %sub3A_19 : vector<8192x64xf32>
    %ne3A = arith.cmpf one, %sub3A_20, %sub3A_20 : vector<8192x64xf32>
    %add3A_21 = vector.broadcast %custom_jvp_call3A : f32 to vector<8192x64xf32>
    %add3A_22 = arith.addf %add3A_17, %add3A_21 : vector<8192x64xf32>
    %abs3A = math.absf %sub3A_20 : vector<8192x64xf32>
    %neg3A = arith.constant 0.000000e+00 : f32
    %neg3A_23 = vector.broadcast %neg3A : f32 to vector<8192x64xf32>
    %neg3A_24 = arith.subf %neg3A_23, %abs3A : vector<8192x64xf32>
    %exp3A_25 = math.exp %neg3A_24 : vector<8192x64xf32>
    %log1p3A = math.log1p %exp3A_25 : vector<8192x64xf32>
    %add3A_26 = arith.addf %max3A_18, %log1p3A : vector<8192x64xf32>
    %select_n3A = arith.select %ne3A, %add3A_22, %add3A_26 : vector<8192x64xi1>, vector<8192x64xf32>
    %sub3A_27 = arith.constant 0.693147182 : f32
    %sub3A_28 = vector.broadcast %sub3A_27 : f32 to vector<8192x64xf32>
    %sub3A_29 = arith.subf %select_n3A, %sub3A_28 : vector<8192x64xf32>
    %get3A_30 = arith.constant 0 : index
    %get3A_31 = arith.constant 0 : index
    %get3A_32 = vector.load %arg8[%get3A_30, %get3A_31] : memref<64x64xf32, #tpu.memory_space<vmem>>, vector<64x64xf32>
    %dot_general3A_33 = arith.constant dense<0.000000e+00> : vector<8192x64xf32>
    %dot_general3A_34 = tpu.matmul %sub3A_29, %get3A_32, %dot_general3A_33 {dimension_numbers = #tpu.dot_dimension_numbers<[1], [0], [0], [1], [0, 0, 1, 1], [], []>, transpose_lhs_hint = false} : vector<8192x64xf32>, vector<64x64xf32>, vector<8192x64xf32> -> vector<8192x64xf32>
    %get3A_35 = arith.constant 0 : index
    %get3A_36 = arith.constant 0 : index
    %get3A_37 = vector.load %arg9[%get3A_35, %get3A_36] : memref<1x64xf32, #tpu.memory_space<vmem>>, vector<1x64xf32>
    %add3A_38 = vector.broadcast %get3A_37 : vector<1x64xf32> to vector<8192x64xf32>
    %add3A_39 = arith.addf %dot_general3A_34, %add3A_38 : vector<8192x64xf32>
    %get3A_40 = arith.constant 0 : index
    %get3A_41 = arith.constant 0 : index
    %get3A_42 = arith.constant 0 : index
    %get3A_43 = vector.load %arg3[%get3A_40, %get3A_41, %get3A_42] : memref<1x1x8192xf32, #tpu.memory_space<vmem>>, vector<1x1x8192xf32>
    %reshape3A_44 = vector.shape_cast %get3A_43 : vector<1x1x8192xf32> to vector<1x8192xf32>
    %transpose3A_45 = tpu.transpose %reshape3A_44, [1, 0] : vector<1x8192xf32> -> vector<8192x1xf32>
    %mul3A_46 = vector.broadcast %transpose3A_45 : vector<8192x1xf32> to vector<8192x64xf32>
    %mul3A_47 = arith.mulf %add3A_39, %mul3A_46 : vector<8192x64xf32>
    %get3A_48 = arith.constant 0 : index
    %get3A_49 = arith.constant 0 : index
    %get3A_50 = vector.load %arg1[%get3A_48, %get3A_49] : memref<8192x64xf32, #tpu.memory_space<vmem>>, vector<8192x64xf32>
    %mul3A_51 = arith.mulf %get3A_50, %mul3A_47 : vector<8192x64xf32>
    %reshape3A_52 = vector.shape_cast %mul3A_51 : vector<8192x64xf32> to vector<256x32x64xf32>
    %reduce_sum3A = arith.constant dense<0.000000e+00> : vector<256x64xf32>
    %reduce_sum3A_53 = vector.multi_reduction <add>, %reshape3A_52, %reduce_sum3A [1] : vector<256x32x64xf32> to vector<256x64xf32>
    %get3A_54 = arith.constant 0 : index
    %get3A_55 = arith.constant 0 : index
    %get3A_56 = vector.load %arg10[%get3A_54, %get3A_55] : memref<64x64xf32, #tpu.memory_space<vmem>>, vector<64x64xf32>
    %dot_general3A_57 = arith.constant dense<0.000000e+00> : vector<256x64xf32>
    %dot_general3A_58 = tpu.matmul %reduce_sum3A_53, %get3A_56, %dot_general3A_57 {dimension_numbers = #tpu.dot_dimension_numbers<[1], [0], [0], [1], [0, 0, 1, 1], [], []>, transpose_lhs_hint = false} : vector<256x64xf32>, vector<64x64xf32>, vector<256x64xf32> -> vector<256x64xf32>
    %get3A_59 = arith.constant 0 : index
    %get3A_60 = arith.constant 0 : index
    %get3A_61 = vector.load %arg11[%get3A_59, %get3A_60] : memref<1x64xf32, #tpu.memory_space<vmem>>, vector<1x64xf32>
    %add3A_62 = vector.broadcast %get3A_61 : vector<1x64xf32> to vector<256x64xf32>
    %add3A_63 = arith.addf %dot_general3A_58, %add3A_62 : vector<256x64xf32>
    %get3A_64 = arith.constant 0 : index
    %get3A_65 = arith.constant 0 : index
    %get3A_66 = vector.load %arg4[%get3A_64, %get3A_65] : memref<256x64xf32, #tpu.memory_space<vmem>>, vector<256x64xf32>
    %custom_jvp_call3A_67 = arith.constant 0.000000e+00 : f32
    %max3A_68 = vector.broadcast %custom_jvp_call3A_67 : f32 to vector<256x64xf32>
    %max3A_69 = arith.maximumf %add3A_63, %max3A_68 : vector<256x64xf32>
    %sub3A_70 = vector.broadcast %custom_jvp_call3A_67 : f32 to vector<256x64xf32>
    %sub3A_71 = arith.subf %add3A_63, %sub3A_70 : vector<256x64xf32>
    %ne3A_72 = arith.cmpf one, %sub3A_71, %sub3A_71 : vector<256x64xf32>
    %add3A_73 = vector.broadcast %custom_jvp_call3A_67 : f32 to vector<256x64xf32>
    %add3A_74 = arith.addf %add3A_63, %add3A_73 : vector<256x64xf32>
    %abs3A_75 = math.absf %sub3A_71 : vector<256x64xf32>
    %neg3A_76 = arith.constant 0.000000e+00 : f32
    %neg3A_77 = vector.broadcast %neg3A_76 : f32 to vector<256x64xf32>
    %neg3A_78 = arith.subf %neg3A_77, %abs3A_75 : vector<256x64xf32>
    %exp3A_79 = math.exp %neg3A_78 : vector<256x64xf32>
    %log1p3A_80 = math.log1p %exp3A_79 : vector<256x64xf32>
    %add3A_81 = arith.addf %max3A_69, %log1p3A_80 : vector<256x64xf32>
    %select_n3A_82 = arith.select %ne3A_72, %add3A_74, %add3A_81 : vector<256x64xi1>, vector<256x64xf32>
    %sub3A_83 = arith.constant 0.693147182 : f32
    %sub3A_84 = vector.broadcast %sub3A_83 : f32 to vector<256x64xf32>
    %sub3A_85 = arith.subf %select_n3A_82, %sub3A_84 : vector<256x64xf32>
    %get3A_86 = arith.constant 0 : index
    %get3A_87 = arith.constant 0 : index
    %get3A_88 = vector.load %arg12[%get3A_86, %get3A_87] : memref<64x64xf32, #tpu.memory_space<vmem>>, vector<64x64xf32>
    %dot_general3A_89 = arith.constant dense<0.000000e+00> : vector<256x64xf32>
    %dot_general3A_90 = tpu.matmul %sub3A_85, %get3A_88, %dot_general3A_89 {dimension_numbers = #tpu.dot_dimension_numbers<[1], [0], [0], [1], [0, 0, 1, 1], [], []>, transpose_lhs_hint = false} : vector<256x64xf32>, vector<64x64xf32>, vector<256x64xf32> -> vector<256x64xf32>
    %add3A_91 = arith.addf %get3A_66, %dot_general3A_90 : vector<256x64xf32>
    %get3A_92 = arith.constant 0 : index
    %get3A_93 = arith.constant 0 : index
    %get3A_94 = vector.load %arg13[%get3A_92, %get3A_93] : memref<1x64xf32, #tpu.memory_space<vmem>>, vector<1x64xf32>
    %add3A_95 = vector.broadcast %get3A_94 : vector<1x64xf32> to vector<256x64xf32>
    %add3A_96 = arith.addf %add3A_91, %add3A_95 : vector<256x64xf32>
    %swap3A = arith.constant 0 : index
    %swap3A_97 = arith.constant 0 : index
    %swap3A_98 = vector.load %arg15[%swap3A, %swap3A_97] : memref<256x64xf32, #tpu.memory_space<vmem>>, vector<256x64xf32>
    tpu.vector_store %arg15[%swap3A, %swap3A_97], %add3A_96 {strides = array<i32>} : memref<256x64xf32, #tpu.memory_space<vmem>>, vector<256x64xf32>,
    %get3A_99 = arith.constant 0 : index
    %get3A_100 = arith.constant 0 : index
    %get3A_101 = vector.load %arg14[%get3A_99, %get3A_100] : memref<64x64xf32, #tpu.memory_space<vmem>>, vector<64x64xf32>
    %dot_general3A_102 = arith.constant dense<0.000000e+00> : vector<256x64xf32>
    %dot_general3A_103 = tpu.matmul %add3A_96, %get3A_101, %dot_general3A_102 {dimension_numbers = #tpu.dot_dimension_numbers<[1], [0], [0], [1], [0, 0, 1, 1], [], []>, transpose_lhs_hint = false} : vector<256x64xf32>, vector<64x64xf32>, vector<256x64xf32> -> vector<256x64xf32>
    %swap3A_104 = arith.constant 0 : index
    %swap3A_105 = arith.constant 0 : index
    %swap3A_106 = vector.load %arg16[%swap3A_104, %swap3A_105] : memref<256x64xf32, #tpu.memory_space<vmem>>, vector<256x64xf32>
    tpu.vector_store %arg16[%swap3A_104, %swap3A_105], %dot_general3A_103 {strides = array<i32>} : memref<256x64xf32, #tpu.memory_space<vmem>>, vector<256x64xf32>,
    return
  }
  func.func @transform_0(%arg0: i32) -> (i32, i32) {
    %c0_i32 = arith.constant 0 : i32
    %c0_i32_0 = arith.constant 0 : i32
    return %arg0, %c0_i32 : i32, i32
  }
  func.func @transform_1(%arg0: i32) -> (i32, i32, i32) {
    %c0_i32 = arith.constant 0 : i32
    %c0_i32_0 = arith.constant 0 : i32
    %c0_i32_1 = arith.constant 0 : i32
    return %arg0, %c0_i32, %c0_i32_0 : i32, i32, i32
  }
  func.func @transform_2(%arg0: i32) -> (i32, i32, i32) {
    %c0_i32 = arith.constant 0 : i32
    %c0_i32_0 = arith.constant 0 : i32
    %c0_i32_1 = arith.constant 0 : i32
    return %arg0, %c0_i32, %c0_i32_0 : i32, i32, i32
  }
  func.func @transform_3(%arg0: i32) -> (i32, i32) {
    %c0_i32 = arith.constant 0 : i32
    %c0_i32_0 = arith.constant 0 : i32
    return %arg0, %c0_i32 : i32, i32
  }
  func.func @transform_4(%arg0: i32) -> (i32, i32) {
    %c0_i32 = arith.constant 0 : i32
    %c0_i32_0 = arith.constant 0 : i32
    %c0_i32_1 = arith.constant 0 : i32
    return %c0_i32, %c0_i32_0 : i32, i32
  }
  func.func @transform_5(%arg0: i32) -> (i32, i32) {
    %c0_i32 = arith.constant 0 : i32
    %c0_i32_0 = arith.constant 0 : i32
    %c0_i32_1 = arith.constant 0 : i32
    return %c0_i32, %c0_i32_0 : i32, i32
  }
  func.func @transform_6(%arg0: i32) -> (i32, i32) {
    %c0_i32 = arith.constant 0 : i32
    %c0_i32_0 = arith.constant 0 : i32
    %c0_i32_1 = arith.constant 0 : i32
    return %c0_i32, %c0_i32_0 : i32, i32
  }
  func.func @transform_7(%arg0: i32) -> (i32, i32) {
    %c0_i32 = arith.constant 0 : i32
    %c0_i32_0 = arith.constant 0 : i32
    %c0_i32_1 = arith.constant 0 : i32
    return %c0_i32, %c0_i32_0 : i32, i32
  }
  func.func @transform_8(%arg0: i32) -> (i32, i32) {
    %c0_i32 = arith.constant 0 : i32
    %c0_i32_0 = arith.constant 0 : i32
    %c0_i32_1 = arith.constant 0 : i32
    return %c0_i32, %c0_i32_0 : i32, i32
  }
  func.func @transform_9(%arg0: i32) -> (i32, i32) {
    %c0_i32 = arith.constant 0 : i32
    %c0_i32_0 = arith.constant 0 : i32
    %c0_i32_1 = arith.constant 0 : i32
    return %c0_i32, %c0_i32_0 : i32, i32
  }
  func.func @transform_10(%arg0: i32) -> (i32, i32) {
    %c0_i32 = arith.constant 0 : i32
    %c0_i32_0 = arith.constant 0 : i32
    %c0_i32_1 = arith.constant 0 : i32
    return %c0_i32, %c0_i32_0 : i32, i32
  }
  func.func @transform_11(%arg0: i32) -> (i32, i32) {
    %c0_i32 = arith.constant 0 : i32
    %c0_i32_0 = arith.constant 0 : i32
    %c0_i32_1 = arith.constant 0 : i32
    return %c0_i32, %c0_i32_0 : i32, i32
  }
  func.func @transform_12(%arg0: i32) -> (i32, i32) {
    %c0_i32 = arith.constant 0 : i32
    %c0_i32_0 = arith.constant 0 : i32
    %c0_i32_1 = arith.constant 0 : i32
    return %c0_i32, %c0_i32_0 : i32, i32
  }
  func.func @transform_13(%arg0: i32) -> (i32, i32) {
    %c0_i32 = arith.constant 0 : i32
    %c0_i32_0 = arith.constant 0 : i32
    %c0_i32_1 = arith.constant 0 : i32
    return %c0_i32, %c0_i32_0 : i32, i32
  }
  func.func @transform_14(%arg0: i32) -> (i32, i32) {
    %c0_i32 = arith.constant 0 : i32
    %c0_i32_0 = arith.constant 0 : i32
    return %arg0, %c0_i32 : i32, i32
  }
  func.func @transform_15(%arg0: i32) -> (i32, i32) {
    %c0_i32 = arith.constant 0 : i32
    %c0_i32_0 = arith.constant 0 : i32
    return %arg0, %c0_i32 : i32, i32
  }
}

module attributes {stable_mosaic.version = 14 : i64} {
  func.func @body2(%arg0: i32, %arg1: memref<8192x64xf32, #tpu.memory_space<vmem>>, %arg2: memref<1x1x8192xf32, #tpu.memory_space<vmem>>, %arg3: memref<1x1x8192xf32, #tpu.memory_space<vmem>>, %arg4: memref<256x64xf32, #tpu.memory_space<vmem>>, %arg5: memref<1x50xf32, #tpu.memory_space<vmem>>, %arg6: memref<50x64xf32, #tpu.memory_space<vmem>>, %arg7: memref<1x64xf32, #tpu.memory_space<vmem>>, %arg8: memref<64x64xf32, #tpu.memory_space<vmem>>, %arg9: memref<1x64xf32, #tpu.memory_space<vmem>>, %arg10: memref<64x64xf32, #tpu.memory_space<vmem>>, %arg11: memref<1x64xf32, #tpu.memory_space<vmem>>, %arg12: memref<64x64xf32, #tpu.memory_space<vmem>>, %arg13: memref<1x64xf32, #tpu.memory_space<vmem>>, %arg14: memref<64x64xf32, #tpu.memory_space<vmem>>, %arg15: memref<256x64xf32, #tpu.memory_space<vmem>>) attributes {dimension_semantics = [#tpu.dimension_semantics<arbitrary>], iteration_bounds = array<i64: 40>, scalar_prefetch = 0 : i64, scratch_operands = 0 : i64, tpu.core_type = #tpu.core_type<tc>, window_params = [{transform_indices = @transform_0, window_bounds = array<i64: 8192, 64>}, {transform_indices = @transform_1, window_bounds = array<i64: 1, 1, 8192>}, {transform_indices = @transform_2, window_bounds = array<i64: 1, 1, 8192>}, {transform_indices = @transform_3, window_bounds = array<i64: 256, 64>}, {pipeline_mode = #tpu.pipeline_mode<synchronous>, transform_indices = @transform_4, window_bounds = array<i64: 1, 50>}, {pipeline_mode = #tpu.pipeline_mode<synchronous>, transform_indices = @transform_5, window_bounds = array<i64: 50, 64>}, {pipeline_mode = #tpu.pipeline_mode<synchronous>, transform_indices = @transform_6, window_bounds = array<i64: 1, 64>}, {pipeline_mode = #tpu.pipeline_mode<synchronous>, transform_indices = @transform_7, window_bounds = array<i64: 64, 64>}, {pipeline_mode = #tpu.pipeline_mode<synchronous>, transform_indices = @transform_8, window_bounds = array<i64: 1, 64>}, {pipeline_mode = #tpu.pipeline_mode<synchronous>, transform_indices = @transform_9, window_bounds = array<i64: 64, 64>}, {pipeline_mode = #tpu.pipeline_mode<synchronous>, transform_indices = @transform_10, window_bounds = array<i64: 1, 64>}, {pipeline_mode = #tpu.pipeline_mode<synchronous>, transform_indices = @transform_11, window_bounds = array<i64: 64, 64>}, {pipeline_mode = #tpu.pipeline_mode<synchronous>, transform_indices = @transform_12, window_bounds = array<i64: 1, 64>}, {pipeline_mode = #tpu.pipeline_mode<synchronous>, transform_indices = @transform_13, window_bounds = array<i64: 64, 64>}, {transform_indices = @transform_14, window_bounds = array<i64: 256, 64>}]} {
    %get3A = arith.constant 0 : index
    %get3A_0 = arith.constant 0 : index
    %get3A_1 = arith.constant 0 : index
    %get3A_2 = vector.load %arg2[%get3A, %get3A_0, %get3A_1] : memref<1x1x8192xf32, #tpu.memory_space<vmem>>, vector<1x1x8192xf32>
    %reshape3A = vector.shape_cast %get3A_2 : vector<1x1x8192xf32> to vector<1x8192xf32>
    %transpose3A = tpu.transpose %reshape3A, [1, 0] : vector<1x8192xf32> -> vector<8192x1xf32>
    %get3A_3 = arith.constant 0 : index
    %get3A_4 = arith.constant 0 : index
    %get3A_5 = vector.load %arg5[%get3A_3, %get3A_4] : memref<1x50xf32, #tpu.memory_space<vmem>>, vector<1x50xf32>
    %sub3A = vector.broadcast %transpose3A : vector<8192x1xf32> to vector<8192x50xf32>
    %sub3A_6 = vector.broadcast %get3A_5 : vector<1x50xf32> to vector<8192x50xf32>
    %sub3A_7 = arith.subf %sub3A, %sub3A_6 : vector<8192x50xf32>
    %integer_pow3A = arith.mulf %sub3A_7, %sub3A_7 : vector<8192x50xf32>
    %mul3A = arith.constant -1.200500e+01 : f32
    %mul3A_8 = vector.broadcast %mul3A : f32 to vector<8192x50xf32>
    %mul3A_9 = arith.mulf %mul3A_8, %integer_pow3A : vector<8192x50xf32>
    %exp3A = math.exp %mul3A_9 : vector<8192x50xf32>
    %get3A_10 = arith.constant 0 : index
    %get3A_11 = arith.constant 0 : index
    %get3A_12 = vector.load %arg6[%get3A_10, %get3A_11] : memref<50x64xf32, #tpu.memory_space<vmem>>, vector<50x64xf32>
    %dot_general3A = arith.constant dense<0.000000e+00> : vector<8192x64xf32>
    %dot_general3A_13 = tpu.matmul %exp3A, %get3A_12, %dot_general3A {dimension_numbers = #tpu.dot_dimension_numbers<[1], [0], [0], [1], [0, 0, 1, 1], [], []>, transpose_lhs_hint = false} : vector<8192x50xf32>, vector<50x64xf32>, vector<8192x64xf32> -> vector<8192x64xf32>
    %get3A_14 = arith.constant 0 : index
    %get3A_15 = arith.constant 0 : index
    %get3A_16 = vector.load %arg7[%get3A_14, %get3A_15] : memref<1x64xf32, #tpu.memory_space<vmem>>, vector<1x64xf32>
    %add3A = vector.broadcast %get3A_16 : vector<1x64xf32> to vector<8192x64xf32>
    %add3A_17 = arith.addf %dot_general3A_13, %add3A : vector<8192x64xf32>
    %custom_jvp_call3A = arith.constant 0.000000e+00 : f32
    %max3A = vector.broadcast %custom_jvp_call3A : f32 to vector<8192x64xf32>
    %max3A_18 = arith.maximumf %add3A_17, %max3A : vector<8192x64xf32>
    %sub3A_19 = vector.broadcast %custom_jvp_call3A : f32 to vector<8192x64xf32>
    %sub3A_20 = arith.subf %add3A_17, %sub3A_19 : vector<8192x64xf32>
    %ne3A = arith.cmpf one, %sub3A_20, %sub3A_20 : vector<8192x64xf32>
    %add3A_21 = vector.broadcast %custom_jvp_call3A : f32 to vector<8192x64xf32>
    %add3A_22 = arith.addf %add3A_17, %add3A_21 : vector<8192x64xf32>
    %abs3A = math.absf %sub3A_20 : vector<8192x64xf32>
    %neg3A = arith.constant 0.000000e+00 : f32
    %neg3A_23 = vector.broadcast %neg3A : f32 to vector<8192x64xf32>
    %neg3A_24 = arith.subf %neg3A_23, %abs3A : vector<8192x64xf32>
    %exp3A_25 = math.exp %neg3A_24 : vector<8192x64xf32>
    %log1p3A = math.log1p %exp3A_25 : vector<8192x64xf32>
    %add3A_26 = arith.addf %max3A_18, %log1p3A : vector<8192x64xf32>
    %select_n3A = arith.select %ne3A, %add3A_22, %add3A_26 : vector<8192x64xi1>, vector<8192x64xf32>
    %sub3A_27 = arith.constant 0.693147182 : f32
    %sub3A_28 = vector.broadcast %sub3A_27 : f32 to vector<8192x64xf32>
    %sub3A_29 = arith.subf %select_n3A, %sub3A_28 : vector<8192x64xf32>
    %get3A_30 = arith.constant 0 : index
    %get3A_31 = arith.constant 0 : index
    %get3A_32 = vector.load %arg8[%get3A_30, %get3A_31] : memref<64x64xf32, #tpu.memory_space<vmem>>, vector<64x64xf32>
    %dot_general3A_33 = arith.constant dense<0.000000e+00> : vector<8192x64xf32>
    %dot_general3A_34 = tpu.matmul %sub3A_29, %get3A_32, %dot_general3A_33 {dimension_numbers = #tpu.dot_dimension_numbers<[1], [0], [0], [1], [0, 0, 1, 1], [], []>, transpose_lhs_hint = false} : vector<8192x64xf32>, vector<64x64xf32>, vector<8192x64xf32> -> vector<8192x64xf32>
    %get3A_35 = arith.constant 0 : index
    %get3A_36 = arith.constant 0 : index
    %get3A_37 = vector.load %arg9[%get3A_35, %get3A_36] : memref<1x64xf32, #tpu.memory_space<vmem>>, vector<1x64xf32>
    %add3A_38 = vector.broadcast %get3A_37 : vector<1x64xf32> to vector<8192x64xf32>
    %add3A_39 = arith.addf %dot_general3A_34, %add3A_38 : vector<8192x64xf32>
    %get3A_40 = arith.constant 0 : index
    %get3A_41 = arith.constant 0 : index
    %get3A_42 = arith.constant 0 : index
    %get3A_43 = vector.load %arg3[%get3A_40, %get3A_41, %get3A_42] : memref<1x1x8192xf32, #tpu.memory_space<vmem>>, vector<1x1x8192xf32>
    %reshape3A_44 = vector.shape_cast %get3A_43 : vector<1x1x8192xf32> to vector<1x8192xf32>
    %transpose3A_45 = tpu.transpose %reshape3A_44, [1, 0] : vector<1x8192xf32> -> vector<8192x1xf32>
    %mul3A_46 = vector.broadcast %transpose3A_45 : vector<8192x1xf32> to vector<8192x64xf32>
    %mul3A_47 = arith.mulf %add3A_39, %mul3A_46 : vector<8192x64xf32>
    %get3A_48 = arith.constant 0 : index
    %get3A_49 = arith.constant 0 : index
    %get3A_50 = vector.load %arg1[%get3A_48, %get3A_49] : memref<8192x64xf32, #tpu.memory_space<vmem>>, vector<8192x64xf32>
    %mul3A_51 = arith.mulf %get3A_50, %mul3A_47 : vector<8192x64xf32>
    %reshape3A_52 = vector.shape_cast %mul3A_51 : vector<8192x64xf32> to vector<256x32x64xf32>
    %reduce_sum3A = arith.constant dense<0.000000e+00> : vector<256x64xf32>
    %reduce_sum3A_53 = vector.multi_reduction <add>, %reshape3A_52, %reduce_sum3A [1] : vector<256x32x64xf32> to vector<256x64xf32>
    %get3A_54 = arith.constant 0 : index
    %get3A_55 = arith.constant 0 : index
    %get3A_56 = vector.load %arg10[%get3A_54, %get3A_55] : memref<64x64xf32, #tpu.memory_space<vmem>>, vector<64x64xf32>
    %dot_general3A_57 = arith.constant dense<0.000000e+00> : vector<256x64xf32>
    %dot_general3A_58 = tpu.matmul %reduce_sum3A_53, %get3A_56, %dot_general3A_57 {dimension_numbers = #tpu.dot_dimension_numbers<[1], [0], [0], [1], [0, 0, 1, 1], [], []>, transpose_lhs_hint = false} : vector<256x64xf32>, vector<64x64xf32>, vector<256x64xf32> -> vector<256x64xf32>
    %get3A_59 = arith.constant 0 : index
    %get3A_60 = arith.constant 0 : index
    %get3A_61 = vector.load %arg11[%get3A_59, %get3A_60] : memref<1x64xf32, #tpu.memory_space<vmem>>, vector<1x64xf32>
    %add3A_62 = vector.broadcast %get3A_61 : vector<1x64xf32> to vector<256x64xf32>
    %add3A_63 = arith.addf %dot_general3A_58, %add3A_62 : vector<256x64xf32>
    %get3A_64 = arith.constant 0 : index
    %get3A_65 = arith.constant 0 : index
    %get3A_66 = vector.load %arg4[%get3A_64, %get3A_65] : memref<256x64xf32, #tpu.memory_space<vmem>>, vector<256x64xf32>
    %custom_jvp_call3A_67 = arith.constant 0.000000e+00 : f32
    %max3A_68 = vector.broadcast %custom_jvp_call3A_67 : f32 to vector<256x64xf32>
    %max3A_69 = arith.maximumf %add3A_63, %max3A_68 : vector<256x64xf32>
    %sub3A_70 = vector.broadcast %custom_jvp_call3A_67 : f32 to vector<256x64xf32>
    %sub3A_71 = arith.subf %add3A_63, %sub3A_70 : vector<256x64xf32>
    %ne3A_72 = arith.cmpf one, %sub3A_71, %sub3A_71 : vector<256x64xf32>
    %add3A_73 = vector.broadcast %custom_jvp_call3A_67 : f32 to vector<256x64xf32>
    %add3A_74 = arith.addf %add3A_63, %add3A_73 : vector<256x64xf32>
    %abs3A_75 = math.absf %sub3A_71 : vector<256x64xf32>
    %neg3A_76 = arith.constant 0.000000e+00 : f32
    %neg3A_77 = vector.broadcast %neg3A_76 : f32 to vector<256x64xf32>
    %neg3A_78 = arith.subf %neg3A_77, %abs3A_75 : vector<256x64xf32>
    %exp3A_79 = math.exp %neg3A_78 : vector<256x64xf32>
    %log1p3A_80 = math.log1p %exp3A_79 : vector<256x64xf32>
    %add3A_81 = arith.addf %max3A_69, %log1p3A_80 : vector<256x64xf32>
    %select_n3A_82 = arith.select %ne3A_72, %add3A_74, %add3A_81 : vector<256x64xi1>, vector<256x64xf32>
    %sub3A_83 = arith.constant 0.693147182 : f32
    %sub3A_84 = vector.broadcast %sub3A_83 : f32 to vector<256x64xf32>
    %sub3A_85 = arith.subf %select_n3A_82, %sub3A_84 : vector<256x64xf32>
    %get3A_86 = arith.constant 0 : index
    %get3A_87 = arith.constant 0 : index
    %get3A_88 = vector.load %arg12[%get3A_86, %get3A_87] : memref<64x64xf32, #tpu.memory_space<vmem>>, vector<64x64xf32>
    %dot_general3A_89 = arith.constant dense<0.000000e+00> : vector<256x64xf32>
    %dot_general3A_90 = tpu.matmul %sub3A_85, %get3A_88, %dot_general3A_89 {dimension_numbers = #tpu.dot_dimension_numbers<[1], [0], [0], [1], [0, 0, 1, 1], [], []>, transpose_lhs_hint = false} : vector<256x64xf32>, vector<64x64xf32>, vector<256x64xf32> -> vector<256x64xf32>
    %add3A_91 = arith.addf %get3A_66, %dot_general3A_90 : vector<256x64xf32>
    %get3A_92 = arith.constant 0 : index
    %get3A_93 = arith.constant 0 : index
    %get3A_94 = vector.load %arg13[%get3A_92, %get3A_93] : memref<1x64xf32, #tpu.memory_space<vmem>>, vector<1x64xf32>
    %add3A_95 = vector.broadcast %get3A_94 : vector<1x64xf32> to vector<256x64xf32>
    %add3A_96 = arith.addf %add3A_91, %add3A_95 : vector<256x64xf32>
    %swap3A = arith.constant 0 : index
    %swap3A_97 = arith.constant 0 : index
    %swap3A_98 = vector.load %arg15[%swap3A, %swap3A_97] : memref<256x64xf32, #tpu.memory_space<vmem>>, vector<256x64xf32>
    tpu.vector_store %arg15[%swap3A, %swap3A_97], %add3A_96 {strides = array<i32>} : memref<256x64xf32, #tpu.memory_space<vmem>>, vector<256x64xf32>,
    return
  }
  func.func @transform_0(%arg0: i32) -> (i32, i32) {
    %c0_i32 = arith.constant 0 : i32
    %c0_i32_0 = arith.constant 0 : i32
    return %arg0, %c0_i32 : i32, i32
  }
  func.func @transform_1(%arg0: i32) -> (i32, i32, i32) {
    %c0_i32 = arith.constant 0 : i32
    %c0_i32_0 = arith.constant 0 : i32
    %c0_i32_1 = arith.constant 0 : i32
    return %arg0, %c0_i32, %c0_i32_0 : i32, i32, i32
  }
  func.func @transform_2(%arg0: i32) -> (i32, i32, i32) {
    %c0_i32 = arith.constant 0 : i32
    %c0_i32_0 = arith.constant 0 : i32
    %c0_i32_1 = arith.constant 0 : i32
    return %arg0, %c0_i32, %c0_i32_0 : i32, i32, i32
  }
  func.func @transform_3(%arg0: i32) -> (i32, i32) {
    %c0_i32 = arith.constant 0 : i32
    %c0_i32_0 = arith.constant 0 : i32
    return %arg0, %c0_i32 : i32, i32
  }
  func.func @transform_4(%arg0: i32) -> (i32, i32) {
    %c0_i32 = arith.constant 0 : i32
    %c0_i32_0 = arith.constant 0 : i32
    %c0_i32_1 = arith.constant 0 : i32
    return %c0_i32, %c0_i32_0 : i32, i32
  }
  func.func @transform_5(%arg0: i32) -> (i32, i32) {
    %c0_i32 = arith.constant 0 : i32
    %c0_i32_0 = arith.constant 0 : i32
    %c0_i32_1 = arith.constant 0 : i32
    return %c0_i32, %c0_i32_0 : i32, i32
  }
  func.func @transform_6(%arg0: i32) -> (i32, i32) {
    %c0_i32 = arith.constant 0 : i32
    %c0_i32_0 = arith.constant 0 : i32
    %c0_i32_1 = arith.constant 0 : i32
    return %c0_i32, %c0_i32_0 : i32, i32
  }
  func.func @transform_7(%arg0: i32) -> (i32, i32) {
    %c0_i32 = arith.constant 0 : i32
    %c0_i32_0 = arith.constant 0 : i32
    %c0_i32_1 = arith.constant 0 : i32
    return %c0_i32, %c0_i32_0 : i32, i32
  }
  func.func @transform_8(%arg0: i32) -> (i32, i32) {
    %c0_i32 = arith.constant 0 : i32
    %c0_i32_0 = arith.constant 0 : i32
    %c0_i32_1 = arith.constant 0 : i32
    return %c0_i32, %c0_i32_0 : i32, i32
  }
  func.func @transform_9(%arg0: i32) -> (i32, i32) {
    %c0_i32 = arith.constant 0 : i32
    %c0_i32_0 = arith.constant 0 : i32
    %c0_i32_1 = arith.constant 0 : i32
    return %c0_i32, %c0_i32_0 : i32, i32
  }
  func.func @transform_10(%arg0: i32) -> (i32, i32) {
    %c0_i32 = arith.constant 0 : i32
    %c0_i32_0 = arith.constant 0 : i32
    %c0_i32_1 = arith.constant 0 : i32
    return %c0_i32, %c0_i32_0 : i32, i32
  }
  func.func @transform_11(%arg0: i32) -> (i32, i32) {
    %c0_i32 = arith.constant 0 : i32
    %c0_i32_0 = arith.constant 0 : i32
    %c0_i32_1 = arith.constant 0 : i32
    return %c0_i32, %c0_i32_0 : i32, i32
  }
  func.func @transform_12(%arg0: i32) -> (i32, i32) {
    %c0_i32 = arith.constant 0 : i32
    %c0_i32_0 = arith.constant 0 : i32
    %c0_i32_1 = arith.constant 0 : i32
    return %c0_i32, %c0_i32_0 : i32, i32
  }
  func.func @transform_13(%arg0: i32) -> (i32, i32) {
    %c0_i32 = arith.constant 0 : i32
    %c0_i32_0 = arith.constant 0 : i32
    %c0_i32_1 = arith.constant 0 : i32
    return %c0_i32, %c0_i32_0 : i32, i32
  }
  func.func @transform_14(%arg0: i32) -> (i32, i32) {
    %c0_i32 = arith.constant 0 : i32
    %c0_i32_0 = arith.constant 0 : i32
    return %arg0, %c0_i32 : i32, i32
  }
}

module attributes {stable_mosaic.version = 14 : i64} {
  func.func @_readout_body(%arg0: i32, %arg1: memref<256x64xf32, #tpu.memory_space<vmem>>, %arg2: memref<256x1xf32, #tpu.memory_space<vmem>>, %arg3: memref<64x32xf32, #tpu.memory_space<vmem>>, %arg4: memref<1x32xf32, #tpu.memory_space<vmem>>, %arg5: memref<32x1xf32, #tpu.memory_space<vmem>>, %arg6: memref<1x1xf32, #tpu.memory_space<vmem>>, %arg7: memref<1x128xf32, #tpu.memory_space<vmem>>) attributes {dimension_semantics = [#tpu.dimension_semantics<arbitrary>], iteration_bounds = array<i64: 40>, scalar_prefetch = 0 : i64, scratch_operands = 0 : i64, tpu.core_type = #tpu.core_type<tc>, window_params = [{transform_indices = @transform_0, window_bounds = array<i64: 256, 64>}, {transform_indices = @transform_1, window_bounds = array<i64: 256, 1>}, {pipeline_mode = #tpu.pipeline_mode<synchronous>, transform_indices = @transform_2, window_bounds = array<i64: 64, 32>}, {pipeline_mode = #tpu.pipeline_mode<synchronous>, transform_indices = @transform_3, window_bounds = array<i64: 1, 32>}, {pipeline_mode = #tpu.pipeline_mode<synchronous>, transform_indices = @transform_4, window_bounds = array<i64: 32, 1>}, {pipeline_mode = #tpu.pipeline_mode<synchronous>, transform_indices = @transform_5, window_bounds = array<i64: 1, 1>}, {pipeline_mode = #tpu.pipeline_mode<synchronous>, transform_indices = @transform_6, window_bounds = array<i64: 1, 128>}]} {
    %eq3A = arith.constant 0 : i32
    %eq3A_0 = arith.cmpi eq, %arg0, %eq3A : i32
    %convert_element_type3A = arith.extui %eq3A_0 : i1 to i32
    %cond3A = arith.constant 0 : i32
    %cond3A_1 = arith.cmpi ne, %convert_element_type3A, %cond3A : i32
    scf.if %cond3A_1 {
      %broadcast_in_dim3A_49 = arith.constant 0.000000e+00 : f32
      %broadcast_in_dim3A_50 = vector.broadcast %broadcast_in_dim3A_49 : f32 to vector<1x128xf32>
      %swap3A_51 = arith.constant 0 : index
      %swap3A_52 = arith.constant 0 : index
      %swap3A_53 = vector.load %arg7[%swap3A_51, %swap3A_52] : memref<1x128xf32, #tpu.memory_space<vmem>>, vector<1x128xf32>
      tpu.vector_store %arg7[%swap3A_51, %swap3A_52], %broadcast_in_dim3A_50 {strides = array<i32>} : memref<1x128xf32, #tpu.memory_space<vmem>>, vector<1x128xf32>,
    } else {
    }
    %get3A = arith.constant 0 : index
    %get3A_2 = arith.constant 0 : index
    %get3A_3 = vector.load %arg1[%get3A, %get3A_2] : memref<256x64xf32, #tpu.memory_space<vmem>>, vector<256x64xf32>
    %get3A_4 = arith.constant 0 : index
    %get3A_5 = arith.constant 0 : index
    %get3A_6 = vector.load %arg3[%get3A_4, %get3A_5] : memref<64x32xf32, #tpu.memory_space<vmem>>, vector<64x32xf32>
    %dot_general3A = arith.constant dense<0.000000e+00> : vector<256x32xf32>
    %dot_general3A_7 = tpu.matmul %get3A_3, %get3A_6, %dot_general3A {dimension_numbers = #tpu.dot_dimension_numbers<[1], [0], [0], [1], [0, 0, 1, 1], [], []>, transpose_lhs_hint = false} : vector<256x64xf32>, vector<64x32xf32>, vector<256x32xf32> -> vector<256x32xf32>
    %get3A_8 = arith.constant 0 : index
    %get3A_9 = arith.constant 0 : index
    %get3A_10 = vector.load %arg4[%get3A_8, %get3A_9] : memref<1x32xf32, #tpu.memory_space<vmem>>, vector<1x32xf32>
    %add3A = vector.broadcast %get3A_10 : vector<1x32xf32> to vector<256x32xf32>
    %add3A_11 = arith.addf %dot_general3A_7, %add3A : vector<256x32xf32>
    %custom_jvp_call3A = arith.constant 0.000000e+00 : f32
    %max3A = vector.broadcast %custom_jvp_call3A : f32 to vector<256x32xf32>
    %max3A_12 = arith.maximumf %add3A_11, %max3A : vector<256x32xf32>
    %sub3A = vector.broadcast %custom_jvp_call3A : f32 to vector<256x32xf32>
    %sub3A_13 = arith.subf %add3A_11, %sub3A : vector<256x32xf32>
    %ne3A = arith.cmpf one, %sub3A_13, %sub3A_13 : vector<256x32xf32>
    %add3A_14 = vector.broadcast %custom_jvp_call3A : f32 to vector<256x32xf32>
    %add3A_15 = arith.addf %add3A_11, %add3A_14 : vector<256x32xf32>
    %abs3A = math.absf %sub3A_13 : vector<256x32xf32>
    %neg3A = arith.constant 0.000000e+00 : f32
    %neg3A_16 = vector.broadcast %neg3A : f32 to vector<256x32xf32>
    %neg3A_17 = arith.subf %neg3A_16, %abs3A : vector<256x32xf32>
    %exp3A = math.exp %neg3A_17 : vector<256x32xf32>
    %log1p3A = math.log1p %exp3A : vector<256x32xf32>
    %add3A_18 = arith.addf %max3A_12, %log1p3A : vector<256x32xf32>
    %select_n3A = arith.select %ne3A, %add3A_15, %add3A_18 : vector<256x32xi1>, vector<256x32xf32>
    %sub3A_19 = arith.constant 0.693147182 : f32
    %sub3A_20 = vector.broadcast %sub3A_19 : f32 to vector<256x32xf32>
    %sub3A_21 = arith.subf %select_n3A, %sub3A_20 : vector<256x32xf32>
    %get3A_22 = arith.constant 0 : index
    %get3A_23 = arith.constant 0 : index
    %get3A_24 = vector.load %arg5[%get3A_22, %get3A_23] : memref<32x1xf32, #tpu.memory_space<vmem>>, vector<32x1xf32>
    %dot_general3A_25 = arith.constant dense<0.000000e+00> : vector<256x1xf32>
    %dot_general3A_26 = tpu.matmul %sub3A_21, %get3A_24, %dot_general3A_25 {dimension_numbers = #tpu.dot_dimension_numbers<[1], [0], [0], [1], [0, 0, 1, 1], [], []>, transpose_lhs_hint = false} : vector<256x32xf32>, vector<32x1xf32>, vector<256x1xf32> -> vector<256x1xf32>
    %get3A_27 = arith.constant 0 : index
    %get3A_28 = arith.constant 0 : index
    %get3A_29 = vector.load %arg6[%get3A_27, %get3A_28] : memref<1x1xf32, #tpu.memory_space<vmem>>, vector<1x1xf32>
    %add3A_30 = vector.broadcast %get3A_29 : vector<1x1xf32> to vector<256x1xf32>
    %add3A_31 = arith.addf %dot_general3A_26, %add3A_30 : vector<256x1xf32>
    %iota3A = tpu.iota {dimensions = array<i32: 1>} : vector<1x128xi32>
    %convert_element_type3A_32 = arith.sitofp %iota3A : vector<1x128xi32> to vector<1x128xf32>
    %get3A_33 = arith.constant 0 : index
    %get3A_34 = arith.constant 0 : index
    %get3A_35 = vector.load %arg2[%get3A_33, %get3A_34] : memref<256x1xf32, #tpu.memory_space<vmem>>, vector<256x1xf32>
    %eq3A_36 = vector.broadcast %get3A_35 : vector<256x1xf32> to vector<256x128xf32>
    %eq3A_37 = vector.broadcast %convert_element_type3A_32 : vector<1x128xf32> to vector<256x128xf32>
    %eq3A_38 = arith.cmpf oeq, %eq3A_36, %eq3A_37 : vector<256x128xf32>
    %convert_element_type3A_39 = arith.extui %eq3A_38 : vector<256x128xi1> to vector<256x128xi32>
    %convert_element_type3A_40 = arith.sitofp %convert_element_type3A_39 : vector<256x128xi32> to vector<256x128xf32>
    %get3A_41 = arith.constant 0 : index
    %get3A_42 = arith.constant 0 : index
    %get3A_43 = vector.load %arg7[%get3A_41, %get3A_42] : memref<1x128xf32, #tpu.memory_space<vmem>>, vector<1x128xf32>
    %mul3A = vector.broadcast %add3A_31 : vector<256x1xf32> to vector<256x128xf32>
    %mul3A_44 = arith.mulf %convert_element_type3A_40, %mul3A : vector<256x128xf32>
    %reduce_sum3A = arith.constant dense<0.000000e+00> : vector<128xf32>
    %reduce_sum3A_45 = vector.multi_reduction <add>, %mul3A_44, %reduce_sum3A [0] : vector<256x128xf32> to vector<128xf32>
    %broadcast_in_dim3A = vector.shape_cast %reduce_sum3A_45 : vector<128xf32> to vector<1x128xf32>
    %add3A_46 = arith.addf %get3A_43, %broadcast_in_dim3A : vector<1x128xf32>
    %swap3A = arith.constant 0 : index
    %swap3A_47 = arith.constant 0 : index
    %swap3A_48 = vector.load %arg7[%swap3A, %swap3A_47] : memref<1x128xf32, #tpu.memory_space<vmem>>, vector<1x128xf32>
    tpu.vector_store %arg7[%swap3A, %swap3A_47], %add3A_46 {strides = array<i32>} : memref<1x128xf32, #tpu.memory_space<vmem>>, vector<1x128xf32>,
    return
  }
  func.func @transform_0(%arg0: i32) -> (i32, i32) {
    %c0_i32 = arith.constant 0 : i32
    %c0_i32_0 = arith.constant 0 : i32
    return %arg0, %c0_i32 : i32, i32
  }
  func.func @transform_1(%arg0: i32) -> (i32, i32) {
    %c0_i32 = arith.constant 0 : i32
    %c0_i32_0 = arith.constant 0 : i32
    return %arg0, %c0_i32 : i32, i32
  }
  func.func @transform_2(%arg0: i32) -> (i32, i32) {
    %c0_i32 = arith.constant 0 : i32
    %c0_i32_0 = arith.constant 0 : i32
    %c0_i32_1 = arith.constant 0 : i32
    return %c0_i32, %c0_i32_0 : i32, i32
  }
  func.func @transform_3(%arg0: i32) -> (i32, i32) {
    %c0_i32 = arith.constant 0 : i32
    %c0_i32_0 = arith.constant 0 : i32
    %c0_i32_1 = arith.constant 0 : i32
    return %c0_i32, %c0_i32_0 : i32, i32
  }
  func.func @transform_4(%arg0: i32) -> (i32, i32) {
    %c0_i32 = arith.constant 0 : i32
    %c0_i32_0 = arith.constant 0 : i32
    %c0_i32_1 = arith.constant 0 : i32
    return %c0_i32, %c0_i32_0 : i32, i32
  }
  func.func @transform_5(%arg0: i32) -> (i32, i32) {
    %c0_i32 = arith.constant 0 : i32
    %c0_i32_0 = arith.constant 0 : i32
    %c0_i32_1 = arith.constant 0 : i32
    return %c0_i32, %c0_i32_0 : i32, i32
  }
  func.func @transform_6(%arg0: i32) -> (i32, i32) {
    %c0_i32 = arith.constant 0 : i32
    %c0_i32_0 = arith.constant 0 : i32
    %c0_i32_1 = arith.constant 0 : i32
    return %c0_i32, %c0_i32_0 : i32, i32
  }
}

</mosaic_0001>

<sc_bundles>
// kernel: kernel.11.cloned.1.call-start
scs
__scs_entry_jumppad:
0x0: {  	(pc) =	sbr.rel $0x88, $3  }
0x1: {  	(tag) =	ssettag $0x0;
	lr =	simm.s32 $0x1  }
0x2: {  	[smem:$0x3F90] =	sst lr;
	_ =	strace $0xD0000000  }
0x3: {  	_ = 	snop  }
0x4: {  	_ = 	snop  }
0x5: {  	_ = 	snop  }
0x6: {  	_ = 	snop  }
0x7: {  	_ = 	snop  }
__scs_overlays_trampoline_lowered:
0x8: {  	[smem:$0x3F9F] =	sst s0  }
0x9: {  	[smem:$0x3FA0] =	sst s1  }
0xa: {  	[smem:$0x3FA1] =	sst s2  }
0xb: {  	[smem:$0x3FA2] =	sst s3  }
0xc: {  	[smem:$0x3FA3] =	sst s4  }
0xd: {  	[smem:$0x3FA4] =	sst s5  }
0xe: {  	[smem:$0x3FA5] =	sst s6  }
0xf: {  	[smem:$0x3FA6] =	sst s7  }
0x10: {  	[smem:$0x3FA7] =	sst s8  }
0x11: {  	[smem:$0x3FA8] =	sst s9;
	s0 =	simm.s32 @!p0 $0x0  }
0x12: {  	s1 =	sld [smem:$0x3F8E];
	s0 =	simm.s32 @p0 $0x1  }
0x13: {  	[smem:$0x3FA9] =	sst s0;
	s0 =	simm.s32 @!p1 $0x0  }
0x14: {  	s2 =	sld [smem:$0x3F8D];
	s0 =	simm.s32 @p1 $0x1  }
0x15: {  	[smem:$0x3FAA] =	sst s0;
	s0 =	simm.s32 @!p2 $0x0  }
0x16: {  	s3 =	sld [smem:$0x3FDB];
	s0 =	simm.s32 @p2 $0x1  }
0x17: {  	s4 =	simm.s32 $0x1BF5;
	[smem:$0x3FAC] =	sst s0  }
0x18: {  	s0 =	sld [smem:$0x3F8F];
	_ =	swait.ge [sflag:s4], $0x0  }
0x19: {  	s7 =	sld [smem:$0x3F90]  }
0x1a: {  	s8 =	sadd.s32 $0xFFFFE003, lr  }
0x1b: {  	s9 =	sadd.s32 $0xFFFFFEF7, lr;
	s5 =	simm.s32 $0xFFFFFFFF;
	p2 =	slt.u32 s8, $0xFFFFF086  }
0x1c: {  	p1 =	slt.u32 s9, $0xF7A;
	s5 =	simm.s32 @!p2 $0x0  }
0x1d: {  	s5 =	simm.s32 @p1 $0x1;
	p0 =	seq.s32 s7, s2  }
0x1e: {  	s7 =	smul.u32 @!p0 $0xF7A, s2;
	p2 =	seq.s32 @!p0 s5, $0x0  }
0x1f: {  	s9 =	smul.u32 $0xF7A, s1;
	s8 =	simm.s32 @!p0 $0x1BF5;
	p2 =	por !p2, p0  }
0x20: {  	[sflag:s8] =	ssyncset.s32 @!p0 $0xFFFFF086;
	s6 =	sadd.s32 @!p0 s3, s7;
	s7 =	simm.s32 @!p0 $0x108  }
0x21: {  	s3 =	sadd.s32 s3, s9;
	s6 =	sadd.s32 @!p0 $0x88, s6;
	s7 =	simm.s32 @p2 $0x1082  }
0x22: {  	[simem:s7], [sflag:s8] =	dma.local @!p0 [hbm:s6], $0xF7A  }
0x23: {  	s9 =	sor.u32 $0xD0000000, s2;
	s6 =	simm.s32 $0x108;
	_ =	swait.ge @!p0 [sflag:s8], $0x0  }
0x24: {  	s3 =	sadd.s32 $0x88, s3;
	s6 =	simm.s32 @!p1 $0x1082;
	[sflag:s4] =	ssyncset.s32 $0xFFFFF086  }
0x25: {  	[simem:s6], [sflag:s4] =	dma.local [hbm:s3], $0xF7A  }
0x26: {  	[smem:$0x3F90] =	sst s1;
	(tag) =	ssettag s2;
	_ =	strace s9  }
0x27: {  	s1 =	sld [smem:$0x3FA0]  }
0x28: {  	s2 =	sld [smem:$0x3FA1]  }
0x29: {  	s4 =	sld [smem:$0x3FA3]  }
0x2a: {  	p0 =	seq.s32 s5, $0x0;
	s5 =	sld [smem:$0x3FA4]  }
0x2b: {  	s6 =	sld [smem:$0x3FA5]  }
0x2c: {  	s7 =	sld [smem:$0x3FA6]  }
0x2d: {  	s3 =	simm.s32 $0x108;
	s8 =	sld [smem:$0x3FA7]  }
0x2e: {  	s3 =	simm.s32 @!p0 $0x1082;
	s9 =	sld [smem:$0x3FA8]  }
0x2f: {  	lr =	sadd.s32 s0, s3;
	s0 =	sld [smem:$0x3F9F]  }
0x30: {  	s3 =	sld [smem:$0x3FA2]  }
0x31: {  	[smem:$0x3FAB] =	sst s10  }
0x32: {  	s10 =	sld [smem:$0x3FA9];
	_ =	sdelay $0x3  }
0x33: {  	p0 =	seq.s32 s10, $0x1;
	s10 =	sld [smem:$0x3FAB];
	_ =	sdelay $0x3  }
0x34: {  	[smem:$0x3FAB] =	sst s10  }
0x35: {  	s10 =	sld [smem:$0x3FAA];
	_ =	sdelay $0x3  }
0x36: {  	p1 =	seq.s32 s10, $0x1;
	s10 =	sld [smem:$0x3FAB];
	_ =	sdelay $0x3  }
0x37: {  	[smem:$0x3FAB] =	sst s10  }
0x38: {  	s10 =	sld [smem:$0x3FAC]  }
0x39: {  	_ = 	snop;
	(pc) =	sbr.ind lr, $3  }
0x3a: {  	_ = 	snop  }
0x3b: {  	_ = 	snop  }
0x3c: {  	p2 =	seq.s32 s10, $0x1;
	s10 =	sld [smem:$0x3FAB]  }
0x3d: {  	_ =	shalt  }
0x3e: {  	_ =	shalt  }
0x3f: {  	_ =	shalt  }
0x40: {  	_ =	shalt  }
0x41: {  	_ =	shalt  }
0x42: {  	_ =	shalt  }
0x43: {  	_ =	shalt  }
0x44: {  	_ =	shalt  }
0x45: {  	_ =	shalt  }
0x46: {  	_ =	shalt  }
0x47: {  	_ =	shalt  }
0x48: {  	_ =	shalt  }
0x49: {  	_ =	shalt  }
0x4a: {  	_ =	shalt  }
0x4b: {  	_ =	shalt  }
0x4c: {  	_ =	shalt  }
0x4d: {  	_ =	shalt  }
0x4e: {  	_ =	shalt  }
0x4f: {  	_ =	shalt  }
0x50: {  	_ =	shalt  }
0x51: {  	_ =	shalt  }
0x52: {  	_ =	shalt  }
0x53: {  	_ =	shalt  }
0x54: {  	_ =	shalt  }
0x55: {  	_ =	shalt  }
0x56: {  	_ =	shalt  }
0x57: {  	_ =	shalt  }
0x58: {  	_ =	shalt  }
0x59: {  	_ =	shalt  }
0x5a: {  	_ =	shalt  }
0x5b: {  	_ =	shalt  }
0x5c: {  	_ =	shalt  }
0x5d: {  	_ =	shalt  }
0x5e: {  	_ =	shalt  }
0x5f: {  	_ =	shalt  }
0x60: {  	_ =	shalt  }
0x61: {  	_ =	shalt  }
0x62: {  	_ =	shalt  }
0x63: {  	_ =	shalt  }
0x64: {  	_ =	shalt  }
0x65: {  	_ =	shalt  }
0x66: {  	_ =	shalt  }
0x67: {  	_ =	shalt  }
0x68: {  	_ =	shalt  }
0x69: {  	_ =	shalt  }
0x6a: {  	_ =	shalt  }
0x6b: {  	_ =	shalt  }
0x6c: {  	_ =	shalt  }
0x6d: {  	_ =	shalt  }
0x6e: {  	_ =	shalt  }
0x6f: {  	_ =	shalt  }
0x70: {  	_ =	shalt  }
0x71: {  	_ =	shalt  }
0x72: {  	_ =	shalt  }
0x73: {  	_ =	shalt  }
0x74: {  	_ =	shalt  }
0x75: {  	_ =	shalt  }
0x76: {  	_ =	shalt  }
0x77: {  	_ =	shalt  }
0x78: {  	_ =	shalt  }
0x79: {  	_ =	shalt  }
0x7a: {  	_ =	shalt  }
0x7b: {  	_ =	shalt  }
0x7c: {  	_ =	shalt  }
0x7d: {  	_ =	shalt  }
0x7e: {  	_ =	shalt  }
0x7f: {  	_ =	shalt  }
0x80: {  	_ =	shalt  }
0x81: {  	_ =	shalt  }
0x82: {  	_ =	shalt  }
0x83: {  	_ =	shalt  }
0x84: {  	_ =	shalt  }
0x85: {  	_ =	shalt  }
0x86: {  	_ =	shalt  }
0x87: {  	_ =	shalt  }
.Lfunc_end0:
.L_simem_size_0:
called_computation_lowered:
.L_overlay_start_0:
0x88: {  	s2 =	sld [smem:$0x3FD9]  }
0x89: {  	s3 =	sld [smem:$0x3FFE];
	_ =	sdelay $0x1  }
0x8a: {  	s1 =	srdreg.scid  }
0x8b: {  	s0 =	sand.u32 $0x1, s1  }
0x8c: {  	s16 =	sshll.u32 s0, $0xA;
	s2 =	sadd.s32 s3, s2  }
0x8d: {  	s2 =	sadd.s32 s2, s16  }
0x8e: {  	[smem:$0x3FB7] =	sst s2  }
0x8f: {  	_ = 	snop  }
0x90: {  	(tm) =	ssettm $0x1  }
0x91: {  	s17 =	sld [smem:$0x3FFB];
	_ =	sdelay $0x3  }
0x92: {  	_ =	strace s17  }
0x93: {  	s2 =	sld [smem:$0x3FFC];
	_ =	sdelay $0x3  }
0x94: {  	_ =	strace s2  }
0x95: {  	s2 =	sld [smem:$0x3FFD];
	_ =	sdelay $0x3  }
0x96: {  	_ =	strace s2  }
0x97: {  	_ =	strace $0x8FFFFFFF  }
0x98: {  	s18 =	sld [smem:$0x3FDB];
	_ =	sdelay $0x1  }
0x99: {  	s19 =	simm.s32 $_scs_section_size  }
0x9a: {  	s4 =	simm.s32 $_size__tile_overlayer_lowered;
	s5 =	simm.s32 $_tile_overlayer_lowered  }
0x9b: {  	s22 =	simm.s32 $0x1BFF;
	s21 =	sshll.u32 s5, $0x1;
	s2 =	sadd.s32 s19, s18  }
0x9c: {  	s6 =	simm.s32 $0x0;
	s20 =	sshll.u32 s4, $0x1;
	s4 =	sadd.s32 s21, s2  }
0x9d: {  	[timem:s6], [sflag:s22] =	dma.local [hbm:s4], s20  }
0x9e: {  	_ =	swait.ge [sflag:s22], s20  }
0x9f: {  	s3 =	ssub.s32 $0x0, s20;
	[sflag:s22] =	ssyncset.done $0x0  }
0xa0: {  	[sflag:s22] =	ssyncadd.s32 s3;
	_ =	sdelay $0x1  }
0xa1: {  	s23 =	simm.s32 $0x1B8B  }
0xa2: {  	_ =	swait.ge [sflag:s23], $0x1  }
0xa3: {  	[sflag:s23] =	ssyncset.done $0x0  }
0xa4: {  	s25 =	simm.s32 $0x1B8E;
	s24 =	sld [smem:$0x3FFE];
	[sflag:s23] =	ssyncadd.s32 $0xFFFFFFFF  }
0xa5: {  	s26 =	simm.s32 $execute0_lowered;
	[smem:$0x3FD2] =	sst s25  }
0xa6: {  	s4 =	sshll.u32 s26, $0x1;
	_ =	strace $0x80000046;
	[dreg:$0x1] =	wrdreg $0xFFFFFFFF  }
0xa7: {  	s28 =	simm.s32 $_size_execute0_lowered;
	s2 =	sadd.s32 s2, s4;
	[dreg:$0x0] =	wrdreg $0x0  }
0xa8: {  	s4 =	sshll.u32 s28, $0x1;
	[dreg:$0x2] =	wrdreg s2  }
0xa9: {  	[dreg:$0x3] =	wrdreg s4  }
0xaa: {  	[dreg:$0x4] =	wrdreg $0xC0  }
0xab: {  	_ =	task [dreg:s6], $0x5FFFF  }
0xac: {  	[dreg:$0x1] =	wrdreg $0xFFFFFFFF  }
0xad: {  	[dreg:$0x0] =	wrdreg $0x60  }
0xae: {  	[dreg:$0x2] =	wrdreg s24  }
0xaf: {  	[dreg:$0x3] =	wrdreg $0x9  }
0xb0: {  	_ =	task.clear_ibuf [dreg:s6], $0x4FFFF;
	_ =	strace $0x90000046  }
0xb1: {  	s29 =	simm.s32 $0x9;
	_ =	strace $0x80000048  }
0xb2: {  	_ =	swait.ge [sflag:s29], $0x1  }
0xb3: {  	[sflag:s29] =	ssyncadd.s32 $0xFFFFFFFF  }
0xb4: {  	_ =	strace $0x90000048  }
0xb5: {  	_ =	sfence  }
0xb6: {  	s30 =	sld [smem:$0x0];
	_ =	sdelay $0x2  }
0xb7: {  	s31 =	sshll.u32 s1, $0xD;
	s1 =	sshrl.u32 s1, $0x2  }
0xb8: {  	s3 =	sand.u32 $0x4000, s31;
	s1 =	sadd.s32 s1, s30  }
0xb9: {  	s0 =	sor.u32 s3, s0;
	s1 =	sshll.u32 s1, $0x11  }
0xba: {  	s0 =	sor.u32 s1, s0  }
0xbb: {  	s0 =	sadd.s32 $0x8F2B, s0  }
0xbc: {  	[sflag:s0] =	ssyncadd.remote.s32 $0x1  }
0xbd: {  	_ =	sfence.sel $0xFFFF  }
0xbe: {  	[dreg:$0x0] =	wrdreg $0xFFFFFFFF;
	(pc) =	sbr.abs _section_cstart, $3  }
0xbf: {  	[dreg:$0x1] =	wrdreg $0xFFFFFFFF  }
0xc0: {  	_ =	task.clear_ibuf [dreg:s6], $0x2FFFF;
	_ =	strace $0x9FFFFFFF  }
0xc1: {  	(tm) =	ssettm $0x7FFFFFFF  }
tec
execute0_lowered:
.L_overlay_start_1:
0x0: {  	(tag) =	ssettag $0x1  }
0x1: {  	s1 =	srdreg.scid  }
0x2: {  	s0 =	stileid.u32;
	s4 =	rddreg [dreg:$0x0];
	s2 =	simm.s32 $0x0  }
0x3: {  	s13 =	simm.s32 $0xA500;
	s5 =	sand.u32 $0x1, s1;
	s1 =	rddreg [dreg:$0x1]  }
0x4: {  	s14 =	simm.s32 $0x0;
	s3 =	sshll.u32 s0, $0x1;
	[smem:$0x7FF] =	sst s2  }
0x5: {  	s9 =	smul.u32 $0x5000, s0;
	s11 =	sadd.s32 $0x6F000, s4;
	s12 =	sadd.s32 $0x79000, s4  }
0x6: {  	s6 =	sor.u32 s5, s3;
	s8 =	ssub.s32 $0x2, s5;
	s5 =	smul.u32 $0x2800, s5  }
0x7: {  	_ =	strace $0x80000047;
	s7 =	smul.u32 $0x2800, s6;
	s10 =	sshrl.u32 s8, $0x1  }
0x8: {  	s3 =	sadd.s32 $0x33000, s4;
	s6 =	smul.u32 $0x14000, s6;
	s8 =	ssub.s32 s8, s10  }
0x9: {  	s30 =	sadd.s32 s5, s9;
	s9 =	simm.s32 $0x3;
	s10 =	simm.s32 $0x280  }
0xa: {  	s29 =	sshrl.u32 s7, $0x3;
	s5 =	smax.u32 s8, $0x1;
	s31 =	sor.u32 $0x280, s30  }
0xb: {  	s6 =	sadd.s32 s12, s6;
	s7 =	sshll.u32 s30, $0x3;
	s4 =	sadd.s32 s11, s29  }
0xc: {  	s8 =	sshrl.u32 s31, $0x3;
	s6 =	sadd.s32 $0x12C00, s6;
	s7 =	sadd.s32 s7, s12  }
0xd: {  	s12 =	simm.s32 $0x2;
	s8 =	sadd.s32 s8, s11;
	s11 =	simm.s32 $0x500  }
.LBB2_1:
0xe: {  	[tilespmem:s2], [sflag:$0x3] =	stream.linear.gather [hbm4b:s4+s2], $0x280, $0x38;
	[tilespmem:$0x14500] =	vst v63  }
0xf: {  	s15 =	simm.s32 $0x1;
	_ =	swait.ge [sflag:s9], $0x280  }
0x10: {  	s15 =	sand.u32 $0x1, s15;
	[sflag:s9] =	ssyncset.done $0x0  }
0x11: {  	s16 =	smul.u32 $0xA00, s15;
	[sflag:s9] =	ssyncadd.s32 $0xFFFFFD80  }
0x12: {  	[tilespmem:s11], [sflag:$0x1] =	stream.indirect.gather [hbm4b:s3+s10], $0x40, s2, s10, $0xb8;
	[tilespmem:$0x14500] =	vst v63  }
0x13: {  	s29 =	simm.s32 $0x2;
	s18 =	smul.u32 $0x28000, s15;
	s16 =	sshrl.u32 s16, $0x2  }
0x14: {  	[tilespmem:s16], [sflag:$0x3] =	stream.linear.gather [hbm4b:s8+s2], $0x280, $0x38;
	[tilespmem:$0x14500] =	vst v63  }
0x15: {  	s17 =	sxor.u32 $0x1, s15;
	s15 =	sadd.s32 $0x1, s15;
	_ =	swait.ge [sflag:s9], $0x280  }
0x16: {  	s19 =	smul.u32 $0x28000, s17;
	s18 =	sshrl.u32 s18, $0x2;
	[sflag:s9] =	ssyncset.done $0x0  }
0x17: {  	s20 =	sadd.s32 $0x1, s17;
	s28 =	sor.u32 $0x500, s18;
	[sflag:s9] =	ssyncadd.s32 $0xFFFFFD80  }
0x18: {  	[tilespmem:s28], [sflag:s15] =	stream.indirect.gather [hbm4b:s3+s10], $0x40, s16, s10, $0xb8;
	[tilespmem:$0x14500] =	vst v63  }
0x19: {  	s17 =	sand.u32 $0x1, s29;
	_ =	swait.ge [sflag:s20], $0xA000  }
0x1a: {  	s21 =	smul.u32 $0xA00, s17;
	s30 =	sshrl.u32 s19, $0x2;
	[sflag:s20] =	ssyncset.done $0x0  }
0x1b: {  	s19 =	simm.s32 $0x3;
	s31 =	sor.u32 $0x500, s30;
	[sflag:s20] =	ssyncadd.s32 $0xFFFF6000  }
0x1c: {  	[hbm4b:s7+s2] =	stream.linear.scatter [tilespmem:s31], [sflag:$0x3], $0xA000, $0x38;
	[tilespmem:$0x14500] =	vst v63  }
0x1d: {  	s18 =	sxor.u32 $0x1, s17;
	s16 =	sadd.s32 $0x50, s8;
	_ =	swait.ge [sflag:s9], $0xA000  }
0x1e: {  	s15 =	sadd.s32 $0x1400, s7;
	s20 =	smul.u32 $0x28000, s17;
	[sflag:s9] =	ssyncset.done $0x0  }
.LBB2_2:
0x1f: {  	s21 =	sshrl.u32 s21, $0x2  }
0x20: {  	s22 =	smul.u32 $0x28000, s18;
	[sflag:s9] =	ssyncadd.s32 $0xFFFF6000;
	s23 =	smov.u32 s19  }
0x21: {  	[tilespmem:s21], [sflag:$0x3] =	stream.linear.gather [hbm4b:s16+s2], $0x280, $0x38;
	[tilespmem:$0x14500] =	vst v63  }
0x22: {  	s20 =	sshrl.u32 s20, $0x2;
	_ =	swait.ge [sflag:s9], $0x280;
	s22 =	sshrl.u32 s22, $0x2  }
0x23: {  	s24 =	sadd.s32 $0x1, s19;
	s18 =	sadd.s32 $0x1, s18;
	[sflag:s9] =	ssyncset.done $0x0  }
0x24: {  	s17 =	sadd.s32 $0x1, s17;
	s20 =	sor.u32 $0x500, s20;
	[sflag:s9] =	ssyncadd.s32 $0xFFFFFD80  }
0x25: {  	[tilespmem:s20], [sflag:s17] =	stream.indirect.gather [hbm4b:s3+s10], $0x40, s21, s10, $0xb8;
	[tilespmem:$0x14500] =	vst v63  }
0x26: {  	p0 =	sne.s32 s19, $0xF;
	s16 =	sadd.s32 $0x50, s16;
	_ =	swait.ge [sflag:s18], $0xA000  }
.Ltmp0:
0x27: {  	s19 =	smov.u32 s24;
	[sflag:s18] =	ssyncset.done $0x0;
	(pc) =	sbr.rel @p0 .LBB2_2-.Ltmp0, $4  }
0x28: {  	s17 =	sand.u32 $0x1, s23;
	[sflag:s18] =	ssyncadd.s32 $0xFFFF6000;
	s18 =	sor.u32 $0x500, s22  }
0x29: {  	[hbm4b:s15+s2] =	stream.linear.scatter [tilespmem:s18], [sflag:$0x3], $0xA000, $0x38;
	[tilespmem:$0x14500] =	vst v63  }
0x2a: {  	s21 =	smul.u32 $0xA00, s17;
	s18 =	sxor.u32 $0x1, s17;
	_ =	swait.ge [sflag:s9], $0xA000  }
0x2b: {  	s20 =	smul.u32 $0x28000, s17;
	s15 =	sadd.s32 $0x1400, s15;
	[sflag:s9] =	ssyncset.done $0x0  }
0x2c: {  	s19 =	sshrl.u32 s21, $0x2;
	[sflag:s9] =	ssyncadd.s32 $0xFFFF6000  }
0x2d: {  	[tilespmem:s19], [sflag:$0x3] =	stream.linear.gather [hbm4b:s16+s2], $0x280, $0x38;
	[tilespmem:$0x14500] =	vst v63  }
0x2e: {  	s30 =	smul.u32 $0x28000, s18;
	_ =	swait.ge [sflag:s9], $0x280  }
0x2f: {  	s31 =	sadd.s32 $0x1, s18;
	s20 =	sshrl.u32 s20, $0x2;
	[sflag:s9] =	ssyncset.done $0x0  }
0x30: {  	s17 =	sadd.s32 $0x1, s17;
	s20 =	sor.u32 $0x500, s20;
	[sflag:s9] =	ssyncadd.s32 $0xFFFFFD80  }
0x31: {  	[tilespmem:s20], [sflag:s17] =	stream.indirect.gather [hbm4b:s3+s10], $0x40, s19, s10, $0xb8;
	[tilespmem:$0x14500] =	vst v63  }
0x32: {  	_ =	swait.ge [sflag:s31], $0xA000  }
0x33: {  	s16 =	sshrl.u32 s30, $0x2;
	[sflag:s31] =	ssyncset.done $0x0  }
0x34: {  	s16 =	sor.u32 $0x500, s16;
	[sflag:s31] =	ssyncadd.s32 $0xFFFF6000  }
0x35: {  	[hbm4b:s15+s2] =	stream.linear.scatter [tilespmem:s16], [sflag:$0x3], $0xA000, $0x38;
	[tilespmem:$0x14500] =	vst v63  }
0x36: {  	_ =	swait.ge [sflag:s9], $0xA000  }
0x37: {  	[sflag:s9] =	ssyncset.done $0x0  }
0x38: {  	[sflag:s9] =	ssyncadd.s32 $0xFFFF6000  }
0x39: {  	s14 =	sadd.s32 $0x1, s14;
	_ =	swait.ge [sflag:s12], $0xA000  }
0x3a: {  	p0 =	sne.s32 s14, s5;
	[sflag:s12] =	ssyncset.done $0x0  }
.Ltmp1:
0x3b: {  	[sflag:s12] =	ssyncadd.s32 $0xFFFF6000;
	(pc) =	sbr.rel @p0 .LBB2_1-.Ltmp1, $4  }
0x3c: {  	[hbm4b:s6+s2] =	stream.linear.scatter [tilespmem:s13], [sflag:$0x3], $0xA000, $0x38;
	[tilespmem:$0x14500] =	vst v63  }
0x3d: {  	_ =	swait.ge [sflag:s9], $0xA000  }
0x3e: {  	[sflag:s9] =	ssyncset.done $0x0  }
0x3f: {  	[sflag:s9] =	ssyncadd.s32 $0xFFFF6000  }
0x40: {  	_ =	sfence.sel $0x180000  }
0x41: {  	[bflag:$0x0] =	sbarrier.arrive $0xFFFF  }
0x42: {  	p0 =	sne.s32 s0, $0x0;
	_ =	strace $0x90000047  }
0x43: {  	s0 =	sadd.s32 @!p0 $0x100000, s1;
	[bflag:$0x2] =	sbarrier.arrive $0xFFFF  }
0x44: {  	[sflag:s0] =	ssyncadd.tile.s32 @!p0 $0x1;
	_ =	shalt  }
.Lfunc_end2:
_tile_overlayer_lowered:
.L_overlay_start_2:
0x45: {  	(tag) =	ssettag $0x2  }
0x46: {  	s0 =	rddreg [dreg:$0x0];
	s2 =	stileid.u32  }
0x47: {  	s1 =	rddreg [dreg:$0x1];
	p0 =	sne.s32 s2, $0x0  }
0x48: {  	s3 =	rddreg [dreg:$0x2];
	[bflag:$0x3] =	sbarrier.arrive $0xFFFF;
	s2 =	simm.s32 @!p0 $0x1C03  }
0x49: {  	[timem:s3], [sflag:s2] =	dma.local @!p0 [hbm:s0], s1  }
0x4a: {  	s0 =	simm.s32 @!p0 $0x3  }
0x4b: {  	_ =	swait.ge @!p0 [sflag:s0], s1  }
0x4c: {  	s1 =	ssub.s32 @!p0 $0x0, s1;
	[sflag:s0] =	ssyncset.done @!p0 $0x0  }
0x4d: {  	[sflag:s0] =	ssyncadd.s32 @!p0 s1  }
0x4e: {  	[bflag:$0x3] =	sbarrier.arrive $0xFFFF  }
0x4f: {  	_ =	shalt  }

// kernel: kernel.14.cloned.1.call-start
scs
__scs_entry_jumppad:
0x0: {  	(pc) =	sbr.rel $0x88, $3  }
0x1: {  	(tag) =	ssettag $0x0;
	lr =	simm.s32 $0x1  }
0x2: {  	[smem:$0x3F90] =	sst lr;
	_ =	strace $0xD0000000  }
0x3: {  	_ = 	snop  }
0x4: {  	_ = 	snop  }
0x5: {  	_ = 	snop  }
0x6: {  	_ = 	snop  }
0x7: {  	_ = 	snop  }
__scs_overlays_trampoline_lowered:
0x8: {  	[smem:$0x3F9F] =	sst s0  }
0x9: {  	[smem:$0x3FA0] =	sst s1  }
0xa: {  	[smem:$0x3FA1] =	sst s2  }
0xb: {  	[smem:$0x3FA2] =	sst s3  }
0xc: {  	[smem:$0x3FA3] =	sst s4  }
0xd: {  	[smem:$0x3FA4] =	sst s5  }
0xe: {  	[smem:$0x3FA5] =	sst s6  }
0xf: {  	[smem:$0x3FA6] =	sst s7  }
0x10: {  	[smem:$0x3FA7] =	sst s8  }
0x11: {  	[smem:$0x3FA8] =	sst s9;
	s0 =	simm.s32 @!p0 $0x0  }
0x12: {  	s1 =	sld [smem:$0x3F8E];
	s0 =	simm.s32 @p0 $0x1  }
0x13: {  	[smem:$0x3FA9] =	sst s0;
	s0 =	simm.s32 @!p1 $0x0  }
0x14: {  	s2 =	sld [smem:$0x3F8D];
	s0 =	simm.s32 @p1 $0x1  }
0x15: {  	[smem:$0x3FAA] =	sst s0;
	s0 =	simm.s32 @!p2 $0x0  }
0x16: {  	s3 =	sld [smem:$0x3FDB];
	s0 =	simm.s32 @p2 $0x1  }
0x17: {  	s4 =	simm.s32 $0x1BF5;
	[smem:$0x3FAC] =	sst s0  }
0x18: {  	s0 =	sld [smem:$0x3F8F];
	_ =	swait.ge [sflag:s4], $0x0  }
0x19: {  	s7 =	sld [smem:$0x3F90]  }
0x1a: {  	s8 =	sadd.s32 $0xFFFFE003, lr  }
0x1b: {  	s9 =	sadd.s32 $0xFFFFFEF7, lr;
	s5 =	simm.s32 $0xFFFFFFFF;
	p2 =	slt.u32 s8, $0xFFFFF086  }
0x1c: {  	p1 =	slt.u32 s9, $0xF7A;
	s5 =	simm.s32 @!p2 $0x0  }
0x1d: {  	s5 =	simm.s32 @p1 $0x1;
	p0 =	seq.s32 s7, s2  }
0x1e: {  	s7 =	smul.u32 @!p0 $0xF7A, s2;
	p2 =	seq.s32 @!p0 s5, $0x0  }
0x1f: {  	s9 =	smul.u32 $0xF7A, s1;
	s8 =	simm.s32 @!p0 $0x1BF5;
	p2 =	por !p2, p0  }
0x20: {  	[sflag:s8] =	ssyncset.s32 @!p0 $0xFFFFF086;
	s6 =	sadd.s32 @!p0 s3, s7;
	s7 =	simm.s32 @!p0 $0x108  }
0x21: {  	s3 =	sadd.s32 s3, s9;
	s6 =	sadd.s32 @!p0 $0x88, s6;
	s7 =	simm.s32 @p2 $0x1082  }
0x22: {  	[simem:s7], [sflag:s8] =	dma.local @!p0 [hbm:s6], $0xF7A  }
0x23: {  	s9 =	sor.u32 $0xD0000000, s2;
	s6 =	simm.s32 $0x108;
	_ =	swait.ge @!p0 [sflag:s8], $0x0  }
0x24: {  	s3 =	sadd.s32 $0x88, s3;
	s6 =	simm.s32 @!p1 $0x1082;
	[sflag:s4] =	ssyncset.s32 $0xFFFFF086  }
0x25: {  	[simem:s6], [sflag:s4] =	dma.local [hbm:s3], $0xF7A  }
0x26: {  	[smem:$0x3F90] =	sst s1;
	(tag) =	ssettag s2;
	_ =	strace s9  }
0x27: {  	s1 =	sld [smem:$0x3FA0]  }
0x28: {  	s2 =	sld [smem:$0x3FA1]  }
0x29: {  	s4 =	sld [smem:$0x3FA3]  }
0x2a: {  	p0 =	seq.s32 s5, $0x0;
	s5 =	sld [smem:$0x3FA4]  }
0x2b: {  	s6 =	sld [smem:$0x3FA5]  }
0x2c: {  	s7 =	sld [smem:$0x3FA6]  }
0x2d: {  	s3 =	simm.s32 $0x108;
	s8 =	sld [smem:$0x3FA7]  }
0x2e: {  	s3 =	simm.s32 @!p0 $0x1082;
	s9 =	sld [smem:$0x3FA8]  }
0x2f: {  	lr =	sadd.s32 s0, s3;
	s0 =	sld [smem:$0x3F9F]  }
0x30: {  	s3 =	sld [smem:$0x3FA2]  }
0x31: {  	[smem:$0x3FAB] =	sst s10  }
0x32: {  	s10 =	sld [smem:$0x3FA9];
	_ =	sdelay $0x3  }
0x33: {  	p0 =	seq.s32 s10, $0x1;
	s10 =	sld [smem:$0x3FAB];
	_ =	sdelay $0x3  }
0x34: {  	[smem:$0x3FAB] =	sst s10  }
0x35: {  	s10 =	sld [smem:$0x3FAA];
	_ =	sdelay $0x3  }
0x36: {  	p1 =	seq.s32 s10, $0x1;
	s10 =	sld [smem:$0x3FAB];
	_ =	sdelay $0x3  }
0x37: {  	[smem:$0x3FAB] =	sst s10  }
0x38: {  	s10 =	sld [smem:$0x3FAC]  }
0x39: {  	_ = 	snop;
	(pc) =	sbr.ind lr, $3  }
0x3a: {  	_ = 	snop  }
0x3b: {  	_ = 	snop  }
0x3c: {  	p2 =	seq.s32 s10, $0x1;
	s10 =	sld [smem:$0x3FAB]  }
0x3d: {  	_ =	shalt  }
0x3e: {  	_ =	shalt  }
0x3f: {  	_ =	shalt  }
0x40: {  	_ =	shalt  }
0x41: {  	_ =	shalt  }
0x42: {  	_ =	shalt  }
0x43: {  	_ =	shalt  }
0x44: {  	_ =	shalt  }
0x45: {  	_ =	shalt  }
0x46: {  	_ =	shalt  }
0x47: {  	_ =	shalt  }
0x48: {  	_ =	shalt  }
0x49: {  	_ =	shalt  }
0x4a: {  	_ =	shalt  }
0x4b: {  	_ =	shalt  }
0x4c: {  	_ =	shalt  }
0x4d: {  	_ =	shalt  }
0x4e: {  	_ =	shalt  }
0x4f: {  	_ =	shalt  }
0x50: {  	_ =	shalt  }
0x51: {  	_ =	shalt  }
0x52: {  	_ =	shalt  }
0x53: {  	_ =	shalt  }
0x54: {  	_ =	shalt  }
0x55: {  	_ =	shalt  }
0x56: {  	_ =	shalt  }
0x57: {  	_ =	shalt  }
0x58: {  	_ =	shalt  }
0x59: {  	_ =	shalt  }
0x5a: {  	_ =	shalt  }
0x5b: {  	_ =	shalt  }
0x5c: {  	_ =	shalt  }
0x5d: {  	_ =	shalt  }
0x5e: {  	_ =	shalt  }
0x5f: {  	_ =	shalt  }
0x60: {  	_ =	shalt  }
0x61: {  	_ =	shalt  }
0x62: {  	_ =	shalt  }
0x63: {  	_ =	shalt  }
0x64: {  	_ =	shalt  }
0x65: {  	_ =	shalt  }
0x66: {  	_ =	shalt  }
0x67: {  	_ =	shalt  }
0x68: {  	_ =	shalt  }
0x69: {  	_ =	shalt  }
0x6a: {  	_ =	shalt  }
0x6b: {  	_ =	shalt  }
0x6c: {  	_ =	shalt  }
0x6d: {  	_ =	shalt  }
0x6e: {  	_ =	shalt  }
0x6f: {  	_ =	shalt  }
0x70: {  	_ =	shalt  }
0x71: {  	_ =	shalt  }
0x72: {  	_ =	shalt  }
0x73: {  	_ =	shalt  }
0x74: {  	_ =	shalt  }
0x75: {  	_ =	shalt  }
0x76: {  	_ =	shalt  }
0x77: {  	_ =	shalt  }
0x78: {  	_ =	shalt  }
0x79: {  	_ =	shalt  }
0x7a: {  	_ =	shalt  }
0x7b: {  	_ =	shalt  }
0x7c: {  	_ =	shalt  }
0x7d: {  	_ =	shalt  }
0x7e: {  	_ =	shalt  }
0x7f: {  	_ =	shalt  }
0x80: {  	_ =	shalt  }
0x81: {  	_ =	shalt  }
0x82: {  	_ =	shalt  }
0x83: {  	_ =	shalt  }
0x84: {  	_ =	shalt  }
0x85: {  	_ =	shalt  }
0x86: {  	_ =	shalt  }
0x87: {  	_ =	shalt  }
.Lfunc_end0:
.L_simem_size_0:
called_computation.1_lowered:
.L_overlay_start_0:
0x88: {  	s2 =	sld [smem:$0x3FD9]  }
0x89: {  	s3 =	sld [smem:$0x3FFE];
	_ =	sdelay $0x1  }
0x8a: {  	s1 =	srdreg.scid  }
0x8b: {  	s0 =	sand.u32 $0x1, s1  }
0x8c: {  	s16 =	sshll.u32 s0, $0xA;
	s2 =	sadd.s32 s3, s2  }
0x8d: {  	s2 =	sadd.s32 s2, s16  }
0x8e: {  	[smem:$0x3FB7] =	sst s2  }
0x8f: {  	_ = 	snop  }
0x90: {  	(tm) =	ssettm $0x1  }
0x91: {  	s17 =	sld [smem:$0x3FFB];
	_ =	sdelay $0x3  }
0x92: {  	_ =	strace s17  }
0x93: {  	s2 =	sld [smem:$0x3FFC];
	_ =	sdelay $0x3  }
0x94: {  	_ =	strace s2  }
0x95: {  	s2 =	sld [smem:$0x3FFD];
	_ =	sdelay $0x3  }
0x96: {  	_ =	strace s2  }
0x97: {  	_ =	strace $0x8FFFFFFF  }
0x98: {  	s18 =	sld [smem:$0x3FDB];
	_ =	sdelay $0x1  }
0x99: {  	s19 =	simm.s32 $_scs_section_size  }
0x9a: {  	s4 =	simm.s32 $_size__tile_overlayer_lowered;
	s5 =	simm.s32 $_tile_overlayer_lowered  }
0x9b: {  	s22 =	simm.s32 $0x1BFF;
	s21 =	sshll.u32 s5, $0x1;
	s2 =	sadd.s32 s19, s18  }
0x9c: {  	s6 =	simm.s32 $0x0;
	s20 =	sshll.u32 s4, $0x1;
	s4 =	sadd.s32 s21, s2  }
0x9d: {  	[timem:s6], [sflag:s22] =	dma.local [hbm:s4], s20  }
0x9e: {  	_ =	swait.ge [sflag:s22], s20  }
0x9f: {  	s3 =	ssub.s32 $0x0, s20;
	[sflag:s22] =	ssyncset.done $0x0  }
0xa0: {  	[sflag:s22] =	ssyncadd.s32 s3;
	_ =	sdelay $0x1  }
0xa1: {  	s23 =	simm.s32 $0x1B8B  }
0xa2: {  	_ =	swait.ge [sflag:s23], $0x1  }
0xa3: {  	[sflag:s23] =	ssyncset.done $0x0  }
0xa4: {  	s25 =	simm.s32 $0x1B8E;
	s24 =	sld [smem:$0x3FFE];
	[sflag:s23] =	ssyncadd.s32 $0xFFFFFFFF  }
0xa5: {  	s26 =	simm.s32 $execute0_lowered;
	[smem:$0x3FD2] =	sst s25  }
0xa6: {  	s4 =	sshll.u32 s26, $0x1;
	_ =	strace $0x80000049;
	[dreg:$0x1] =	wrdreg $0xFFFFFFFF  }
0xa7: {  	s28 =	simm.s32 $_size_execute0_lowered;
	s2 =	sadd.s32 s2, s4;
	[dreg:$0x0] =	wrdreg $0x0  }
0xa8: {  	s4 =	sshll.u32 s28, $0x1;
	[dreg:$0x2] =	wrdreg s2  }
0xa9: {  	[dreg:$0x3] =	wrdreg s4  }
0xaa: {  	[dreg:$0x4] =	wrdreg $0xC0  }
0xab: {  	_ =	task [dreg:s6], $0x5FFFF  }
0xac: {  	[dreg:$0x1] =	wrdreg $0xFFFFFFFF  }
0xad: {  	[dreg:$0x0] =	wrdreg $0x60  }
0xae: {  	[dreg:$0x2] =	wrdreg s24  }
0xaf: {  	[dreg:$0x3] =	wrdreg $0x9  }
0xb0: {  	_ =	task.clear_ibuf [dreg:s6], $0x4FFFF;
	_ =	strace $0x90000049  }
0xb1: {  	s29 =	simm.s32 $0x9;
	_ =	strace $0x8000004B  }
0xb2: {  	_ =	swait.ge [sflag:s29], $0x1  }
0xb3: {  	[sflag:s29] =	ssyncadd.s32 $0xFFFFFFFF  }
0xb4: {  	_ =	strace $0x9000004B  }
0xb5: {  	_ =	sfence  }
0xb6: {  	s30 =	sld [smem:$0x0];
	_ =	sdelay $0x2  }
0xb7: {  	s31 =	sshll.u32 s1, $0xD;
	s1 =	sshrl.u32 s1, $0x2  }
0xb8: {  	s3 =	sand.u32 $0x4000, s31;
	s1 =	sadd.s32 s1, s30  }
0xb9: {  	s0 =	sor.u32 s3, s0;
	s1 =	sshll.u32 s1, $0x11  }
0xba: {  	s0 =	sor.u32 s1, s0  }
0xbb: {  	s0 =	sadd.s32 $0x8F2B, s0  }
0xbc: {  	[sflag:s0] =	ssyncadd.remote.s32 $0x1  }
0xbd: {  	_ =	sfence.sel $0xFFFF  }
0xbe: {  	[dreg:$0x0] =	wrdreg $0xFFFFFFFF;
	(pc) =	sbr.abs _section_cstart, $3  }
0xbf: {  	[dreg:$0x1] =	wrdreg $0xFFFFFFFF  }
0xc0: {  	_ =	task.clear_ibuf [dreg:s6], $0x2FFFF;
	_ =	strace $0x9FFFFFFF  }
0xc1: {  	(tm) =	ssettm $0x7FFFFFFF  }
tec
execute0_lowered:
.L_overlay_start_1:
0x0: {  	(tag) =	ssettag $0x1  }
0x1: {  	s1 =	srdreg.scid  }
0x2: {  	s0 =	stileid.u32;
	s4 =	rddreg [dreg:$0x0];
	s2 =	simm.s32 $0x0  }
0x3: {  	s13 =	simm.s32 $0xA500;
	s5 =	sand.u32 $0x1, s1;
	s1 =	rddreg [dreg:$0x1]  }
0x4: {  	s14 =	simm.s32 $0x0;
	s3 =	sshll.u32 s0, $0x1;
	[smem:$0x7FF] =	sst s2  }
0x5: {  	s9 =	smul.u32 $0x5000, s0;
	s11 =	sadd.s32 $0x6F000, s4;
	s12 =	sadd.s32 $0x79000, s4  }
0x6: {  	s6 =	sor.u32 s5, s3;
	s8 =	ssub.s32 $0x2, s5;
	s5 =	smul.u32 $0x2800, s5  }
0x7: {  	_ =	strace $0x8000004A;
	s7 =	smul.u32 $0x2800, s6;
	s10 =	sshrl.u32 s8, $0x1  }
0x8: {  	s3 =	sadd.s32 $0x33000, s4;
	s6 =	smul.u32 $0x14000, s6;
	s8 =	ssub.s32 s8, s10  }
0x9: {  	s30 =	sadd.s32 s5, s9;
	s9 =	simm.s32 $0x3;
	s10 =	simm.s32 $0x280  }
0xa: {  	s29 =	sshrl.u32 s7, $0x3;
	s5 =	smax.u32 s8, $0x1;
	s31 =	sor.u32 $0x280, s30  }
0xb: {  	s6 =	sadd.s32 s12, s6;
	s7 =	sshll.u32 s30, $0x3;
	s4 =	sadd.s32 s11, s29  }
0xc: {  	s8 =	sshrl.u32 s31, $0x3;
	s6 =	sadd.s32 $0x12C00, s6;
	s7 =	sadd.s32 s7, s12  }
0xd: {  	s12 =	simm.s32 $0x2;
	s8 =	sadd.s32 s8, s11;
	s11 =	simm.s32 $0x500  }
.LBB2_1:
0xe: {  	[tilespmem:s2], [sflag:$0x3] =	stream.linear.gather [hbm4b:s4+s2], $0x280, $0x38;
	[tilespmem:$0x14500] =	vst v63  }
0xf: {  	s15 =	simm.s32 $0x1;
	_ =	swait.ge [sflag:s9], $0x280  }
0x10: {  	s15 =	sand.u32 $0x1, s15;
	[sflag:s9] =	ssyncset.done $0x0  }
0x11: {  	s16 =	smul.u32 $0xA00, s15;
	[sflag:s9] =	ssyncadd.s32 $0xFFFFFD80  }
0x12: {  	[tilespmem:s11], [sflag:$0x1] =	stream.indirect.gather [hbm4b:s3+s10], $0x40, s2, s10, $0xb8;
	[tilespmem:$0x14500] =	vst v63  }
0x13: {  	s29 =	simm.s32 $0x2;
	s18 =	smul.u32 $0x28000, s15;
	s16 =	sshrl.u32 s16, $0x2  }
0x14: {  	[tilespmem:s16], [sflag:$0x3] =	stream.linear.gather [hbm4b:s8+s2], $0x280, $0x38;
	[tilespmem:$0x14500] =	vst v63  }
0x15: {  	s17 =	sxor.u32 $0x1, s15;
	s15 =	sadd.s32 $0x1, s15;
	_ =	swait.ge [sflag:s9], $0x280  }
0x16: {  	s19 =	smul.u32 $0x28000, s17;
	s18 =	sshrl.u32 s18, $0x2;
	[sflag:s9] =	ssyncset.done $0x0  }
0x17: {  	s20 =	sadd.s32 $0x1, s17;
	s28 =	sor.u32 $0x500, s18;
	[sflag:s9] =	ssyncadd.s32 $0xFFFFFD80  }
0x18: {  	[tilespmem:s28], [sflag:s15] =	stream.indirect.gather [hbm4b:s3+s10], $0x40, s16, s10, $0xb8;
	[tilespmem:$0x14500] =	vst v63  }
0x19: {  	s17 =	sand.u32 $0x1, s29;
	_ =	swait.ge [sflag:s20], $0xA000  }
0x1a: {  	s21 =	smul.u32 $0xA00, s17;
	s30 =	sshrl.u32 s19, $0x2;
	[sflag:s20] =	ssyncset.done $0x0  }
0x1b: {  	s19 =	simm.s32 $0x3;
	s31 =	sor.u32 $0x500, s30;
	[sflag:s20] =	ssyncadd.s32 $0xFFFF6000  }
0x1c: {  	[hbm4b:s7+s2] =	stream.linear.scatter [tilespmem:s31], [sflag:$0x3], $0xA000, $0x38;
	[tilespmem:$0x14500] =	vst v63  }
0x1d: {  	s18 =	sxor.u32 $0x1, s17;
	s16 =	sadd.s32 $0x50, s8;
	_ =	swait.ge [sflag:s9], $0xA000  }
0x1e: {  	s15 =	sadd.s32 $0x1400, s7;
	s20 =	smul.u32 $0x28000, s17;
	[sflag:s9] =	ssyncset.done $0x0  }
.LBB2_2:
0x1f: {  	s21 =	sshrl.u32 s21, $0x2  }
0x20: {  	s22 =	smul.u32 $0x28000, s18;
	[sflag:s9] =	ssyncadd.s32 $0xFFFF6000;
	s23 =	smov.u32 s19  }
0x21: {  	[tilespmem:s21], [sflag:$0x3] =	stream.linear.gather [hbm4b:s16+s2], $0x280, $0x38;
	[tilespmem:$0x14500] =	vst v63  }
0x22: {  	s20 =	sshrl.u32 s20, $0x2;
	_ =	swait.ge [sflag:s9], $0x280;
	s22 =	sshrl.u32 s22, $0x2  }
0x23: {  	s24 =	sadd.s32 $0x1, s19;
	s18 =	sadd.s32 $0x1, s18;
	[sflag:s9] =	ssyncset.done $0x0  }
0x24: {  	s17 =	sadd.s32 $0x1, s17;
	s20 =	sor.u32 $0x500, s20;
	[sflag:s9] =	ssyncadd.s32 $0xFFFFFD80  }
0x25: {  	[tilespmem:s20], [sflag:s17] =	stream.indirect.gather [hbm4b:s3+s10], $0x40, s21, s10, $0xb8;
	[tilespmem:$0x14500] =	vst v63  }
0x26: {  	p0 =	sne.s32 s19, $0xF;
	s16 =	sadd.s32 $0x50, s16;
	_ =	swait.ge [sflag:s18], $0xA000  }
.Ltmp0:
0x27: {  	s19 =	smov.u32 s24;
	[sflag:s18] =	ssyncset.done $0x0;
	(pc) =	sbr.rel @p0 .LBB2_2-.Ltmp0, $4  }
0x28: {  	s17 =	sand.u32 $0x1, s23;
	[sflag:s18] =	ssyncadd.s32 $0xFFFF6000;
	s18 =	sor.u32 $0x500, s22  }
0x29: {  	[hbm4b:s15+s2] =	stream.linear.scatter [tilespmem:s18], [sflag:$0x3], $0xA000, $0x38;
	[tilespmem:$0x14500] =	vst v63  }
0x2a: {  	s21 =	smul.u32 $0xA00, s17;
	s18 =	sxor.u32 $0x1, s17;
	_ =	swait.ge [sflag:s9], $0xA000  }
0x2b: {  	s20 =	smul.u32 $0x28000, s17;
	s15 =	sadd.s32 $0x1400, s15;
	[sflag:s9] =	ssyncset.done $0x0  }
0x2c: {  	s19 =	sshrl.u32 s21, $0x2;
	[sflag:s9] =	ssyncadd.s32 $0xFFFF6000  }
0x2d: {  	[tilespmem:s19], [sflag:$0x3] =	stream.linear.gather [hbm4b:s16+s2], $0x280, $0x38;
	[tilespmem:$0x14500] =	vst v63  }
0x2e: {  	s30 =	smul.u32 $0x28000, s18;
	_ =	swait.ge [sflag:s9], $0x280  }
0x2f: {  	s31 =	sadd.s32 $0x1, s18;
	s20 =	sshrl.u32 s20, $0x2;
	[sflag:s9] =	ssyncset.done $0x0  }
0x30: {  	s17 =	sadd.s32 $0x1, s17;
	s20 =	sor.u32 $0x500, s20;
	[sflag:s9] =	ssyncadd.s32 $0xFFFFFD80  }
0x31: {  	[tilespmem:s20], [sflag:s17] =	stream.indirect.gather [hbm4b:s3+s10], $0x40, s19, s10, $0xb8;
	[tilespmem:$0x14500] =	vst v63  }
0x32: {  	_ =	swait.ge [sflag:s31], $0xA000  }
0x33: {  	s16 =	sshrl.u32 s30, $0x2;
	[sflag:s31] =	ssyncset.done $0x0  }
0x34: {  	s16 =	sor.u32 $0x500, s16;
	[sflag:s31] =	ssyncadd.s32 $0xFFFF6000  }
0x35: {  	[hbm4b:s15+s2] =	stream.linear.scatter [tilespmem:s16], [sflag:$0x3], $0xA000, $0x38;
	[tilespmem:$0x14500] =	vst v63  }
0x36: {  	_ =	swait.ge [sflag:s9], $0xA000  }
0x37: {  	[sflag:s9] =	ssyncset.done $0x0  }
0x38: {  	[sflag:s9] =	ssyncadd.s32 $0xFFFF6000  }
0x39: {  	s14 =	sadd.s32 $0x1, s14;
	_ =	swait.ge [sflag:s12], $0xA000  }
0x3a: {  	p0 =	sne.s32 s14, s5;
	[sflag:s12] =	ssyncset.done $0x0  }
.Ltmp1:
0x3b: {  	[sflag:s12] =	ssyncadd.s32 $0xFFFF6000;
	(pc) =	sbr.rel @p0 .LBB2_1-.Ltmp1, $4  }
0x3c: {  	[hbm4b:s6+s2] =	stream.linear.scatter [tilespmem:s13], [sflag:$0x3], $0xA000, $0x38;
	[tilespmem:$0x14500] =	vst v63  }
0x3d: {  	_ =	swait.ge [sflag:s9], $0xA000  }
0x3e: {  	[sflag:s9] =	ssyncset.done $0x0  }
0x3f: {  	[sflag:s9] =	ssyncadd.s32 $0xFFFF6000  }
0x40: {  	_ =	sfence.sel $0x180000  }
0x41: {  	[bflag:$0x0] =	sbarrier.arrive $0xFFFF  }
0x42: {  	p0 =	sne.s32 s0, $0x0;
	_ =	strace $0x9000004A  }
0x43: {  	s0 =	sadd.s32 @!p0 $0x100000, s1;
	[bflag:$0x2] =	sbarrier.arrive $0xFFFF  }
0x44: {  	[sflag:s0] =	ssyncadd.tile.s32 @!p0 $0x1;
	_ =	shalt  }
.Lfunc_end2:
_tile_overlayer_lowered:
.L_overlay_start_2:
0x45: {  	(tag) =	ssettag $0x2  }
0x46: {  	s0 =	rddreg [dreg:$0x0];
	s2 =	stileid.u32  }
0x47: {  	s1 =	rddreg [dreg:$0x1];
	p0 =	sne.s32 s2, $0x0  }
0x48: {  	s3 =	rddreg [dreg:$0x2];
	[bflag:$0x3] =	sbarrier.arrive $0xFFFF;
	s2 =	simm.s32 @!p0 $0x1C03  }
0x49: {  	[timem:s3], [sflag:s2] =	dma.local @!p0 [hbm:s0], s1  }
0x4a: {  	s0 =	simm.s32 @!p0 $0x3  }
0x4b: {  	_ =	swait.ge @!p0 [sflag:s0], s1  }
0x4c: {  	s1 =	ssub.s32 @!p0 $0x0, s1;
	[sflag:s0] =	ssyncset.done @!p0 $0x0  }
0x4d: {  	[sflag:s0] =	ssyncadd.s32 @!p0 s1  }
0x4e: {  	[bflag:$0x3] =	sbarrier.arrive $0xFFFF  }
0x4f: {  	_ =	shalt  }

// kernel: kernel.17.cloned.1.call-start
scs
__scs_entry_jumppad:
0x0: {  	(pc) =	sbr.rel $0x88, $3  }
0x1: {  	(tag) =	ssettag $0x0;
	lr =	simm.s32 $0x1  }
0x2: {  	[smem:$0x3F90] =	sst lr;
	_ =	strace $0xD0000000  }
0x3: {  	_ = 	snop  }
0x4: {  	_ = 	snop  }
0x5: {  	_ = 	snop  }
0x6: {  	_ = 	snop  }
0x7: {  	_ = 	snop  }
__scs_overlays_trampoline_lowered:
0x8: {  	[smem:$0x3F9F] =	sst s0  }
0x9: {  	[smem:$0x3FA0] =	sst s1  }
0xa: {  	[smem:$0x3FA1] =	sst s2  }
0xb: {  	[smem:$0x3FA2] =	sst s3  }
0xc: {  	[smem:$0x3FA3] =	sst s4  }
0xd: {  	[smem:$0x3FA4] =	sst s5  }
0xe: {  	[smem:$0x3FA5] =	sst s6  }
0xf: {  	[smem:$0x3FA6] =	sst s7  }
0x10: {  	[smem:$0x3FA7] =	sst s8  }
0x11: {  	[smem:$0x3FA8] =	sst s9;
	s0 =	simm.s32 @!p0 $0x0  }
0x12: {  	s1 =	sld [smem:$0x3F8E];
	s0 =	simm.s32 @p0 $0x1  }
0x13: {  	[smem:$0x3FA9] =	sst s0;
	s0 =	simm.s32 @!p1 $0x0  }
0x14: {  	s2 =	sld [smem:$0x3F8D];
	s0 =	simm.s32 @p1 $0x1  }
0x15: {  	[smem:$0x3FAA] =	sst s0;
	s0 =	simm.s32 @!p2 $0x0  }
0x16: {  	s3 =	sld [smem:$0x3FDB];
	s0 =	simm.s32 @p2 $0x1  }
0x17: {  	s4 =	simm.s32 $0x1BF5;
	[smem:$0x3FAC] =	sst s0  }
0x18: {  	s0 =	sld [smem:$0x3F8F];
	_ =	swait.ge [sflag:s4], $0x0  }
0x19: {  	s7 =	sld [smem:$0x3F90]  }
0x1a: {  	s8 =	sadd.s32 $0xFFFFE003, lr  }
0x1b: {  	s9 =	sadd.s32 $0xFFFFFEF7, lr;
	s5 =	simm.s32 $0xFFFFFFFF;
	p2 =	slt.u32 s8, $0xFFFFF086  }
0x1c: {  	p1 =	slt.u32 s9, $0xF7A;
	s5 =	simm.s32 @!p2 $0x0  }
0x1d: {  	s5 =	simm.s32 @p1 $0x1;
	p0 =	seq.s32 s7, s2  }
0x1e: {  	s7 =	smul.u32 @!p0 $0xF7A, s2;
	p2 =	seq.s32 @!p0 s5, $0x0  }
0x1f: {  	s9 =	smul.u32 $0xF7A, s1;
	s8 =	simm.s32 @!p0 $0x1BF5;
	p2 =	por !p2, p0  }
0x20: {  	[sflag:s8] =	ssyncset.s32 @!p0 $0xFFFFF086;
	s6 =	sadd.s32 @!p0 s3, s7;
	s7 =	simm.s32 @!p0 $0x108  }
0x21: {  	s3 =	sadd.s32 s3, s9;
	s6 =	sadd.s32 @!p0 $0x88, s6;
	s7 =	simm.s32 @p2 $0x1082  }
0x22: {  	[simem:s7], [sflag:s8] =	dma.local @!p0 [hbm:s6], $0xF7A  }
0x23: {  	s9 =	sor.u32 $0xD0000000, s2;
	s6 =	simm.s32 $0x108;
	_ =	swait.ge @!p0 [sflag:s8], $0x0  }
0x24: {  	s3 =	sadd.s32 $0x88, s3;
	s6 =	simm.s32 @!p1 $0x1082;
	[sflag:s4] =	ssyncset.s32 $0xFFFFF086  }
0x25: {  	[simem:s6], [sflag:s4] =	dma.local [hbm:s3], $0xF7A  }
0x26: {  	[smem:$0x3F90] =	sst s1;
	(tag) =	ssettag s2;
	_ =	strace s9  }
0x27: {  	s1 =	sld [smem:$0x3FA0]  }
0x28: {  	s2 =	sld [smem:$0x3FA1]  }
0x29: {  	s4 =	sld [smem:$0x3FA3]  }
0x2a: {  	p0 =	seq.s32 s5, $0x0;
	s5 =	sld [smem:$0x3FA4]  }
0x2b: {  	s6 =	sld [smem:$0x3FA5]  }
0x2c: {  	s7 =	sld [smem:$0x3FA6]  }
0x2d: {  	s3 =	simm.s32 $0x108;
	s8 =	sld [smem:$0x3FA7]  }
0x2e: {  	s3 =	simm.s32 @!p0 $0x1082;
	s9 =	sld [smem:$0x3FA8]  }
0x2f: {  	lr =	sadd.s32 s0, s3;
	s0 =	sld [smem:$0x3F9F]  }
0x30: {  	s3 =	sld [smem:$0x3FA2]  }
0x31: {  	[smem:$0x3FAB] =	sst s10  }
0x32: {  	s10 =	sld [smem:$0x3FA9];
	_ =	sdelay $0x3  }
0x33: {  	p0 =	seq.s32 s10, $0x1;
	s10 =	sld [smem:$0x3FAB];
	_ =	sdelay $0x3  }
0x34: {  	[smem:$0x3FAB] =	sst s10  }
0x35: {  	s10 =	sld [smem:$0x3FAA];
	_ =	sdelay $0x3  }
0x36: {  	p1 =	seq.s32 s10, $0x1;
	s10 =	sld [smem:$0x3FAB];
	_ =	sdelay $0x3  }
0x37: {  	[smem:$0x3FAB] =	sst s10  }
0x38: {  	s10 =	sld [smem:$0x3FAC]  }
0x39: {  	_ = 	snop;
	(pc) =	sbr.ind lr, $3  }
0x3a: {  	_ = 	snop  }
0x3b: {  	_ = 	snop  }
0x3c: {  	p2 =	seq.s32 s10, $0x1;
	s10 =	sld [smem:$0x3FAB]  }
0x3d: {  	_ =	shalt  }
0x3e: {  	_ =	shalt  }
0x3f: {  	_ =	shalt  }
0x40: {  	_ =	shalt  }
0x41: {  	_ =	shalt  }
0x42: {  	_ =	shalt  }
0x43: {  	_ =	shalt  }
0x44: {  	_ =	shalt  }
0x45: {  	_ =	shalt  }
0x46: {  	_ =	shalt  }
0x47: {  	_ =	shalt  }
0x48: {  	_ =	shalt  }
0x49: {  	_ =	shalt  }
0x4a: {  	_ =	shalt  }
0x4b: {  	_ =	shalt  }
0x4c: {  	_ =	shalt  }
0x4d: {  	_ =	shalt  }
0x4e: {  	_ =	shalt  }
0x4f: {  	_ =	shalt  }
0x50: {  	_ =	shalt  }
0x51: {  	_ =	shalt  }
0x52: {  	_ =	shalt  }
0x53: {  	_ =	shalt  }
0x54: {  	_ =	shalt  }
0x55: {  	_ =	shalt  }
0x56: {  	_ =	shalt  }
0x57: {  	_ =	shalt  }
0x58: {  	_ =	shalt  }
0x59: {  	_ =	shalt  }
0x5a: {  	_ =	shalt  }
0x5b: {  	_ =	shalt  }
0x5c: {  	_ =	shalt  }
0x5d: {  	_ =	shalt  }
0x5e: {  	_ =	shalt  }
0x5f: {  	_ =	shalt  }
0x60: {  	_ =	shalt  }
0x61: {  	_ =	shalt  }
0x62: {  	_ =	shalt  }
0x63: {  	_ =	shalt  }
0x64: {  	_ =	shalt  }
0x65: {  	_ =	shalt  }
0x66: {  	_ =	shalt  }
0x67: {  	_ =	shalt  }
0x68: {  	_ =	shalt  }
0x69: {  	_ =	shalt  }
0x6a: {  	_ =	shalt  }
0x6b: {  	_ =	shalt  }
0x6c: {  	_ =	shalt  }
0x6d: {  	_ =	shalt  }
0x6e: {  	_ =	shalt  }
0x6f: {  	_ =	shalt  }
0x70: {  	_ =	shalt  }
0x71: {  	_ =	shalt  }
0x72: {  	_ =	shalt  }
0x73: {  	_ =	shalt  }
0x74: {  	_ =	shalt  }
0x75: {  	_ =	shalt  }
0x76: {  	_ =	shalt  }
0x77: {  	_ =	shalt  }
0x78: {  	_ =	shalt  }
0x79: {  	_ =	shalt  }
0x7a: {  	_ =	shalt  }
0x7b: {  	_ =	shalt  }
0x7c: {  	_ =	shalt  }
0x7d: {  	_ =	shalt  }
0x7e: {  	_ =	shalt  }
0x7f: {  	_ =	shalt  }
0x80: {  	_ =	shalt  }
0x81: {  	_ =	shalt  }
0x82: {  	_ =	shalt  }
0x83: {  	_ =	shalt  }
0x84: {  	_ =	shalt  }
0x85: {  	_ =	shalt  }
0x86: {  	_ =	shalt  }
0x87: {  	_ =	shalt  }
.Lfunc_end0:
.L_simem_size_0:
called_computation.2_lowered:
.L_overlay_start_0:
0x88: {  	s2 =	sld [smem:$0x3FD9]  }
0x89: {  	s3 =	sld [smem:$0x3FFE];
	_ =	sdelay $0x1  }
0x8a: {  	s1 =	srdreg.scid  }
0x8b: {  	s0 =	sand.u32 $0x1, s1  }
0x8c: {  	s16 =	sshll.u32 s0, $0xA;
	s2 =	sadd.s32 s3, s2  }
0x8d: {  	s2 =	sadd.s32 s2, s16  }
0x8e: {  	[smem:$0x3FB7] =	sst s2  }
0x8f: {  	_ = 	snop  }
0x90: {  	(tm) =	ssettm $0x1  }
0x91: {  	s17 =	sld [smem:$0x3FFB];
	_ =	sdelay $0x3  }
0x92: {  	_ =	strace s17  }
0x93: {  	s2 =	sld [smem:$0x3FFC];
	_ =	sdelay $0x3  }
0x94: {  	_ =	strace s2  }
0x95: {  	s2 =	sld [smem:$0x3FFD];
	_ =	sdelay $0x3  }
0x96: {  	_ =	strace s2  }
0x97: {  	_ =	strace $0x8FFFFFFF  }
0x98: {  	s18 =	sld [smem:$0x3FDB];
	_ =	sdelay $0x1  }
0x99: {  	s19 =	simm.s32 $_scs_section_size  }
0x9a: {  	s4 =	simm.s32 $_size__tile_overlayer_lowered;
	s5 =	simm.s32 $_tile_overlayer_lowered  }
0x9b: {  	s22 =	simm.s32 $0x1BFF;
	s21 =	sshll.u32 s5, $0x1;
	s2 =	sadd.s32 s19, s18  }
0x9c: {  	s6 =	simm.s32 $0x0;
	s20 =	sshll.u32 s4, $0x1;
	s4 =	sadd.s32 s21, s2  }
0x9d: {  	[timem:s6], [sflag:s22] =	dma.local [hbm:s4], s20  }
0x9e: {  	_ =	swait.ge [sflag:s22], s20  }
0x9f: {  	s3 =	ssub.s32 $0x0, s20;
	[sflag:s22] =	ssyncset.done $0x0  }
0xa0: {  	[sflag:s22] =	ssyncadd.s32 s3;
	_ =	sdelay $0x1  }
0xa1: {  	s23 =	simm.s32 $0x1B8B  }
0xa2: {  	_ =	swait.ge [sflag:s23], $0x1  }
0xa3: {  	[sflag:s23] =	ssyncset.done $0x0  }
0xa4: {  	s25 =	simm.s32 $0x1B8E;
	s24 =	sld [smem:$0x3FFE];
	[sflag:s23] =	ssyncadd.s32 $0xFFFFFFFF  }
0xa5: {  	s26 =	simm.s32 $execute0_lowered;
	[smem:$0x3FD2] =	sst s25  }
0xa6: {  	s4 =	sshll.u32 s26, $0x1;
	_ =	strace $0x8000004C;
	[dreg:$0x1] =	wrdreg $0xFFFFFFFF  }
0xa7: {  	s28 =	simm.s32 $_size_execute0_lowered;
	s2 =	sadd.s32 s2, s4;
	[dreg:$0x0] =	wrdreg $0x0  }
0xa8: {  	s4 =	sshll.u32 s28, $0x1;
	[dreg:$0x2] =	wrdreg s2  }
0xa9: {  	[dreg:$0x3] =	wrdreg s4  }
0xaa: {  	[dreg:$0x4] =	wrdreg $0xC0  }
0xab: {  	_ =	task [dreg:s6], $0x5FFFF  }
0xac: {  	[dreg:$0x1] =	wrdreg $0xFFFFFFFF  }
0xad: {  	[dreg:$0x0] =	wrdreg $0x60  }
0xae: {  	[dreg:$0x2] =	wrdreg s24  }
0xaf: {  	[dreg:$0x3] =	wrdreg $0x9  }
0xb0: {  	_ =	task.clear_ibuf [dreg:s6], $0x4FFFF;
	_ =	strace $0x9000004C  }
0xb1: {  	s29 =	simm.s32 $0x9;
	_ =	strace $0x8000004E  }
0xb2: {  	_ =	swait.ge [sflag:s29], $0x1  }
0xb3: {  	[sflag:s29] =	ssyncadd.s32 $0xFFFFFFFF  }
0xb4: {  	_ =	strace $0x9000004E  }
0xb5: {  	_ =	sfence  }
0xb6: {  	s30 =	sld [smem:$0x0];
	_ =	sdelay $0x2  }
0xb7: {  	s31 =	sshll.u32 s1, $0xD;
	s1 =	sshrl.u32 s1, $0x2  }
0xb8: {  	s3 =	sand.u32 $0x4000, s31;
	s1 =	sadd.s32 s1, s30  }
0xb9: {  	s0 =	sor.u32 s3, s0;
	s1 =	sshll.u32 s1, $0x11  }
0xba: {  	s0 =	sor.u32 s1, s0  }
0xbb: {  	s0 =	sadd.s32 $0x8F2B, s0  }
0xbc: {  	[sflag:s0] =	ssyncadd.remote.s32 $0x1  }
0xbd: {  	_ =	sfence.sel $0xFFFF  }
0xbe: {  	[dreg:$0x0] =	wrdreg $0xFFFFFFFF;
	(pc) =	sbr.abs _section_cstart, $3  }
0xbf: {  	[dreg:$0x1] =	wrdreg $0xFFFFFFFF  }
0xc0: {  	_ =	task.clear_ibuf [dreg:s6], $0x2FFFF;
	_ =	strace $0x9FFFFFFF  }
0xc1: {  	(tm) =	ssettm $0x7FFFFFFF  }
tec
execute0_lowered:
.L_overlay_start_1:
0x0: {  	(tag) =	ssettag $0x1  }
0x1: {  	s1 =	srdreg.scid  }
0x2: {  	s0 =	stileid.u32;
	s4 =	rddreg [dreg:$0x0];
	s2 =	simm.s32 $0x0  }
0x3: {  	s13 =	simm.s32 $0xA500;
	s5 =	sand.u32 $0x1, s1;
	s1 =	rddreg [dreg:$0x1]  }
0x4: {  	s14 =	simm.s32 $0x0;
	s3 =	sshll.u32 s0, $0x1;
	[smem:$0x7FF] =	sst s2  }
0x5: {  	s9 =	smul.u32 $0x5000, s0;
	s11 =	sadd.s32 $0x6F000, s4;
	s12 =	sadd.s32 $0x79000, s4  }
0x6: {  	s6 =	sor.u32 s5, s3;
	s8 =	ssub.s32 $0x2, s5;
	s5 =	smul.u32 $0x2800, s5  }
0x7: {  	_ =	strace $0x8000004D;
	s7 =	smul.u32 $0x2800, s6;
	s10 =	sshrl.u32 s8, $0x1  }
0x8: {  	s3 =	sadd.s32 $0x33000, s4;
	s6 =	smul.u32 $0x14000, s6;
	s8 =	ssub.s32 s8, s10  }
0x9: {  	s30 =	sadd.s32 s5, s9;
	s9 =	simm.s32 $0x3;
	s10 =	simm.s32 $0x280  }
0xa: {  	s29 =	sshrl.u32 s7, $0x3;
	s5 =	smax.u32 s8, $0x1;
	s31 =	sor.u32 $0x280, s30  }
0xb: {  	s6 =	sadd.s32 s12, s6;
	s7 =	sshll.u32 s30, $0x3;
	s4 =	sadd.s32 s11, s29  }
0xc: {  	s8 =	sshrl.u32 s31, $0x3;
	s6 =	sadd.s32 $0x12C00, s6;
	s7 =	sadd.s32 s7, s12  }
0xd: {  	s12 =	simm.s32 $0x2;
	s8 =	sadd.s32 s8, s11;
	s11 =	simm.s32 $0x500  }
.LBB2_1:
0xe: {  	[tilespmem:s2], [sflag:$0x3] =	stream.linear.gather [hbm4b:s4+s2], $0x280, $0x38;
	[tilespmem:$0x14500] =	vst v63  }
0xf: {  	s15 =	simm.s32 $0x1;
	_ =	swait.ge [sflag:s9], $0x280  }
0x10: {  	s15 =	sand.u32 $0x1, s15;
	[sflag:s9] =	ssyncset.done $0x0  }
0x11: {  	s16 =	smul.u32 $0xA00, s15;
	[sflag:s9] =	ssyncadd.s32 $0xFFFFFD80  }
0x12: {  	[tilespmem:s11], [sflag:$0x1] =	stream.indirect.gather [hbm4b:s3+s10], $0x40, s2, s10, $0xb8;
	[tilespmem:$0x14500] =	vst v63  }
0x13: {  	s29 =	simm.s32 $0x2;
	s18 =	smul.u32 $0x28000, s15;
	s16 =	sshrl.u32 s16, $0x2  }
0x14: {  	[tilespmem:s16], [sflag:$0x3] =	stream.linear.gather [hbm4b:s8+s2], $0x280, $0x38;
	[tilespmem:$0x14500] =	vst v63  }
0x15: {  	s17 =	sxor.u32 $0x1, s15;
	s15 =	sadd.s32 $0x1, s15;
	_ =	swait.ge [sflag:s9], $0x280  }
0x16: {  	s19 =	smul.u32 $0x28000, s17;
	s18 =	sshrl.u32 s18, $0x2;
	[sflag:s9] =	ssyncset.done $0x0  }
0x17: {  	s20 =	sadd.s32 $0x1, s17;
	s28 =	sor.u32 $0x500, s18;
	[sflag:s9] =	ssyncadd.s32 $0xFFFFFD80  }
0x18: {  	[tilespmem:s28], [sflag:s15] =	stream.indirect.gather [hbm4b:s3+s10], $0x40, s16, s10, $0xb8;
	[tilespmem:$0x14500] =	vst v63  }
0x19: {  	s17 =	sand.u32 $0x1, s29;
	_ =	swait.ge [sflag:s20], $0xA000  }
0x1a: {  	s21 =	smul.u32 $0xA00, s17;
	s30 =	sshrl.u32 s19, $0x2;
	[sflag:s20] =	ssyncset.done $0x0  }
0x1b: {  	s19 =	simm.s32 $0x3;
	s31 =	sor.u32 $0x500, s30;
	[sflag:s20] =	ssyncadd.s32 $0xFFFF6000  }
0x1c: {  	[hbm4b:s7+s2] =	stream.linear.scatter [tilespmem:s31], [sflag:$0x3], $0xA000, $0x38;
	[tilespmem:$0x14500] =	vst v63  }
0x1d: {  	s18 =	sxor.u32 $0x1, s17;
	s16 =	sadd.s32 $0x50, s8;
	_ =	swait.ge [sflag:s9], $0xA000  }
0x1e: {  	s15 =	sadd.s32 $0x1400, s7;
	s20 =	smul.u32 $0x28000, s17;
	[sflag:s9] =	ssyncset.done $0x0  }
.LBB2_2:
0x1f: {  	s21 =	sshrl.u32 s21, $0x2  }
0x20: {  	s22 =	smul.u32 $0x28000, s18;
	[sflag:s9] =	ssyncadd.s32 $0xFFFF6000;
	s23 =	smov.u32 s19  }
0x21: {  	[tilespmem:s21], [sflag:$0x3] =	stream.linear.gather [hbm4b:s16+s2], $0x280, $0x38;
	[tilespmem:$0x14500] =	vst v63  }
0x22: {  	s20 =	sshrl.u32 s20, $0x2;
	_ =	swait.ge [sflag:s9], $0x280;
	s22 =	sshrl.u32 s22, $0x2  }
0x23: {  	s24 =	sadd.s32 $0x1, s19;
	s18 =	sadd.s32 $0x1, s18;
	[sflag:s9] =	ssyncset.done $0x0  }
0x24: {  	s17 =	sadd.s32 $0x1, s17;
	s20 =	sor.u32 $0x500, s20;
	[sflag:s9] =	ssyncadd.s32 $0xFFFFFD80  }
0x25: {  	[tilespmem:s20], [sflag:s17] =	stream.indirect.gather [hbm4b:s3+s10], $0x40, s21, s10, $0xb8;
	[tilespmem:$0x14500] =	vst v63  }
0x26: {  	p0 =	sne.s32 s19, $0xF;
	s16 =	sadd.s32 $0x50, s16;
	_ =	swait.ge [sflag:s18], $0xA000  }
.Ltmp0:
0x27: {  	s19 =	smov.u32 s24;
	[sflag:s18] =	ssyncset.done $0x0;
	(pc) =	sbr.rel @p0 .LBB2_2-.Ltmp0, $4  }
0x28: {  	s17 =	sand.u32 $0x1, s23;
	[sflag:s18] =	ssyncadd.s32 $0xFFFF6000;
	s18 =	sor.u32 $0x500, s22  }
0x29: {  	[hbm4b:s15+s2] =	stream.linear.scatter [tilespmem:s18], [sflag:$0x3], $0xA000, $0x38;
	[tilespmem:$0x14500] =	vst v63  }
0x2a: {  	s21 =	smul.u32 $0xA00, s17;
	s18 =	sxor.u32 $0x1, s17;
	_ =	swait.ge [sflag:s9], $0xA000  }
0x2b: {  	s20 =	smul.u32 $0x28000, s17;
	s15 =	sadd.s32 $0x1400, s15;
	[sflag:s9] =	ssyncset.done $0x0  }
0x2c: {  	s19 =	sshrl.u32 s21, $0x2;
	[sflag:s9] =	ssyncadd.s32 $0xFFFF6000  }
0x2d: {  	[tilespmem:s19], [sflag:$0x3] =	stream.linear.gather [hbm4b:s16+s2], $0x280, $0x38;
	[tilespmem:$0x14500] =	vst v63  }
0x2e: {  	s30 =	smul.u32 $0x28000, s18;
	_ =	swait.ge [sflag:s9], $0x280  }
0x2f: {  	s31 =	sadd.s32 $0x1, s18;
	s20 =	sshrl.u32 s20, $0x2;
	[sflag:s9] =	ssyncset.done $0x0  }
0x30: {  	s17 =	sadd.s32 $0x1, s17;
	s20 =	sor.u32 $0x500, s20;
	[sflag:s9] =	ssyncadd.s32 $0xFFFFFD80  }
0x31: {  	[tilespmem:s20], [sflag:s17] =	stream.indirect.gather [hbm4b:s3+s10], $0x40, s19, s10, $0xb8;
	[tilespmem:$0x14500] =	vst v63  }
0x32: {  	_ =	swait.ge [sflag:s31], $0xA000  }
0x33: {  	s16 =	sshrl.u32 s30, $0x2;
	[sflag:s31] =	ssyncset.done $0x0  }
0x34: {  	s16 =	sor.u32 $0x500, s16;
	[sflag:s31] =	ssyncadd.s32 $0xFFFF6000  }
0x35: {  	[hbm4b:s15+s2] =	stream.linear.scatter [tilespmem:s16], [sflag:$0x3], $0xA000, $0x38;
	[tilespmem:$0x14500] =	vst v63  }
0x36: {  	_ =	swait.ge [sflag:s9], $0xA000  }
0x37: {  	[sflag:s9] =	ssyncset.done $0x0  }
0x38: {  	[sflag:s9] =	ssyncadd.s32 $0xFFFF6000  }
0x39: {  	s14 =	sadd.s32 $0x1, s14;
	_ =	swait.ge [sflag:s12], $0xA000  }
0x3a: {  	p0 =	sne.s32 s14, s5;
	[sflag:s12] =	ssyncset.done $0x0  }
.Ltmp1:
0x3b: {  	[sflag:s12] =	ssyncadd.s32 $0xFFFF6000;
	(pc) =	sbr.rel @p0 .LBB2_1-.Ltmp1, $4  }
0x3c: {  	[hbm4b:s6+s2] =	stream.linear.scatter [tilespmem:s13], [sflag:$0x3], $0xA000, $0x38;
	[tilespmem:$0x14500] =	vst v63  }
0x3d: {  	_ =	swait.ge [sflag:s9], $0xA000  }
0x3e: {  	[sflag:s9] =	ssyncset.done $0x0  }
0x3f: {  	[sflag:s9] =	ssyncadd.s32 $0xFFFF6000  }
0x40: {  	_ =	sfence.sel $0x180000  }
0x41: {  	[bflag:$0x0] =	sbarrier.arrive $0xFFFF  }
0x42: {  	p0 =	sne.s32 s0, $0x0;
	_ =	strace $0x9000004D  }
0x43: {  	s0 =	sadd.s32 @!p0 $0x100000, s1;
	[bflag:$0x2] =	sbarrier.arrive $0xFFFF  }
0x44: {  	[sflag:s0] =	ssyncadd.tile.s32 @!p0 $0x1;
	_ =	shalt  }
.Lfunc_end2:
_tile_overlayer_lowered:
.L_overlay_start_2:
0x45: {  	(tag) =	ssettag $0x2  }
0x46: {  	s0 =	rddreg [dreg:$0x0];
	s2 =	stileid.u32  }
0x47: {  	s1 =	rddreg [dreg:$0x1];
	p0 =	sne.s32 s2, $0x0  }
0x48: {  	s3 =	rddreg [dreg:$0x2];
	[bflag:$0x3] =	sbarrier.arrive $0xFFFF;
	s2 =	simm.s32 @!p0 $0x1C03  }
0x49: {  	[timem:s3], [sflag:s2] =	dma.local @!p0 [hbm:s0], s1  }
0x4a: {  	s0 =	simm.s32 @!p0 $0x3  }
0x4b: {  	_ =	swait.ge @!p0 [sflag:s0], s1  }
0x4c: {  	s1 =	ssub.s32 @!p0 $0x0, s1;
	[sflag:s0] =	ssyncset.done @!p0 $0x0  }
0x4d: {  	[sflag:s0] =	ssyncadd.s32 @!p0 s1  }
0x4e: {  	[bflag:$0x3] =	sbarrier.arrive $0xFFFF  }
0x4f: {  	_ =	shalt  }

</sc_bundles>
